<compile_context>
chip_gen: v7x
topology: tpu7x:2x2x1
jax: 0.10.2.dev20260603
libtpu: 0.0.44.dev20260713+nightly
codegen_flags: <defaults>
</compile_context>

<pallas_src>
import functools

import jax
import jax.numpy as jnp
from jax import lax
from jax.experimental import pallas as pl
from jax.experimental.pallas import tpu as pltpu
from jax.experimental.pallas import tpu_sc as plsc

PAD = 0
DIM = 32
L = 16
NC, NS = 2, 16
NW = NC * NS
ROWS, COLS = 16384, 50
XPW = ROWS // NW
NXR = 16
NCH = XPW // NXR
WINS = (0, 16, 34)


@functools.partial(
    pl.kernel,
    out_type=jax.ShapeDtypeStruct((ROWS, COLS, DIM), jnp.float32),
    mesh=plsc.VectorSubcoreMesh(core_axis_name="c", subcore_axis_name="s"),
    scratch_types=[
        pltpu.VMEM((XPW, COLS), jnp.int32),
        pltpu.VMEM((NXR, COLS, DIM), jnp.float32),
        pltpu.VMEM((NXR, COLS, DIM), jnp.float32),
        pltpu.SemaphoreType.DMA,
        pltpu.SemaphoreType.DMA,
        pltpu.SemaphoreType.DMA,
        pltpu.SemaphoreType.DMA,
    ],
    compiler_params=pltpu.CompilerParams(
        needs_layout_passes=False, use_tc_tiling_on_sc=False
    ),
)
def _emb(x_hbm, w_hbm, out_hbm, idx_v, rows0, rows1, sg0, sg1, so0, so1):
    wid = lax.axis_index("s") * NC + lax.axis_index("c")
    xrow0 = wid * XPW
    zv = jnp.zeros((L,), jnp.float32)
    iot = lax.iota(jnp.int32, L)

    pltpu.sync_copy(x_hbm.at[pl.ds(xrow0, XPW)], idx_v)

    def fire_gathers(g, rows, sem):
        for j in range(NXR):
            pltpu.async_copy(
                w_hbm.at[idx_v.at[g * NXR + j]], rows.at[j], sem
            )

    def drain_gathers(rows, sem):
        for j in range(NXR):
            pltpu.make_async_copy(
                w_hbm.at[pl.ds(0, COLS)], rows.at[j], sem
            ).wait()

    def fire_write(g, rows, sem):
        pltpu.async_copy(
            rows, out_hbm.at[pl.ds(xrow0 + g * NXR, NXR)], sem
        )

    def drain_write(rows, sem):
        pltpu.make_async_copy(
            rows, out_hbm.at[pl.ds(xrow0, NXR)], sem
        ).wait()

    def fixup(g, rows):
        def row_fix(r, _):
            irow = g * NXR + r
            vs = [idx_v[irow, pl.ds(w, L)] for w in WINS]
            mn = vs[0]
            for v in vs[1:]:
                mn = jnp.minimum(mn, v)
            for s in (8, 4, 2, 1):
                perm = (iot + s) % L
                rot = lax.gather(
                    mn,
                    perm[:, None],
                    lax.GatherDimensionNumbers(
                        offset_dims=(),
                        collapsed_slice_dims=(0,),
                        start_index_map=(0,),
                    ),
                    slice_sizes=(1,),
                    mode=lax.GatherScatterMode.PROMISE_IN_BOUNDS,
                )
                mn = jnp.minimum(mn, rot)

            @pl.when(mn[0] == PAD)
            def _():
                for q, w in enumerate(WINS):
                    zm = vs[q] == PAD
                    rv = jnp.full((L,), r, jnp.int32)
                    wp = w + iot
                    for col in range(DIM):
                        colv = jnp.full((L,), col, jnp.int32)
                        plsc.store_scatter(rows, [rv, wp, colv], zv, mask=zm)

            return 0

        lax.fori_loop(0, NXR, row_fix, 0)

    fire_gathers(0, rows0, sg0)

    def pair(i2, _):
        a = 2 * i2
        bq = a + 1
        c = a + 2

        @pl.when(i2 > 0)
        def _():
            drain_write(rows1, so1)

        fire_gathers(bq, rows1, sg1)
        drain_gathers(rows0, sg0)
        fixup(a, rows0)
        fire_write(a, rows0, so0)
        drain_gathers(rows1, sg1)
        fixup(bq, rows1)
        drain_write(rows0, so0)

        @pl.when(c < NCH)
        def _():
            fire_gathers(c, rows0, sg0)

        fire_write(bq, rows1, so1)
        return 0

    lax.fori_loop(0, NCH // 2, pair, 0)
    drain_write(rows1, so1)


def kernel(x, weight):
    return _emb(x.astype(jnp.int32), weight)

# --- scband reference (transcript-rebuilt; emitter-appended) ---
"""Pipeline reference for scband-embedding-46394236731638 (READ-ONLY COPY).

The authoritative reference and input builder live on the scoring server;
editing this copy changes nothing except your own understanding.
"""

import jax, jax.numpy as jnp
import numpy as np

NUM = 1000000
DIM = 32
PAD_IDX = 0

def setup_inputs(seed: int = 0) -> dict:
    key = jax.random.key(seed)
    k1, k2 = jax.random.split(key)
    x = jax.random.randint(k1, (16384, 50), 0, NUM, dtype=jnp.int64) if jax.config.jax_enable_x64 else jax.random.randint(k1, (16384, 50), 0, NUM, dtype=jnp.int32)
    weight = jax.random.normal(k2, (NUM, DIM), dtype=jnp.float32)
    return {"x": x, "weight": weight}

def reference(x, weight):
    # zero out the padding row (matches torch's in-place fill_(0) each forward)
    w = weight.at[PAD_IDX].set(0.0)
    # embedding lookup: weight[x]
    return jnp.take(w, x, axis=0)

if __name__ == "__main__":
    import jax
    _d = setup_inputs()
    print(jax.jit(kernel)(*tuple(_d.values())))

</pallas_src>

<mosaic_0001>
#map = affine_map<(d0, d1) -> (0, 0)>
#map1 = affine_map<(d0, d1) -> (0, 0, 0)>
module attributes {stable_mosaic.version = 14 : i64} {
  func.func @_emb(%arg0: i32, %arg1: i32, %arg2: memref<16384x50xi32, #tpu.memory_space<hbm>>, %arg3: memref<1000000x32xf32, #tpu.memory_space<hbm>>, %arg4: memref<16384x50x32xf32, #tpu.memory_space<hbm>>, %arg5: memref<512x50xi32, #tpu.memory_space<vmem>>, %arg6: memref<16x50x32xf32, #tpu.memory_space<vmem>>, %arg7: memref<16x50x32xf32, #tpu.memory_space<vmem>>, %arg8: memref<!tpu.dma_semaphore, #tpu.memory_space<semaphore_mem>>, %arg9: memref<!tpu.dma_semaphore, #tpu.memory_space<semaphore_mem>>, %arg10: memref<!tpu.dma_semaphore, #tpu.memory_space<semaphore_mem>>, %arg11: memref<!tpu.dma_semaphore, #tpu.memory_space<semaphore_mem>>) attributes {dimension_semantics = [#tpu.dimension_semantics<core_parallel>, #tpu.dimension_semantics<subcore_parallel>], iteration_bounds = array<i64: 2, 16>, scalar_prefetch = 0 : i64, scratch_operands = 7 : i64, tpu.core_type = #tpu.core_type<sc_vector_subcore>, window_params = [{transform_indices = #map}, {transform_indices = #map}, {transform_indices = #map1}]} {
    %mul3A = arith.constant 2 : i32
    %mul3A_0 = arith.muli %arg1, %mul3A : i32
    %add3A = arith.addi %mul3A_0, %arg0 : i32
    %mul3A_1 = arith.constant 512 : i32
    %mul3A_2 = arith.muli %add3A, %mul3A_1 : i32
    %broadcast_in_dim3A = arith.constant 0.000000e+00 : f32
    %broadcast_in_dim3A_3 = vector.broadcast %broadcast_in_dim3A : f32 to vector<16xf32>
    %iota3A = tpu.iota {dimensions = array<i32: 0>} : vector<16xi32>
    "tpu.region"() ({
      %run_scoped3A = tpu.sem_alloc : memref<!tpu.dma_semaphore, #tpu.memory_space<semaphore_mem>>
      %dma_start3A_206 = arith.constant 0 : i32
      %dma_start3A_207 = tpu.memref_slice %arg2[%mul3A_2, %dma_start3A_206] : memref<16384x50xi32, #tpu.memory_space<hbm>> -> memref<512x50xi32, #tpu.memory_space<hbm>>
      %dma_start3A_208 = arith.constant 0 : i32
      %dma_start3A_209 = tpu.memref_slice %arg2[%mul3A_2, %dma_start3A_208] : memref<16384x50xi32, #tpu.memory_space<hbm>> -> memref<512x50xi32, #tpu.memory_space<hbm>>
      tpu.enqueue_dma source(%dma_start3A_209 : memref<512x50xi32, #tpu.memory_space<hbm>>) target(%arg5 : memref<512x50xi32, #tpu.memory_space<vmem>>) target_semaphore(%run_scoped3A : memref<!tpu.dma_semaphore, #tpu.memory_space<semaphore_mem>>)
      %dma_wait3A_210 = arith.constant 0 : i32
      %dma_wait3A_211 = tpu.memref_slice %arg2[%mul3A_2, %dma_wait3A_210] : memref<16384x50xi32, #tpu.memory_space<hbm>> -> memref<512x50xi32, #tpu.memory_space<hbm>>
      %dma_wait3A_212 = arith.constant 0 : i32
      %dma_wait3A_213 = tpu.memref_slice %arg2[%mul3A_2, %dma_wait3A_212] : memref<16384x50xi32, #tpu.memory_space<hbm>> -> memref<512x50xi32, #tpu.memory_space<hbm>>
      tpu.wait_dma2 semaphore(%run_scoped3A : memref<!tpu.dma_semaphore, #tpu.memory_space<semaphore_mem>>) src(%dma_wait3A_213 : memref<512x50xi32, #tpu.memory_space<hbm>>) dst(%arg5 : memref<512x50xi32, #tpu.memory_space<vmem>>)
      tpu.yield
    }) : () -> ()
    %dma_start3A = arith.constant 0 : i32
    %dma_start3A_4 = arith.constant 0 : i32
    %dma_start3A_5 = arith.constant 0 : i32
    %dma_start3A_6 = arith.constant 0 : i32
    %dma_start3A_7 = tpu.memref_slice %arg6[%dma_start3A_4, %dma_start3A_5, %dma_start3A_6] : memref<16x50x32xf32, #tpu.memory_space<vmem>> -> memref<1x50x32xf32, #tpu.memory_space<vmem>>
    %dma_start3A_8 = tpu.memref_squeeze %dma_start3A_7 : memref<1x50x32xf32, #tpu.memory_space<vmem>> -> memref<50x32xf32, #tpu.memory_space<vmem>>
    %dma_start3A_9 = arith.constant 0 : i32
    %dma_start3A_10 = tpu.memref_slice %arg5[%dma_start3A, %dma_start3A_9] : memref<512x50xi32, #tpu.memory_space<vmem>> -> memref<1x50xi32, #tpu.memory_space<vmem>>
    %dma_start3A_11 = tpu.memref_squeeze %dma_start3A_10 : memref<1x50xi32, #tpu.memory_space<vmem>> -> memref<50xi32, #tpu.memory_space<vmem>>
    %dma_start3A_12 = arith.constant 0 : i32
    %dma_start3A_13 = arith.constant 0 : i32
    %dma_start3A_14 = tpu.memref_slice %arg3[%dma_start3A_12, %dma_start3A_13] : memref<1000000x32xf32, #tpu.memory_space<hbm>> -> memref<1000000x32xf32, #tpu.memory_space<hbm>>
    tpu.enqueue_indirect_dma source(%dma_start3A_14 : memref<1000000x32xf32, #tpu.memory_space<hbm>>) target(%dma_start3A_8 : memref<50x32xf32, #tpu.memory_space<vmem>>) offsets(%dma_start3A_11 : memref<50xi32, #tpu.memory_space<vmem>>) semaphore(%arg8 : memref<!tpu.dma_semaphore, #tpu.memory_space<semaphore_mem>>)
    %dma_start3A_15 = arith.constant 1 : i32
    %dma_start3A_16 = arith.constant 1 : i32
    %dma_start3A_17 = arith.constant 0 : i32
    %dma_start3A_18 = arith.constant 0 : i32
    %dma_start3A_19 = tpu.memref_slice %arg6[%dma_start3A_16, %dma_start3A_17, %dma_start3A_18] : memref<16x50x32xf32, #tpu.memory_space<vmem>> -> memref<1x50x32xf32, #tpu.memory_space<vmem>>
    %dma_start3A_20 = tpu.memref_squeeze %dma_start3A_19 : memref<1x50x32xf32, #tpu.memory_space<vmem>> -> memref<50x32xf32, #tpu.memory_space<vmem>>
    %dma_start3A_21 = arith.constant 0 : i32
    %dma_start3A_22 = tpu.memref_slice %arg5[%dma_start3A_15, %dma_start3A_21] : memref<512x50xi32, #tpu.memory_space<vmem>> -> memref<1x50xi32, #tpu.memory_space<vmem>>
    %dma_start3A_23 = tpu.memref_squeeze %dma_start3A_22 : memref<1x50xi32, #tpu.memory_space<vmem>> -> memref<50xi32, #tpu.memory_space<vmem>>
    %dma_start3A_24 = arith.constant 0 : i32
    %dma_start3A_25 = arith.constant 0 : i32
    %dma_start3A_26 = tpu.memref_slice %arg3[%dma_start3A_24, %dma_start3A_25] : memref<1000000x32xf32, #tpu.memory_space<hbm>> -> memref<1000000x32xf32, #tpu.memory_space<hbm>>
    tpu.enqueue_indirect_dma source(%dma_start3A_26 : memref<1000000x32xf32, #tpu.memory_space<hbm>>) target(%dma_start3A_20 : memref<50x32xf32, #tpu.memory_space<vmem>>) offsets(%dma_start3A_23 : memref<50xi32, #tpu.memory_space<vmem>>) semaphore(%arg8 : memref<!tpu.dma_semaphore, #tpu.memory_space<semaphore_mem>>)
    %dma_start3A_27 = arith.constant 2 : i32
    %dma_start3A_28 = arith.constant 2 : i32
    %dma_start3A_29 = arith.constant 0 : i32
    %dma_start3A_30 = arith.constant 0 : i32
    %dma_start3A_31 = tpu.memref_slice %arg6[%dma_start3A_28, %dma_start3A_29, %dma_start3A_30] : memref<16x50x32xf32, #tpu.memory_space<vmem>> -> memref<1x50x32xf32, #tpu.memory_space<vmem>>
    %dma_start3A_32 = tpu.memref_squeeze %dma_start3A_31 : memref<1x50x32xf32, #tpu.memory_space<vmem>> -> memref<50x32xf32, #tpu.memory_space<vmem>>
    %dma_start3A_33 = arith.constant 0 : i32
    %dma_start3A_34 = tpu.memref_slice %arg5[%dma_start3A_27, %dma_start3A_33] : memref<512x50xi32, #tpu.memory_space<vmem>> -> memref<1x50xi32, #tpu.memory_space<vmem>>
    %dma_start3A_35 = tpu.memref_squeeze %dma_start3A_34 : memref<1x50xi32, #tpu.memory_space<vmem>> -> memref<50xi32, #tpu.memory_space<vmem>>
    %dma_start3A_36 = arith.constant 0 : i32
    %dma_start3A_37 = arith.constant 0 : i32
    %dma_start3A_38 = tpu.memref_slice %arg3[%dma_start3A_36, %dma_start3A_37] : memref<1000000x32xf32, #tpu.memory_space<hbm>> -> memref<1000000x32xf32, #tpu.memory_space<hbm>>
    tpu.enqueue_indirect_dma source(%dma_start3A_38 : memref<1000000x32xf32, #tpu.memory_space<hbm>>) target(%dma_start3A_32 : memref<50x32xf32, #tpu.memory_space<vmem>>) offsets(%dma_start3A_35 : memref<50xi32, #tpu.memory_space<vmem>>) semaphore(%arg8 : memref<!tpu.dma_semaphore, #tpu.memory_space<semaphore_mem>>)
    %dma_start3A_39 = arith.constant 3 : i32
    %dma_start3A_40 = arith.constant 3 : i32
    %dma_start3A_41 = arith.constant 0 : i32
    %dma_start3A_42 = arith.constant 0 : i32
    %dma_start3A_43 = tpu.memref_slice %arg6[%dma_start3A_40, %dma_start3A_41, %dma_start3A_42] : memref<16x50x32xf32, #tpu.memory_space<vmem>> -> memref<1x50x32xf32, #tpu.memory_space<vmem>>
    %dma_start3A_44 = tpu.memref_squeeze %dma_start3A_43 : memref<1x50x32xf32, #tpu.memory_space<vmem>> -> memref<50x32xf32, #tpu.memory_space<vmem>>
    %dma_start3A_45 = arith.constant 0 : i32
    %dma_start3A_46 = tpu.memref_slice %arg5[%dma_start3A_39, %dma_start3A_45] : memref<512x50xi32, #tpu.memory_space<vmem>> -> memref<1x50xi32, #tpu.memory_space<vmem>>
    %dma_start3A_47 = tpu.memref_squeeze %dma_start3A_46 : memref<1x50xi32, #tpu.memory_space<vmem>> -> memref<50xi32, #tpu.memory_space<vmem>>
    %dma_start3A_48 = arith.constant 0 : i32
    %dma_start3A_49 = arith.constant 0 : i32
    %dma_start3A_50 = tpu.memref_slice %arg3[%dma_start3A_48, %dma_start3A_49] : memref<1000000x32xf32, #tpu.memory_space<hbm>> -> memref<1000000x32xf32, #tpu.memory_space<hbm>>
    tpu.enqueue_indirect_dma source(%dma_start3A_50 : memref<1000000x32xf32, #tpu.memory_space<hbm>>) target(%dma_start3A_44 : memref<50x32xf32, #tpu.memory_space<vmem>>) offsets(%dma_start3A_47 : memref<50xi32, #tpu.memory_space<vmem>>) semaphore(%arg8 : memref<!tpu.dma_semaphore, #tpu.memory_space<semaphore_mem>>)
    %dma_start3A_51 = arith.constant 4 : i32
    %dma_start3A_52 = arith.constant 4 : i32
    %dma_start3A_53 = arith.constant 0 : i32
    %dma_start3A_54 = arith.constant 0 : i32
    %dma_start3A_55 = tpu.memref_slice %arg6[%dma_start3A_52, %dma_start3A_53, %dma_start3A_54] : memref<16x50x32xf32, #tpu.memory_space<vmem>> -> memref<1x50x32xf32, #tpu.memory_space<vmem>>
    %dma_start3A_56 = tpu.memref_squeeze %dma_start3A_55 : memref<1x50x32xf32, #tpu.memory_space<vmem>> -> memref<50x32xf32, #tpu.memory_space<vmem>>
    %dma_start3A_57 = arith.constant 0 : i32
    %dma_start3A_58 = tpu.memref_slice %arg5[%dma_start3A_51, %dma_start3A_57] : memref<512x50xi32, #tpu.memory_space<vmem>> -> memref<1x50xi32, #tpu.memory_space<vmem>>
    %dma_start3A_59 = tpu.memref_squeeze %dma_start3A_58 : memref<1x50xi32, #tpu.memory_space<vmem>> -> memref<50xi32, #tpu.memory_space<vmem>>
    %dma_start3A_60 = arith.constant 0 : i32
    %dma_start3A_61 = arith.constant 0 : i32
    %dma_start3A_62 = tpu.memref_slice %arg3[%dma_start3A_60, %dma_start3A_61] : memref<1000000x32xf32, #tpu.memory_space<hbm>> -> memref<1000000x32xf32, #tpu.memory_space<hbm>>
    tpu.enqueue_indirect_dma source(%dma_start3A_62 : memref<1000000x32xf32, #tpu.memory_space<hbm>>) target(%dma_start3A_56 : memref<50x32xf32, #tpu.memory_space<vmem>>) offsets(%dma_start3A_59 : memref<50xi32, #tpu.memory_space<vmem>>) semaphore(%arg8 : memref<!tpu.dma_semaphore, #tpu.memory_space<semaphore_mem>>)
    %dma_start3A_63 = arith.constant 5 : i32
    %dma_start3A_64 = arith.constant 5 : i32
    %dma_start3A_65 = arith.constant 0 : i32
    %dma_start3A_66 = arith.constant 0 : i32
    %dma_start3A_67 = tpu.memref_slice %arg6[%dma_start3A_64, %dma_start3A_65, %dma_start3A_66] : memref<16x50x32xf32, #tpu.memory_space<vmem>> -> memref<1x50x32xf32, #tpu.memory_space<vmem>>
    %dma_start3A_68 = tpu.memref_squeeze %dma_start3A_67 : memref<1x50x32xf32, #tpu.memory_space<vmem>> -> memref<50x32xf32, #tpu.memory_space<vmem>>
    %dma_start3A_69 = arith.constant 0 : i32
    %dma_start3A_70 = tpu.memref_slice %arg5[%dma_start3A_63, %dma_start3A_69] : memref<512x50xi32, #tpu.memory_space<vmem>> -> memref<1x50xi32, #tpu.memory_space<vmem>>
    %dma_start3A_71 = tpu.memref_squeeze %dma_start3A_70 : memref<1x50xi32, #tpu.memory_space<vmem>> -> memref<50xi32, #tpu.memory_space<vmem>>
    %dma_start3A_72 = arith.constant 0 : i32
    %dma_start3A_73 = arith.constant 0 : i32
    %dma_start3A_74 = tpu.memref_slice %arg3[%dma_start3A_72, %dma_start3A_73] : memref<1000000x32xf32, #tpu.memory_space<hbm>> -> memref<1000000x32xf32, #tpu.memory_space<hbm>>
    tpu.enqueue_indirect_dma source(%dma_start3A_74 : memref<1000000x32xf32, #tpu.memory_space<hbm>>) target(%dma_start3A_68 : memref<50x32xf32, #tpu.memory_space<vmem>>) offsets(%dma_start3A_71 : memref<50xi32, #tpu.memory_space<vmem>>) semaphore(%arg8 : memref<!tpu.dma_semaphore, #tpu.memory_space<semaphore_mem>>)
    %dma_start3A_75 = arith.constant 6 : i32
    %dma_start3A_76 = arith.constant 6 : i32
    %dma_start3A_77 = arith.constant 0 : i32
    %dma_start3A_78 = arith.constant 0 : i32
    %dma_start3A_79 = tpu.memref_slice %arg6[%dma_start3A_76, %dma_start3A_77, %dma_start3A_78] : memref<16x50x32xf32, #tpu.memory_space<vmem>> -> memref<1x50x32xf32, #tpu.memory_space<vmem>>
    %dma_start3A_80 = tpu.memref_squeeze %dma_start3A_79 : memref<1x50x32xf32, #tpu.memory_space<vmem>> -> memref<50x32xf32, #tpu.memory_space<vmem>>
    %dma_start3A_81 = arith.constant 0 : i32
    %dma_start3A_82 = tpu.memref_slice %arg5[%dma_start3A_75, %dma_start3A_81] : memref<512x50xi32, #tpu.memory_space<vmem>> -> memref<1x50xi32, #tpu.memory_space<vmem>>
    %dma_start3A_83 = tpu.memref_squeeze %dma_start3A_82 : memref<1x50xi32, #tpu.memory_space<vmem>> -> memref<50xi32, #tpu.memory_space<vmem>>
    %dma_start3A_84 = arith.constant 0 : i32
    %dma_start3A_85 = arith.constant 0 : i32
    %dma_start3A_86 = tpu.memref_slice %arg3[%dma_start3A_84, %dma_start3A_85] : memref<1000000x32xf32, #tpu.memory_space<hbm>> -> memref<1000000x32xf32, #tpu.memory_space<hbm>>
    tpu.enqueue_indirect_dma source(%dma_start3A_86 : memref<1000000x32xf32, #tpu.memory_space<hbm>>) target(%dma_start3A_80 : memref<50x32xf32, #tpu.memory_space<vmem>>) offsets(%dma_start3A_83 : memref<50xi32, #tpu.memory_space<vmem>>) semaphore(%arg8 : memref<!tpu.dma_semaphore, #tpu.memory_space<semaphore_mem>>)
    %dma_start3A_87 = arith.constant 7 : i32
    %dma_start3A_88 = arith.constant 7 : i32
    %dma_start3A_89 = arith.constant 0 : i32
    %dma_start3A_90 = arith.constant 0 : i32
    %dma_start3A_91 = tpu.memref_slice %arg6[%dma_start3A_88, %dma_start3A_89, %dma_start3A_90] : memref<16x50x32xf32, #tpu.memory_space<vmem>> -> memref<1x50x32xf32, #tpu.memory_space<vmem>>
    %dma_start3A_92 = tpu.memref_squeeze %dma_start3A_91 : memref<1x50x32xf32, #tpu.memory_space<vmem>> -> memref<50x32xf32, #tpu.memory_space<vmem>>
    %dma_start3A_93 = arith.constant 0 : i32
    %dma_start3A_94 = tpu.memref_slice %arg5[%dma_start3A_87, %dma_start3A_93] : memref<512x50xi32, #tpu.memory_space<vmem>> -> memref<1x50xi32, #tpu.memory_space<vmem>>
    %dma_start3A_95 = tpu.memref_squeeze %dma_start3A_94 : memref<1x50xi32, #tpu.memory_space<vmem>> -> memref<50xi32, #tpu.memory_space<vmem>>
    %dma_start3A_96 = arith.constant 0 : i32
    %dma_start3A_97 = arith.constant 0 : i32
    %dma_start3A_98 = tpu.memref_slice %arg3[%dma_start3A_96, %dma_start3A_97] : memref<1000000x32xf32, #tpu.memory_space<hbm>> -> memref<1000000x32xf32, #tpu.memory_space<hbm>>
    tpu.enqueue_indirect_dma source(%dma_start3A_98 : memref<1000000x32xf32, #tpu.memory_space<hbm>>) target(%dma_start3A_92 : memref<50x32xf32, #tpu.memory_space<vmem>>) offsets(%dma_start3A_95 : memref<50xi32, #tpu.memory_space<vmem>>) semaphore(%arg8 : memref<!tpu.dma_semaphore, #tpu.memory_space<semaphore_mem>>)
    %dma_start3A_99 = arith.constant 8 : i32
    %dma_start3A_100 = arith.constant 8 : i32
    %dma_start3A_101 = arith.constant 0 : i32
    %dma_start3A_102 = arith.constant 0 : i32
    %dma_start3A_103 = tpu.memref_slice %arg6[%dma_start3A_100, %dma_start3A_101, %dma_start3A_102] : memref<16x50x32xf32, #tpu.memory_space<vmem>> -> memref<1x50x32xf32, #tpu.memory_space<vmem>>
    %dma_start3A_104 = tpu.memref_squeeze %dma_start3A_103 : memref<1x50x32xf32, #tpu.memory_space<vmem>> -> memref<50x32xf32, #tpu.memory_space<vmem>>
    %dma_start3A_105 = arith.constant 0 : i32
    %dma_start3A_106 = tpu.memref_slice %arg5[%dma_start3A_99, %dma_start3A_105] : memref<512x50xi32, #tpu.memory_space<vmem>> -> memref<1x50xi32, #tpu.memory_space<vmem>>
    %dma_start3A_107 = tpu.memref_squeeze %dma_start3A_106 : memref<1x50xi32, #tpu.memory_space<vmem>> -> memref<50xi32, #tpu.memory_space<vmem>>
    %dma_start3A_108 = arith.constant 0 : i32
    %dma_start3A_109 = arith.constant 0 : i32
    %dma_start3A_110 = tpu.memref_slice %arg3[%dma_start3A_108, %dma_start3A_109] : memref<1000000x32xf32, #tpu.memory_space<hbm>> -> memref<1000000x32xf32, #tpu.memory_space<hbm>>
    tpu.enqueue_indirect_dma source(%dma_start3A_110 : memref<1000000x32xf32, #tpu.memory_space<hbm>>) target(%dma_start3A_104 : memref<50x32xf32, #tpu.memory_space<vmem>>) offsets(%dma_start3A_107 : memref<50xi32, #tpu.memory_space<vmem>>) semaphore(%arg8 : memref<!tpu.dma_semaphore, #tpu.memory_space<semaphore_mem>>)
    %dma_start3A_111 = arith.constant 9 : i32
    %dma_start3A_112 = arith.constant 9 : i32
    %dma_start3A_113 = arith.constant 0 : i32
    %dma_start3A_114 = arith.constant 0 : i32
    %dma_start3A_115 = tpu.memref_slice %arg6[%dma_start3A_112, %dma_start3A_113, %dma_start3A_114] : memref<16x50x32xf32, #tpu.memory_space<vmem>> -> memref<1x50x32xf32, #tpu.memory_space<vmem>>
    %dma_start3A_116 = tpu.memref_squeeze %dma_start3A_115 : memref<1x50x32xf32, #tpu.memory_space<vmem>> -> memref<50x32xf32, #tpu.memory_space<vmem>>
    %dma_start3A_117 = arith.constant 0 : i32
    %dma_start3A_118 = tpu.memref_slice %arg5[%dma_start3A_111, %dma_start3A_117] : memref<512x50xi32, #tpu.memory_space<vmem>> -> memref<1x50xi32, #tpu.memory_space<vmem>>
    %dma_start3A_119 = tpu.memref_squeeze %dma_start3A_118 : memref<1x50xi32, #tpu.memory_space<vmem>> -> memref<50xi32, #tpu.memory_space<vmem>>
    %dma_start3A_120 = arith.constant 0 : i32
    %dma_start3A_121 = arith.constant 0 : i32
    %dma_start3A_122 = tpu.memref_slice %arg3[%dma_start3A_120, %dma_start3A_121] : memref<1000000x32xf32, #tpu.memory_space<hbm>> -> memref<1000000x32xf32, #tpu.memory_space<hbm>>
    tpu.enqueue_indirect_dma source(%dma_start3A_122 : memref<1000000x32xf32, #tpu.memory_space<hbm>>) target(%dma_start3A_116 : memref<50x32xf32, #tpu.memory_space<vmem>>) offsets(%dma_start3A_119 : memref<50xi32, #tpu.memory_space<vmem>>) semaphore(%arg8 : memref<!tpu.dma_semaphore, #tpu.memory_space<semaphore_mem>>)
    %dma_start3A_123 = arith.constant 10 : i32
    %dma_start3A_124 = arith.constant 10 : i32
    %dma_start3A_125 = arith.constant 0 : i32
    %dma_start3A_126 = arith.constant 0 : i32
    %dma_start3A_127 = tpu.memref_slice %arg6[%dma_start3A_124, %dma_start3A_125, %dma_start3A_126] : memref<16x50x32xf32, #tpu.memory_space<vmem>> -> memref<1x50x32xf32, #tpu.memory_space<vmem>>
    %dma_start3A_128 = tpu.memref_squeeze %dma_start3A_127 : memref<1x50x32xf32, #tpu.memory_space<vmem>> -> memref<50x32xf32, #tpu.memory_space<vmem>>
    %dma_start3A_129 = arith.constant 0 : i32
    %dma_start3A_130 = tpu.memref_slice %arg5[%dma_start3A_123, %dma_start3A_129] : memref<512x50xi32, #tpu.memory_space<vmem>> -> memref<1x50xi32, #tpu.memory_space<vmem>>
    %dma_start3A_131 = tpu.memref_squeeze %dma_start3A_130 : memref<1x50xi32, #tpu.memory_space<vmem>> -> memref<50xi32, #tpu.memory_space<vmem>>
    %dma_start3A_132 = arith.constant 0 : i32
    %dma_start3A_133 = arith.constant 0 : i32
    %dma_start3A_134 = tpu.memref_slice %arg3[%dma_start3A_132, %dma_start3A_133] : memref<1000000x32xf32, #tpu.memory_space<hbm>> -> memref<1000000x32xf32, #tpu.memory_space<hbm>>
    tpu.enqueue_indirect_dma source(%dma_start3A_134 : memref<1000000x32xf32, #tpu.memory_space<hbm>>) target(%dma_start3A_128 : memref<50x32xf32, #tpu.memory_space<vmem>>) offsets(%dma_start3A_131 : memref<50xi32, #tpu.memory_space<vmem>>) semaphore(%arg8 : memref<!tpu.dma_semaphore, #tpu.memory_space<semaphore_mem>>)
    %dma_start3A_135 = arith.constant 11 : i32
    %dma_start3A_136 = arith.constant 11 : i32
    %dma_start3A_137 = arith.constant 0 : i32
    %dma_start3A_138 = arith.constant 0 : i32
    %dma_start3A_139 = tpu.memref_slice %arg6[%dma_start3A_136, %dma_start3A_137, %dma_start3A_138] : memref<16x50x32xf32, #tpu.memory_space<vmem>> -> memref<1x50x32xf32, #tpu.memory_space<vmem>>
    %dma_start3A_140 = tpu.memref_squeeze %dma_start3A_139 : memref<1x50x32xf32, #tpu.memory_space<vmem>> -> memref<50x32xf32, #tpu.memory_space<vmem>>
    %dma_start3A_141 = arith.constant 0 : i32
    %dma_start3A_142 = tpu.memref_slice %arg5[%dma_start3A_135, %dma_start3A_141] : memref<512x50xi32, #tpu.memory_space<vmem>> -> memref<1x50xi32, #tpu.memory_space<vmem>>
    %dma_start3A_143 = tpu.memref_squeeze %dma_start3A_142 : memref<1x50xi32, #tpu.memory_space<vmem>> -> memref<50xi32, #tpu.memory_space<vmem>>
    %dma_start3A_144 = arith.constant 0 : i32
    %dma_start3A_145 = arith.constant 0 : i32
    %dma_start3A_146 = tpu.memref_slice %arg3[%dma_start3A_144, %dma_start3A_145] : memref<1000000x32xf32, #tpu.memory_space<hbm>> -> memref<1000000x32xf32, #tpu.memory_space<hbm>>
    tpu.enqueue_indirect_dma source(%dma_start3A_146 : memref<1000000x32xf32, #tpu.memory_space<hbm>>) target(%dma_start3A_140 : memref<50x32xf32, #tpu.memory_space<vmem>>) offsets(%dma_start3A_143 : memref<50xi32, #tpu.memory_space<vmem>>) semaphore(%arg8 : memref<!tpu.dma_semaphore, #tpu.memory_space<semaphore_mem>>)
    %dma_start3A_147 = arith.constant 12 : i32
    %dma_start3A_148 = arith.constant 12 : i32
    %dma_start3A_149 = arith.constant 0 : i32
    %dma_start3A_150 = arith.constant 0 : i32
    %dma_start3A_151 = tpu.memref_slice %arg6[%dma_start3A_148, %dma_start3A_149, %dma_start3A_150] : memref<16x50x32xf32, #tpu.memory_space<vmem>> -> memref<1x50x32xf32, #tpu.memory_space<vmem>>
    %dma_start3A_152 = tpu.memref_squeeze %dma_start3A_151 : memref<1x50x32xf32, #tpu.memory_space<vmem>> -> memref<50x32xf32, #tpu.memory_space<vmem>>
    %dma_start3A_153 = arith.constant 0 : i32
    %dma_start3A_154 = tpu.memref_slice %arg5[%dma_start3A_147, %dma_start3A_153] : memref<512x50xi32, #tpu.memory_space<vmem>> -> memref<1x50xi32, #tpu.memory_space<vmem>>
    %dma_start3A_155 = tpu.memref_squeeze %dma_start3A_154 : memref<1x50xi32, #tpu.memory_space<vmem>> -> memref<50xi32, #tpu.memory_space<vmem>>
    %dma_start3A_156 = arith.constant 0 : i32
    %dma_start3A_157 = arith.constant 0 : i32
    %dma_start3A_158 = tpu.memref_slice %arg3[%dma_start3A_156, %dma_start3A_157] : memref<1000000x32xf32, #tpu.memory_space<hbm>> -> memref<1000000x32xf32, #tpu.memory_space<hbm>>
    tpu.enqueue_indirect_dma source(%dma_start3A_158 : memref<1000000x32xf32, #tpu.memory_space<hbm>>) target(%dma_start3A_152 : memref<50x32xf32, #tpu.memory_space<vmem>>) offsets(%dma_start3A_155 : memref<50xi32, #tpu.memory_space<vmem>>) semaphore(%arg8 : memref<!tpu.dma_semaphore, #tpu.memory_space<semaphore_mem>>)
    %dma_start3A_159 = arith.constant 13 : i32
    %dma_start3A_160 = arith.constant 13 : i32
    %dma_start3A_161 = arith.constant 0 : i32
    %dma_start3A_162 = arith.constant 0 : i32
    %dma_start3A_163 = tpu.memref_slice %arg6[%dma_start3A_160, %dma_start3A_161, %dma_start3A_162] : memref<16x50x32xf32, #tpu.memory_space<vmem>> -> memref<1x50x32xf32, #tpu.memory_space<vmem>>
    %dma_start3A_164 = tpu.memref_squeeze %dma_start3A_163 : memref<1x50x32xf32, #tpu.memory_space<vmem>> -> memref<50x32xf32, #tpu.memory_space<vmem>>
    %dma_start3A_165 = arith.constant 0 : i32
    %dma_start3A_166 = tpu.memref_slice %arg5[%dma_start3A_159, %dma_start3A_165] : memref<512x50xi32, #tpu.memory_space<vmem>> -> memref<1x50xi32, #tpu.memory_space<vmem>>
    %dma_start3A_167 = tpu.memref_squeeze %dma_start3A_166 : memref<1x50xi32, #tpu.memory_space<vmem>> -> memref<50xi32, #tpu.memory_space<vmem>>
    %dma_start3A_168 = arith.constant 0 : i32
    %dma_start3A_169 = arith.constant 0 : i32
    %dma_start3A_170 = tpu.memref_slice %arg3[%dma_start3A_168, %dma_start3A_169] : memref<1000000x32xf32, #tpu.memory_space<hbm>> -> memref<1000000x32xf32, #tpu.memory_space<hbm>>
    tpu.enqueue_indirect_dma source(%dma_start3A_170 : memref<1000000x32xf32, #tpu.memory_space<hbm>>) target(%dma_start3A_164 : memref<50x32xf32, #tpu.memory_space<vmem>>) offsets(%dma_start3A_167 : memref<50xi32, #tpu.memory_space<vmem>>) semaphore(%arg8 : memref<!tpu.dma_semaphore, #tpu.memory_space<semaphore_mem>>)
    %dma_start3A_171 = arith.constant 14 : i32
    %dma_start3A_172 = arith.constant 14 : i32
    %dma_start3A_173 = arith.constant 0 : i32
    %dma_start3A_174 = arith.constant 0 : i32
    %dma_start3A_175 = tpu.memref_slice %arg6[%dma_start3A_172, %dma_start3A_173, %dma_start3A_174] : memref<16x50x32xf32, #tpu.memory_space<vmem>> -> memref<1x50x32xf32, #tpu.memory_space<vmem>>
    %dma_start3A_176 = tpu.memref_squeeze %dma_start3A_175 : memref<1x50x32xf32, #tpu.memory_space<vmem>> -> memref<50x32xf32, #tpu.memory_space<vmem>>
    %dma_start3A_177 = arith.constant 0 : i32
    %dma_start3A_178 = tpu.memref_slice %arg5[%dma_start3A_171, %dma_start3A_177] : memref<512x50xi32, #tpu.memory_space<vmem>> -> memref<1x50xi32, #tpu.memory_space<vmem>>
    %dma_start3A_179 = tpu.memref_squeeze %dma_start3A_178 : memref<1x50xi32, #tpu.memory_space<vmem>> -> memref<50xi32, #tpu.memory_space<vmem>>
    %dma_start3A_180 = arith.constant 0 : i32
    %dma_start3A_181 = arith.constant 0 : i32
    %dma_start3A_182 = tpu.memref_slice %arg3[%dma_start3A_180, %dma_start3A_181] : memref<1000000x32xf32, #tpu.memory_space<hbm>> -> memref<1000000x32xf32, #tpu.memory_space<hbm>>
    tpu.enqueue_indirect_dma source(%dma_start3A_182 : memref<1000000x32xf32, #tpu.memory_space<hbm>>) target(%dma_start3A_176 : memref<50x32xf32, #tpu.memory_space<vmem>>) offsets(%dma_start3A_179 : memref<50xi32, #tpu.memory_space<vmem>>) semaphore(%arg8 : memref<!tpu.dma_semaphore, #tpu.memory_space<semaphore_mem>>)
    %dma_start3A_183 = arith.constant 15 : i32
    %dma_start3A_184 = arith.constant 15 : i32
    %dma_start3A_185 = arith.constant 0 : i32
    %dma_start3A_186 = arith.constant 0 : i32
    %dma_start3A_187 = tpu.memref_slice %arg6[%dma_start3A_184, %dma_start3A_185, %dma_start3A_186] : memref<16x50x32xf32, #tpu.memory_space<vmem>> -> memref<1x50x32xf32, #tpu.memory_space<vmem>>
    %dma_start3A_188 = tpu.memref_squeeze %dma_start3A_187 : memref<1x50x32xf32, #tpu.memory_space<vmem>> -> memref<50x32xf32, #tpu.memory_space<vmem>>
    %dma_start3A_189 = arith.constant 0 : i32
    %dma_start3A_190 = tpu.memref_slice %arg5[%dma_start3A_183, %dma_start3A_189] : memref<512x50xi32, #tpu.memory_space<vmem>> -> memref<1x50xi32, #tpu.memory_space<vmem>>
    %dma_start3A_191 = tpu.memref_squeeze %dma_start3A_190 : memref<1x50xi32, #tpu.memory_space<vmem>> -> memref<50xi32, #tpu.memory_space<vmem>>
    %dma_start3A_192 = arith.constant 0 : i32
    %dma_start3A_193 = arith.constant 0 : i32
    %dma_start3A_194 = tpu.memref_slice %arg3[%dma_start3A_192, %dma_start3A_193] : memref<1000000x32xf32, #tpu.memory_space<hbm>> -> memref<1000000x32xf32, #tpu.memory_space<hbm>>
    tpu.enqueue_indirect_dma source(%dma_start3A_194 : memref<1000000x32xf32, #tpu.memory_space<hbm>>) target(%dma_start3A_188 : memref<50x32xf32, #tpu.memory_space<vmem>>) offsets(%dma_start3A_191 : memref<50xi32, #tpu.memory_space<vmem>>) semaphore(%arg8 : memref<!tpu.dma_semaphore, #tpu.memory_space<semaphore_mem>>)
    %scan3A = arith.constant 0 : i32
    %scan3A_195 = arith.constant 0 : i32
    %scan3A_196 = arith.constant 16 : i32
    %scan3A_197 = arith.addi %scan3A_195, %scan3A_196 : i32
    %scan3A_198 = arith.constant 1 : i32
    %scan3A_199 = scf.for %scan3A_206 = %scan3A_195 to %scan3A_197 step %scan3A_198 iter_args(%scan3A_207 = %scan3A) -> (i32)  : i32 {
      %mul3A_208 = arith.constant 2 : i32
      %mul3A_209 = arith.muli %mul3A_208, %scan3A_206 : i32
      %add3A_210 = arith.constant 1 : i32
      %add3A_211 = arith.addi %mul3A_209, %add3A_210 : i32
      %add3A_212 = arith.constant 2 : i32
      %add3A_213 = arith.addi %mul3A_209, %add3A_212 : i32
      %gt3A = arith.constant 0 : i32
      %gt3A_214 = arith.cmpi sgt, %scan3A_206, %gt3A : i32
      %convert_element_type3A = arith.extui %gt3A_214 : i1 to i32
      %cond3A = arith.constant 0 : i32
      %cond3A_215 = arith.cmpi ne, %convert_element_type3A, %cond3A : i32
      scf.if %cond3A_215 {
        %dma_wait3A_979 = arith.constant 0 : i32
        %dma_wait3A_980 = arith.constant 0 : i32
        %dma_wait3A_981 = tpu.memref_slice %arg4[%mul3A_2, %dma_wait3A_979, %dma_wait3A_980] : memref<16384x50x32xf32, #tpu.memory_space<hbm>> -> memref<16x50x32xf32, #tpu.memory_space<hbm>>
        %dma_wait3A_982 = arith.constant 0 : i32
        %dma_wait3A_983 = arith.constant 0 : i32
        %dma_wait3A_984 = tpu.memref_slice %arg4[%mul3A_2, %dma_wait3A_982, %dma_wait3A_983] : memref<16384x50x32xf32, #tpu.memory_space<hbm>> -> memref<16x50x32xf32, #tpu.memory_space<hbm>>
        tpu.wait_dma2 semaphore(%arg11 : memref<!tpu.dma_semaphore, #tpu.memory_space<semaphore_mem>>) src(%arg7 : memref<16x50x32xf32, #tpu.memory_space<vmem>>) dst(%dma_wait3A_984 : memref<16x50x32xf32, #tpu.memory_space<hbm>>)
      } else {
      }
      %mul3A_216 = arith.constant 16 : i32
      %mul3A_217 = arith.muli %add3A_211, %mul3A_216 : i32
      %add3A_218 = arith.constant 0 : i32
      %add3A_219 = arith.addi %mul3A_217, %add3A_218 : i32
      %dma_start3A_220 = arith.constant 0 : i32
      %dma_start3A_221 = arith.constant 0 : i32
      %dma_start3A_222 = arith.constant 0 : i32
      %dma_start3A_223 = tpu.memref_slice %arg7[%dma_start3A_220, %dma_start3A_221, %dma_start3A_222] : memref<16x50x32xf32, #tpu.memory_space<vmem>> -> memref<1x50x32xf32, #tpu.memory_space<vmem>>
      %dma_start3A_224 = tpu.memref_squeeze %dma_start3A_223 : memref<1x50x32xf32, #tpu.memory_space<vmem>> -> memref<50x32xf32, #tpu.memory_space<vmem>>
      %dma_start3A_225 = arith.constant 0 : i32
      %dma_start3A_226 = tpu.memref_slice %arg5[%add3A_219, %dma_start3A_225] : memref<512x50xi32, #tpu.memory_space<vmem>> -> memref<1x50xi32, #tpu.memory_space<vmem>>
      %dma_start3A_227 = tpu.memref_squeeze %dma_start3A_226 : memref<1x50xi32, #tpu.memory_space<vmem>> -> memref<50xi32, #tpu.memory_space<vmem>>
      %dma_start3A_228 = arith.constant 0 : i32
      %dma_start3A_229 = arith.constant 0 : i32
      %dma_start3A_230 = tpu.memref_slice %arg3[%dma_start3A_228, %dma_start3A_229] : memref<1000000x32xf32, #tpu.memory_space<hbm>> -> memref<1000000x32xf32, #tpu.memory_space<hbm>>
      tpu.enqueue_indirect_dma source(%dma_start3A_230 : memref<1000000x32xf32, #tpu.memory_space<hbm>>) target(%dma_start3A_224 : memref<50x32xf32, #tpu.memory_space<vmem>>) offsets(%dma_start3A_227 : memref<50xi32, #tpu.memory_space<vmem>>) semaphore(%arg9 : memref<!tpu.dma_semaphore, #tpu.memory_space<semaphore_mem>>)
      %mul3A_231 = arith.constant 16 : i32
      %mul3A_232 = arith.muli %add3A_211, %mul3A_231 : i32
      %add3A_233 = arith.constant 1 : i32
      %add3A_234 = arith.addi %mul3A_232, %add3A_233 : i32
      %dma_start3A_235 = arith.constant 1 : i32
      %dma_start3A_236 = arith.constant 0 : i32
      %dma_start3A_237 = arith.constant 0 : i32
      %dma_start3A_238 = tpu.memref_slice %arg7[%dma_start3A_235, %dma_start3A_236, %dma_start3A_237] : memref<16x50x32xf32, #tpu.memory_space<vmem>> -> memref<1x50x32xf32, #tpu.memory_space<vmem>>
      %dma_start3A_239 = tpu.memref_squeeze %dma_start3A_238 : memref<1x50x32xf32, #tpu.memory_space<vmem>> -> memref<50x32xf32, #tpu.memory_space<vmem>>
      %dma_start3A_240 = arith.constant 0 : i32
      %dma_start3A_241 = tpu.memref_slice %arg5[%add3A_234, %dma_start3A_240] : memref<512x50xi32, #tpu.memory_space<vmem>> -> memref<1x50xi32, #tpu.memory_space<vmem>>
      %dma_start3A_242 = tpu.memref_squeeze %dma_start3A_241 : memref<1x50xi32, #tpu.memory_space<vmem>> -> memref<50xi32, #tpu.memory_space<vmem>>
      %dma_start3A_243 = arith.constant 0 : i32
      %dma_start3A_244 = arith.constant 0 : i32
      %dma_start3A_245 = tpu.memref_slice %arg3[%dma_start3A_243, %dma_start3A_244] : memref<1000000x32xf32, #tpu.memory_space<hbm>> -> memref<1000000x32xf32, #tpu.memory_space<hbm>>
      tpu.enqueue_indirect_dma source(%dma_start3A_245 : memref<1000000x32xf32, #tpu.memory_space<hbm>>) target(%dma_start3A_239 : memref<50x32xf32, #tpu.memory_space<vmem>>) offsets(%dma_start3A_242 : memref<50xi32, #tpu.memory_space<vmem>>) semaphore(%arg9 : memref<!tpu.dma_semaphore, #tpu.memory_space<semaphore_mem>>)
      %mul3A_246 = arith.constant 16 : i32
      %mul3A_247 = arith.muli %add3A_211, %mul3A_246 : i32
      %add3A_248 = arith.constant 2 : i32
      %add3A_249 = arith.addi %mul3A_247, %add3A_248 : i32
      %dma_start3A_250 = arith.constant 2 : i32
      %dma_start3A_251 = arith.constant 0 : i32
      %dma_start3A_252 = arith.constant 0 : i32
      %dma_start3A_253 = tpu.memref_slice %arg7[%dma_start3A_250, %dma_start3A_251, %dma_start3A_252] : memref<16x50x32xf32, #tpu.memory_space<vmem>> -> memref<1x50x32xf32, #tpu.memory_space<vmem>>
      %dma_start3A_254 = tpu.memref_squeeze %dma_start3A_253 : memref<1x50x32xf32, #tpu.memory_space<vmem>> -> memref<50x32xf32, #tpu.memory_space<vmem>>
      %dma_start3A_255 = arith.constant 0 : i32
      %dma_start3A_256 = tpu.memref_slice %arg5[%add3A_249, %dma_start3A_255] : memref<512x50xi32, #tpu.memory_space<vmem>> -> memref<1x50xi32, #tpu.memory_space<vmem>>
      %dma_start3A_257 = tpu.memref_squeeze %dma_start3A_256 : memref<1x50xi32, #tpu.memory_space<vmem>> -> memref<50xi32, #tpu.memory_space<vmem>>
      %dma_start3A_258 = arith.constant 0 : i32
      %dma_start3A_259 = arith.constant 0 : i32
      %dma_start3A_260 = tpu.memref_slice %arg3[%dma_start3A_258, %dma_start3A_259] : memref<1000000x32xf32, #tpu.memory_space<hbm>> -> memref<1000000x32xf32, #tpu.memory_space<hbm>>
      tpu.enqueue_indirect_dma source(%dma_start3A_260 : memref<1000000x32xf32, #tpu.memory_space<hbm>>) target(%dma_start3A_254 : memref<50x32xf32, #tpu.memory_space<vmem>>) offsets(%dma_start3A_257 : memref<50xi32, #tpu.memory_space<vmem>>) semaphore(%arg9 : memref<!tpu.dma_semaphore, #tpu.memory_space<semaphore_mem>>)
      %mul3A_261 = arith.constant 16 : i32
      %mul3A_262 = arith.muli %add3A_211, %mul3A_261 : i32
      %add3A_263 = arith.constant 3 : i32
      %add3A_264 = arith.addi %mul3A_262, %add3A_263 : i32
      %dma_start3A_265 = arith.constant 3 : i32
      %dma_start3A_266 = arith.constant 0 : i32
      %dma_start3A_267 = arith.constant 0 : i32
      %dma_start3A_268 = tpu.memref_slice %arg7[%dma_start3A_265, %dma_start3A_266, %dma_start3A_267] : memref<16x50x32xf32, #tpu.memory_space<vmem>> -> memref<1x50x32xf32, #tpu.memory_space<vmem>>
      %dma_start3A_269 = tpu.memref_squeeze %dma_start3A_268 : memref<1x50x32xf32, #tpu.memory_space<vmem>> -> memref<50x32xf32, #tpu.memory_space<vmem>>
      %dma_start3A_270 = arith.constant 0 : i32
      %dma_start3A_271 = tpu.memref_slice %arg5[%add3A_264, %dma_start3A_270] : memref<512x50xi32, #tpu.memory_space<vmem>> -> memref<1x50xi32, #tpu.memory_space<vmem>>
      %dma_start3A_272 = tpu.memref_squeeze %dma_start3A_271 : memref<1x50xi32, #tpu.memory_space<vmem>> -> memref<50xi32, #tpu.memory_space<vmem>>
      %dma_start3A_273 = arith.constant 0 : i32
      %dma_start3A_274 = arith.constant 0 : i32
      %dma_start3A_275 = tpu.memref_slice %arg3[%dma_start3A_273, %dma_start3A_274] : memref<1000000x32xf32, #tpu.memory_space<hbm>> -> memref<1000000x32xf32, #tpu.memory_space<hbm>>
      tpu.enqueue_indirect_dma source(%dma_start3A_275 : memref<1000000x32xf32, #tpu.memory_space<hbm>>) target(%dma_start3A_269 : memref<50x32xf32, #tpu.memory_space<vmem>>) offsets(%dma_start3A_272 : memref<50xi32, #tpu.memory_space<vmem>>) semaphore(%arg9 : memref<!tpu.dma_semaphore, #tpu.memory_space<semaphore_mem>>)
      %mul3A_276 = arith.constant 16 : i32
      %mul3A_277 = arith.muli %add3A_211, %mul3A_276 : i32
      %add3A_278 = arith.constant 4 : i32
      %add3A_279 = arith.addi %mul3A_277, %add3A_278 : i32
      %dma_start3A_280 = arith.constant 4 : i32
      %dma_start3A_281 = arith.constant 0 : i32
      %dma_start3A_282 = arith.constant 0 : i32
      %dma_start3A_283 = tpu.memref_slice %arg7[%dma_start3A_280, %dma_start3A_281, %dma_start3A_282] : memref<16x50x32xf32, #tpu.memory_space<vmem>> -> memref<1x50x32xf32, #tpu.memory_space<vmem>>
      %dma_start3A_284 = tpu.memref_squeeze %dma_start3A_283 : memref<1x50x32xf32, #tpu.memory_space<vmem>> -> memref<50x32xf32, #tpu.memory_space<vmem>>
      %dma_start3A_285 = arith.constant 0 : i32
      %dma_start3A_286 = tpu.memref_slice %arg5[%add3A_279, %dma_start3A_285] : memref<512x50xi32, #tpu.memory_space<vmem>> -> memref<1x50xi32, #tpu.memory_space<vmem>>
      %dma_start3A_287 = tpu.memref_squeeze %dma_start3A_286 : memref<1x50xi32, #tpu.memory_space<vmem>> -> memref<50xi32, #tpu.memory_space<vmem>>
      %dma_start3A_288 = arith.constant 0 : i32
      %dma_start3A_289 = arith.constant 0 : i32
      %dma_start3A_290 = tpu.memref_slice %arg3[%dma_start3A_288, %dma_start3A_289] : memref<1000000x32xf32, #tpu.memory_space<hbm>> -> memref<1000000x32xf32, #tpu.memory_space<hbm>>
      tpu.enqueue_indirect_dma source(%dma_start3A_290 : memref<1000000x32xf32, #tpu.memory_space<hbm>>) target(%dma_start3A_284 : memref<50x32xf32, #tpu.memory_space<vmem>>) offsets(%dma_start3A_287 : memref<50xi32, #tpu.memory_space<vmem>>) semaphore(%arg9 : memref<!tpu.dma_semaphore, #tpu.memory_space<semaphore_mem>>)
      %mul3A_291 = arith.constant 16 : i32
      %mul3A_292 = arith.muli %add3A_211, %mul3A_291 : i32
      %add3A_293 = arith.constant 5 : i32
      %add3A_294 = arith.addi %mul3A_292, %add3A_293 : i32
      %dma_start3A_295 = arith.constant 5 : i32
      %dma_start3A_296 = arith.constant 0 : i32
      %dma_start3A_297 = arith.constant 0 : i32
      %dma_start3A_298 = tpu.memref_slice %arg7[%dma_start3A_295, %dma_start3A_296, %dma_start3A_297] : memref<16x50x32xf32, #tpu.memory_space<vmem>> -> memref<1x50x32xf32, #tpu.memory_space<vmem>>
      %dma_start3A_299 = tpu.memref_squeeze %dma_start3A_298 : memref<1x50x32xf32, #tpu.memory_space<vmem>> -> memref<50x32xf32, #tpu.memory_space<vmem>>
      %dma_start3A_300 = arith.constant 0 : i32
      %dma_start3A_301 = tpu.memref_slice %arg5[%add3A_294, %dma_start3A_300] : memref<512x50xi32, #tpu.memory_space<vmem>> -> memref<1x50xi32, #tpu.memory_space<vmem>>
      %dma_start3A_302 = tpu.memref_squeeze %dma_start3A_301 : memref<1x50xi32, #tpu.memory_space<vmem>> -> memref<50xi32, #tpu.memory_space<vmem>>
      %dma_start3A_303 = arith.constant 0 : i32
      %dma_start3A_304 = arith.constant 0 : i32
      %dma_start3A_305 = tpu.memref_slice %arg3[%dma_start3A_303, %dma_start3A_304] : memref<1000000x32xf32, #tpu.memory_space<hbm>> -> memref<1000000x32xf32, #tpu.memory_space<hbm>>
      tpu.enqueue_indirect_dma source(%dma_start3A_305 : memref<1000000x32xf32, #tpu.memory_space<hbm>>) target(%dma_start3A_299 : memref<50x32xf32, #tpu.memory_space<vmem>>) offsets(%dma_start3A_302 : memref<50xi32, #tpu.memory_space<vmem>>) semaphore(%arg9 : memref<!tpu.dma_semaphore, #tpu.memory_space<semaphore_mem>>)
      %mul3A_306 = arith.constant 16 : i32
      %mul3A_307 = arith.muli %add3A_211, %mul3A_306 : i32
      %add3A_308 = arith.constant 6 : i32
      %add3A_309 = arith.addi %mul3A_307, %add3A_308 : i32
      %dma_start3A_310 = arith.constant 6 : i32
      %dma_start3A_311 = arith.constant 0 : i32
      %dma_start3A_312 = arith.constant 0 : i32
      %dma_start3A_313 = tpu.memref_slice %arg7[%dma_start3A_310, %dma_start3A_311, %dma_start3A_312] : memref<16x50x32xf32, #tpu.memory_space<vmem>> -> memref<1x50x32xf32, #tpu.memory_space<vmem>>
      %dma_start3A_314 = tpu.memref_squeeze %dma_start3A_313 : memref<1x50x32xf32, #tpu.memory_space<vmem>> -> memref<50x32xf32, #tpu.memory_space<vmem>>
      %dma_start3A_315 = arith.constant 0 : i32
      %dma_start3A_316 = tpu.memref_slice %arg5[%add3A_309, %dma_start3A_315] : memref<512x50xi32, #tpu.memory_space<vmem>> -> memref<1x50xi32, #tpu.memory_space<vmem>>
      %dma_start3A_317 = tpu.memref_squeeze %dma_start3A_316 : memref<1x50xi32, #tpu.memory_space<vmem>> -> memref<50xi32, #tpu.memory_space<vmem>>
      %dma_start3A_318 = arith.constant 0 : i32
      %dma_start3A_319 = arith.constant 0 : i32
      %dma_start3A_320 = tpu.memref_slice %arg3[%dma_start3A_318, %dma_start3A_319] : memref<1000000x32xf32, #tpu.memory_space<hbm>> -> memref<1000000x32xf32, #tpu.memory_space<hbm>>
      tpu.enqueue_indirect_dma source(%dma_start3A_320 : memref<1000000x32xf32, #tpu.memory_space<hbm>>) target(%dma_start3A_314 : memref<50x32xf32, #tpu.memory_space<vmem>>) offsets(%dma_start3A_317 : memref<50xi32, #tpu.memory_space<vmem>>) semaphore(%arg9 : memref<!tpu.dma_semaphore, #tpu.memory_space<semaphore_mem>>)
      %mul3A_321 = arith.constant 16 : i32
      %mul3A_322 = arith.muli %add3A_211, %mul3A_321 : i32
      %add3A_323 = arith.constant 7 : i32
      %add3A_324 = arith.addi %mul3A_322, %add3A_323 : i32
      %dma_start3A_325 = arith.constant 7 : i32
      %dma_start3A_326 = arith.constant 0 : i32
      %dma_start3A_327 = arith.constant 0 : i32
      %dma_start3A_328 = tpu.memref_slice %arg7[%dma_start3A_325, %dma_start3A_326, %dma_start3A_327] : memref<16x50x32xf32, #tpu.memory_space<vmem>> -> memref<1x50x32xf32, #tpu.memory_space<vmem>>
      %dma_start3A_329 = tpu.memref_squeeze %dma_start3A_328 : memref<1x50x32xf32, #tpu.memory_space<vmem>> -> memref<50x32xf32, #tpu.memory_space<vmem>>
      %dma_start3A_330 = arith.constant 0 : i32
      %dma_start3A_331 = tpu.memref_slice %arg5[%add3A_324, %dma_start3A_330] : memref<512x50xi32, #tpu.memory_space<vmem>> -> memref<1x50xi32, #tpu.memory_space<vmem>>
      %dma_start3A_332 = tpu.memref_squeeze %dma_start3A_331 : memref<1x50xi32, #tpu.memory_space<vmem>> -> memref<50xi32, #tpu.memory_space<vmem>>
      %dma_start3A_333 = arith.constant 0 : i32
      %dma_start3A_334 = arith.constant 0 : i32
      %dma_start3A_335 = tpu.memref_slice %arg3[%dma_start3A_333, %dma_start3A_334] : memref<1000000x32xf32, #tpu.memory_space<hbm>> -> memref<1000000x32xf32, #tpu.memory_space<hbm>>
      tpu.enqueue_indirect_dma source(%dma_start3A_335 : memref<1000000x32xf32, #tpu.memory_space<hbm>>) target(%dma_start3A_329 : memref<50x32xf32, #tpu.memory_space<vmem>>) offsets(%dma_start3A_332 : memref<50xi32, #tpu.memory_space<vmem>>) semaphore(%arg9 : memref<!tpu.dma_semaphore, #tpu.memory_space<semaphore_mem>>)
      %mul3A_336 = arith.constant 16 : i32
      %mul3A_337 = arith.muli %add3A_211, %mul3A_336 : i32
      %add3A_338 = arith.constant 8 : i32
      %add3A_339 = arith.addi %mul3A_337, %add3A_338 : i32
      %dma_start3A_340 = arith.constant 8 : i32
      %dma_start3A_341 = arith.constant 0 : i32
      %dma_start3A_342 = arith.constant 0 : i32
      %dma_start3A_343 = tpu.memref_slice %arg7[%dma_start3A_340, %dma_start3A_341, %dma_start3A_342] : memref<16x50x32xf32, #tpu.memory_space<vmem>> -> memref<1x50x32xf32, #tpu.memory_space<vmem>>
      %dma_start3A_344 = tpu.memref_squeeze %dma_start3A_343 : memref<1x50x32xf32, #tpu.memory_space<vmem>> -> memref<50x32xf32, #tpu.memory_space<vmem>>
      %dma_start3A_345 = arith.constant 0 : i32
      %dma_start3A_346 = tpu.memref_slice %arg5[%add3A_339, %dma_start3A_345] : memref<512x50xi32, #tpu.memory_space<vmem>> -> memref<1x50xi32, #tpu.memory_space<vmem>>
      %dma_start3A_347 = tpu.memref_squeeze %dma_start3A_346 : memref<1x50xi32, #tpu.memory_space<vmem>> -> memref<50xi32, #tpu.memory_space<vmem>>
      %dma_start3A_348 = arith.constant 0 : i32
      %dma_start3A_349 = arith.constant 0 : i32
      %dma_start3A_350 = tpu.memref_slice %arg3[%dma_start3A_348, %dma_start3A_349] : memref<1000000x32xf32, #tpu.memory_space<hbm>> -> memref<1000000x32xf32, #tpu.memory_space<hbm>>
      tpu.enqueue_indirect_dma source(%dma_start3A_350 : memref<1000000x32xf32, #tpu.memory_space<hbm>>) target(%dma_start3A_344 : memref<50x32xf32, #tpu.memory_space<vmem>>) offsets(%dma_start3A_347 : memref<50xi32, #tpu.memory_space<vmem>>) semaphore(%arg9 : memref<!tpu.dma_semaphore, #tpu.memory_space<semaphore_mem>>)
      %mul3A_351 = arith.constant 16 : i32
      %mul3A_352 = arith.muli %add3A_211, %mul3A_351 : i32
      %add3A_353 = arith.constant 9 : i32
      %add3A_354 = arith.addi %mul3A_352, %add3A_353 : i32
      %dma_start3A_355 = arith.constant 9 : i32
      %dma_start3A_356 = arith.constant 0 : i32
      %dma_start3A_357 = arith.constant 0 : i32
      %dma_start3A_358 = tpu.memref_slice %arg7[%dma_start3A_355, %dma_start3A_356, %dma_start3A_357] : memref<16x50x32xf32, #tpu.memory_space<vmem>> -> memref<1x50x32xf32, #tpu.memory_space<vmem>>
      %dma_start3A_359 = tpu.memref_squeeze %dma_start3A_358 : memref<1x50x32xf32, #tpu.memory_space<vmem>> -> memref<50x32xf32, #tpu.memory_space<vmem>>
      %dma_start3A_360 = arith.constant 0 : i32
      %dma_start3A_361 = tpu.memref_slice %arg5[%add3A_354, %dma_start3A_360] : memref<512x50xi32, #tpu.memory_space<vmem>> -> memref<1x50xi32, #tpu.memory_space<vmem>>
      %dma_start3A_362 = tpu.memref_squeeze %dma_start3A_361 : memref<1x50xi32, #tpu.memory_space<vmem>> -> memref<50xi32, #tpu.memory_space<vmem>>
      %dma_start3A_363 = arith.constant 0 : i32
      %dma_start3A_364 = arith.constant 0 : i32
      %dma_start3A_365 = tpu.memref_slice %arg3[%dma_start3A_363, %dma_start3A_364] : memref<1000000x32xf32, #tpu.memory_space<hbm>> -> memref<1000000x32xf32, #tpu.memory_space<hbm>>
      tpu.enqueue_indirect_dma source(%dma_start3A_365 : memref<1000000x32xf32, #tpu.memory_space<hbm>>) target(%dma_start3A_359 : memref<50x32xf32, #tpu.memory_space<vmem>>) offsets(%dma_start3A_362 : memref<50xi32, #tpu.memory_space<vmem>>) semaphore(%arg9 : memref<!tpu.dma_semaphore, #tpu.memory_space<semaphore_mem>>)
      %mul3A_366 = arith.constant 16 : i32
      %mul3A_367 = arith.muli %add3A_211, %mul3A_366 : i32
      %add3A_368 = arith.constant 10 : i32
      %add3A_369 = arith.addi %mul3A_367, %add3A_368 : i32
      %dma_start3A_370 = arith.constant 10 : i32
      %dma_start3A_371 = arith.constant 0 : i32
      %dma_start3A_372 = arith.constant 0 : i32
      %dma_start3A_373 = tpu.memref_slice %arg7[%dma_start3A_370, %dma_start3A_371, %dma_start3A_372] : memref<16x50x32xf32, #tpu.memory_space<vmem>> -> memref<1x50x32xf32, #tpu.memory_space<vmem>>
      %dma_start3A_374 = tpu.memref_squeeze %dma_start3A_373 : memref<1x50x32xf32, #tpu.memory_space<vmem>> -> memref<50x32xf32, #tpu.memory_space<vmem>>
      %dma_start3A_375 = arith.constant 0 : i32
      %dma_start3A_376 = tpu.memref_slice %arg5[%add3A_369, %dma_start3A_375] : memref<512x50xi32, #tpu.memory_space<vmem>> -> memref<1x50xi32, #tpu.memory_space<vmem>>
      %dma_start3A_377 = tpu.memref_squeeze %dma_start3A_376 : memref<1x50xi32, #tpu.memory_space<vmem>> -> memref<50xi32, #tpu.memory_space<vmem>>
      %dma_start3A_378 = arith.constant 0 : i32
      %dma_start3A_379 = arith.constant 0 : i32
      %dma_start3A_380 = tpu.memref_slice %arg3[%dma_start3A_378, %dma_start3A_379] : memref<1000000x32xf32, #tpu.memory_space<hbm>> -> memref<1000000x32xf32, #tpu.memory_space<hbm>>
      tpu.enqueue_indirect_dma source(%dma_start3A_380 : memref<1000000x32xf32, #tpu.memory_space<hbm>>) target(%dma_start3A_374 : memref<50x32xf32, #tpu.memory_space<vmem>>) offsets(%dma_start3A_377 : memref<50xi32, #tpu.memory_space<vmem>>) semaphore(%arg9 : memref<!tpu.dma_semaphore, #tpu.memory_space<semaphore_mem>>)
      %mul3A_381 = arith.constant 16 : i32
      %mul3A_382 = arith.muli %add3A_211, %mul3A_381 : i32
      %add3A_383 = arith.constant 11 : i32
      %add3A_384 = arith.addi %mul3A_382, %add3A_383 : i32
      %dma_start3A_385 = arith.constant 11 : i32
      %dma_start3A_386 = arith.constant 0 : i32
      %dma_start3A_387 = arith.constant 0 : i32
      %dma_start3A_388 = tpu.memref_slice %arg7[%dma_start3A_385, %dma_start3A_386, %dma_start3A_387] : memref<16x50x32xf32, #tpu.memory_space<vmem>> -> memref<1x50x32xf32, #tpu.memory_space<vmem>>
      %dma_start3A_389 = tpu.memref_squeeze %dma_start3A_388 : memref<1x50x32xf32, #tpu.memory_space<vmem>> -> memref<50x32xf32, #tpu.memory_space<vmem>>
      %dma_start3A_390 = arith.constant 0 : i32
      %dma_start3A_391 = tpu.memref_slice %arg5[%add3A_384, %dma_start3A_390] : memref<512x50xi32, #tpu.memory_space<vmem>> -> memref<1x50xi32, #tpu.memory_space<vmem>>
      %dma_start3A_392 = tpu.memref_squeeze %dma_start3A_391 : memref<1x50xi32, #tpu.memory_space<vmem>> -> memref<50xi32, #tpu.memory_space<vmem>>
      %dma_start3A_393 = arith.constant 0 : i32
      %dma_start3A_394 = arith.constant 0 : i32
      %dma_start3A_395 = tpu.memref_slice %arg3[%dma_start3A_393, %dma_start3A_394] : memref<1000000x32xf32, #tpu.memory_space<hbm>> -> memref<1000000x32xf32, #tpu.memory_space<hbm>>
      tpu.enqueue_indirect_dma source(%dma_start3A_395 : memref<1000000x32xf32, #tpu.memory_space<hbm>>) target(%dma_start3A_389 : memref<50x32xf32, #tpu.memory_space<vmem>>) offsets(%dma_start3A_392 : memref<50xi32, #tpu.memory_space<vmem>>) semaphore(%arg9 : memref<!tpu.dma_semaphore, #tpu.memory_space<semaphore_mem>>)
      %mul3A_396 = arith.constant 16 : i32
      %mul3A_397 = arith.muli %add3A_211, %mul3A_396 : i32
      %add3A_398 = arith.constant 12 : i32
      %add3A_399 = arith.addi %mul3A_397, %add3A_398 : i32
      %dma_start3A_400 = arith.constant 12 : i32
      %dma_start3A_401 = arith.constant 0 : i32
      %dma_start3A_402 = arith.constant 0 : i32
      %dma_start3A_403 = tpu.memref_slice %arg7[%dma_start3A_400, %dma_start3A_401, %dma_start3A_402] : memref<16x50x32xf32, #tpu.memory_space<vmem>> -> memref<1x50x32xf32, #tpu.memory_space<vmem>>
      %dma_start3A_404 = tpu.memref_squeeze %dma_start3A_403 : memref<1x50x32xf32, #tpu.memory_space<vmem>> -> memref<50x32xf32, #tpu.memory_space<vmem>>
      %dma_start3A_405 = arith.constant 0 : i32
      %dma_start3A_406 = tpu.memref_slice %arg5[%add3A_399, %dma_start3A_405] : memref<512x50xi32, #tpu.memory_space<vmem>> -> memref<1x50xi32, #tpu.memory_space<vmem>>
      %dma_start3A_407 = tpu.memref_squeeze %dma_start3A_406 : memref<1x50xi32, #tpu.memory_space<vmem>> -> memref<50xi32, #tpu.memory_space<vmem>>
      %dma_start3A_408 = arith.constant 0 : i32
      %dma_start3A_409 = arith.constant 0 : i32
      %dma_start3A_410 = tpu.memref_slice %arg3[%dma_start3A_408, %dma_start3A_409] : memref<1000000x32xf32, #tpu.memory_space<hbm>> -> memref<1000000x32xf32, #tpu.memory_space<hbm>>
      tpu.enqueue_indirect_dma source(%dma_start3A_410 : memref<1000000x32xf32, #tpu.memory_space<hbm>>) target(%dma_start3A_404 : memref<50x32xf32, #tpu.memory_space<vmem>>) offsets(%dma_start3A_407 : memref<50xi32, #tpu.memory_space<vmem>>) semaphore(%arg9 : memref<!tpu.dma_semaphore, #tpu.memory_space<semaphore_mem>>)
      %mul3A_411 = arith.constant 16 : i32
      %mul3A_412 = arith.muli %add3A_211, %mul3A_411 : i32
      %add3A_413 = arith.constant 13 : i32
      %add3A_414 = arith.addi %mul3A_412, %add3A_413 : i32
      %dma_start3A_415 = arith.constant 13 : i32
      %dma_start3A_416 = arith.constant 0 : i32
      %dma_start3A_417 = arith.constant 0 : i32
      %dma_start3A_418 = tpu.memref_slice %arg7[%dma_start3A_415, %dma_start3A_416, %dma_start3A_417] : memref<16x50x32xf32, #tpu.memory_space<vmem>> -> memref<1x50x32xf32, #tpu.memory_space<vmem>>
      %dma_start3A_419 = tpu.memref_squeeze %dma_start3A_418 : memref<1x50x32xf32, #tpu.memory_space<vmem>> -> memref<50x32xf32, #tpu.memory_space<vmem>>
      %dma_start3A_420 = arith.constant 0 : i32
      %dma_start3A_421 = tpu.memref_slice %arg5[%add3A_414, %dma_start3A_420] : memref<512x50xi32, #tpu.memory_space<vmem>> -> memref<1x50xi32, #tpu.memory_space<vmem>>
      %dma_start3A_422 = tpu.memref_squeeze %dma_start3A_421 : memref<1x50xi32, #tpu.memory_space<vmem>> -> memref<50xi32, #tpu.memory_space<vmem>>
      %dma_start3A_423 = arith.constant 0 : i32
      %dma_start3A_424 = arith.constant 0 : i32
      %dma_start3A_425 = tpu.memref_slice %arg3[%dma_start3A_423, %dma_start3A_424] : memref<1000000x32xf32, #tpu.memory_space<hbm>> -> memref<1000000x32xf32, #tpu.memory_space<hbm>>
      tpu.enqueue_indirect_dma source(%dma_start3A_425 : memref<1000000x32xf32, #tpu.memory_space<hbm>>) target(%dma_start3A_419 : memref<50x32xf32, #tpu.memory_space<vmem>>) offsets(%dma_start3A_422 : memref<50xi32, #tpu.memory_space<vmem>>) semaphore(%arg9 : memref<!tpu.dma_semaphore, #tpu.memory_space<semaphore_mem>>)
      %mul3A_426 = arith.constant 16 : i32
      %mul3A_427 = arith.muli %add3A_211, %mul3A_426 : i32
      %add3A_428 = arith.constant 14 : i32
      %add3A_429 = arith.addi %mul3A_427, %add3A_428 : i32
      %dma_start3A_430 = arith.constant 14 : i32
      %dma_start3A_431 = arith.constant 0 : i32
      %dma_start3A_432 = arith.constant 0 : i32
      %dma_start3A_433 = tpu.memref_slice %arg7[%dma_start3A_430, %dma_start3A_431, %dma_start3A_432] : memref<16x50x32xf32, #tpu.memory_space<vmem>> -> memref<1x50x32xf32, #tpu.memory_space<vmem>>
      %dma_start3A_434 = tpu.memref_squeeze %dma_start3A_433 : memref<1x50x32xf32, #tpu.memory_space<vmem>> -> memref<50x32xf32, #tpu.memory_space<vmem>>
      %dma_start3A_435 = arith.constant 0 : i32
      %dma_start3A_436 = tpu.memref_slice %arg5[%add3A_429, %dma_start3A_435] : memref<512x50xi32, #tpu.memory_space<vmem>> -> memref<1x50xi32, #tpu.memory_space<vmem>>
      %dma_start3A_437 = tpu.memref_squeeze %dma_start3A_436 : memref<1x50xi32, #tpu.memory_space<vmem>> -> memref<50xi32, #tpu.memory_space<vmem>>
      %dma_start3A_438 = arith.constant 0 : i32
      %dma_start3A_439 = arith.constant 0 : i32
      %dma_start3A_440 = tpu.memref_slice %arg3[%dma_start3A_438, %dma_start3A_439] : memref<1000000x32xf32, #tpu.memory_space<hbm>> -> memref<1000000x32xf32, #tpu.memory_space<hbm>>
      tpu.enqueue_indirect_dma source(%dma_start3A_440 : memref<1000000x32xf32, #tpu.memory_space<hbm>>) target(%dma_start3A_434 : memref<50x32xf32, #tpu.memory_space<vmem>>) offsets(%dma_start3A_437 : memref<50xi32, #tpu.memory_space<vmem>>) semaphore(%arg9 : memref<!tpu.dma_semaphore, #tpu.memory_space<semaphore_mem>>)
      %mul3A_441 = arith.constant 16 : i32
      %mul3A_442 = arith.muli %add3A_211, %mul3A_441 : i32
      %add3A_443 = arith.constant 15 : i32
      %add3A_444 = arith.addi %mul3A_442, %add3A_443 : i32
      %dma_start3A_445 = arith.constant 15 : i32
      %dma_start3A_446 = arith.constant 0 : i32
      %dma_start3A_447 = arith.constant 0 : i32
      %dma_start3A_448 = tpu.memref_slice %arg7[%dma_start3A_445, %dma_start3A_446, %dma_start3A_447] : memref<16x50x32xf32, #tpu.memory_space<vmem>> -> memref<1x50x32xf32, #tpu.memory_space<vmem>>
      %dma_start3A_449 = tpu.memref_squeeze %dma_start3A_448 : memref<1x50x32xf32, #tpu.memory_space<vmem>> -> memref<50x32xf32, #tpu.memory_space<vmem>>
      %dma_start3A_450 = arith.constant 0 : i32
      %dma_start3A_451 = tpu.memref_slice %arg5[%add3A_444, %dma_start3A_450] : memref<512x50xi32, #tpu.memory_space<vmem>> -> memref<1x50xi32, #tpu.memory_space<vmem>>
      %dma_start3A_452 = tpu.memref_squeeze %dma_start3A_451 : memref<1x50xi32, #tpu.memory_space<vmem>> -> memref<50xi32, #tpu.memory_space<vmem>>
      %dma_start3A_453 = arith.constant 0 : i32
      %dma_start3A_454 = arith.constant 0 : i32
      %dma_start3A_455 = tpu.memref_slice %arg3[%dma_start3A_453, %dma_start3A_454] : memref<1000000x32xf32, #tpu.memory_space<hbm>> -> memref<1000000x32xf32, #tpu.memory_space<hbm>>
      tpu.enqueue_indirect_dma source(%dma_start3A_455 : memref<1000000x32xf32, #tpu.memory_space<hbm>>) target(%dma_start3A_449 : memref<50x32xf32, #tpu.memory_space<vmem>>) offsets(%dma_start3A_452 : memref<50xi32, #tpu.memory_space<vmem>>) semaphore(%arg9 : memref<!tpu.dma_semaphore, #tpu.memory_space<semaphore_mem>>)
      %dma_wait3A_456 = arith.constant 0 : i32
      %dma_wait3A_457 = arith.constant 0 : i32
      %dma_wait3A_458 = arith.constant 0 : i32
      %dma_wait3A_459 = tpu.memref_slice %arg6[%dma_wait3A_456, %dma_wait3A_457, %dma_wait3A_458] : memref<16x50x32xf32, #tpu.memory_space<vmem>> -> memref<1x50x32xf32, #tpu.memory_space<vmem>>
      %dma_wait3A_460 = tpu.memref_squeeze %dma_wait3A_459 : memref<1x50x32xf32, #tpu.memory_space<vmem>> -> memref<50x32xf32, #tpu.memory_space<vmem>>
      %dma_wait3A_461 = arith.constant 0 : i32
      %dma_wait3A_462 = arith.constant 0 : i32
      %dma_wait3A_463 = tpu.memref_slice %arg3[%dma_wait3A_461, %dma_wait3A_462] : memref<1000000x32xf32, #tpu.memory_space<hbm>> -> memref<50x32xf32, #tpu.memory_space<hbm>>
      %dma_wait3A_464 = arith.constant 0 : i32
      %dma_wait3A_465 = arith.constant 0 : i32
      %dma_wait3A_466 = tpu.memref_slice %arg6[%dma_wait3A_456, %dma_wait3A_464, %dma_wait3A_465] : memref<16x50x32xf32, #tpu.memory_space<vmem>> -> memref<1x50x32xf32, #tpu.memory_space<vmem>>
      %dma_wait3A_467 = tpu.memref_squeeze %dma_wait3A_466 : memref<1x50x32xf32, #tpu.memory_space<vmem>> -> memref<50x32xf32, #tpu.memory_space<vmem>>
      %dma_wait3A_468 = arith.constant 0 : i32
      %dma_wait3A_469 = arith.constant 0 : i32
      %dma_wait3A_470 = tpu.memref_slice %arg3[%dma_wait3A_468, %dma_wait3A_469] : memref<1000000x32xf32, #tpu.memory_space<hbm>> -> memref<50x32xf32, #tpu.memory_space<hbm>>
      tpu.wait_dma2 semaphore(%arg8 : memref<!tpu.dma_semaphore, #tpu.memory_space<semaphore_mem>>) src(%dma_wait3A_470 : memref<50x32xf32, #tpu.memory_space<hbm>>) dst(%dma_wait3A_467 : memref<50x32xf32, #tpu.memory_space<vmem>>)
      %dma_wait3A_471 = arith.constant 1 : i32
      %dma_wait3A_472 = arith.constant 0 : i32
      %dma_wait3A_473 = arith.constant 0 : i32
      %dma_wait3A_474 = tpu.memref_slice %arg6[%dma_wait3A_471, %dma_wait3A_472, %dma_wait3A_473] : memref<16x50x32xf32, #tpu.memory_space<vmem>> -> memref<1x50x32xf32, #tpu.memory_space<vmem>>
      %dma_wait3A_475 = tpu.memref_squeeze %dma_wait3A_474 : memref<1x50x32xf32, #tpu.memory_space<vmem>> -> memref<50x32xf32, #tpu.memory_space<vmem>>
      %dma_wait3A_476 = arith.constant 0 : i32
      %dma_wait3A_477 = arith.constant 0 : i32
      %dma_wait3A_478 = tpu.memref_slice %arg3[%dma_wait3A_476, %dma_wait3A_477] : memref<1000000x32xf32, #tpu.memory_space<hbm>> -> memref<50x32xf32, #tpu.memory_space<hbm>>
      %dma_wait3A_479 = arith.constant 0 : i32
      %dma_wait3A_480 = arith.constant 0 : i32
      %dma_wait3A_481 = tpu.memref_slice %arg6[%dma_wait3A_471, %dma_wait3A_479, %dma_wait3A_480] : memref<16x50x32xf32, #tpu.memory_space<vmem>> -> memref<1x50x32xf32, #tpu.memory_space<vmem>>
      %dma_wait3A_482 = tpu.memref_squeeze %dma_wait3A_481 : memref<1x50x32xf32, #tpu.memory_space<vmem>> -> memref<50x32xf32, #tpu.memory_space<vmem>>
      %dma_wait3A_483 = arith.constant 0 : i32
      %dma_wait3A_484 = arith.constant 0 : i32
      %dma_wait3A_485 = tpu.memref_slice %arg3[%dma_wait3A_483, %dma_wait3A_484] : memref<1000000x32xf32, #tpu.memory_space<hbm>> -> memref<50x32xf32, #tpu.memory_space<hbm>>
      tpu.wait_dma2 semaphore(%arg8 : memref<!tpu.dma_semaphore, #tpu.memory_space<semaphore_mem>>) src(%dma_wait3A_485 : memref<50x32xf32, #tpu.memory_space<hbm>>) dst(%dma_wait3A_482 : memref<50x32xf32, #tpu.memory_space<vmem>>)
      %dma_wait3A_486 = arith.constant 2 : i32
      %dma_wait3A_487 = arith.constant 0 : i32
      %dma_wait3A_488 = arith.constant 0 : i32
      %dma_wait3A_489 = tpu.memref_slice %arg6[%dma_wait3A_486, %dma_wait3A_487, %dma_wait3A_488] : memref<16x50x32xf32, #tpu.memory_space<vmem>> -> memref<1x50x32xf32, #tpu.memory_space<vmem>>
      %dma_wait3A_490 = tpu.memref_squeeze %dma_wait3A_489 : memref<1x50x32xf32, #tpu.memory_space<vmem>> -> memref<50x32xf32, #tpu.memory_space<vmem>>
      %dma_wait3A_491 = arith.constant 0 : i32
      %dma_wait3A_492 = arith.constant 0 : i32
      %dma_wait3A_493 = tpu.memref_slice %arg3[%dma_wait3A_491, %dma_wait3A_492] : memref<1000000x32xf32, #tpu.memory_space<hbm>> -> memref<50x32xf32, #tpu.memory_space<hbm>>
      %dma_wait3A_494 = arith.constant 0 : i32
      %dma_wait3A_495 = arith.constant 0 : i32
      %dma_wait3A_496 = tpu.memref_slice %arg6[%dma_wait3A_486, %dma_wait3A_494, %dma_wait3A_495] : memref<16x50x32xf32, #tpu.memory_space<vmem>> -> memref<1x50x32xf32, #tpu.memory_space<vmem>>
      %dma_wait3A_497 = tpu.memref_squeeze %dma_wait3A_496 : memref<1x50x32xf32, #tpu.memory_space<vmem>> -> memref<50x32xf32, #tpu.memory_space<vmem>>
      %dma_wait3A_498 = arith.constant 0 : i32
      %dma_wait3A_499 = arith.constant 0 : i32
      %dma_wait3A_500 = tpu.memref_slice %arg3[%dma_wait3A_498, %dma_wait3A_499] : memref<1000000x32xf32, #tpu.memory_space<hbm>> -> memref<50x32xf32, #tpu.memory_space<hbm>>
      tpu.wait_dma2 semaphore(%arg8 : memref<!tpu.dma_semaphore, #tpu.memory_space<semaphore_mem>>) src(%dma_wait3A_500 : memref<50x32xf32, #tpu.memory_space<hbm>>) dst(%dma_wait3A_497 : memref<50x32xf32, #tpu.memory_space<vmem>>)
      %dma_wait3A_501 = arith.constant 3 : i32
      %dma_wait3A_502 = arith.constant 0 : i32
      %dma_wait3A_503 = arith.constant 0 : i32
      %dma_wait3A_504 = tpu.memref_slice %arg6[%dma_wait3A_501, %dma_wait3A_502, %dma_wait3A_503] : memref<16x50x32xf32, #tpu.memory_space<vmem>> -> memref<1x50x32xf32, #tpu.memory_space<vmem>>
      %dma_wait3A_505 = tpu.memref_squeeze %dma_wait3A_504 : memref<1x50x32xf32, #tpu.memory_space<vmem>> -> memref<50x32xf32, #tpu.memory_space<vmem>>
      %dma_wait3A_506 = arith.constant 0 : i32
      %dma_wait3A_507 = arith.constant 0 : i32
      %dma_wait3A_508 = tpu.memref_slice %arg3[%dma_wait3A_506, %dma_wait3A_507] : memref<1000000x32xf32, #tpu.memory_space<hbm>> -> memref<50x32xf32, #tpu.memory_space<hbm>>
      %dma_wait3A_509 = arith.constant 0 : i32
      %dma_wait3A_510 = arith.constant 0 : i32
      %dma_wait3A_511 = tpu.memref_slice %arg6[%dma_wait3A_501, %dma_wait3A_509, %dma_wait3A_510] : memref<16x50x32xf32, #tpu.memory_space<vmem>> -> memref<1x50x32xf32, #tpu.memory_space<vmem>>
      %dma_wait3A_512 = tpu.memref_squeeze %dma_wait3A_511 : memref<1x50x32xf32, #tpu.memory_space<vmem>> -> memref<50x32xf32, #tpu.memory_space<vmem>>
      %dma_wait3A_513 = arith.constant 0 : i32
      %dma_wait3A_514 = arith.constant 0 : i32
      %dma_wait3A_515 = tpu.memref_slice %arg3[%dma_wait3A_513, %dma_wait3A_514] : memref<1000000x32xf32, #tpu.memory_space<hbm>> -> memref<50x32xf32, #tpu.memory_space<hbm>>
      tpu.wait_dma2 semaphore(%arg8 : memref<!tpu.dma_semaphore, #tpu.memory_space<semaphore_mem>>) src(%dma_wait3A_515 : memref<50x32xf32, #tpu.memory_space<hbm>>) dst(%dma_wait3A_512 : memref<50x32xf32, #tpu.memory_space<vmem>>)
      %dma_wait3A_516 = arith.constant 4 : i32
      %dma_wait3A_517 = arith.constant 0 : i32
      %dma_wait3A_518 = arith.constant 0 : i32
      %dma_wait3A_519 = tpu.memref_slice %arg6[%dma_wait3A_516, %dma_wait3A_517, %dma_wait3A_518] : memref<16x50x32xf32, #tpu.memory_space<vmem>> -> memref<1x50x32xf32, #tpu.memory_space<vmem>>
      %dma_wait3A_520 = tpu.memref_squeeze %dma_wait3A_519 : memref<1x50x32xf32, #tpu.memory_space<vmem>> -> memref<50x32xf32, #tpu.memory_space<vmem>>
      %dma_wait3A_521 = arith.constant 0 : i32
      %dma_wait3A_522 = arith.constant 0 : i32
      %dma_wait3A_523 = tpu.memref_slice %arg3[%dma_wait3A_521, %dma_wait3A_522] : memref<1000000x32xf32, #tpu.memory_space<hbm>> -> memref<50x32xf32, #tpu.memory_space<hbm>>
      %dma_wait3A_524 = arith.constant 0 : i32
      %dma_wait3A_525 = arith.constant 0 : i32
      %dma_wait3A_526 = tpu.memref_slice %arg6[%dma_wait3A_516, %dma_wait3A_524, %dma_wait3A_525] : memref<16x50x32xf32, #tpu.memory_space<vmem>> -> memref<1x50x32xf32, #tpu.memory_space<vmem>>
      %dma_wait3A_527 = tpu.memref_squeeze %dma_wait3A_526 : memref<1x50x32xf32, #tpu.memory_space<vmem>> -> memref<50x32xf32, #tpu.memory_space<vmem>>
      %dma_wait3A_528 = arith.constant 0 : i32
      %dma_wait3A_529 = arith.constant 0 : i32
      %dma_wait3A_530 = tpu.memref_slice %arg3[%dma_wait3A_528, %dma_wait3A_529] : memref<1000000x32xf32, #tpu.memory_space<hbm>> -> memref<50x32xf32, #tpu.memory_space<hbm>>
      tpu.wait_dma2 semaphore(%arg8 : memref<!tpu.dma_semaphore, #tpu.memory_space<semaphore_mem>>) src(%dma_wait3A_530 : memref<50x32xf32, #tpu.memory_space<hbm>>) dst(%dma_wait3A_527 : memref<50x32xf32, #tpu.memory_space<vmem>>)
      %dma_wait3A_531 = arith.constant 5 : i32
      %dma_wait3A_532 = arith.constant 0 : i32
      %dma_wait3A_533 = arith.constant 0 : i32
      %dma_wait3A_534 = tpu.memref_slice %arg6[%dma_wait3A_531, %dma_wait3A_532, %dma_wait3A_533] : memref<16x50x32xf32, #tpu.memory_space<vmem>> -> memref<1x50x32xf32, #tpu.memory_space<vmem>>
      %dma_wait3A_535 = tpu.memref_squeeze %dma_wait3A_534 : memref<1x50x32xf32, #tpu.memory_space<vmem>> -> memref<50x32xf32, #tpu.memory_space<vmem>>
      %dma_wait3A_536 = arith.constant 0 : i32
      %dma_wait3A_537 = arith.constant 0 : i32
      %dma_wait3A_538 = tpu.memref_slice %arg3[%dma_wait3A_536, %dma_wait3A_537] : memref<1000000x32xf32, #tpu.memory_space<hbm>> -> memref<50x32xf32, #tpu.memory_space<hbm>>
      %dma_wait3A_539 = arith.constant 0 : i32
      %dma_wait3A_540 = arith.constant 0 : i32
      %dma_wait3A_541 = tpu.memref_slice %arg6[%dma_wait3A_531, %dma_wait3A_539, %dma_wait3A_540] : memref<16x50x32xf32, #tpu.memory_space<vmem>> -> memref<1x50x32xf32, #tpu.memory_space<vmem>>
      %dma_wait3A_542 = tpu.memref_squeeze %dma_wait3A_541 : memref<1x50x32xf32, #tpu.memory_space<vmem>> -> memref<50x32xf32, #tpu.memory_space<vmem>>
      %dma_wait3A_543 = arith.constant 0 : i32
      %dma_wait3A_544 = arith.constant 0 : i32
      %dma_wait3A_545 = tpu.memref_slice %arg3[%dma_wait3A_543, %dma_wait3A_544] : memref<1000000x32xf32, #tpu.memory_space<hbm>> -> memref<50x32xf32, #tpu.memory_space<hbm>>
      tpu.wait_dma2 semaphore(%arg8 : memref<!tpu.dma_semaphore, #tpu.memory_space<semaphore_mem>>) src(%dma_wait3A_545 : memref<50x32xf32, #tpu.memory_space<hbm>>) dst(%dma_wait3A_542 : memref<50x32xf32, #tpu.memory_space<vmem>>)
      %dma_wait3A_546 = arith.constant 6 : i32
      %dma_wait3A_547 = arith.constant 0 : i32
      %dma_wait3A_548 = arith.constant 0 : i32
      %dma_wait3A_549 = tpu.memref_slice %arg6[%dma_wait3A_546, %dma_wait3A_547, %dma_wait3A_548] : memref<16x50x32xf32, #tpu.memory_space<vmem>> -> memref<1x50x32xf32, #tpu.memory_space<vmem>>
      %dma_wait3A_550 = tpu.memref_squeeze %dma_wait3A_549 : memref<1x50x32xf32, #tpu.memory_space<vmem>> -> memref<50x32xf32, #tpu.memory_space<vmem>>
      %dma_wait3A_551 = arith.constant 0 : i32
      %dma_wait3A_552 = arith.constant 0 : i32
      %dma_wait3A_553 = tpu.memref_slice %arg3[%dma_wait3A_551, %dma_wait3A_552] : memref<1000000x32xf32, #tpu.memory_space<hbm>> -> memref<50x32xf32, #tpu.memory_space<hbm>>
      %dma_wait3A_554 = arith.constant 0 : i32
      %dma_wait3A_555 = arith.constant 0 : i32
      %dma_wait3A_556 = tpu.memref_slice %arg6[%dma_wait3A_546, %dma_wait3A_554, %dma_wait3A_555] : memref<16x50x32xf32, #tpu.memory_space<vmem>> -> memref<1x50x32xf32, #tpu.memory_space<vmem>>
      %dma_wait3A_557 = tpu.memref_squeeze %dma_wait3A_556 : memref<1x50x32xf32, #tpu.memory_space<vmem>> -> memref<50x32xf32, #tpu.memory_space<vmem>>
      %dma_wait3A_558 = arith.constant 0 : i32
      %dma_wait3A_559 = arith.constant 0 : i32
      %dma_wait3A_560 = tpu.memref_slice %arg3[%dma_wait3A_558, %dma_wait3A_559] : memref<1000000x32xf32, #tpu.memory_space<hbm>> -> memref<50x32xf32, #tpu.memory_space<hbm>>
      tpu.wait_dma2 semaphore(%arg8 : memref<!tpu.dma_semaphore, #tpu.memory_space<semaphore_mem>>) src(%dma_wait3A_560 : memref<50x32xf32, #tpu.memory_space<hbm>>) dst(%dma_wait3A_557 : memref<50x32xf32, #tpu.memory_space<vmem>>)
      %dma_wait3A_561 = arith.constant 7 : i32
      %dma_wait3A_562 = arith.constant 0 : i32
      %dma_wait3A_563 = arith.constant 0 : i32
      %dma_wait3A_564 = tpu.memref_slice %arg6[%dma_wait3A_561, %dma_wait3A_562, %dma_wait3A_563] : memref<16x50x32xf32, #tpu.memory_space<vmem>> -> memref<1x50x32xf32, #tpu.memory_space<vmem>>
      %dma_wait3A_565 = tpu.memref_squeeze %dma_wait3A_564 : memref<1x50x32xf32, #tpu.memory_space<vmem>> -> memref<50x32xf32, #tpu.memory_space<vmem>>
      %dma_wait3A_566 = arith.constant 0 : i32
      %dma_wait3A_567 = arith.constant 0 : i32
      %dma_wait3A_568 = tpu.memref_slice %arg3[%dma_wait3A_566, %dma_wait3A_567] : memref<1000000x32xf32, #tpu.memory_space<hbm>> -> memref<50x32xf32, #tpu.memory_space<hbm>>
      %dma_wait3A_569 = arith.constant 0 : i32
      %dma_wait3A_570 = arith.constant 0 : i32
      %dma_wait3A_571 = tpu.memref_slice %arg6[%dma_wait3A_561, %dma_wait3A_569, %dma_wait3A_570] : memref<16x50x32xf32, #tpu.memory_space<vmem>> -> memref<1x50x32xf32, #tpu.memory_space<vmem>>
      %dma_wait3A_572 = tpu.memref_squeeze %dma_wait3A_571 : memref<1x50x32xf32, #tpu.memory_space<vmem>> -> memref<50x32xf32, #tpu.memory_space<vmem>>
      %dma_wait3A_573 = arith.constant 0 : i32
      %dma_wait3A_574 = arith.constant 0 : i32
      %dma_wait3A_575 = tpu.memref_slice %arg3[%dma_wait3A_573, %dma_wait3A_574] : memref<1000000x32xf32, #tpu.memory_space<hbm>> -> memref<50x32xf32, #tpu.memory_space<hbm>>
      tpu.wait_dma2 semaphore(%arg8 : memref<!tpu.dma_semaphore, #tpu.memory_space<semaphore_mem>>) src(%dma_wait3A_575 : memref<50x32xf32, #tpu.memory_space<hbm>>) dst(%dma_wait3A_572 : memref<50x32xf32, #tpu.memory_space<vmem>>)
      %dma_wait3A_576 = arith.constant 8 : i32
      %dma_wait3A_577 = arith.constant 0 : i32
      %dma_wait3A_578 = arith.constant 0 : i32
      %dma_wait3A_579 = tpu.memref_slice %arg6[%dma_wait3A_576, %dma_wait3A_577, %dma_wait3A_578] : memref<16x50x32xf32, #tpu.memory_space<vmem>> -> memref<1x50x32xf32, #tpu.memory_space<vmem>>
      %dma_wait3A_580 = tpu.memref_squeeze %dma_wait3A_579 : memref<1x50x32xf32, #tpu.memory_space<vmem>> -> memref<50x32xf32, #tpu.memory_space<vmem>>
      %dma_wait3A_581 = arith.constant 0 : i32
      %dma_wait3A_582 = arith.constant 0 : i32
      %dma_wait3A_583 = tpu.memref_slice %arg3[%dma_wait3A_581, %dma_wait3A_582] : memref<1000000x32xf32, #tpu.memory_space<hbm>> -> memref<50x32xf32, #tpu.memory_space<hbm>>
      %dma_wait3A_584 = arith.constant 0 : i32
      %dma_wait3A_585 = arith.constant 0 : i32
      %dma_wait3A_586 = tpu.memref_slice %arg6[%dma_wait3A_576, %dma_wait3A_584, %dma_wait3A_585] : memref<16x50x32xf32, #tpu.memory_space<vmem>> -> memref<1x50x32xf32, #tpu.memory_space<vmem>>
      %dma_wait3A_587 = tpu.memref_squeeze %dma_wait3A_586 : memref<1x50x32xf32, #tpu.memory_space<vmem>> -> memref<50x32xf32, #tpu.memory_space<vmem>>
      %dma_wait3A_588 = arith.constant 0 : i32
      %dma_wait3A_589 = arith.constant 0 : i32
      %dma_wait3A_590 = tpu.memref_slice %arg3[%dma_wait3A_588, %dma_wait3A_589] : memref<1000000x32xf32, #tpu.memory_space<hbm>> -> memref<50x32xf32, #tpu.memory_space<hbm>>
      tpu.wait_dma2 semaphore(%arg8 : memref<!tpu.dma_semaphore, #tpu.memory_space<semaphore_mem>>) src(%dma_wait3A_590 : memref<50x32xf32, #tpu.memory_space<hbm>>) dst(%dma_wait3A_587 : memref<50x32xf32, #tpu.memory_space<vmem>>)
      %dma_wait3A_591 = arith.constant 9 : i32
      %dma_wait3A_592 = arith.constant 0 : i32
      %dma_wait3A_593 = arith.constant 0 : i32
      %dma_wait3A_594 = tpu.memref_slice %arg6[%dma_wait3A_591, %dma_wait3A_592, %dma_wait3A_593] : memref<16x50x32xf32, #tpu.memory_space<vmem>> -> memref<1x50x32xf32, #tpu.memory_space<vmem>>
      %dma_wait3A_595 = tpu.memref_squeeze %dma_wait3A_594 : memref<1x50x32xf32, #tpu.memory_space<vmem>> -> memref<50x32xf32, #tpu.memory_space<vmem>>
      %dma_wait3A_596 = arith.constant 0 : i32
      %dma_wait3A_597 = arith.constant 0 : i32
      %dma_wait3A_598 = tpu.memref_slice %arg3[%dma_wait3A_596, %dma_wait3A_597] : memref<1000000x32xf32, #tpu.memory_space<hbm>> -> memref<50x32xf32, #tpu.memory_space<hbm>>
      %dma_wait3A_599 = arith.constant 0 : i32
      %dma_wait3A_600 = arith.constant 0 : i32
      %dma_wait3A_601 = tpu.memref_slice %arg6[%dma_wait3A_591, %dma_wait3A_599, %dma_wait3A_600] : memref<16x50x32xf32, #tpu.memory_space<vmem>> -> memref<1x50x32xf32, #tpu.memory_space<vmem>>
      %dma_wait3A_602 = tpu.memref_squeeze %dma_wait3A_601 : memref<1x50x32xf32, #tpu.memory_space<vmem>> -> memref<50x32xf32, #tpu.memory_space<vmem>>
      %dma_wait3A_603 = arith.constant 0 : i32
      %dma_wait3A_604 = arith.constant 0 : i32
      %dma_wait3A_605 = tpu.memref_slice %arg3[%dma_wait3A_603, %dma_wait3A_604] : memref<1000000x32xf32, #tpu.memory_space<hbm>> -> memref<50x32xf32, #tpu.memory_space<hbm>>
      tpu.wait_dma2 semaphore(%arg8 : memref<!tpu.dma_semaphore, #tpu.memory_space<semaphore_mem>>) src(%dma_wait3A_605 : memref<50x32xf32, #tpu.memory_space<hbm>>) dst(%dma_wait3A_602 : memref<50x32xf32, #tpu.memory_space<vmem>>)
      %dma_wait3A_606 = arith.constant 10 : i32
      %dma_wait3A_607 = arith.constant 0 : i32
      %dma_wait3A_608 = arith.constant 0 : i32
      %dma_wait3A_609 = tpu.memref_slice %arg6[%dma_wait3A_606, %dma_wait3A_607, %dma_wait3A_608] : memref<16x50x32xf32, #tpu.memory_space<vmem>> -> memref<1x50x32xf32, #tpu.memory_space<vmem>>
      %dma_wait3A_610 = tpu.memref_squeeze %dma_wait3A_609 : memref<1x50x32xf32, #tpu.memory_space<vmem>> -> memref<50x32xf32, #tpu.memory_space<vmem>>
      %dma_wait3A_611 = arith.constant 0 : i32
      %dma_wait3A_612 = arith.constant 0 : i32
      %dma_wait3A_613 = tpu.memref_slice %arg3[%dma_wait3A_611, %dma_wait3A_612] : memref<1000000x32xf32, #tpu.memory_space<hbm>> -> memref<50x32xf32, #tpu.memory_space<hbm>>
      %dma_wait3A_614 = arith.constant 0 : i32
      %dma_wait3A_615 = arith.constant 0 : i32
      %dma_wait3A_616 = tpu.memref_slice %arg6[%dma_wait3A_606, %dma_wait3A_614, %dma_wait3A_615] : memref<16x50x32xf32, #tpu.memory_space<vmem>> -> memref<1x50x32xf32, #tpu.memory_space<vmem>>
      %dma_wait3A_617 = tpu.memref_squeeze %dma_wait3A_616 : memref<1x50x32xf32, #tpu.memory_space<vmem>> -> memref<50x32xf32, #tpu.memory_space<vmem>>
      %dma_wait3A_618 = arith.constant 0 : i32
      %dma_wait3A_619 = arith.constant 0 : i32
      %dma_wait3A_620 = tpu.memref_slice %arg3[%dma_wait3A_618, %dma_wait3A_619] : memref<1000000x32xf32, #tpu.memory_space<hbm>> -> memref<50x32xf32, #tpu.memory_space<hbm>>
      tpu.wait_dma2 semaphore(%arg8 : memref<!tpu.dma_semaphore, #tpu.memory_space<semaphore_mem>>) src(%dma_wait3A_620 : memref<50x32xf32, #tpu.memory_space<hbm>>) dst(%dma_wait3A_617 : memref<50x32xf32, #tpu.memory_space<vmem>>)
      %dma_wait3A_621 = arith.constant 11 : i32
      %dma_wait3A_622 = arith.constant 0 : i32
      %dma_wait3A_623 = arith.constant 0 : i32
      %dma_wait3A_624 = tpu.memref_slice %arg6[%dma_wait3A_621, %dma_wait3A_622, %dma_wait3A_623] : memref<16x50x32xf32, #tpu.memory_space<vmem>> -> memref<1x50x32xf32, #tpu.memory_space<vmem>>
      %dma_wait3A_625 = tpu.memref_squeeze %dma_wait3A_624 : memref<1x50x32xf32, #tpu.memory_space<vmem>> -> memref<50x32xf32, #tpu.memory_space<vmem>>
      %dma_wait3A_626 = arith.constant 0 : i32
      %dma_wait3A_627 = arith.constant 0 : i32
      %dma_wait3A_628 = tpu.memref_slice %arg3[%dma_wait3A_626, %dma_wait3A_627] : memref<1000000x32xf32, #tpu.memory_space<hbm>> -> memref<50x32xf32, #tpu.memory_space<hbm>>
      %dma_wait3A_629 = arith.constant 0 : i32
      %dma_wait3A_630 = arith.constant 0 : i32
      %dma_wait3A_631 = tpu.memref_slice %arg6[%dma_wait3A_621, %dma_wait3A_629, %dma_wait3A_630] : memref<16x50x32xf32, #tpu.memory_space<vmem>> -> memref<1x50x32xf32, #tpu.memory_space<vmem>>
      %dma_wait3A_632 = tpu.memref_squeeze %dma_wait3A_631 : memref<1x50x32xf32, #tpu.memory_space<vmem>> -> memref<50x32xf32, #tpu.memory_space<vmem>>
      %dma_wait3A_633 = arith.constant 0 : i32
      %dma_wait3A_634 = arith.constant 0 : i32
      %dma_wait3A_635 = tpu.memref_slice %arg3[%dma_wait3A_633, %dma_wait3A_634] : memref<1000000x32xf32, #tpu.memory_space<hbm>> -> memref<50x32xf32, #tpu.memory_space<hbm>>
      tpu.wait_dma2 semaphore(%arg8 : memref<!tpu.dma_semaphore, #tpu.memory_space<semaphore_mem>>) src(%dma_wait3A_635 : memref<50x32xf32, #tpu.memory_space<hbm>>) dst(%dma_wait3A_632 : memref<50x32xf32, #tpu.memory_space<vmem>>)
      %dma_wait3A_636 = arith.constant 12 : i32
      %dma_wait3A_637 = arith.constant 0 : i32
      %dma_wait3A_638 = arith.constant 0 : i32
      %dma_wait3A_639 = tpu.memref_slice %arg6[%dma_wait3A_636, %dma_wait3A_637, %dma_wait3A_638] : memref<16x50x32xf32, #tpu.memory_space<vmem>> -> memref<1x50x32xf32, #tpu.memory_space<vmem>>
      %dma_wait3A_640 = tpu.memref_squeeze %dma_wait3A_639 : memref<1x50x32xf32, #tpu.memory_space<vmem>> -> memref<50x32xf32, #tpu.memory_space<vmem>>
      %dma_wait3A_641 = arith.constant 0 : i32
      %dma_wait3A_642 = arith.constant 0 : i32
      %dma_wait3A_643 = tpu.memref_slice %arg3[%dma_wait3A_641, %dma_wait3A_642] : memref<1000000x32xf32, #tpu.memory_space<hbm>> -> memref<50x32xf32, #tpu.memory_space<hbm>>
      %dma_wait3A_644 = arith.constant 0 : i32
      %dma_wait3A_645 = arith.constant 0 : i32
      %dma_wait3A_646 = tpu.memref_slice %arg6[%dma_wait3A_636, %dma_wait3A_644, %dma_wait3A_645] : memref<16x50x32xf32, #tpu.memory_space<vmem>> -> memref<1x50x32xf32, #tpu.memory_space<vmem>>
      %dma_wait3A_647 = tpu.memref_squeeze %dma_wait3A_646 : memref<1x50x32xf32, #tpu.memory_space<vmem>> -> memref<50x32xf32, #tpu.memory_space<vmem>>
      %dma_wait3A_648 = arith.constant 0 : i32
      %dma_wait3A_649 = arith.constant 0 : i32
      %dma_wait3A_650 = tpu.memref_slice %arg3[%dma_wait3A_648, %dma_wait3A_649] : memref<1000000x32xf32, #tpu.memory_space<hbm>> -> memref<50x32xf32, #tpu.memory_space<hbm>>
      tpu.wait_dma2 semaphore(%arg8 : memref<!tpu.dma_semaphore, #tpu.memory_space<semaphore_mem>>) src(%dma_wait3A_650 : memref<50x32xf32, #tpu.memory_space<hbm>>) dst(%dma_wait3A_647 : memref<50x32xf32, #tpu.memory_space<vmem>>)
      %dma_wait3A_651 = arith.constant 13 : i32
      %dma_wait3A_652 = arith.constant 0 : i32
      %dma_wait3A_653 = arith.constant 0 : i32
      %dma_wait3A_654 = tpu.memref_slice %arg6[%dma_wait3A_651, %dma_wait3A_652, %dma_wait3A_653] : memref<16x50x32xf32, #tpu.memory_space<vmem>> -> memref<1x50x32xf32, #tpu.memory_space<vmem>>
      %dma_wait3A_655 = tpu.memref_squeeze %dma_wait3A_654 : memref<1x50x32xf32, #tpu.memory_space<vmem>> -> memref<50x32xf32, #tpu.memory_space<vmem>>
      %dma_wait3A_656 = arith.constant 0 : i32
      %dma_wait3A_657 = arith.constant 0 : i32
      %dma_wait3A_658 = tpu.memref_slice %arg3[%dma_wait3A_656, %dma_wait3A_657] : memref<1000000x32xf32, #tpu.memory_space<hbm>> -> memref<50x32xf32, #tpu.memory_space<hbm>>
      %dma_wait3A_659 = arith.constant 0 : i32
      %dma_wait3A_660 = arith.constant 0 : i32
      %dma_wait3A_661 = tpu.memref_slice %arg6[%dma_wait3A_651, %dma_wait3A_659, %dma_wait3A_660] : memref<16x50x32xf32, #tpu.memory_space<vmem>> -> memref<1x50x32xf32, #tpu.memory_space<vmem>>
      %dma_wait3A_662 = tpu.memref_squeeze %dma_wait3A_661 : memref<1x50x32xf32, #tpu.memory_space<vmem>> -> memref<50x32xf32, #tpu.memory_space<vmem>>
      %dma_wait3A_663 = arith.constant 0 : i32
      %dma_wait3A_664 = arith.constant 0 : i32
      %dma_wait3A_665 = tpu.memref_slice %arg3[%dma_wait3A_663, %dma_wait3A_664] : memref<1000000x32xf32, #tpu.memory_space<hbm>> -> memref<50x32xf32, #tpu.memory_space<hbm>>
      tpu.wait_dma2 semaphore(%arg8 : memref<!tpu.dma_semaphore, #tpu.memory_space<semaphore_mem>>) src(%dma_wait3A_665 : memref<50x32xf32, #tpu.memory_space<hbm>>) dst(%dma_wait3A_662 : memref<50x32xf32, #tpu.memory_space<vmem>>)
      %dma_wait3A_666 = arith.constant 14 : i32
      %dma_wait3A_667 = arith.constant 0 : i32
      %dma_wait3A_668 = arith.constant 0 : i32
      %dma_wait3A_669 = tpu.memref_slice %arg6[%dma_wait3A_666, %dma_wait3A_667, %dma_wait3A_668] : memref<16x50x32xf32, #tpu.memory_space<vmem>> -> memref<1x50x32xf32, #tpu.memory_space<vmem>>
      %dma_wait3A_670 = tpu.memref_squeeze %dma_wait3A_669 : memref<1x50x32xf32, #tpu.memory_space<vmem>> -> memref<50x32xf32, #tpu.memory_space<vmem>>
      %dma_wait3A_671 = arith.constant 0 : i32
      %dma_wait3A_672 = arith.constant 0 : i32
      %dma_wait3A_673 = tpu.memref_slice %arg3[%dma_wait3A_671, %dma_wait3A_672] : memref<1000000x32xf32, #tpu.memory_space<hbm>> -> memref<50x32xf32, #tpu.memory_space<hbm>>
      %dma_wait3A_674 = arith.constant 0 : i32
      %dma_wait3A_675 = arith.constant 0 : i32
      %dma_wait3A_676 = tpu.memref_slice %arg6[%dma_wait3A_666, %dma_wait3A_674, %dma_wait3A_675] : memref<16x50x32xf32, #tpu.memory_space<vmem>> -> memref<1x50x32xf32, #tpu.memory_space<vmem>>
      %dma_wait3A_677 = tpu.memref_squeeze %dma_wait3A_676 : memref<1x50x32xf32, #tpu.memory_space<vmem>> -> memref<50x32xf32, #tpu.memory_space<vmem>>
      %dma_wait3A_678 = arith.constant 0 : i32
      %dma_wait3A_679 = arith.constant 0 : i32
      %dma_wait3A_680 = tpu.memref_slice %arg3[%dma_wait3A_678, %dma_wait3A_679] : memref<1000000x32xf32, #tpu.memory_space<hbm>> -> memref<50x32xf32, #tpu.memory_space<hbm>>
      tpu.wait_dma2 semaphore(%arg8 : memref<!tpu.dma_semaphore, #tpu.memory_space<semaphore_mem>>) src(%dma_wait3A_680 : memref<50x32xf32, #tpu.memory_space<hbm>>) dst(%dma_wait3A_677 : memref<50x32xf32, #tpu.memory_space<vmem>>)
      %dma_wait3A_681 = arith.constant 15 : i32
      %dma_wait3A_682 = arith.constant 0 : i32
      %dma_wait3A_683 = arith.constant 0 : i32
      %dma_wait3A_684 = tpu.memref_slice %arg6[%dma_wait3A_681, %dma_wait3A_682, %dma_wait3A_683] : memref<16x50x32xf32, #tpu.memory_space<vmem>> -> memref<1x50x32xf32, #tpu.memory_space<vmem>>
      %dma_wait3A_685 = tpu.memref_squeeze %dma_wait3A_684 : memref<1x50x32xf32, #tpu.memory_space<vmem>> -> memref<50x32xf32, #tpu.memory_space<vmem>>
      %dma_wait3A_686 = arith.constant 0 : i32
      %dma_wait3A_687 = arith.constant 0 : i32
      %dma_wait3A_688 = tpu.memref_slice %arg3[%dma_wait3A_686, %dma_wait3A_687] : memref<1000000x32xf32, #tpu.memory_space<hbm>> -> memref<50x32xf32, #tpu.memory_space<hbm>>
      %dma_wait3A_689 = arith.constant 0 : i32
      %dma_wait3A_690 = arith.constant 0 : i32
      %dma_wait3A_691 = tpu.memref_slice %arg6[%dma_wait3A_681, %dma_wait3A_689, %dma_wait3A_690] : memref<16x50x32xf32, #tpu.memory_space<vmem>> -> memref<1x50x32xf32, #tpu.memory_space<vmem>>
      %dma_wait3A_692 = tpu.memref_squeeze %dma_wait3A_691 : memref<1x50x32xf32, #tpu.memory_space<vmem>> -> memref<50x32xf32, #tpu.memory_space<vmem>>
      %dma_wait3A_693 = arith.constant 0 : i32
      %dma_wait3A_694 = arith.constant 0 : i32
      %dma_wait3A_695 = tpu.memref_slice %arg3[%dma_wait3A_693, %dma_wait3A_694] : memref<1000000x32xf32, #tpu.memory_space<hbm>> -> memref<50x32xf32, #tpu.memory_space<hbm>>
      tpu.wait_dma2 semaphore(%arg8 : memref<!tpu.dma_semaphore, #tpu.memory_space<semaphore_mem>>) src(%dma_wait3A_695 : memref<50x32xf32, #tpu.memory_space<hbm>>) dst(%dma_wait3A_692 : memref<50x32xf32, #tpu.memory_space<vmem>>)
      %scan3A_696 = arith.constant 0 : i32
      %scan3A_697 = arith.constant 0 : i32
      %scan3A_698 = arith.constant 16 : i32
      %scan3A_699 = arith.addi %scan3A_697, %scan3A_698 : i32
      %scan3A_700 = arith.constant 1 : i32
      %scan3A_701 = scf.for %scan3A_979 = %scan3A_697 to %scan3A_699 step %scan3A_700 iter_args(%scan3A_980 = %scan3A_696) -> (i32)  : i32 {
        %mul3A_981 = arith.constant 16 : i32
        %mul3A_982 = arith.muli %mul3A_209, %mul3A_981 : i32
        %add3A_983 = arith.addi %mul3A_982, %scan3A_979 : i32
        %get3A = arith.index_cast %add3A_983 : i32 to index
        %get3A_984 = arith.constant 0 : index
        %get3A_985 = tpu.vector_load %arg5[%get3A, %get3A_984] {strides = array<i32>} : memref<512x50xi32, #tpu.memory_space<vmem>>, vector<16xi32>,
        %get3A_986 = arith.index_cast %add3A_983 : i32 to index
        %get3A_987 = arith.constant 16 : index
        %get3A_988 = tpu.vector_load %arg5[%get3A_986, %get3A_987] {strides = array<i32>} : memref<512x50xi32, #tpu.memory_space<vmem>>, vector<16xi32>,
        %get3A_989 = arith.index_cast %add3A_983 : i32 to index
        %get3A_990 = arith.constant 34 : index
        %get3A_991 = tpu.vector_load %arg5[%get3A_989, %get3A_990] {strides = array<i32>} : memref<512x50xi32, #tpu.memory_space<vmem>>, vector<16xi32>,
        %min3A = arith.minsi %get3A_985, %get3A_988 : vector<16xi32>
        %min3A_992 = arith.minsi %min3A, %get3A_991 : vector<16xi32>
        %add3A_993 = arith.constant 8 : i32
        %add3A_994 = vector.broadcast %add3A_993 : i32 to vector<16xi32>
        %add3A_995 = arith.addi %iota3A, %add3A_994 : vector<16xi32>
        %jit3A = arith.constant 16 : i32
        %eq3A = arith.constant 0 : i32
        %eq3A_996 = arith.cmpi eq, %jit3A, %eq3A : i32
        %jit3A_997 = arith.constant 1 : i32
        %select_n3A = arith.select %eq3A_996, %jit3A_997, %jit3A : i32
        %rem3A = vector.broadcast %select_n3A : i32 to vector<16xi32>
        %rem3A_998 = arith.remsi %add3A_995, %rem3A : vector<16xi32>
        %ne3A = arith.constant 0 : i32
        %ne3A_999 = vector.broadcast %ne3A : i32 to vector<16xi32>
        %ne3A_1000 = arith.cmpi ne, %rem3A_998, %ne3A_999 : vector<16xi32>
        %lt3A_1001 = arith.constant 0 : i32
        %lt3A_1002 = vector.broadcast %lt3A_1001 : i32 to vector<16xi32>
        %lt3A_1003 = arith.cmpi slt, %rem3A_998, %lt3A_1002 : vector<16xi32>
        %lt3A_1004 = arith.constant 0 : i32
        %lt3A_1005 = arith.cmpi slt, %select_n3A, %lt3A_1004 : i32
        %ne3A_1006 = vector.broadcast %lt3A_1005 : i1 to vector<16xi1>
        %ne3A_1007 = vector.broadcast %ne3A_1006 : vector<16xi1> to vector<16xi1>
        %ne3A_1008 = arith.xori %lt3A_1003, %ne3A_1007 : vector<16xi1>
        %and3A = arith.andi %ne3A_1008, %ne3A_1000 : vector<16xi1>
        %add3A_1009 = vector.broadcast %select_n3A : i32 to vector<16xi32>
        %add3A_1010 = arith.addi %rem3A_998, %add3A_1009 : vector<16xi32>
        %select_n3A_1011 = arith.select %and3A, %add3A_1010, %rem3A_998 : vector<16xi1>, vector<16xi32>
        %broadcast_in_dim3A_1012 = vector.shape_cast %select_n3A_1011 : vector<16xi32> to vector<16x1xi32>
        %gather3A = vector.shape_cast %broadcast_in_dim3A_1012 : vector<16x1xi32> to vector<16xi32>
        %gather3A_1013 = tpu.dynamic_gather %min3A_992[%gather3A] in [0] : vector<16xi32>, vector<16xi32> -> vector<16xi32>
        %min3A_1014 = arith.minsi %min3A_992, %gather3A_1013 : vector<16xi32>
        %add3A_1015 = arith.constant 4 : i32
        %add3A_1016 = vector.broadcast %add3A_1015 : i32 to vector<16xi32>
        %add3A_1017 = arith.addi %iota3A, %add3A_1016 : vector<16xi32>
        %jit3A_1018 = arith.constant 16 : i32
        %eq3A_1019 = arith.constant 0 : i32
        %eq3A_1020 = arith.cmpi eq, %jit3A_1018, %eq3A_1019 : i32
        %jit3A_1021 = arith.constant 1 : i32
        %select_n3A_1022 = arith.select %eq3A_1020, %jit3A_1021, %jit3A_1018 : i32
        %rem3A_1023 = vector.broadcast %select_n3A_1022 : i32 to vector<16xi32>
        %rem3A_1024 = arith.remsi %add3A_1017, %rem3A_1023 : vector<16xi32>
        %ne3A_1025 = arith.constant 0 : i32
        %ne3A_1026 = vector.broadcast %ne3A_1025 : i32 to vector<16xi32>
        %ne3A_1027 = arith.cmpi ne, %rem3A_1024, %ne3A_1026 : vector<16xi32>
        %lt3A_1028 = arith.constant 0 : i32
        %lt3A_1029 = vector.broadcast %lt3A_1028 : i32 to vector<16xi32>
        %lt3A_1030 = arith.cmpi slt, %rem3A_1024, %lt3A_1029 : vector<16xi32>
        %lt3A_1031 = arith.constant 0 : i32
        %lt3A_1032 = arith.cmpi slt, %select_n3A_1022, %lt3A_1031 : i32
        %ne3A_1033 = vector.broadcast %lt3A_1032 : i1 to vector<16xi1>
        %ne3A_1034 = vector.broadcast %ne3A_1033 : vector<16xi1> to vector<16xi1>
        %ne3A_1035 = arith.xori %lt3A_1030, %ne3A_1034 : vector<16xi1>
        %and3A_1036 = arith.andi %ne3A_1035, %ne3A_1027 : vector<16xi1>
        %add3A_1037 = vector.broadcast %select_n3A_1022 : i32 to vector<16xi32>
        %add3A_1038 = arith.addi %rem3A_1024, %add3A_1037 : vector<16xi32>
        %select_n3A_1039 = arith.select %and3A_1036, %add3A_1038, %rem3A_1024 : vector<16xi1>, vector<16xi32>
        %broadcast_in_dim3A_1040 = vector.shape_cast %select_n3A_1039 : vector<16xi32> to vector<16x1xi32>
        %gather3A_1041 = vector.shape_cast %broadcast_in_dim3A_1040 : vector<16x1xi32> to vector<16xi32>
        %gather3A_1042 = tpu.dynamic_gather %min3A_1014[%gather3A_1041] in [0] : vector<16xi32>, vector<16xi32> -> vector<16xi32>
        %min3A_1043 = arith.minsi %min3A_1014, %gather3A_1042 : vector<16xi32>
        %add3A_1044 = arith.constant 2 : i32
        %add3A_1045 = vector.broadcast %add3A_1044 : i32 to vector<16xi32>
        %add3A_1046 = arith.addi %iota3A, %add3A_1045 : vector<16xi32>
        %jit3A_1047 = arith.constant 16 : i32
        %eq3A_1048 = arith.constant 0 : i32
        %eq3A_1049 = arith.cmpi eq, %jit3A_1047, %eq3A_1048 : i32
        %jit3A_1050 = arith.constant 1 : i32
        %select_n3A_1051 = arith.select %eq3A_1049, %jit3A_1050, %jit3A_1047 : i32
        %rem3A_1052 = vector.broadcast %select_n3A_1051 : i32 to vector<16xi32>
        %rem3A_1053 = arith.remsi %add3A_1046, %rem3A_1052 : vector<16xi32>
        %ne3A_1054 = arith.constant 0 : i32
        %ne3A_1055 = vector.broadcast %ne3A_1054 : i32 to vector<16xi32>
        %ne3A_1056 = arith.cmpi ne, %rem3A_1053, %ne3A_1055 : vector<16xi32>
        %lt3A_1057 = arith.constant 0 : i32
        %lt3A_1058 = vector.broadcast %lt3A_1057 : i32 to vector<16xi32>
        %lt3A_1059 = arith.cmpi slt, %rem3A_1053, %lt3A_1058 : vector<16xi32>
        %lt3A_1060 = arith.constant 0 : i32
        %lt3A_1061 = arith.cmpi slt, %select_n3A_1051, %lt3A_1060 : i32
        %ne3A_1062 = vector.broadcast %lt3A_1061 : i1 to vector<16xi1>
        %ne3A_1063 = vector.broadcast %ne3A_1062 : vector<16xi1> to vector<16xi1>
        %ne3A_1064 = arith.xori %lt3A_1059, %ne3A_1063 : vector<16xi1>
        %and3A_1065 = arith.andi %ne3A_1064, %ne3A_1056 : vector<16xi1>
        %add3A_1066 = vector.broadcast %select_n3A_1051 : i32 to vector<16xi32>
        %add3A_1067 = arith.addi %rem3A_1053, %add3A_1066 : vector<16xi32>
        %select_n3A_1068 = arith.select %and3A_1065, %add3A_1067, %rem3A_1053 : vector<16xi1>, vector<16xi32>
        %broadcast_in_dim3A_1069 = vector.shape_cast %select_n3A_1068 : vector<16xi32> to vector<16x1xi32>
        %gather3A_1070 = vector.shape_cast %broadcast_in_dim3A_1069 : vector<16x1xi32> to vector<16xi32>
        %gather3A_1071 = tpu.dynamic_gather %min3A_1043[%gather3A_1070] in [0] : vector<16xi32>, vector<16xi32> -> vector<16xi32>
        %min3A_1072 = arith.minsi %min3A_1043, %gather3A_1071 : vector<16xi32>
        %add3A_1073 = arith.constant 1 : i32
        %add3A_1074 = vector.broadcast %add3A_1073 : i32 to vector<16xi32>
        %add3A_1075 = arith.addi %iota3A, %add3A_1074 : vector<16xi32>
        %jit3A_1076 = arith.constant 16 : i32
        %eq3A_1077 = arith.constant 0 : i32
        %eq3A_1078 = arith.cmpi eq, %jit3A_1076, %eq3A_1077 : i32
        %jit3A_1079 = arith.constant 1 : i32
        %select_n3A_1080 = arith.select %eq3A_1078, %jit3A_1079, %jit3A_1076 : i32
        %rem3A_1081 = vector.broadcast %select_n3A_1080 : i32 to vector<16xi32>
        %rem3A_1082 = arith.remsi %add3A_1075, %rem3A_1081 : vector<16xi32>
        %ne3A_1083 = arith.constant 0 : i32
        %ne3A_1084 = vector.broadcast %ne3A_1083 : i32 to vector<16xi32>
        %ne3A_1085 = arith.cmpi ne, %rem3A_1082, %ne3A_1084 : vector<16xi32>
        %lt3A_1086 = arith.constant 0 : i32
        %lt3A_1087 = vector.broadcast %lt3A_1086 : i32 to vector<16xi32>
        %lt3A_1088 = arith.cmpi slt, %rem3A_1082, %lt3A_1087 : vector<16xi32>
        %lt3A_1089 = arith.constant 0 : i32
        %lt3A_1090 = arith.cmpi slt, %select_n3A_1080, %lt3A_1089 : i32
        %ne3A_1091 = vector.broadcast %lt3A_1090 : i1 to vector<16xi1>
        %ne3A_1092 = vector.broadcast %ne3A_1091 : vector<16xi1> to vector<16xi1>
        %ne3A_1093 = arith.xori %lt3A_1088, %ne3A_1092 : vector<16xi1>
        %and3A_1094 = arith.andi %ne3A_1093, %ne3A_1085 : vector<16xi1>
        %add3A_1095 = vector.broadcast %select_n3A_1080 : i32 to vector<16xi32>
        %add3A_1096 = arith.addi %rem3A_1082, %add3A_1095 : vector<16xi32>
        %select_n3A_1097 = arith.select %and3A_1094, %add3A_1096, %rem3A_1082 : vector<16xi1>, vector<16xi32>
        %broadcast_in_dim3A_1098 = vector.shape_cast %select_n3A_1097 : vector<16xi32> to vector<16x1xi32>
        %gather3A_1099 = vector.shape_cast %broadcast_in_dim3A_1098 : vector<16x1xi32> to vector<16xi32>
        %gather3A_1100 = tpu.dynamic_gather %min3A_1072[%gather3A_1099] in [0] : vector<16xi32>, vector<16xi32> -> vector<16xi32>
        %min3A_1101 = arith.minsi %min3A_1072, %gather3A_1100 : vector<16xi32>
        %slice3A = vector.extract_strided_slice %min3A_1101 {offsets = [0], sizes = [1], strides = [1]} : vector<16xi32> to vector<1xi32>
        %squeeze3A = vector.extract %slice3A[0] : i32 from vector<1xi32>
        %eq3A_1102 = arith.constant 0 : i32
        %eq3A_1103 = arith.cmpi eq, %squeeze3A, %eq3A_1102 : i32
        %convert_element_type3A_1104 = arith.extui %eq3A_1103 : i1 to i32
        %cond3A_1105 = arith.constant 0 : i32
        %cond3A_1106 = arith.cmpi ne, %convert_element_type3A_1104, %cond3A_1105 : i32
        scf.if %cond3A_1106 {
          %eq3A_1108 = arith.constant 0 : i32
          %eq3A_1109 = vector.broadcast %eq3A_1108 : i32 to vector<16xi32>
          %eq3A_1110 = arith.cmpi eq, %get3A_985, %eq3A_1109 : vector<16xi32>
          %broadcast_in_dim3A_1111 = vector.broadcast %scan3A_979 : i32 to vector<16xi32>
          %add3A_1112 = arith.constant 0 : i32
          %add3A_1113 = vector.broadcast %add3A_1112 : i32 to vector<16xi32>
          %add3A_1114 = arith.addi %add3A_1113, %iota3A : vector<16xi32>
          %broadcast_in_dim3A_1115 = arith.constant 0 : i32
          %broadcast_in_dim3A_1116 = vector.broadcast %broadcast_in_dim3A_1115 : i32 to vector<16xi32>
          tpu.vector_store_idx %arg6[%broadcast_in_dim3A_1111, %add3A_1114, %broadcast_in_dim3A_1116], %broadcast_in_dim3A_3 masked %eq3A_1110 : memref<16x50x32xf32, #tpu.memory_space<vmem>>[vector<16xi32>, vector<16xi32>, vector<16xi32>], vector<16xf32>, vector<16xi1>
          %broadcast_in_dim3A_1117 = arith.constant 1 : i32
          %broadcast_in_dim3A_1118 = vector.broadcast %broadcast_in_dim3A_1117 : i32 to vector<16xi32>
          tpu.vector_store_idx %arg6[%broadcast_in_dim3A_1111, %add3A_1114, %broadcast_in_dim3A_1118], %broadcast_in_dim3A_3 masked %eq3A_1110 : memref<16x50x32xf32, #tpu.memory_space<vmem>>[vector<16xi32>, vector<16xi32>, vector<16xi32>], vector<16xf32>, vector<16xi1>
          %broadcast_in_dim3A_1119 = arith.constant 2 : i32
          %broadcast_in_dim3A_1120 = vector.broadcast %broadcast_in_dim3A_1119 : i32 to vector<16xi32>
          tpu.vector_store_idx %arg6[%broadcast_in_dim3A_1111, %add3A_1114, %broadcast_in_dim3A_1120], %broadcast_in_dim3A_3 masked %eq3A_1110 : memref<16x50x32xf32, #tpu.memory_space<vmem>>[vector<16xi32>, vector<16xi32>, vector<16xi32>], vector<16xf32>, vector<16xi1>
          %broadcast_in_dim3A_1121 = arith.constant 3 : i32
          %broadcast_in_dim3A_1122 = vector.broadcast %broadcast_in_dim3A_1121 : i32 to vector<16xi32>
          tpu.vector_store_idx %arg6[%broadcast_in_dim3A_1111, %add3A_1114, %broadcast_in_dim3A_1122], %broadcast_in_dim3A_3 masked %eq3A_1110 : memref<16x50x32xf32, #tpu.memory_space<vmem>>[vector<16xi32>, vector<16xi32>, vector<16xi32>], vector<16xf32>, vector<16xi1>
          %broadcast_in_dim3A_1123 = arith.constant 4 : i32
          %broadcast_in_dim3A_1124 = vector.broadcast %broadcast_in_dim3A_1123 : i32 to vector<16xi32>
          tpu.vector_store_idx %arg6[%broadcast_in_dim3A_1111, %add3A_1114, %broadcast_in_dim3A_1124], %broadcast_in_dim3A_3 masked %eq3A_1110 : memref<16x50x32xf32, #tpu.memory_space<vmem>>[vector<16xi32>, vector<16xi32>, vector<16xi32>], vector<16xf32>, vector<16xi1>
          %broadcast_in_dim3A_1125 = arith.constant 5 : i32
          %broadcast_in_dim3A_1126 = vector.broadcast %broadcast_in_dim3A_1125 : i32 to vector<16xi32>
          tpu.vector_store_idx %arg6[%broadcast_in_dim3A_1111, %add3A_1114, %broadcast_in_dim3A_1126], %broadcast_in_dim3A_3 masked %eq3A_1110 : memref<16x50x32xf32, #tpu.memory_space<vmem>>[vector<16xi32>, vector<16xi32>, vector<16xi32>], vector<16xf32>, vector<16xi1>
          %broadcast_in_dim3A_1127 = arith.constant 6 : i32
          %broadcast_in_dim3A_1128 = vector.broadcast %broadcast_in_dim3A_1127 : i32 to vector<16xi32>
          tpu.vector_store_idx %arg6[%broadcast_in_dim3A_1111, %add3A_1114, %broadcast_in_dim3A_1128], %broadcast_in_dim3A_3 masked %eq3A_1110 : memref<16x50x32xf32, #tpu.memory_space<vmem>>[vector<16xi32>, vector<16xi32>, vector<16xi32>], vector<16xf32>, vector<16xi1>
          %broadcast_in_dim3A_1129 = arith.constant 7 : i32
          %broadcast_in_dim3A_1130 = vector.broadcast %broadcast_in_dim3A_1129 : i32 to vector<16xi32>
          tpu.vector_store_idx %arg6[%broadcast_in_dim3A_1111, %add3A_1114, %broadcast_in_dim3A_1130], %broadcast_in_dim3A_3 masked %eq3A_1110 : memref<16x50x32xf32, #tpu.memory_space<vmem>>[vector<16xi32>, vector<16xi32>, vector<16xi32>], vector<16xf32>, vector<16xi1>
          %broadcast_in_dim3A_1131 = arith.constant 8 : i32
          %broadcast_in_dim3A_1132 = vector.broadcast %broadcast_in_dim3A_1131 : i32 to vector<16xi32>
          tpu.vector_store_idx %arg6[%broadcast_in_dim3A_1111, %add3A_1114, %broadcast_in_dim3A_1132], %broadcast_in_dim3A_3 masked %eq3A_1110 : memref<16x50x32xf32, #tpu.memory_space<vmem>>[vector<16xi32>, vector<16xi32>, vector<16xi32>], vector<16xf32>, vector<16xi1>
          %broadcast_in_dim3A_1133 = arith.constant 9 : i32
          %broadcast_in_dim3A_1134 = vector.broadcast %broadcast_in_dim3A_1133 : i32 to vector<16xi32>
          tpu.vector_store_idx %arg6[%broadcast_in_dim3A_1111, %add3A_1114, %broadcast_in_dim3A_1134], %broadcast_in_dim3A_3 masked %eq3A_1110 : memref<16x50x32xf32, #tpu.memory_space<vmem>>[vector<16xi32>, vector<16xi32>, vector<16xi32>], vector<16xf32>, vector<16xi1>
          %broadcast_in_dim3A_1135 = arith.constant 10 : i32
          %broadcast_in_dim3A_1136 = vector.broadcast %broadcast_in_dim3A_1135 : i32 to vector<16xi32>
          tpu.vector_store_idx %arg6[%broadcast_in_dim3A_1111, %add3A_1114, %broadcast_in_dim3A_1136], %broadcast_in_dim3A_3 masked %eq3A_1110 : memref<16x50x32xf32, #tpu.memory_space<vmem>>[vector<16xi32>, vector<16xi32>, vector<16xi32>], vector<16xf32>, vector<16xi1>
          %broadcast_in_dim3A_1137 = arith.constant 11 : i32
          %broadcast_in_dim3A_1138 = vector.broadcast %broadcast_in_dim3A_1137 : i32 to vector<16xi32>
          tpu.vector_store_idx %arg6[%broadcast_in_dim3A_1111, %add3A_1114, %broadcast_in_dim3A_1138], %broadcast_in_dim3A_3 masked %eq3A_1110 : memref<16x50x32xf32, #tpu.memory_space<vmem>>[vector<16xi32>, vector<16xi32>, vector<16xi32>], vector<16xf32>, vector<16xi1>
          %broadcast_in_dim3A_1139 = arith.constant 12 : i32
          %broadcast_in_dim3A_1140 = vector.broadcast %broadcast_in_dim3A_1139 : i32 to vector<16xi32>
          tpu.vector_store_idx %arg6[%broadcast_in_dim3A_1111, %add3A_1114, %broadcast_in_dim3A_1140], %broadcast_in_dim3A_3 masked %eq3A_1110 : memref<16x50x32xf32, #tpu.memory_space<vmem>>[vector<16xi32>, vector<16xi32>, vector<16xi32>], vector<16xf32>, vector<16xi1>
          %broadcast_in_dim3A_1141 = arith.constant 13 : i32
          %broadcast_in_dim3A_1142 = vector.broadcast %broadcast_in_dim3A_1141 : i32 to vector<16xi32>
          tpu.vector_store_idx %arg6[%broadcast_in_dim3A_1111, %add3A_1114, %broadcast_in_dim3A_1142], %broadcast_in_dim3A_3 masked %eq3A_1110 : memref<16x50x32xf32, #tpu.memory_space<vmem>>[vector<16xi32>, vector<16xi32>, vector<16xi32>], vector<16xf32>, vector<16xi1>
          %broadcast_in_dim3A_1143 = arith.constant 14 : i32
          %broadcast_in_dim3A_1144 = vector.broadcast %broadcast_in_dim3A_1143 : i32 to vector<16xi32>
          tpu.vector_store_idx %arg6[%broadcast_in_dim3A_1111, %add3A_1114, %broadcast_in_dim3A_1144], %broadcast_in_dim3A_3 masked %eq3A_1110 : memref<16x50x32xf32, #tpu.memory_space<vmem>>[vector<16xi32>, vector<16xi32>, vector<16xi32>], vector<16xf32>, vector<16xi1>
          %broadcast_in_dim3A_1145 = arith.constant 15 : i32
          %broadcast_in_dim3A_1146 = vector.broadcast %broadcast_in_dim3A_1145 : i32 to vector<16xi32>
          tpu.vector_store_idx %arg6[%broadcast_in_dim3A_1111, %add3A_1114, %broadcast_in_dim3A_1146], %broadcast_in_dim3A_3 masked %eq3A_1110 : memref<16x50x32xf32, #tpu.memory_space<vmem>>[vector<16xi32>, vector<16xi32>, vector<16xi32>], vector<16xf32>, vector<16xi1>
          %broadcast_in_dim3A_1147 = arith.constant 16 : i32
          %broadcast_in_dim3A_1148 = vector.broadcast %broadcast_in_dim3A_1147 : i32 to vector<16xi32>
          tpu.vector_store_idx %arg6[%broadcast_in_dim3A_1111, %add3A_1114, %broadcast_in_dim3A_1148], %broadcast_in_dim3A_3 masked %eq3A_1110 : memref<16x50x32xf32, #tpu.memory_space<vmem>>[vector<16xi32>, vector<16xi32>, vector<16xi32>], vector<16xf32>, vector<16xi1>
          %broadcast_in_dim3A_1149 = arith.constant 17 : i32
          %broadcast_in_dim3A_1150 = vector.broadcast %broadcast_in_dim3A_1149 : i32 to vector<16xi32>
          tpu.vector_store_idx %arg6[%broadcast_in_dim3A_1111, %add3A_1114, %broadcast_in_dim3A_1150], %broadcast_in_dim3A_3 masked %eq3A_1110 : memref<16x50x32xf32, #tpu.memory_space<vmem>>[vector<16xi32>, vector<16xi32>, vector<16xi32>], vector<16xf32>, vector<16xi1>
          %broadcast_in_dim3A_1151 = arith.constant 18 : i32
          %broadcast_in_dim3A_1152 = vector.broadcast %broadcast_in_dim3A_1151 : i32 to vector<16xi32>
          tpu.vector_store_idx %arg6[%broadcast_in_dim3A_1111, %add3A_1114, %broadcast_in_dim3A_1152], %broadcast_in_dim3A_3 masked %eq3A_1110 : memref<16x50x32xf32, #tpu.memory_space<vmem>>[vector<16xi32>, vector<16xi32>, vector<16xi32>], vector<16xf32>, vector<16xi1>
          %broadcast_in_dim3A_1153 = arith.constant 19 : i32
          %broadcast_in_dim3A_1154 = vector.broadcast %broadcast_in_dim3A_1153 : i32 to vector<16xi32>
          tpu.vector_store_idx %arg6[%broadcast_in_dim3A_1111, %add3A_1114, %broadcast_in_dim3A_1154], %broadcast_in_dim3A_3 masked %eq3A_1110 : memref<16x50x32xf32, #tpu.memory_space<vmem>>[vector<16xi32>, vector<16xi32>, vector<16xi32>], vector<16xf32>, vector<16xi1>
          %broadcast_in_dim3A_1155 = arith.constant 20 : i32
          %broadcast_in_dim3A_1156 = vector.broadcast %broadcast_in_dim3A_1155 : i32 to vector<16xi32>
          tpu.vector_store_idx %arg6[%broadcast_in_dim3A_1111, %add3A_1114, %broadcast_in_dim3A_1156], %broadcast_in_dim3A_3 masked %eq3A_1110 : memref<16x50x32xf32, #tpu.memory_space<vmem>>[vector<16xi32>, vector<16xi32>, vector<16xi32>], vector<16xf32>, vector<16xi1>
          %broadcast_in_dim3A_1157 = arith.constant 21 : i32
          %broadcast_in_dim3A_1158 = vector.broadcast %broadcast_in_dim3A_1157 : i32 to vector<16xi32>
          tpu.vector_store_idx %arg6[%broadcast_in_dim3A_1111, %add3A_1114, %broadcast_in_dim3A_1158], %broadcast_in_dim3A_3 masked %eq3A_1110 : memref<16x50x32xf32, #tpu.memory_space<vmem>>[vector<16xi32>, vector<16xi32>, vector<16xi32>], vector<16xf32>, vector<16xi1>
          %broadcast_in_dim3A_1159 = arith.constant 22 : i32
          %broadcast_in_dim3A_1160 = vector.broadcast %broadcast_in_dim3A_1159 : i32 to vector<16xi32>
          tpu.vector_store_idx %arg6[%broadcast_in_dim3A_1111, %add3A_1114, %broadcast_in_dim3A_1160], %broadcast_in_dim3A_3 masked %eq3A_1110 : memref<16x50x32xf32, #tpu.memory_space<vmem>>[vector<16xi32>, vector<16xi32>, vector<16xi32>], vector<16xf32>, vector<16xi1>
          %broadcast_in_dim3A_1161 = arith.constant 23 : i32
          %broadcast_in_dim3A_1162 = vector.broadcast %broadcast_in_dim3A_1161 : i32 to vector<16xi32>
          tpu.vector_store_idx %arg6[%broadcast_in_dim3A_1111, %add3A_1114, %broadcast_in_dim3A_1162], %broadcast_in_dim3A_3 masked %eq3A_1110 : memref<16x50x32xf32, #tpu.memory_space<vmem>>[vector<16xi32>, vector<16xi32>, vector<16xi32>], vector<16xf32>, vector<16xi1>
          %broadcast_in_dim3A_1163 = arith.constant 24 : i32
          %broadcast_in_dim3A_1164 = vector.broadcast %broadcast_in_dim3A_1163 : i32 to vector<16xi32>
          tpu.vector_store_idx %arg6[%broadcast_in_dim3A_1111, %add3A_1114, %broadcast_in_dim3A_1164], %broadcast_in_dim3A_3 masked %eq3A_1110 : memref<16x50x32xf32, #tpu.memory_space<vmem>>[vector<16xi32>, vector<16xi32>, vector<16xi32>], vector<16xf32>, vector<16xi1>
          %broadcast_in_dim3A_1165 = arith.constant 25 : i32
          %broadcast_in_dim3A_1166 = vector.broadcast %broadcast_in_dim3A_1165 : i32 to vector<16xi32>
          tpu.vector_store_idx %arg6[%broadcast_in_dim3A_1111, %add3A_1114, %broadcast_in_dim3A_1166], %broadcast_in_dim3A_3 masked %eq3A_1110 : memref<16x50x32xf32, #tpu.memory_space<vmem>>[vector<16xi32>, vector<16xi32>, vector<16xi32>], vector<16xf32>, vector<16xi1>
          %broadcast_in_dim3A_1167 = arith.constant 26 : i32
          %broadcast_in_dim3A_1168 = vector.broadcast %broadcast_in_dim3A_1167 : i32 to vector<16xi32>
          tpu.vector_store_idx %arg6[%broadcast_in_dim3A_1111, %add3A_1114, %broadcast_in_dim3A_1168], %broadcast_in_dim3A_3 masked %eq3A_1110 : memref<16x50x32xf32, #tpu.memory_space<vmem>>[vector<16xi32>, vector<16xi32>, vector<16xi32>], vector<16xf32>, vector<16xi1>
          %broadcast_in_dim3A_1169 = arith.constant 27 : i32
          %broadcast_in_dim3A_1170 = vector.broadcast %broadcast_in_dim3A_1169 : i32 to vector<16xi32>
          tpu.vector_store_idx %arg6[%broadcast_in_dim3A_1111, %add3A_1114, %broadcast_in_dim3A_1170], %broadcast_in_dim3A_3 masked %eq3A_1110 : memref<16x50x32xf32, #tpu.memory_space<vmem>>[vector<16xi32>, vector<16xi32>, vector<16xi32>], vector<16xf32>, vector<16xi1>
          %broadcast_in_dim3A_1171 = arith.constant 28 : i32
          %broadcast_in_dim3A_1172 = vector.broadcast %broadcast_in_dim3A_1171 : i32 to vector<16xi32>
          tpu.vector_store_idx %arg6[%broadcast_in_dim3A_1111, %add3A_1114, %broadcast_in_dim3A_1172], %broadcast_in_dim3A_3 masked %eq3A_1110 : memref<16x50x32xf32, #tpu.memory_space<vmem>>[vector<16xi32>, vector<16xi32>, vector<16xi32>], vector<16xf32>, vector<16xi1>
          %broadcast_in_dim3A_1173 = arith.constant 29 : i32
          %broadcast_in_dim3A_1174 = vector.broadcast %broadcast_in_dim3A_1173 : i32 to vector<16xi32>
          tpu.vector_store_idx %arg6[%broadcast_in_dim3A_1111, %add3A_1114, %broadcast_in_dim3A_1174], %broadcast_in_dim3A_3 masked %eq3A_1110 : memref<16x50x32xf32, #tpu.memory_space<vmem>>[vector<16xi32>, vector<16xi32>, vector<16xi32>], vector<16xf32>, vector<16xi1>
          %broadcast_in_dim3A_1175 = arith.constant 30 : i32
          %broadcast_in_dim3A_1176 = vector.broadcast %broadcast_in_dim3A_1175 : i32 to vector<16xi32>
          tpu.vector_store_idx %arg6[%broadcast_in_dim3A_1111, %add3A_1114, %broadcast_in_dim3A_1176], %broadcast_in_dim3A_3 masked %eq3A_1110 : memref<16x50x32xf32, #tpu.memory_space<vmem>>[vector<16xi32>, vector<16xi32>, vector<16xi32>], vector<16xf32>, vector<16xi1>
          %broadcast_in_dim3A_1177 = arith.constant 31 : i32
          %broadcast_in_dim3A_1178 = vector.broadcast %broadcast_in_dim3A_1177 : i32 to vector<16xi32>
          tpu.vector_store_idx %arg6[%broadcast_in_dim3A_1111, %add3A_1114, %broadcast_in_dim3A_1178], %broadcast_in_dim3A_3 masked %eq3A_1110 : memref<16x50x32xf32, #tpu.memory_space<vmem>>[vector<16xi32>, vector<16xi32>, vector<16xi32>], vector<16xf32>, vector<16xi1>
          %eq3A_1179 = arith.constant 0 : i32
          %eq3A_1180 = vector.broadcast %eq3A_1179 : i32 to vector<16xi32>
          %eq3A_1181 = arith.cmpi eq, %get3A_988, %eq3A_1180 : vector<16xi32>
          %broadcast_in_dim3A_1182 = vector.broadcast %scan3A_979 : i32 to vector<16xi32>
          %add3A_1183 = arith.constant 16 : i32
          %add3A_1184 = vector.broadcast %add3A_1183 : i32 to vector<16xi32>
          %add3A_1185 = arith.addi %add3A_1184, %iota3A : vector<16xi32>
          %broadcast_in_dim3A_1186 = arith.constant 0 : i32
          %broadcast_in_dim3A_1187 = vector.broadcast %broadcast_in_dim3A_1186 : i32 to vector<16xi32>
          tpu.vector_store_idx %arg6[%broadcast_in_dim3A_1182, %add3A_1185, %broadcast_in_dim3A_1187], %broadcast_in_dim3A_3 masked %eq3A_1181 : memref<16x50x32xf32, #tpu.memory_space<vmem>>[vector<16xi32>, vector<16xi32>, vector<16xi32>], vector<16xf32>, vector<16xi1>
          %broadcast_in_dim3A_1188 = arith.constant 1 : i32
          %broadcast_in_dim3A_1189 = vector.broadcast %broadcast_in_dim3A_1188 : i32 to vector<16xi32>
          tpu.vector_store_idx %arg6[%broadcast_in_dim3A_1182, %add3A_1185, %broadcast_in_dim3A_1189], %broadcast_in_dim3A_3 masked %eq3A_1181 : memref<16x50x32xf32, #tpu.memory_space<vmem>>[vector<16xi32>, vector<16xi32>, vector<16xi32>], vector<16xf32>, vector<16xi1>
          %broadcast_in_dim3A_1190 = arith.constant 2 : i32
          %broadcast_in_dim3A_1191 = vector.broadcast %broadcast_in_dim3A_1190 : i32 to vector<16xi32>
          tpu.vector_store_idx %arg6[%broadcast_in_dim3A_1182, %add3A_1185, %broadcast_in_dim3A_1191], %broadcast_in_dim3A_3 masked %eq3A_1181 : memref<16x50x32xf32, #tpu.memory_space<vmem>>[vector<16xi32>, vector<16xi32>, vector<16xi32>], vector<16xf32>, vector<16xi1>
          %broadcast_in_dim3A_1192 = arith.constant 3 : i32
          %broadcast_in_dim3A_1193 = vector.broadcast %broadcast_in_dim3A_1192 : i32 to vector<16xi32>
          tpu.vector_store_idx %arg6[%broadcast_in_dim3A_1182, %add3A_1185, %broadcast_in_dim3A_1193], %broadcast_in_dim3A_3 masked %eq3A_1181 : memref<16x50x32xf32, #tpu.memory_space<vmem>>[vector<16xi32>, vector<16xi32>, vector<16xi32>], vector<16xf32>, vector<16xi1>
          %broadcast_in_dim3A_1194 = arith.constant 4 : i32
          %broadcast_in_dim3A_1195 = vector.broadcast %broadcast_in_dim3A_1194 : i32 to vector<16xi32>
          tpu.vector_store_idx %arg6[%broadcast_in_dim3A_1182, %add3A_1185, %broadcast_in_dim3A_1195], %broadcast_in_dim3A_3 masked %eq3A_1181 : memref<16x50x32xf32, #tpu.memory_space<vmem>>[vector<16xi32>, vector<16xi32>, vector<16xi32>], vector<16xf32>, vector<16xi1>
          %broadcast_in_dim3A_1196 = arith.constant 5 : i32
          %broadcast_in_dim3A_1197 = vector.broadcast %broadcast_in_dim3A_1196 : i32 to vector<16xi32>
          tpu.vector_store_idx %arg6[%broadcast_in_dim3A_1182, %add3A_1185, %broadcast_in_dim3A_1197], %broadcast_in_dim3A_3 masked %eq3A_1181 : memref<16x50x32xf32, #tpu.memory_space<vmem>>[vector<16xi32>, vector<16xi32>, vector<16xi32>], vector<16xf32>, vector<16xi1>
          %broadcast_in_dim3A_1198 = arith.constant 6 : i32
          %broadcast_in_dim3A_1199 = vector.broadcast %broadcast_in_dim3A_1198 : i32 to vector<16xi32>
          tpu.vector_store_idx %arg6[%broadcast_in_dim3A_1182, %add3A_1185, %broadcast_in_dim3A_1199], %broadcast_in_dim3A_3 masked %eq3A_1181 : memref<16x50x32xf32, #tpu.memory_space<vmem>>[vector<16xi32>, vector<16xi32>, vector<16xi32>], vector<16xf32>, vector<16xi1>
          %broadcast_in_dim3A_1200 = arith.constant 7 : i32
          %broadcast_in_dim3A_1201 = vector.broadcast %broadcast_in_dim3A_1200 : i32 to vector<16xi32>
          tpu.vector_store_idx %arg6[%broadcast_in_dim3A_1182, %add3A_1185, %broadcast_in_dim3A_1201], %broadcast_in_dim3A_3 masked %eq3A_1181 : memref<16x50x32xf32, #tpu.memory_space<vmem>>[vector<16xi32>, vector<16xi32>, vector<16xi32>], vector<16xf32>, vector<16xi1>
          %broadcast_in_dim3A_1202 = arith.constant 8 : i32
          %broadcast_in_dim3A_1203 = vector.broadcast %broadcast_in_dim3A_1202 : i32 to vector<16xi32>
          tpu.vector_store_idx %arg6[%broadcast_in_dim3A_1182, %add3A_1185, %broadcast_in_dim3A_1203], %broadcast_in_dim3A_3 masked %eq3A_1181 : memref<16x50x32xf32, #tpu.memory_space<vmem>>[vector<16xi32>, vector<16xi32>, vector<16xi32>], vector<16xf32>, vector<16xi1>
          %broadcast_in_dim3A_1204 = arith.constant 9 : i32
          %broadcast_in_dim3A_1205 = vector.broadcast %broadcast_in_dim3A_1204 : i32 to vector<16xi32>
          tpu.vector_store_idx %arg6[%broadcast_in_dim3A_1182, %add3A_1185, %broadcast_in_dim3A_1205], %broadcast_in_dim3A_3 masked %eq3A_1181 : memref<16x50x32xf32, #tpu.memory_space<vmem>>[vector<16xi32>, vector<16xi32>, vector<16xi32>], vector<16xf32>, vector<16xi1>
          %broadcast_in_dim3A_1206 = arith.constant 10 : i32
          %broadcast_in_dim3A_1207 = vector.broadcast %broadcast_in_dim3A_1206 : i32 to vector<16xi32>
          tpu.vector_store_idx %arg6[%broadcast_in_dim3A_1182, %add3A_1185, %broadcast_in_dim3A_1207], %broadcast_in_dim3A_3 masked %eq3A_1181 : memref<16x50x32xf32, #tpu.memory_space<vmem>>[vector<16xi32>, vector<16xi32>, vector<16xi32>], vector<16xf32>, vector<16xi1>
          %broadcast_in_dim3A_1208 = arith.constant 11 : i32
          %broadcast_in_dim3A_1209 = vector.broadcast %broadcast_in_dim3A_1208 : i32 to vector<16xi32>
          tpu.vector_store_idx %arg6[%broadcast_in_dim3A_1182, %add3A_1185, %broadcast_in_dim3A_1209], %broadcast_in_dim3A_3 masked %eq3A_1181 : memref<16x50x32xf32, #tpu.memory_space<vmem>>[vector<16xi32>, vector<16xi32>, vector<16xi32>], vector<16xf32>, vector<16xi1>
          %broadcast_in_dim3A_1210 = arith.constant 12 : i32
          %broadcast_in_dim3A_1211 = vector.broadcast %broadcast_in_dim3A_1210 : i32 to vector<16xi32>
          tpu.vector_store_idx %arg6[%broadcast_in_dim3A_1182, %add3A_1185, %broadcast_in_dim3A_1211], %broadcast_in_dim3A_3 masked %eq3A_1181 : memref<16x50x32xf32, #tpu.memory_space<vmem>>[vector<16xi32>, vector<16xi32>, vector<16xi32>], vector<16xf32>, vector<16xi1>
          %broadcast_in_dim3A_1212 = arith.constant 13 : i32
          %broadcast_in_dim3A_1213 = vector.broadcast %broadcast_in_dim3A_1212 : i32 to vector<16xi32>
          tpu.vector_store_idx %arg6[%broadcast_in_dim3A_1182, %add3A_1185, %broadcast_in_dim3A_1213], %broadcast_in_dim3A_3 masked %eq3A_1181 : memref<16x50x32xf32, #tpu.memory_space<vmem>>[vector<16xi32>, vector<16xi32>, vector<16xi32>], vector<16xf32>, vector<16xi1>
          %broadcast_in_dim3A_1214 = arith.constant 14 : i32
          %broadcast_in_dim3A_1215 = vector.broadcast %broadcast_in_dim3A_1214 : i32 to vector<16xi32>
          tpu.vector_store_idx %arg6[%broadcast_in_dim3A_1182, %add3A_1185, %broadcast_in_dim3A_1215], %broadcast_in_dim3A_3 masked %eq3A_1181 : memref<16x50x32xf32, #tpu.memory_space<vmem>>[vector<16xi32>, vector<16xi32>, vector<16xi32>], vector<16xf32>, vector<16xi1>
          %broadcast_in_dim3A_1216 = arith.constant 15 : i32
          %broadcast_in_dim3A_1217 = vector.broadcast %broadcast_in_dim3A_1216 : i32 to vector<16xi32>
          tpu.vector_store_idx %arg6[%broadcast_in_dim3A_1182, %add3A_1185, %broadcast_in_dim3A_1217], %broadcast_in_dim3A_3 masked %eq3A_1181 : memref<16x50x32xf32, #tpu.memory_space<vmem>>[vector<16xi32>, vector<16xi32>, vector<16xi32>], vector<16xf32>, vector<16xi1>
          %broadcast_in_dim3A_1218 = arith.constant 16 : i32
          %broadcast_in_dim3A_1219 = vector.broadcast %broadcast_in_dim3A_1218 : i32 to vector<16xi32>
          tpu.vector_store_idx %arg6[%broadcast_in_dim3A_1182, %add3A_1185, %broadcast_in_dim3A_1219], %broadcast_in_dim3A_3 masked %eq3A_1181 : memref<16x50x32xf32, #tpu.memory_space<vmem>>[vector<16xi32>, vector<16xi32>, vector<16xi32>], vector<16xf32>, vector<16xi1>
          %broadcast_in_dim3A_1220 = arith.constant 17 : i32
          %broadcast_in_dim3A_1221 = vector.broadcast %broadcast_in_dim3A_1220 : i32 to vector<16xi32>
          tpu.vector_store_idx %arg6[%broadcast_in_dim3A_1182, %add3A_1185, %broadcast_in_dim3A_1221], %broadcast_in_dim3A_3 masked %eq3A_1181 : memref<16x50x32xf32, #tpu.memory_space<vmem>>[vector<16xi32>, vector<16xi32>, vector<16xi32>], vector<16xf32>, vector<16xi1>
          %broadcast_in_dim3A_1222 = arith.constant 18 : i32
          %broadcast_in_dim3A_1223 = vector.broadcast %broadcast_in_dim3A_1222 : i32 to vector<16xi32>
          tpu.vector_store_idx %arg6[%broadcast_in_dim3A_1182, %add3A_1185, %broadcast_in_dim3A_1223], %broadcast_in_dim3A_3 masked %eq3A_1181 : memref<16x50x32xf32, #tpu.memory_space<vmem>>[vector<16xi32>, vector<16xi32>, vector<16xi32>], vector<16xf32>, vector<16xi1>
          %broadcast_in_dim3A_1224 = arith.constant 19 : i32
          %broadcast_in_dim3A_1225 = vector.broadcast %broadcast_in_dim3A_1224 : i32 to vector<16xi32>
          tpu.vector_store_idx %arg6[%broadcast_in_dim3A_1182, %add3A_1185, %broadcast_in_dim3A_1225], %broadcast_in_dim3A_3 masked %eq3A_1181 : memref<16x50x32xf32, #tpu.memory_space<vmem>>[vector<16xi32>, vector<16xi32>, vector<16xi32>], vector<16xf32>, vector<16xi1>
          %broadcast_in_dim3A_1226 = arith.constant 20 : i32
          %broadcast_in_dim3A_1227 = vector.broadcast %broadcast_in_dim3A_1226 : i32 to vector<16xi32>
          tpu.vector_store_idx %arg6[%broadcast_in_dim3A_1182, %add3A_1185, %broadcast_in_dim3A_1227], %broadcast_in_dim3A_3 masked %eq3A_1181 : memref<16x50x32xf32, #tpu.memory_space<vmem>>[vector<16xi32>, vector<16xi32>, vector<16xi32>], vector<16xf32>, vector<16xi1>
          %broadcast_in_dim3A_1228 = arith.constant 21 : i32
          %broadcast_in_dim3A_1229 = vector.broadcast %broadcast_in_dim3A_1228 : i32 to vector<16xi32>
          tpu.vector_store_idx %arg6[%broadcast_in_dim3A_1182, %add3A_1185, %broadcast_in_dim3A_1229], %broadcast_in_dim3A_3 masked %eq3A_1181 : memref<16x50x32xf32, #tpu.memory_space<vmem>>[vector<16xi32>, vector<16xi32>, vector<16xi32>], vector<16xf32>, vector<16xi1>
          %broadcast_in_dim3A_1230 = arith.constant 22 : i32
          %broadcast_in_dim3A_1231 = vector.broadcast %broadcast_in_dim3A_1230 : i32 to vector<16xi32>
          tpu.vector_store_idx %arg6[%broadcast_in_dim3A_1182, %add3A_1185, %broadcast_in_dim3A_1231], %broadcast_in_dim3A_3 masked %eq3A_1181 : memref<16x50x32xf32, #tpu.memory_space<vmem>>[vector<16xi32>, vector<16xi32>, vector<16xi32>], vector<16xf32>, vector<16xi1>
          %broadcast_in_dim3A_1232 = arith.constant 23 : i32
          %broadcast_in_dim3A_1233 = vector.broadcast %broadcast_in_dim3A_1232 : i32 to vector<16xi32>
          tpu.vector_store_idx %arg6[%broadcast_in_dim3A_1182, %add3A_1185, %broadcast_in_dim3A_1233], %broadcast_in_dim3A_3 masked %eq3A_1181 : memref<16x50x32xf32, #tpu.memory_space<vmem>>[vector<16xi32>, vector<16xi32>, vector<16xi32>], vector<16xf32>, vector<16xi1>
          %broadcast_in_dim3A_1234 = arith.constant 24 : i32
          %broadcast_in_dim3A_1235 = vector.broadcast %broadcast_in_dim3A_1234 : i32 to vector<16xi32>
          tpu.vector_store_idx %arg6[%broadcast_in_dim3A_1182, %add3A_1185, %broadcast_in_dim3A_1235], %broadcast_in_dim3A_3 masked %eq3A_1181 : memref<16x50x32xf32, #tpu.memory_space<vmem>>[vector<16xi32>, vector<16xi32>, vector<16xi32>], vector<16xf32>, vector<16xi1>
          %broadcast_in_dim3A_1236 = arith.constant 25 : i32
          %broadcast_in_dim3A_1237 = vector.broadcast %broadcast_in_dim3A_1236 : i32 to vector<16xi32>
          tpu.vector_store_idx %arg6[%broadcast_in_dim3A_1182, %add3A_1185, %broadcast_in_dim3A_1237], %broadcast_in_dim3A_3 masked %eq3A_1181 : memref<16x50x32xf32, #tpu.memory_space<vmem>>[vector<16xi32>, vector<16xi32>, vector<16xi32>], vector<16xf32>, vector<16xi1>
          %broadcast_in_dim3A_1238 = arith.constant 26 : i32
          %broadcast_in_dim3A_1239 = vector.broadcast %broadcast_in_dim3A_1238 : i32 to vector<16xi32>
          tpu.vector_store_idx %arg6[%broadcast_in_dim3A_1182, %add3A_1185, %broadcast_in_dim3A_1239], %broadcast_in_dim3A_3 masked %eq3A_1181 : memref<16x50x32xf32, #tpu.memory_space<vmem>>[vector<16xi32>, vector<16xi32>, vector<16xi32>], vector<16xf32>, vector<16xi1>
          %broadcast_in_dim3A_1240 = arith.constant 27 : i32
          %broadcast_in_dim3A_1241 = vector.broadcast %broadcast_in_dim3A_1240 : i32 to vector<16xi32>
          tpu.vector_store_idx %arg6[%broadcast_in_dim3A_1182, %add3A_1185, %broadcast_in_dim3A_1241], %broadcast_in_dim3A_3 masked %eq3A_1181 : memref<16x50x32xf32, #tpu.memory_space<vmem>>[vector<16xi32>, vector<16xi32>, vector<16xi32>], vector<16xf32>, vector<16xi1>
          %broadcast_in_dim3A_1242 = arith.constant 28 : i32
          %broadcast_in_dim3A_1243 = vector.broadcast %broadcast_in_dim3A_1242 : i32 to vector<16xi32>
          tpu.vector_store_idx %arg6[%broadcast_in_dim3A_1182, %add3A_1185, %broadcast_in_dim3A_1243], %broadcast_in_dim3A_3 masked %eq3A_1181 : memref<16x50x32xf32, #tpu.memory_space<vmem>>[vector<16xi32>, vector<16xi32>, vector<16xi32>], vector<16xf32>, vector<16xi1>
          %broadcast_in_dim3A_1244 = arith.constant 29 : i32
          %broadcast_in_dim3A_1245 = vector.broadcast %broadcast_in_dim3A_1244 : i32 to vector<16xi32>
          tpu.vector_store_idx %arg6[%broadcast_in_dim3A_1182, %add3A_1185, %broadcast_in_dim3A_1245], %broadcast_in_dim3A_3 masked %eq3A_1181 : memref<16x50x32xf32, #tpu.memory_space<vmem>>[vector<16xi32>, vector<16xi32>, vector<16xi32>], vector<16xf32>, vector<16xi1>
          %broadcast_in_dim3A_1246 = arith.constant 30 : i32
          %broadcast_in_dim3A_1247 = vector.broadcast %broadcast_in_dim3A_1246 : i32 to vector<16xi32>
          tpu.vector_store_idx %arg6[%broadcast_in_dim3A_1182, %add3A_1185, %broadcast_in_dim3A_1247], %broadcast_in_dim3A_3 masked %eq3A_1181 : memref<16x50x32xf32, #tpu.memory_space<vmem>>[vector<16xi32>, vector<16xi32>, vector<16xi32>], vector<16xf32>, vector<16xi1>
          %broadcast_in_dim3A_1248 = arith.constant 31 : i32
          %broadcast_in_dim3A_1249 = vector.broadcast %broadcast_in_dim3A_1248 : i32 to vector<16xi32>
          tpu.vector_store_idx %arg6[%broadcast_in_dim3A_1182, %add3A_1185, %broadcast_in_dim3A_1249], %broadcast_in_dim3A_3 masked %eq3A_1181 : memref<16x50x32xf32, #tpu.memory_space<vmem>>[vector<16xi32>, vector<16xi32>, vector<16xi32>], vector<16xf32>, vector<16xi1>
          %eq3A_1250 = arith.constant 0 : i32
          %eq3A_1251 = vector.broadcast %eq3A_1250 : i32 to vector<16xi32>
          %eq3A_1252 = arith.cmpi eq, %get3A_991, %eq3A_1251 : vector<16xi32>
          %broadcast_in_dim3A_1253 = vector.broadcast %scan3A_979 : i32 to vector<16xi32>
          %add3A_1254 = arith.constant 34 : i32
          %add3A_1255 = vector.broadcast %add3A_1254 : i32 to vector<16xi32>
          %add3A_1256 = arith.addi %add3A_1255, %iota3A : vector<16xi32>
          %broadcast_in_dim3A_1257 = arith.constant 0 : i32
          %broadcast_in_dim3A_1258 = vector.broadcast %broadcast_in_dim3A_1257 : i32 to vector<16xi32>
          tpu.vector_store_idx %arg6[%broadcast_in_dim3A_1253, %add3A_1256, %broadcast_in_dim3A_1258], %broadcast_in_dim3A_3 masked %eq3A_1252 : memref<16x50x32xf32, #tpu.memory_space<vmem>>[vector<16xi32>, vector<16xi32>, vector<16xi32>], vector<16xf32>, vector<16xi1>
          %broadcast_in_dim3A_1259 = arith.constant 1 : i32
          %broadcast_in_dim3A_1260 = vector.broadcast %broadcast_in_dim3A_1259 : i32 to vector<16xi32>
          tpu.vector_store_idx %arg6[%broadcast_in_dim3A_1253, %add3A_1256, %broadcast_in_dim3A_1260], %broadcast_in_dim3A_3 masked %eq3A_1252 : memref<16x50x32xf32, #tpu.memory_space<vmem>>[vector<16xi32>, vector<16xi32>, vector<16xi32>], vector<16xf32>, vector<16xi1>
          %broadcast_in_dim3A_1261 = arith.constant 2 : i32
          %broadcast_in_dim3A_1262 = vector.broadcast %broadcast_in_dim3A_1261 : i32 to vector<16xi32>
          tpu.vector_store_idx %arg6[%broadcast_in_dim3A_1253, %add3A_1256, %broadcast_in_dim3A_1262], %broadcast_in_dim3A_3 masked %eq3A_1252 : memref<16x50x32xf32, #tpu.memory_space<vmem>>[vector<16xi32>, vector<16xi32>, vector<16xi32>], vector<16xf32>, vector<16xi1>
          %broadcast_in_dim3A_1263 = arith.constant 3 : i32
          %broadcast_in_dim3A_1264 = vector.broadcast %broadcast_in_dim3A_1263 : i32 to vector<16xi32>
          tpu.vector_store_idx %arg6[%broadcast_in_dim3A_1253, %add3A_1256, %broadcast_in_dim3A_1264], %broadcast_in_dim3A_3 masked %eq3A_1252 : memref<16x50x32xf32, #tpu.memory_space<vmem>>[vector<16xi32>, vector<16xi32>, vector<16xi32>], vector<16xf32>, vector<16xi1>
          %broadcast_in_dim3A_1265 = arith.constant 4 : i32
          %broadcast_in_dim3A_1266 = vector.broadcast %broadcast_in_dim3A_1265 : i32 to vector<16xi32>
          tpu.vector_store_idx %arg6[%broadcast_in_dim3A_1253, %add3A_1256, %broadcast_in_dim3A_1266], %broadcast_in_dim3A_3 masked %eq3A_1252 : memref<16x50x32xf32, #tpu.memory_space<vmem>>[vector<16xi32>, vector<16xi32>, vector<16xi32>], vector<16xf32>, vector<16xi1>
          %broadcast_in_dim3A_1267 = arith.constant 5 : i32
          %broadcast_in_dim3A_1268 = vector.broadcast %broadcast_in_dim3A_1267 : i32 to vector<16xi32>
          tpu.vector_store_idx %arg6[%broadcast_in_dim3A_1253, %add3A_1256, %broadcast_in_dim3A_1268], %broadcast_in_dim3A_3 masked %eq3A_1252 : memref<16x50x32xf32, #tpu.memory_space<vmem>>[vector<16xi32>, vector<16xi32>, vector<16xi32>], vector<16xf32>, vector<16xi1>
          %broadcast_in_dim3A_1269 = arith.constant 6 : i32
          %broadcast_in_dim3A_1270 = vector.broadcast %broadcast_in_dim3A_1269 : i32 to vector<16xi32>
          tpu.vector_store_idx %arg6[%broadcast_in_dim3A_1253, %add3A_1256, %broadcast_in_dim3A_1270], %broadcast_in_dim3A_3 masked %eq3A_1252 : memref<16x50x32xf32, #tpu.memory_space<vmem>>[vector<16xi32>, vector<16xi32>, vector<16xi32>], vector<16xf32>, vector<16xi1>
          %broadcast_in_dim3A_1271 = arith.constant 7 : i32
          %broadcast_in_dim3A_1272 = vector.broadcast %broadcast_in_dim3A_1271 : i32 to vector<16xi32>
          tpu.vector_store_idx %arg6[%broadcast_in_dim3A_1253, %add3A_1256, %broadcast_in_dim3A_1272], %broadcast_in_dim3A_3 masked %eq3A_1252 : memref<16x50x32xf32, #tpu.memory_space<vmem>>[vector<16xi32>, vector<16xi32>, vector<16xi32>], vector<16xf32>, vector<16xi1>
          %broadcast_in_dim3A_1273 = arith.constant 8 : i32
          %broadcast_in_dim3A_1274 = vector.broadcast %broadcast_in_dim3A_1273 : i32 to vector<16xi32>
          tpu.vector_store_idx %arg6[%broadcast_in_dim3A_1253, %add3A_1256, %broadcast_in_dim3A_1274], %broadcast_in_dim3A_3 masked %eq3A_1252 : memref<16x50x32xf32, #tpu.memory_space<vmem>>[vector<16xi32>, vector<16xi32>, vector<16xi32>], vector<16xf32>, vector<16xi1>
          %broadcast_in_dim3A_1275 = arith.constant 9 : i32
          %broadcast_in_dim3A_1276 = vector.broadcast %broadcast_in_dim3A_1275 : i32 to vector<16xi32>
          tpu.vector_store_idx %arg6[%broadcast_in_dim3A_1253, %add3A_1256, %broadcast_in_dim3A_1276], %broadcast_in_dim3A_3 masked %eq3A_1252 : memref<16x50x32xf32, #tpu.memory_space<vmem>>[vector<16xi32>, vector<16xi32>, vector<16xi32>], vector<16xf32>, vector<16xi1>
          %broadcast_in_dim3A_1277 = arith.constant 10 : i32
          %broadcast_in_dim3A_1278 = vector.broadcast %broadcast_in_dim3A_1277 : i32 to vector<16xi32>
          tpu.vector_store_idx %arg6[%broadcast_in_dim3A_1253, %add3A_1256, %broadcast_in_dim3A_1278], %broadcast_in_dim3A_3 masked %eq3A_1252 : memref<16x50x32xf32, #tpu.memory_space<vmem>>[vector<16xi32>, vector<16xi32>, vector<16xi32>], vector<16xf32>, vector<16xi1>
          %broadcast_in_dim3A_1279 = arith.constant 11 : i32
          %broadcast_in_dim3A_1280 = vector.broadcast %broadcast_in_dim3A_1279 : i32 to vector<16xi32>
          tpu.vector_store_idx %arg6[%broadcast_in_dim3A_1253, %add3A_1256, %broadcast_in_dim3A_1280], %broadcast_in_dim3A_3 masked %eq3A_1252 : memref<16x50x32xf32, #tpu.memory_space<vmem>>[vector<16xi32>, vector<16xi32>, vector<16xi32>], vector<16xf32>, vector<16xi1>
          %broadcast_in_dim3A_1281 = arith.constant 12 : i32
          %broadcast_in_dim3A_1282 = vector.broadcast %broadcast_in_dim3A_1281 : i32 to vector<16xi32>
          tpu.vector_store_idx %arg6[%broadcast_in_dim3A_1253, %add3A_1256, %broadcast_in_dim3A_1282], %broadcast_in_dim3A_3 masked %eq3A_1252 : memref<16x50x32xf32, #tpu.memory_space<vmem>>[vector<16xi32>, vector<16xi32>, vector<16xi32>], vector<16xf32>, vector<16xi1>
          %broadcast_in_dim3A_1283 = arith.constant 13 : i32
          %broadcast_in_dim3A_1284 = vector.broadcast %broadcast_in_dim3A_1283 : i32 to vector<16xi32>
          tpu.vector_store_idx %arg6[%broadcast_in_dim3A_1253, %add3A_1256, %broadcast_in_dim3A_1284], %broadcast_in_dim3A_3 masked %eq3A_1252 : memref<16x50x32xf32, #tpu.memory_space<vmem>>[vector<16xi32>, vector<16xi32>, vector<16xi32>], vector<16xf32>, vector<16xi1>
          %broadcast_in_dim3A_1285 = arith.constant 14 : i32
          %broadcast_in_dim3A_1286 = vector.broadcast %broadcast_in_dim3A_1285 : i32 to vector<16xi32>
          tpu.vector_store_idx %arg6[%broadcast_in_dim3A_1253, %add3A_1256, %broadcast_in_dim3A_1286], %broadcast_in_dim3A_3 masked %eq3A_1252 : memref<16x50x32xf32, #tpu.memory_space<vmem>>[vector<16xi32>, vector<16xi32>, vector<16xi32>], vector<16xf32>, vector<16xi1>
          %broadcast_in_dim3A_1287 = arith.constant 15 : i32
          %broadcast_in_dim3A_1288 = vector.broadcast %broadcast_in_dim3A_1287 : i32 to vector<16xi32>
          tpu.vector_store_idx %arg6[%broadcast_in_dim3A_1253, %add3A_1256, %broadcast_in_dim3A_1288], %broadcast_in_dim3A_3 masked %eq3A_1252 : memref<16x50x32xf32, #tpu.memory_space<vmem>>[vector<16xi32>, vector<16xi32>, vector<16xi32>], vector<16xf32>, vector<16xi1>
          %broadcast_in_dim3A_1289 = arith.constant 16 : i32
          %broadcast_in_dim3A_1290 = vector.broadcast %broadcast_in_dim3A_1289 : i32 to vector<16xi32>
          tpu.vector_store_idx %arg6[%broadcast_in_dim3A_1253, %add3A_1256, %broadcast_in_dim3A_1290], %broadcast_in_dim3A_3 masked %eq3A_1252 : memref<16x50x32xf32, #tpu.memory_space<vmem>>[vector<16xi32>, vector<16xi32>, vector<16xi32>], vector<16xf32>, vector<16xi1>
          %broadcast_in_dim3A_1291 = arith.constant 17 : i32
          %broadcast_in_dim3A_1292 = vector.broadcast %broadcast_in_dim3A_1291 : i32 to vector<16xi32>
          tpu.vector_store_idx %arg6[%broadcast_in_dim3A_1253, %add3A_1256, %broadcast_in_dim3A_1292], %broadcast_in_dim3A_3 masked %eq3A_1252 : memref<16x50x32xf32, #tpu.memory_space<vmem>>[vector<16xi32>, vector<16xi32>, vector<16xi32>], vector<16xf32>, vector<16xi1>
          %broadcast_in_dim3A_1293 = arith.constant 18 : i32
          %broadcast_in_dim3A_1294 = vector.broadcast %broadcast_in_dim3A_1293 : i32 to vector<16xi32>
          tpu.vector_store_idx %arg6[%broadcast_in_dim3A_1253, %add3A_1256, %broadcast_in_dim3A_1294], %broadcast_in_dim3A_3 masked %eq3A_1252 : memref<16x50x32xf32, #tpu.memory_space<vmem>>[vector<16xi32>, vector<16xi32>, vector<16xi32>], vector<16xf32>, vector<16xi1>
          %broadcast_in_dim3A_1295 = arith.constant 19 : i32
          %broadcast_in_dim3A_1296 = vector.broadcast %broadcast_in_dim3A_1295 : i32 to vector<16xi32>
          tpu.vector_store_idx %arg6[%broadcast_in_dim3A_1253, %add3A_1256, %broadcast_in_dim3A_1296], %broadcast_in_dim3A_3 masked %eq3A_1252 : memref<16x50x32xf32, #tpu.memory_space<vmem>>[vector<16xi32>, vector<16xi32>, vector<16xi32>], vector<16xf32>, vector<16xi1>
          %broadcast_in_dim3A_1297 = arith.constant 20 : i32
          %broadcast_in_dim3A_1298 = vector.broadcast %broadcast_in_dim3A_1297 : i32 to vector<16xi32>
          tpu.vector_store_idx %arg6[%broadcast_in_dim3A_1253, %add3A_1256, %broadcast_in_dim3A_1298], %broadcast_in_dim3A_3 masked %eq3A_1252 : memref<16x50x32xf32, #tpu.memory_space<vmem>>[vector<16xi32>, vector<16xi32>, vector<16xi32>], vector<16xf32>, vector<16xi1>
          %broadcast_in_dim3A_1299 = arith.constant 21 : i32
          %broadcast_in_dim3A_1300 = vector.broadcast %broadcast_in_dim3A_1299 : i32 to vector<16xi32>
          tpu.vector_store_idx %arg6[%broadcast_in_dim3A_1253, %add3A_1256, %broadcast_in_dim3A_1300], %broadcast_in_dim3A_3 masked %eq3A_1252 : memref<16x50x32xf32, #tpu.memory_space<vmem>>[vector<16xi32>, vector<16xi32>, vector<16xi32>], vector<16xf32>, vector<16xi1>
          %broadcast_in_dim3A_1301 = arith.constant 22 : i32
          %broadcast_in_dim3A_1302 = vector.broadcast %broadcast_in_dim3A_1301 : i32 to vector<16xi32>
          tpu.vector_store_idx %arg6[%broadcast_in_dim3A_1253, %add3A_1256, %broadcast_in_dim3A_1302], %broadcast_in_dim3A_3 masked %eq3A_1252 : memref<16x50x32xf32, #tpu.memory_space<vmem>>[vector<16xi32>, vector<16xi32>, vector<16xi32>], vector<16xf32>, vector<16xi1>
          %broadcast_in_dim3A_1303 = arith.constant 23 : i32
          %broadcast_in_dim3A_1304 = vector.broadcast %broadcast_in_dim3A_1303 : i32 to vector<16xi32>
          tpu.vector_store_idx %arg6[%broadcast_in_dim3A_1253, %add3A_1256, %broadcast_in_dim3A_1304], %broadcast_in_dim3A_3 masked %eq3A_1252 : memref<16x50x32xf32, #tpu.memory_space<vmem>>[vector<16xi32>, vector<16xi32>, vector<16xi32>], vector<16xf32>, vector<16xi1>
          %broadcast_in_dim3A_1305 = arith.constant 24 : i32
          %broadcast_in_dim3A_1306 = vector.broadcast %broadcast_in_dim3A_1305 : i32 to vector<16xi32>
          tpu.vector_store_idx %arg6[%broadcast_in_dim3A_1253, %add3A_1256, %broadcast_in_dim3A_1306], %broadcast_in_dim3A_3 masked %eq3A_1252 : memref<16x50x32xf32, #tpu.memory_space<vmem>>[vector<16xi32>, vector<16xi32>, vector<16xi32>], vector<16xf32>, vector<16xi1>
          %broadcast_in_dim3A_1307 = arith.constant 25 : i32
          %broadcast_in_dim3A_1308 = vector.broadcast %broadcast_in_dim3A_1307 : i32 to vector<16xi32>
          tpu.vector_store_idx %arg6[%broadcast_in_dim3A_1253, %add3A_1256, %broadcast_in_dim3A_1308], %broadcast_in_dim3A_3 masked %eq3A_1252 : memref<16x50x32xf32, #tpu.memory_space<vmem>>[vector<16xi32>, vector<16xi32>, vector<16xi32>], vector<16xf32>, vector<16xi1>
          %broadcast_in_dim3A_1309 = arith.constant 26 : i32
          %broadcast_in_dim3A_1310 = vector.broadcast %broadcast_in_dim3A_1309 : i32 to vector<16xi32>
          tpu.vector_store_idx %arg6[%broadcast_in_dim3A_1253, %add3A_1256, %broadcast_in_dim3A_1310], %broadcast_in_dim3A_3 masked %eq3A_1252 : memref<16x50x32xf32, #tpu.memory_space<vmem>>[vector<16xi32>, vector<16xi32>, vector<16xi32>], vector<16xf32>, vector<16xi1>
          %broadcast_in_dim3A_1311 = arith.constant 27 : i32
          %broadcast_in_dim3A_1312 = vector.broadcast %broadcast_in_dim3A_1311 : i32 to vector<16xi32>
          tpu.vector_store_idx %arg6[%broadcast_in_dim3A_1253, %add3A_1256, %broadcast_in_dim3A_1312], %broadcast_in_dim3A_3 masked %eq3A_1252 : memref<16x50x32xf32, #tpu.memory_space<vmem>>[vector<16xi32>, vector<16xi32>, vector<16xi32>], vector<16xf32>, vector<16xi1>
          %broadcast_in_dim3A_1313 = arith.constant 28 : i32
          %broadcast_in_dim3A_1314 = vector.broadcast %broadcast_in_dim3A_1313 : i32 to vector<16xi32>
          tpu.vector_store_idx %arg6[%broadcast_in_dim3A_1253, %add3A_1256, %broadcast_in_dim3A_1314], %broadcast_in_dim3A_3 masked %eq3A_1252 : memref<16x50x32xf32, #tpu.memory_space<vmem>>[vector<16xi32>, vector<16xi32>, vector<16xi32>], vector<16xf32>, vector<16xi1>
          %broadcast_in_dim3A_1315 = arith.constant 29 : i32
          %broadcast_in_dim3A_1316 = vector.broadcast %broadcast_in_dim3A_1315 : i32 to vector<16xi32>
          tpu.vector_store_idx %arg6[%broadcast_in_dim3A_1253, %add3A_1256, %broadcast_in_dim3A_1316], %broadcast_in_dim3A_3 masked %eq3A_1252 : memref<16x50x32xf32, #tpu.memory_space<vmem>>[vector<16xi32>, vector<16xi32>, vector<16xi32>], vector<16xf32>, vector<16xi1>
          %broadcast_in_dim3A_1317 = arith.constant 30 : i32
          %broadcast_in_dim3A_1318 = vector.broadcast %broadcast_in_dim3A_1317 : i32 to vector<16xi32>
          tpu.vector_store_idx %arg6[%broadcast_in_dim3A_1253, %add3A_1256, %broadcast_in_dim3A_1318], %broadcast_in_dim3A_3 masked %eq3A_1252 : memref<16x50x32xf32, #tpu.memory_space<vmem>>[vector<16xi32>, vector<16xi32>, vector<16xi32>], vector<16xf32>, vector<16xi1>
          %broadcast_in_dim3A_1319 = arith.constant 31 : i32
          %broadcast_in_dim3A_1320 = vector.broadcast %broadcast_in_dim3A_1319 : i32 to vector<16xi32>
          tpu.vector_store_idx %arg6[%broadcast_in_dim3A_1253, %add3A_1256, %broadcast_in_dim3A_1320], %broadcast_in_dim3A_3 masked %eq3A_1252 : memref<16x50x32xf32, #tpu.memory_space<vmem>>[vector<16xi32>, vector<16xi32>, vector<16xi32>], vector<16xf32>, vector<16xi1>
        } else {
        }
        %scan3A_1107 = arith.constant 0 : i32
        scf.yield %scan3A_1107 : i32
      }
      %scan3A_702 = arith.constant 16 : i32
      %mul3A_703 = arith.constant 16 : i32
      %mul3A_704 = arith.muli %mul3A_209, %mul3A_703 : i32
      %add3A_705 = arith.addi %mul3A_2, %mul3A_704 : i32
      %dma_start3A_706 = arith.constant 0 : i32
      %dma_start3A_707 = arith.constant 0 : i32
      %dma_start3A_708 = tpu.memref_slice %arg4[%add3A_705, %dma_start3A_706, %dma_start3A_707] : memref<16384x50x32xf32, #tpu.memory_space<hbm>> -> memref<16x50x32xf32, #tpu.memory_space<hbm>>
      %dma_start3A_709 = arith.constant 0 : i32
      %dma_start3A_710 = arith.constant 0 : i32
      %dma_start3A_711 = tpu.memref_slice %arg4[%add3A_705, %dma_start3A_709, %dma_start3A_710] : memref<16384x50x32xf32, #tpu.memory_space<hbm>> -> memref<16x50x32xf32, #tpu.memory_space<hbm>>
      tpu.enqueue_dma source(%arg6 : memref<16x50x32xf32, #tpu.memory_space<vmem>>) target(%dma_start3A_711 : memref<16x50x32xf32, #tpu.memory_space<hbm>>) target_semaphore(%arg10 : memref<!tpu.dma_semaphore, #tpu.memory_space<semaphore_mem>>)
      %dma_wait3A_712 = arith.constant 0 : i32
      %dma_wait3A_713 = arith.constant 0 : i32
      %dma_wait3A_714 = arith.constant 0 : i32
      %dma_wait3A_715 = tpu.memref_slice %arg7[%dma_wait3A_712, %dma_wait3A_713, %dma_wait3A_714] : memref<16x50x32xf32, #tpu.memory_space<vmem>> -> memref<1x50x32xf32, #tpu.memory_space<vmem>>
      %dma_wait3A_716 = tpu.memref_squeeze %dma_wait3A_715 : memref<1x50x32xf32, #tpu.memory_space<vmem>> -> memref<50x32xf32, #tpu.memory_space<vmem>>
      %dma_wait3A_717 = arith.constant 0 : i32
      %dma_wait3A_718 = arith.constant 0 : i32
      %dma_wait3A_719 = tpu.memref_slice %arg3[%dma_wait3A_717, %dma_wait3A_718] : memref<1000000x32xf32, #tpu.memory_space<hbm>> -> memref<50x32xf32, #tpu.memory_space<hbm>>
      %dma_wait3A_720 = arith.constant 0 : i32
      %dma_wait3A_721 = arith.constant 0 : i32
      %dma_wait3A_722 = tpu.memref_slice %arg7[%dma_wait3A_712, %dma_wait3A_720, %dma_wait3A_721] : memref<16x50x32xf32, #tpu.memory_space<vmem>> -> memref<1x50x32xf32, #tpu.memory_space<vmem>>
      %dma_wait3A_723 = tpu.memref_squeeze %dma_wait3A_722 : memref<1x50x32xf32, #tpu.memory_space<vmem>> -> memref<50x32xf32, #tpu.memory_space<vmem>>
      %dma_wait3A_724 = arith.constant 0 : i32
      %dma_wait3A_725 = arith.constant 0 : i32
      %dma_wait3A_726 = tpu.memref_slice %arg3[%dma_wait3A_724, %dma_wait3A_725] : memref<1000000x32xf32, #tpu.memory_space<hbm>> -> memref<50x32xf32, #tpu.memory_space<hbm>>
      tpu.wait_dma2 semaphore(%arg9 : memref<!tpu.dma_semaphore, #tpu.memory_space<semaphore_mem>>) src(%dma_wait3A_726 : memref<50x32xf32, #tpu.memory_space<hbm>>) dst(%dma_wait3A_723 : memref<50x32xf32, #tpu.memory_space<vmem>>)
      %dma_wait3A_727 = arith.constant 1 : i32
      %dma_wait3A_728 = arith.constant 0 : i32
      %dma_wait3A_729 = arith.constant 0 : i32
      %dma_wait3A_730 = tpu.memref_slice %arg7[%dma_wait3A_727, %dma_wait3A_728, %dma_wait3A_729] : memref<16x50x32xf32, #tpu.memory_space<vmem>> -> memref<1x50x32xf32, #tpu.memory_space<vmem>>
      %dma_wait3A_731 = tpu.memref_squeeze %dma_wait3A_730 : memref<1x50x32xf32, #tpu.memory_space<vmem>> -> memref<50x32xf32, #tpu.memory_space<vmem>>
      %dma_wait3A_732 = arith.constant 0 : i32
      %dma_wait3A_733 = arith.constant 0 : i32
      %dma_wait3A_734 = tpu.memref_slice %arg3[%dma_wait3A_732, %dma_wait3A_733] : memref<1000000x32xf32, #tpu.memory_space<hbm>> -> memref<50x32xf32, #tpu.memory_space<hbm>>
      %dma_wait3A_735 = arith.constant 0 : i32
      %dma_wait3A_736 = arith.constant 0 : i32
      %dma_wait3A_737 = tpu.memref_slice %arg7[%dma_wait3A_727, %dma_wait3A_735, %dma_wait3A_736] : memref<16x50x32xf32, #tpu.memory_space<vmem>> -> memref<1x50x32xf32, #tpu.memory_space<vmem>>
      %dma_wait3A_738 = tpu.memref_squeeze %dma_wait3A_737 : memref<1x50x32xf32, #tpu.memory_space<vmem>> -> memref<50x32xf32, #tpu.memory_space<vmem>>
      %dma_wait3A_739 = arith.constant 0 : i32
      %dma_wait3A_740 = arith.constant 0 : i32
      %dma_wait3A_741 = tpu.memref_slice %arg3[%dma_wait3A_739, %dma_wait3A_740] : memref<1000000x32xf32, #tpu.memory_space<hbm>> -> memref<50x32xf32, #tpu.memory_space<hbm>>
      tpu.wait_dma2 semaphore(%arg9 : memref<!tpu.dma_semaphore, #tpu.memory_space<semaphore_mem>>) src(%dma_wait3A_741 : memref<50x32xf32, #tpu.memory_space<hbm>>) dst(%dma_wait3A_738 : memref<50x32xf32, #tpu.memory_space<vmem>>)
      %dma_wait3A_742 = arith.constant 2 : i32
      %dma_wait3A_743 = arith.constant 0 : i32
      %dma_wait3A_744 = arith.constant 0 : i32
      %dma_wait3A_745 = tpu.memref_slice %arg7[%dma_wait3A_742, %dma_wait3A_743, %dma_wait3A_744] : memref<16x50x32xf32, #tpu.memory_space<vmem>> -> memref<1x50x32xf32, #tpu.memory_space<vmem>>
      %dma_wait3A_746 = tpu.memref_squeeze %dma_wait3A_745 : memref<1x50x32xf32, #tpu.memory_space<vmem>> -> memref<50x32xf32, #tpu.memory_space<vmem>>
      %dma_wait3A_747 = arith.constant 0 : i32
      %dma_wait3A_748 = arith.constant 0 : i32
      %dma_wait3A_749 = tpu.memref_slice %arg3[%dma_wait3A_747, %dma_wait3A_748] : memref<1000000x32xf32, #tpu.memory_space<hbm>> -> memref<50x32xf32, #tpu.memory_space<hbm>>
      %dma_wait3A_750 = arith.constant 0 : i32
      %dma_wait3A_751 = arith.constant 0 : i32
      %dma_wait3A_752 = tpu.memref_slice %arg7[%dma_wait3A_742, %dma_wait3A_750, %dma_wait3A_751] : memref<16x50x32xf32, #tpu.memory_space<vmem>> -> memref<1x50x32xf32, #tpu.memory_space<vmem>>
      %dma_wait3A_753 = tpu.memref_squeeze %dma_wait3A_752 : memref<1x50x32xf32, #tpu.memory_space<vmem>> -> memref<50x32xf32, #tpu.memory_space<vmem>>
      %dma_wait3A_754 = arith.constant 0 : i32
      %dma_wait3A_755 = arith.constant 0 : i32
      %dma_wait3A_756 = tpu.memref_slice %arg3[%dma_wait3A_754, %dma_wait3A_755] : memref<1000000x32xf32, #tpu.memory_space<hbm>> -> memref<50x32xf32, #tpu.memory_space<hbm>>
      tpu.wait_dma2 semaphore(%arg9 : memref<!tpu.dma_semaphore, #tpu.memory_space<semaphore_mem>>) src(%dma_wait3A_756 : memref<50x32xf32, #tpu.memory_space<hbm>>) dst(%dma_wait3A_753 : memref<50x32xf32, #tpu.memory_space<vmem>>)
      %dma_wait3A_757 = arith.constant 3 : i32
      %dma_wait3A_758 = arith.constant 0 : i32
      %dma_wait3A_759 = arith.constant 0 : i32
      %dma_wait3A_760 = tpu.memref_slice %arg7[%dma_wait3A_757, %dma_wait3A_758, %dma_wait3A_759] : memref<16x50x32xf32, #tpu.memory_space<vmem>> -> memref<1x50x32xf32, #tpu.memory_space<vmem>>
      %dma_wait3A_761 = tpu.memref_squeeze %dma_wait3A_760 : memref<1x50x32xf32, #tpu.memory_space<vmem>> -> memref<50x32xf32, #tpu.memory_space<vmem>>
      %dma_wait3A_762 = arith.constant 0 : i32
      %dma_wait3A_763 = arith.constant 0 : i32
      %dma_wait3A_764 = tpu.memref_slice %arg3[%dma_wait3A_762, %dma_wait3A_763] : memref<1000000x32xf32, #tpu.memory_space<hbm>> -> memref<50x32xf32, #tpu.memory_space<hbm>>
      %dma_wait3A_765 = arith.constant 0 : i32
      %dma_wait3A_766 = arith.constant 0 : i32
      %dma_wait3A_767 = tpu.memref_slice %arg7[%dma_wait3A_757, %dma_wait3A_765, %dma_wait3A_766] : memref<16x50x32xf32, #tpu.memory_space<vmem>> -> memref<1x50x32xf32, #tpu.memory_space<vmem>>
      %dma_wait3A_768 = tpu.memref_squeeze %dma_wait3A_767 : memref<1x50x32xf32, #tpu.memory_space<vmem>> -> memref<50x32xf32, #tpu.memory_space<vmem>>
      %dma_wait3A_769 = arith.constant 0 : i32
      %dma_wait3A_770 = arith.constant 0 : i32
      %dma_wait3A_771 = tpu.memref_slice %arg3[%dma_wait3A_769, %dma_wait3A_770] : memref<1000000x32xf32, #tpu.memory_space<hbm>> -> memref<50x32xf32, #tpu.memory_space<hbm>>
      tpu.wait_dma2 semaphore(%arg9 : memref<!tpu.dma_semaphore, #tpu.memory_space<semaphore_mem>>) src(%dma_wait3A_771 : memref<50x32xf32, #tpu.memory_space<hbm>>) dst(%dma_wait3A_768 : memref<50x32xf32, #tpu.memory_space<vmem>>)
      %dma_wait3A_772 = arith.constant 4 : i32
      %dma_wait3A_773 = arith.constant 0 : i32
      %dma_wait3A_774 = arith.constant 0 : i32
      %dma_wait3A_775 = tpu.memref_slice %arg7[%dma_wait3A_772, %dma_wait3A_773, %dma_wait3A_774] : memref<16x50x32xf32, #tpu.memory_space<vmem>> -> memref<1x50x32xf32, #tpu.memory_space<vmem>>
      %dma_wait3A_776 = tpu.memref_squeeze %dma_wait3A_775 : memref<1x50x32xf32, #tpu.memory_space<vmem>> -> memref<50x32xf32, #tpu.memory_space<vmem>>
      %dma_wait3A_777 = arith.constant 0 : i32
      %dma_wait3A_778 = arith.constant 0 : i32
      %dma_wait3A_779 = tpu.memref_slice %arg3[%dma_wait3A_777, %dma_wait3A_778] : memref<1000000x32xf32, #tpu.memory_space<hbm>> -> memref<50x32xf32, #tpu.memory_space<hbm>>
      %dma_wait3A_780 = arith.constant 0 : i32
      %dma_wait3A_781 = arith.constant 0 : i32
      %dma_wait3A_782 = tpu.memref_slice %arg7[%dma_wait3A_772, %dma_wait3A_780, %dma_wait3A_781] : memref<16x50x32xf32, #tpu.memory_space<vmem>> -> memref<1x50x32xf32, #tpu.memory_space<vmem>>
      %dma_wait3A_783 = tpu.memref_squeeze %dma_wait3A_782 : memref<1x50x32xf32, #tpu.memory_space<vmem>> -> memref<50x32xf32, #tpu.memory_space<vmem>>
      %dma_wait3A_784 = arith.constant 0 : i32
      %dma_wait3A_785 = arith.constant 0 : i32
      %dma_wait3A_786 = tpu.memref_slice %arg3[%dma_wait3A_784, %dma_wait3A_785] : memref<1000000x32xf32, #tpu.memory_space<hbm>> -> memref<50x32xf32, #tpu.memory_space<hbm>>
      tpu.wait_dma2 semaphore(%arg9 : memref<!tpu.dma_semaphore, #tpu.memory_space<semaphore_mem>>) src(%dma_wait3A_786 : memref<50x32xf32, #tpu.memory_space<hbm>>) dst(%dma_wait3A_783 : memref<50x32xf32, #tpu.memory_space<vmem>>)
      %dma_wait3A_787 = arith.constant 5 : i32
      %dma_wait3A_788 = arith.constant 0 : i32
      %dma_wait3A_789 = arith.constant 0 : i32
      %dma_wait3A_790 = tpu.memref_slice %arg7[%dma_wait3A_787, %dma_wait3A_788, %dma_wait3A_789] : memref<16x50x32xf32, #tpu.memory_space<vmem>> -> memref<1x50x32xf32, #tpu.memory_space<vmem>>
      %dma_wait3A_791 = tpu.memref_squeeze %dma_wait3A_790 : memref<1x50x32xf32, #tpu.memory_space<vmem>> -> memref<50x32xf32, #tpu.memory_space<vmem>>
      %dma_wait3A_792 = arith.constant 0 : i32
      %dma_wait3A_793 = arith.constant 0 : i32
      %dma_wait3A_794 = tpu.memref_slice %arg3[%dma_wait3A_792, %dma_wait3A_793] : memref<1000000x32xf32, #tpu.memory_space<hbm>> -> memref<50x32xf32, #tpu.memory_space<hbm>>
      %dma_wait3A_795 = arith.constant 0 : i32
      %dma_wait3A_796 = arith.constant 0 : i32
      %dma_wait3A_797 = tpu.memref_slice %arg7[%dma_wait3A_787, %dma_wait3A_795, %dma_wait3A_796] : memref<16x50x32xf32, #tpu.memory_space<vmem>> -> memref<1x50x32xf32, #tpu.memory_space<vmem>>
      %dma_wait3A_798 = tpu.memref_squeeze %dma_wait3A_797 : memref<1x50x32xf32, #tpu.memory_space<vmem>> -> memref<50x32xf32, #tpu.memory_space<vmem>>
      %dma_wait3A_799 = arith.constant 0 : i32
      %dma_wait3A_800 = arith.constant 0 : i32
      %dma_wait3A_801 = tpu.memref_slice %arg3[%dma_wait3A_799, %dma_wait3A_800] : memref<1000000x32xf32, #tpu.memory_space<hbm>> -> memref<50x32xf32, #tpu.memory_space<hbm>>
      tpu.wait_dma2 semaphore(%arg9 : memref<!tpu.dma_semaphore, #tpu.memory_space<semaphore_mem>>) src(%dma_wait3A_801 : memref<50x32xf32, #tpu.memory_space<hbm>>) dst(%dma_wait3A_798 : memref<50x32xf32, #tpu.memory_space<vmem>>)
      %dma_wait3A_802 = arith.constant 6 : i32
      %dma_wait3A_803 = arith.constant 0 : i32
      %dma_wait3A_804 = arith.constant 0 : i32
      %dma_wait3A_805 = tpu.memref_slice %arg7[%dma_wait3A_802, %dma_wait3A_803, %dma_wait3A_804] : memref<16x50x32xf32, #tpu.memory_space<vmem>> -> memref<1x50x32xf32, #tpu.memory_space<vmem>>
      %dma_wait3A_806 = tpu.memref_squeeze %dma_wait3A_805 : memref<1x50x32xf32, #tpu.memory_space<vmem>> -> memref<50x32xf32, #tpu.memory_space<vmem>>
      %dma_wait3A_807 = arith.constant 0 : i32
      %dma_wait3A_808 = arith.constant 0 : i32
      %dma_wait3A_809 = tpu.memref_slice %arg3[%dma_wait3A_807, %dma_wait3A_808] : memref<1000000x32xf32, #tpu.memory_space<hbm>> -> memref<50x32xf32, #tpu.memory_space<hbm>>
      %dma_wait3A_810 = arith.constant 0 : i32
      %dma_wait3A_811 = arith.constant 0 : i32
      %dma_wait3A_812 = tpu.memref_slice %arg7[%dma_wait3A_802, %dma_wait3A_810, %dma_wait3A_811] : memref<16x50x32xf32, #tpu.memory_space<vmem>> -> memref<1x50x32xf32, #tpu.memory_space<vmem>>
      %dma_wait3A_813 = tpu.memref_squeeze %dma_wait3A_812 : memref<1x50x32xf32, #tpu.memory_space<vmem>> -> memref<50x32xf32, #tpu.memory_space<vmem>>
      %dma_wait3A_814 = arith.constant 0 : i32
      %dma_wait3A_815 = arith.constant 0 : i32
      %dma_wait3A_816 = tpu.memref_slice %arg3[%dma_wait3A_814, %dma_wait3A_815] : memref<1000000x32xf32, #tpu.memory_space<hbm>> -> memref<50x32xf32, #tpu.memory_space<hbm>>
      tpu.wait_dma2 semaphore(%arg9 : memref<!tpu.dma_semaphore, #tpu.memory_space<semaphore_mem>>) src(%dma_wait3A_816 : memref<50x32xf32, #tpu.memory_space<hbm>>) dst(%dma_wait3A_813 : memref<50x32xf32, #tpu.memory_space<vmem>>)
      %dma_wait3A_817 = arith.constant 7 : i32
      %dma_wait3A_818 = arith.constant 0 : i32
      %dma_wait3A_819 = arith.constant 0 : i32
      %dma_wait3A_820 = tpu.memref_slice %arg7[%dma_wait3A_817, %dma_wait3A_818, %dma_wait3A_819] : memref<16x50x32xf32, #tpu.memory_space<vmem>> -> memref<1x50x32xf32, #tpu.memory_space<vmem>>
      %dma_wait3A_821 = tpu.memref_squeeze %dma_wait3A_820 : memref<1x50x32xf32, #tpu.memory_space<vmem>> -> memref<50x32xf32, #tpu.memory_space<vmem>>
      %dma_wait3A_822 = arith.constant 0 : i32
      %dma_wait3A_823 = arith.constant 0 : i32
      %dma_wait3A_824 = tpu.memref_slice %arg3[%dma_wait3A_822, %dma_wait3A_823] : memref<1000000x32xf32, #tpu.memory_space<hbm>> -> memref<50x32xf32, #tpu.memory_space<hbm>>
      %dma_wait3A_825 = arith.constant 0 : i32
      %dma_wait3A_826 = arith.constant 0 : i32
      %dma_wait3A_827 = tpu.memref_slice %arg7[%dma_wait3A_817, %dma_wait3A_825, %dma_wait3A_826] : memref<16x50x32xf32, #tpu.memory_space<vmem>> -> memref<1x50x32xf32, #tpu.memory_space<vmem>>
      %dma_wait3A_828 = tpu.memref_squeeze %dma_wait3A_827 : memref<1x50x32xf32, #tpu.memory_space<vmem>> -> memref<50x32xf32, #tpu.memory_space<vmem>>
      %dma_wait3A_829 = arith.constant 0 : i32
      %dma_wait3A_830 = arith.constant 0 : i32
      %dma_wait3A_831 = tpu.memref_slice %arg3[%dma_wait3A_829, %dma_wait3A_830] : memref<1000000x32xf32, #tpu.memory_space<hbm>> -> memref<50x32xf32, #tpu.memory_space<hbm>>
      tpu.wait_dma2 semaphore(%arg9 : memref<!tpu.dma_semaphore, #tpu.memory_space<semaphore_mem>>) src(%dma_wait3A_831 : memref<50x32xf32, #tpu.memory_space<hbm>>) dst(%dma_wait3A_828 : memref<50x32xf32, #tpu.memory_space<vmem>>)
      %dma_wait3A_832 = arith.constant 8 : i32
      %dma_wait3A_833 = arith.constant 0 : i32
      %dma_wait3A_834 = arith.constant 0 : i32
      %dma_wait3A_835 = tpu.memref_slice %arg7[%dma_wait3A_832, %dma_wait3A_833, %dma_wait3A_834] : memref<16x50x32xf32, #tpu.memory_space<vmem>> -> memref<1x50x32xf32, #tpu.memory_space<vmem>>
      %dma_wait3A_836 = tpu.memref_squeeze %dma_wait3A_835 : memref<1x50x32xf32, #tpu.memory_space<vmem>> -> memref<50x32xf32, #tpu.memory_space<vmem>>
      %dma_wait3A_837 = arith.constant 0 : i32
      %dma_wait3A_838 = arith.constant 0 : i32
      %dma_wait3A_839 = tpu.memref_slice %arg3[%dma_wait3A_837, %dma_wait3A_838] : memref<1000000x32xf32, #tpu.memory_space<hbm>> -> memref<50x32xf32, #tpu.memory_space<hbm>>
      %dma_wait3A_840 = arith.constant 0 : i32
      %dma_wait3A_841 = arith.constant 0 : i32
      %dma_wait3A_842 = tpu.memref_slice %arg7[%dma_wait3A_832, %dma_wait3A_840, %dma_wait3A_841] : memref<16x50x32xf32, #tpu.memory_space<vmem>> -> memref<1x50x32xf32, #tpu.memory_space<vmem>>
      %dma_wait3A_843 = tpu.memref_squeeze %dma_wait3A_842 : memref<1x50x32xf32, #tpu.memory_space<vmem>> -> memref<50x32xf32, #tpu.memory_space<vmem>>
      %dma_wait3A_844 = arith.constant 0 : i32
      %dma_wait3A_845 = arith.constant 0 : i32
      %dma_wait3A_846 = tpu.memref_slice %arg3[%dma_wait3A_844, %dma_wait3A_845] : memref<1000000x32xf32, #tpu.memory_space<hbm>> -> memref<50x32xf32, #tpu.memory_space<hbm>>
      tpu.wait_dma2 semaphore(%arg9 : memref<!tpu.dma_semaphore, #tpu.memory_space<semaphore_mem>>) src(%dma_wait3A_846 : memref<50x32xf32, #tpu.memory_space<hbm>>) dst(%dma_wait3A_843 : memref<50x32xf32, #tpu.memory_space<vmem>>)
      %dma_wait3A_847 = arith.constant 9 : i32
      %dma_wait3A_848 = arith.constant 0 : i32
      %dma_wait3A_849 = arith.constant 0 : i32
      %dma_wait3A_850 = tpu.memref_slice %arg7[%dma_wait3A_847, %dma_wait3A_848, %dma_wait3A_849] : memref<16x50x32xf32, #tpu.memory_space<vmem>> -> memref<1x50x32xf32, #tpu.memory_space<vmem>>
      %dma_wait3A_851 = tpu.memref_squeeze %dma_wait3A_850 : memref<1x50x32xf32, #tpu.memory_space<vmem>> -> memref<50x32xf32, #tpu.memory_space<vmem>>
      %dma_wait3A_852 = arith.constant 0 : i32
      %dma_wait3A_853 = arith.constant 0 : i32
      %dma_wait3A_854 = tpu.memref_slice %arg3[%dma_wait3A_852, %dma_wait3A_853] : memref<1000000x32xf32, #tpu.memory_space<hbm>> -> memref<50x32xf32, #tpu.memory_space<hbm>>
      %dma_wait3A_855 = arith.constant 0 : i32
      %dma_wait3A_856 = arith.constant 0 : i32
      %dma_wait3A_857 = tpu.memref_slice %arg7[%dma_wait3A_847, %dma_wait3A_855, %dma_wait3A_856] : memref<16x50x32xf32, #tpu.memory_space<vmem>> -> memref<1x50x32xf32, #tpu.memory_space<vmem>>
      %dma_wait3A_858 = tpu.memref_squeeze %dma_wait3A_857 : memref<1x50x32xf32, #tpu.memory_space<vmem>> -> memref<50x32xf32, #tpu.memory_space<vmem>>
      %dma_wait3A_859 = arith.constant 0 : i32
      %dma_wait3A_860 = arith.constant 0 : i32
      %dma_wait3A_861 = tpu.memref_slice %arg3[%dma_wait3A_859, %dma_wait3A_860] : memref<1000000x32xf32, #tpu.memory_space<hbm>> -> memref<50x32xf32, #tpu.memory_space<hbm>>
      tpu.wait_dma2 semaphore(%arg9 : memref<!tpu.dma_semaphore, #tpu.memory_space<semaphore_mem>>) src(%dma_wait3A_861 : memref<50x32xf32, #tpu.memory_space<hbm>>) dst(%dma_wait3A_858 : memref<50x32xf32, #tpu.memory_space<vmem>>)
      %dma_wait3A_862 = arith.constant 10 : i32
      %dma_wait3A_863 = arith.constant 0 : i32
      %dma_wait3A_864 = arith.constant 0 : i32
      %dma_wait3A_865 = tpu.memref_slice %arg7[%dma_wait3A_862, %dma_wait3A_863, %dma_wait3A_864] : memref<16x50x32xf32, #tpu.memory_space<vmem>> -> memref<1x50x32xf32, #tpu.memory_space<vmem>>
      %dma_wait3A_866 = tpu.memref_squeeze %dma_wait3A_865 : memref<1x50x32xf32, #tpu.memory_space<vmem>> -> memref<50x32xf32, #tpu.memory_space<vmem>>
      %dma_wait3A_867 = arith.constant 0 : i32
      %dma_wait3A_868 = arith.constant 0 : i32
      %dma_wait3A_869 = tpu.memref_slice %arg3[%dma_wait3A_867, %dma_wait3A_868] : memref<1000000x32xf32, #tpu.memory_space<hbm>> -> memref<50x32xf32, #tpu.memory_space<hbm>>
      %dma_wait3A_870 = arith.constant 0 : i32
      %dma_wait3A_871 = arith.constant 0 : i32
      %dma_wait3A_872 = tpu.memref_slice %arg7[%dma_wait3A_862, %dma_wait3A_870, %dma_wait3A_871] : memref<16x50x32xf32, #tpu.memory_space<vmem>> -> memref<1x50x32xf32, #tpu.memory_space<vmem>>
      %dma_wait3A_873 = tpu.memref_squeeze %dma_wait3A_872 : memref<1x50x32xf32, #tpu.memory_space<vmem>> -> memref<50x32xf32, #tpu.memory_space<vmem>>
      %dma_wait3A_874 = arith.constant 0 : i32
      %dma_wait3A_875 = arith.constant 0 : i32
      %dma_wait3A_876 = tpu.memref_slice %arg3[%dma_wait3A_874, %dma_wait3A_875] : memref<1000000x32xf32, #tpu.memory_space<hbm>> -> memref<50x32xf32, #tpu.memory_space<hbm>>
      tpu.wait_dma2 semaphore(%arg9 : memref<!tpu.dma_semaphore, #tpu.memory_space<semaphore_mem>>) src(%dma_wait3A_876 : memref<50x32xf32, #tpu.memory_space<hbm>>) dst(%dma_wait3A_873 : memref<50x32xf32, #tpu.memory_space<vmem>>)
      %dma_wait3A_877 = arith.constant 11 : i32
      %dma_wait3A_878 = arith.constant 0 : i32
      %dma_wait3A_879 = arith.constant 0 : i32
      %dma_wait3A_880 = tpu.memref_slice %arg7[%dma_wait3A_877, %dma_wait3A_878, %dma_wait3A_879] : memref<16x50x32xf32, #tpu.memory_space<vmem>> -> memref<1x50x32xf32, #tpu.memory_space<vmem>>
      %dma_wait3A_881 = tpu.memref_squeeze %dma_wait3A_880 : memref<1x50x32xf32, #tpu.memory_space<vmem>> -> memref<50x32xf32, #tpu.memory_space<vmem>>
      %dma_wait3A_882 = arith.constant 0 : i32
      %dma_wait3A_883 = arith.constant 0 : i32
      %dma_wait3A_884 = tpu.memref_slice %arg3[%dma_wait3A_882, %dma_wait3A_883] : memref<1000000x32xf32, #tpu.memory_space<hbm>> -> memref<50x32xf32, #tpu.memory_space<hbm>>
      %dma_wait3A_885 = arith.constant 0 : i32
      %dma_wait3A_886 = arith.constant 0 : i32
      %dma_wait3A_887 = tpu.memref_slice %arg7[%dma_wait3A_877, %dma_wait3A_885, %dma_wait3A_886] : memref<16x50x32xf32, #tpu.memory_space<vmem>> -> memref<1x50x32xf32, #tpu.memory_space<vmem>>
      %dma_wait3A_888 = tpu.memref_squeeze %dma_wait3A_887 : memref<1x50x32xf32, #tpu.memory_space<vmem>> -> memref<50x32xf32, #tpu.memory_space<vmem>>
      %dma_wait3A_889 = arith.constant 0 : i32
      %dma_wait3A_890 = arith.constant 0 : i32
      %dma_wait3A_891 = tpu.memref_slice %arg3[%dma_wait3A_889, %dma_wait3A_890] : memref<1000000x32xf32, #tpu.memory_space<hbm>> -> memref<50x32xf32, #tpu.memory_space<hbm>>
      tpu.wait_dma2 semaphore(%arg9 : memref<!tpu.dma_semaphore, #tpu.memory_space<semaphore_mem>>) src(%dma_wait3A_891 : memref<50x32xf32, #tpu.memory_space<hbm>>) dst(%dma_wait3A_888 : memref<50x32xf32, #tpu.memory_space<vmem>>)
      %dma_wait3A_892 = arith.constant 12 : i32
      %dma_wait3A_893 = arith.constant 0 : i32
      %dma_wait3A_894 = arith.constant 0 : i32
      %dma_wait3A_895 = tpu.memref_slice %arg7[%dma_wait3A_892, %dma_wait3A_893, %dma_wait3A_894] : memref<16x50x32xf32, #tpu.memory_space<vmem>> -> memref<1x50x32xf32, #tpu.memory_space<vmem>>
      %dma_wait3A_896 = tpu.memref_squeeze %dma_wait3A_895 : memref<1x50x32xf32, #tpu.memory_space<vmem>> -> memref<50x32xf32, #tpu.memory_space<vmem>>
      %dma_wait3A_897 = arith.constant 0 : i32
      %dma_wait3A_898 = arith.constant 0 : i32
      %dma_wait3A_899 = tpu.memref_slice %arg3[%dma_wait3A_897, %dma_wait3A_898] : memref<1000000x32xf32, #tpu.memory_space<hbm>> -> memref<50x32xf32, #tpu.memory_space<hbm>>
      %dma_wait3A_900 = arith.constant 0 : i32
      %dma_wait3A_901 = arith.constant 0 : i32
      %dma_wait3A_902 = tpu.memref_slice %arg7[%dma_wait3A_892, %dma_wait3A_900, %dma_wait3A_901] : memref<16x50x32xf32, #tpu.memory_space<vmem>> -> memref<1x50x32xf32, #tpu.memory_space<vmem>>
      %dma_wait3A_903 = tpu.memref_squeeze %dma_wait3A_902 : memref<1x50x32xf32, #tpu.memory_space<vmem>> -> memref<50x32xf32, #tpu.memory_space<vmem>>
      %dma_wait3A_904 = arith.constant 0 : i32
      %dma_wait3A_905 = arith.constant 0 : i32
      %dma_wait3A_906 = tpu.memref_slice %arg3[%dma_wait3A_904, %dma_wait3A_905] : memref<1000000x32xf32, #tpu.memory_space<hbm>> -> memref<50x32xf32, #tpu.memory_space<hbm>>
      tpu.wait_dma2 semaphore(%arg9 : memref<!tpu.dma_semaphore, #tpu.memory_space<semaphore_mem>>) src(%dma_wait3A_906 : memref<50x32xf32, #tpu.memory_space<hbm>>) dst(%dma_wait3A_903 : memref<50x32xf32, #tpu.memory_space<vmem>>)
      %dma_wait3A_907 = arith.constant 13 : i32
      %dma_wait3A_908 = arith.constant 0 : i32
      %dma_wait3A_909 = arith.constant 0 : i32
      %dma_wait3A_910 = tpu.memref_slice %arg7[%dma_wait3A_907, %dma_wait3A_908, %dma_wait3A_909] : memref<16x50x32xf32, #tpu.memory_space<vmem>> -> memref<1x50x32xf32, #tpu.memory_space<vmem>>
      %dma_wait3A_911 = tpu.memref_squeeze %dma_wait3A_910 : memref<1x50x32xf32, #tpu.memory_space<vmem>> -> memref<50x32xf32, #tpu.memory_space<vmem>>
      %dma_wait3A_912 = arith.constant 0 : i32
      %dma_wait3A_913 = arith.constant 0 : i32
      %dma_wait3A_914 = tpu.memref_slice %arg3[%dma_wait3A_912, %dma_wait3A_913] : memref<1000000x32xf32, #tpu.memory_space<hbm>> -> memref<50x32xf32, #tpu.memory_space<hbm>>
      %dma_wait3A_915 = arith.constant 0 : i32
      %dma_wait3A_916 = arith.constant 0 : i32
      %dma_wait3A_917 = tpu.memref_slice %arg7[%dma_wait3A_907, %dma_wait3A_915, %dma_wait3A_916] : memref<16x50x32xf32, #tpu.memory_space<vmem>> -> memref<1x50x32xf32, #tpu.memory_space<vmem>>
      %dma_wait3A_918 = tpu.memref_squeeze %dma_wait3A_917 : memref<1x50x32xf32, #tpu.memory_space<vmem>> -> memref<50x32xf32, #tpu.memory_space<vmem>>
      %dma_wait3A_919 = arith.constant 0 : i32
      %dma_wait3A_920 = arith.constant 0 : i32
      %dma_wait3A_921 = tpu.memref_slice %arg3[%dma_wait3A_919, %dma_wait3A_920] : memref<1000000x32xf32, #tpu.memory_space<hbm>> -> memref<50x32xf32, #tpu.memory_space<hbm>>
      tpu.wait_dma2 semaphore(%arg9 : memref<!tpu.dma_semaphore, #tpu.memory_space<semaphore_mem>>) src(%dma_wait3A_921 : memref<50x32xf32, #tpu.memory_space<hbm>>) dst(%dma_wait3A_918 : memref<50x32xf32, #tpu.memory_space<vmem>>)
      %dma_wait3A_922 = arith.constant 14 : i32
      %dma_wait3A_923 = arith.constant 0 : i32
      %dma_wait3A_924 = arith.constant 0 : i32
      %dma_wait3A_925 = tpu.memref_slice %arg7[%dma_wait3A_922, %dma_wait3A_923, %dma_wait3A_924] : memref<16x50x32xf32, #tpu.memory_space<vmem>> -> memref<1x50x32xf32, #tpu.memory_space<vmem>>
      %dma_wait3A_926 = tpu.memref_squeeze %dma_wait3A_925 : memref<1x50x32xf32, #tpu.memory_space<vmem>> -> memref<50x32xf32, #tpu.memory_space<vmem>>
      %dma_wait3A_927 = arith.constant 0 : i32
      %dma_wait3A_928 = arith.constant 0 : i32
      %dma_wait3A_929 = tpu.memref_slice %arg3[%dma_wait3A_927, %dma_wait3A_928] : memref<1000000x32xf32, #tpu.memory_space<hbm>> -> memref<50x32xf32, #tpu.memory_space<hbm>>
      %dma_wait3A_930 = arith.constant 0 : i32
      %dma_wait3A_931 = arith.constant 0 : i32
      %dma_wait3A_932 = tpu.memref_slice %arg7[%dma_wait3A_922, %dma_wait3A_930, %dma_wait3A_931] : memref<16x50x32xf32, #tpu.memory_space<vmem>> -> memref<1x50x32xf32, #tpu.memory_space<vmem>>
      %dma_wait3A_933 = tpu.memref_squeeze %dma_wait3A_932 : memref<1x50x32xf32, #tpu.memory_space<vmem>> -> memref<50x32xf32, #tpu.memory_space<vmem>>
      %dma_wait3A_934 = arith.constant 0 : i32
      %dma_wait3A_935 = arith.constant 0 : i32
      %dma_wait3A_936 = tpu.memref_slice %arg3[%dma_wait3A_934, %dma_wait3A_935] : memref<1000000x32xf32, #tpu.memory_space<hbm>> -> memref<50x32xf32, #tpu.memory_space<hbm>>
      tpu.wait_dma2 semaphore(%arg9 : memref<!tpu.dma_semaphore, #tpu.memory_space<semaphore_mem>>) src(%dma_wait3A_936 : memref<50x32xf32, #tpu.memory_space<hbm>>) dst(%dma_wait3A_933 : memref<50x32xf32, #tpu.memory_space<vmem>>)
      %dma_wait3A_937 = arith.constant 15 : i32
      %dma_wait3A_938 = arith.constant 0 : i32
      %dma_wait3A_939 = arith.constant 0 : i32
      %dma_wait3A_940 = tpu.memref_slice %arg7[%dma_wait3A_937, %dma_wait3A_938, %dma_wait3A_939] : memref<16x50x32xf32, #tpu.memory_space<vmem>> -> memref<1x50x32xf32, #tpu.memory_space<vmem>>
      %dma_wait3A_941 = tpu.memref_squeeze %dma_wait3A_940 : memref<1x50x32xf32, #tpu.memory_space<vmem>> -> memref<50x32xf32, #tpu.memory_space<vmem>>
      %dma_wait3A_942 = arith.constant 0 : i32
      %dma_wait3A_943 = arith.constant 0 : i32
      %dma_wait3A_944 = tpu.memref_slice %arg3[%dma_wait3A_942, %dma_wait3A_943] : memref<1000000x32xf32, #tpu.memory_space<hbm>> -> memref<50x32xf32, #tpu.memory_space<hbm>>
      %dma_wait3A_945 = arith.constant 0 : i32
      %dma_wait3A_946 = arith.constant 0 : i32
      %dma_wait3A_947 = tpu.memref_slice %arg7[%dma_wait3A_937, %dma_wait3A_945, %dma_wait3A_946] : memref<16x50x32xf32, #tpu.memory_space<vmem>> -> memref<1x50x32xf32, #tpu.memory_space<vmem>>
      %dma_wait3A_948 = tpu.memref_squeeze %dma_wait3A_947 : memref<1x50x32xf32, #tpu.memory_space<vmem>> -> memref<50x32xf32, #tpu.memory_space<vmem>>
      %dma_wait3A_949 = arith.constant 0 : i32
      %dma_wait3A_950 = arith.constant 0 : i32
      %dma_wait3A_951 = tpu.memref_slice %arg3[%dma_wait3A_949, %dma_wait3A_950] : memref<1000000x32xf32, #tpu.memory_space<hbm>> -> memref<50x32xf32, #tpu.memory_space<hbm>>
      tpu.wait_dma2 semaphore(%arg9 : memref<!tpu.dma_semaphore, #tpu.memory_space<semaphore_mem>>) src(%dma_wait3A_951 : memref<50x32xf32, #tpu.memory_space<hbm>>) dst(%dma_wait3A_948 : memref<50x32xf32, #tpu.memory_space<vmem>>)
      %scan3A_952 = arith.constant 0 : i32
      %scan3A_953 = arith.constant 0 : i32
      %scan3A_954 = arith.constant 16 : i32
      %scan3A_955 = arith.addi %scan3A_953, %scan3A_954 : i32
      %scan3A_956 = arith.constant 1 : i32
      %scan3A_957 = scf.for %scan3A_979 = %scan3A_953 to %scan3A_955 step %scan3A_956 iter_args(%scan3A_980 = %scan3A_952) -> (i32)  : i32 {
        %mul3A_981 = arith.constant 16 : i32
        %mul3A_982 = arith.muli %add3A_211, %mul3A_981 : i32
        %add3A_983 = arith.addi %mul3A_982, %scan3A_979 : i32
        %get3A = arith.index_cast %add3A_983 : i32 to index
        %get3A_984 = arith.constant 0 : index
        %get3A_985 = tpu.vector_load %arg5[%get3A, %get3A_984] {strides = array<i32>} : memref<512x50xi32, #tpu.memory_space<vmem>>, vector<16xi32>,
        %get3A_986 = arith.index_cast %add3A_983 : i32 to index
        %get3A_987 = arith.constant 16 : index
        %get3A_988 = tpu.vector_load %arg5[%get3A_986, %get3A_987] {strides = array<i32>} : memref<512x50xi32, #tpu.memory_space<vmem>>, vector<16xi32>,
        %get3A_989 = arith.index_cast %add3A_983 : i32 to index
        %get3A_990 = arith.constant 34 : index
        %get3A_991 = tpu.vector_load %arg5[%get3A_989, %get3A_990] {strides = array<i32>} : memref<512x50xi32, #tpu.memory_space<vmem>>, vector<16xi32>,
        %min3A = arith.minsi %get3A_985, %get3A_988 : vector<16xi32>
        %min3A_992 = arith.minsi %min3A, %get3A_991 : vector<16xi32>
        %add3A_993 = arith.constant 8 : i32
        %add3A_994 = vector.broadcast %add3A_993 : i32 to vector<16xi32>
        %add3A_995 = arith.addi %iota3A, %add3A_994 : vector<16xi32>
        %jit3A = arith.constant 16 : i32
        %eq3A = arith.constant 0 : i32
        %eq3A_996 = arith.cmpi eq, %jit3A, %eq3A : i32
        %jit3A_997 = arith.constant 1 : i32
        %select_n3A = arith.select %eq3A_996, %jit3A_997, %jit3A : i32
        %rem3A = vector.broadcast %select_n3A : i32 to vector<16xi32>
        %rem3A_998 = arith.remsi %add3A_995, %rem3A : vector<16xi32>
        %ne3A = arith.constant 0 : i32
        %ne3A_999 = vector.broadcast %ne3A : i32 to vector<16xi32>
        %ne3A_1000 = arith.cmpi ne, %rem3A_998, %ne3A_999 : vector<16xi32>
        %lt3A_1001 = arith.constant 0 : i32
        %lt3A_1002 = vector.broadcast %lt3A_1001 : i32 to vector<16xi32>
        %lt3A_1003 = arith.cmpi slt, %rem3A_998, %lt3A_1002 : vector<16xi32>
        %lt3A_1004 = arith.constant 0 : i32
        %lt3A_1005 = arith.cmpi slt, %select_n3A, %lt3A_1004 : i32
        %ne3A_1006 = vector.broadcast %lt3A_1005 : i1 to vector<16xi1>
        %ne3A_1007 = vector.broadcast %ne3A_1006 : vector<16xi1> to vector<16xi1>
        %ne3A_1008 = arith.xori %lt3A_1003, %ne3A_1007 : vector<16xi1>
        %and3A = arith.andi %ne3A_1008, %ne3A_1000 : vector<16xi1>
        %add3A_1009 = vector.broadcast %select_n3A : i32 to vector<16xi32>
        %add3A_1010 = arith.addi %rem3A_998, %add3A_1009 : vector<16xi32>
        %select_n3A_1011 = arith.select %and3A, %add3A_1010, %rem3A_998 : vector<16xi1>, vector<16xi32>
        %broadcast_in_dim3A_1012 = vector.shape_cast %select_n3A_1011 : vector<16xi32> to vector<16x1xi32>
        %gather3A = vector.shape_cast %broadcast_in_dim3A_1012 : vector<16x1xi32> to vector<16xi32>
        %gather3A_1013 = tpu.dynamic_gather %min3A_992[%gather3A] in [0] : vector<16xi32>, vector<16xi32> -> vector<16xi32>
        %min3A_1014 = arith.minsi %min3A_992, %gather3A_1013 : vector<16xi32>
        %add3A_1015 = arith.constant 4 : i32
        %add3A_1016 = vector.broadcast %add3A_1015 : i32 to vector<16xi32>
        %add3A_1017 = arith.addi %iota3A, %add3A_1016 : vector<16xi32>
        %jit3A_1018 = arith.constant 16 : i32
        %eq3A_1019 = arith.constant 0 : i32
        %eq3A_1020 = arith.cmpi eq, %jit3A_1018, %eq3A_1019 : i32
        %jit3A_1021 = arith.constant 1 : i32
        %select_n3A_1022 = arith.select %eq3A_1020, %jit3A_1021, %jit3A_1018 : i32
        %rem3A_1023 = vector.broadcast %select_n3A_1022 : i32 to vector<16xi32>
        %rem3A_1024 = arith.remsi %add3A_1017, %rem3A_1023 : vector<16xi32>
        %ne3A_1025 = arith.constant 0 : i32
        %ne3A_1026 = vector.broadcast %ne3A_1025 : i32 to vector<16xi32>
        %ne3A_1027 = arith.cmpi ne, %rem3A_1024, %ne3A_1026 : vector<16xi32>
        %lt3A_1028 = arith.constant 0 : i32
        %lt3A_1029 = vector.broadcast %lt3A_1028 : i32 to vector<16xi32>
        %lt3A_1030 = arith.cmpi slt, %rem3A_1024, %lt3A_1029 : vector<16xi32>
        %lt3A_1031 = arith.constant 0 : i32
        %lt3A_1032 = arith.cmpi slt, %select_n3A_1022, %lt3A_1031 : i32
        %ne3A_1033 = vector.broadcast %lt3A_1032 : i1 to vector<16xi1>
        %ne3A_1034 = vector.broadcast %ne3A_1033 : vector<16xi1> to vector<16xi1>
        %ne3A_1035 = arith.xori %lt3A_1030, %ne3A_1034 : vector<16xi1>
        %and3A_1036 = arith.andi %ne3A_1035, %ne3A_1027 : vector<16xi1>
        %add3A_1037 = vector.broadcast %select_n3A_1022 : i32 to vector<16xi32>
        %add3A_1038 = arith.addi %rem3A_1024, %add3A_1037 : vector<16xi32>
        %select_n3A_1039 = arith.select %and3A_1036, %add3A_1038, %rem3A_1024 : vector<16xi1>, vector<16xi32>
        %broadcast_in_dim3A_1040 = vector.shape_cast %select_n3A_1039 : vector<16xi32> to vector<16x1xi32>
        %gather3A_1041 = vector.shape_cast %broadcast_in_dim3A_1040 : vector<16x1xi32> to vector<16xi32>
        %gather3A_1042 = tpu.dynamic_gather %min3A_1014[%gather3A_1041] in [0] : vector<16xi32>, vector<16xi32> -> vector<16xi32>
        %min3A_1043 = arith.minsi %min3A_1014, %gather3A_1042 : vector<16xi32>
        %add3A_1044 = arith.constant 2 : i32
        %add3A_1045 = vector.broadcast %add3A_1044 : i32 to vector<16xi32>
        %add3A_1046 = arith.addi %iota3A, %add3A_1045 : vector<16xi32>
        %jit3A_1047 = arith.constant 16 : i32
        %eq3A_1048 = arith.constant 0 : i32
        %eq3A_1049 = arith.cmpi eq, %jit3A_1047, %eq3A_1048 : i32
        %jit3A_1050 = arith.constant 1 : i32
        %select_n3A_1051 = arith.select %eq3A_1049, %jit3A_1050, %jit3A_1047 : i32
        %rem3A_1052 = vector.broadcast %select_n3A_1051 : i32 to vector<16xi32>
        %rem3A_1053 = arith.remsi %add3A_1046, %rem3A_1052 : vector<16xi32>
        %ne3A_1054 = arith.constant 0 : i32
        %ne3A_1055 = vector.broadcast %ne3A_1054 : i32 to vector<16xi32>
        %ne3A_1056 = arith.cmpi ne, %rem3A_1053, %ne3A_1055 : vector<16xi32>
        %lt3A_1057 = arith.constant 0 : i32
        %lt3A_1058 = vector.broadcast %lt3A_1057 : i32 to vector<16xi32>
        %lt3A_1059 = arith.cmpi slt, %rem3A_1053, %lt3A_1058 : vector<16xi32>
        %lt3A_1060 = arith.constant 0 : i32
        %lt3A_1061 = arith.cmpi slt, %select_n3A_1051, %lt3A_1060 : i32
        %ne3A_1062 = vector.broadcast %lt3A_1061 : i1 to vector<16xi1>
        %ne3A_1063 = vector.broadcast %ne3A_1062 : vector<16xi1> to vector<16xi1>
        %ne3A_1064 = arith.xori %lt3A_1059, %ne3A_1063 : vector<16xi1>
        %and3A_1065 = arith.andi %ne3A_1064, %ne3A_1056 : vector<16xi1>
        %add3A_1066 = vector.broadcast %select_n3A_1051 : i32 to vector<16xi32>
        %add3A_1067 = arith.addi %rem3A_1053, %add3A_1066 : vector<16xi32>
        %select_n3A_1068 = arith.select %and3A_1065, %add3A_1067, %rem3A_1053 : vector<16xi1>, vector<16xi32>
        %broadcast_in_dim3A_1069 = vector.shape_cast %select_n3A_1068 : vector<16xi32> to vector<16x1xi32>
        %gather3A_1070 = vector.shape_cast %broadcast_in_dim3A_1069 : vector<16x1xi32> to vector<16xi32>
        %gather3A_1071 = tpu.dynamic_gather %min3A_1043[%gather3A_1070] in [0] : vector<16xi32>, vector<16xi32> -> vector<16xi32>
        %min3A_1072 = arith.minsi %min3A_1043, %gather3A_1071 : vector<16xi32>
        %add3A_1073 = arith.constant 1 : i32
        %add3A_1074 = vector.broadcast %add3A_1073 : i32 to vector<16xi32>
        %add3A_1075 = arith.addi %iota3A, %add3A_1074 : vector<16xi32>
        %jit3A_1076 = arith.constant 16 : i32
        %eq3A_1077 = arith.constant 0 : i32
        %eq3A_1078 = arith.cmpi eq, %jit3A_1076, %eq3A_1077 : i32
        %jit3A_1079 = arith.constant 1 : i32
        %select_n3A_1080 = arith.select %eq3A_1078, %jit3A_1079, %jit3A_1076 : i32
        %rem3A_1081 = vector.broadcast %select_n3A_1080 : i32 to vector<16xi32>
        %rem3A_1082 = arith.remsi %add3A_1075, %rem3A_1081 : vector<16xi32>
        %ne3A_1083 = arith.constant 0 : i32
        %ne3A_1084 = vector.broadcast %ne3A_1083 : i32 to vector<16xi32>
        %ne3A_1085 = arith.cmpi ne, %rem3A_1082, %ne3A_1084 : vector<16xi32>
        %lt3A_1086 = arith.constant 0 : i32
        %lt3A_1087 = vector.broadcast %lt3A_1086 : i32 to vector<16xi32>
        %lt3A_1088 = arith.cmpi slt, %rem3A_1082, %lt3A_1087 : vector<16xi32>
        %lt3A_1089 = arith.constant 0 : i32
        %lt3A_1090 = arith.cmpi slt, %select_n3A_1080, %lt3A_1089 : i32
        %ne3A_1091 = vector.broadcast %lt3A_1090 : i1 to vector<16xi1>
        %ne3A_1092 = vector.broadcast %ne3A_1091 : vector<16xi1> to vector<16xi1>
        %ne3A_1093 = arith.xori %lt3A_1088, %ne3A_1092 : vector<16xi1>
        %and3A_1094 = arith.andi %ne3A_1093, %ne3A_1085 : vector<16xi1>
        %add3A_1095 = vector.broadcast %select_n3A_1080 : i32 to vector<16xi32>
        %add3A_1096 = arith.addi %rem3A_1082, %add3A_1095 : vector<16xi32>
        %select_n3A_1097 = arith.select %and3A_1094, %add3A_1096, %rem3A_1082 : vector<16xi1>, vector<16xi32>
        %broadcast_in_dim3A_1098 = vector.shape_cast %select_n3A_1097 : vector<16xi32> to vector<16x1xi32>
        %gather3A_1099 = vector.shape_cast %broadcast_in_dim3A_1098 : vector<16x1xi32> to vector<16xi32>
        %gather3A_1100 = tpu.dynamic_gather %min3A_1072[%gather3A_1099] in [0] : vector<16xi32>, vector<16xi32> -> vector<16xi32>
        %min3A_1101 = arith.minsi %min3A_1072, %gather3A_1100 : vector<16xi32>
        %slice3A = vector.extract_strided_slice %min3A_1101 {offsets = [0], sizes = [1], strides = [1]} : vector<16xi32> to vector<1xi32>
        %squeeze3A = vector.extract %slice3A[0] : i32 from vector<1xi32>
        %eq3A_1102 = arith.constant 0 : i32
        %eq3A_1103 = arith.cmpi eq, %squeeze3A, %eq3A_1102 : i32
        %convert_element_type3A_1104 = arith.extui %eq3A_1103 : i1 to i32
        %cond3A_1105 = arith.constant 0 : i32
        %cond3A_1106 = arith.cmpi ne, %convert_element_type3A_1104, %cond3A_1105 : i32
        scf.if %cond3A_1106 {
          %eq3A_1108 = arith.constant 0 : i32
          %eq3A_1109 = vector.broadcast %eq3A_1108 : i32 to vector<16xi32>
          %eq3A_1110 = arith.cmpi eq, %get3A_985, %eq3A_1109 : vector<16xi32>
          %broadcast_in_dim3A_1111 = vector.broadcast %scan3A_979 : i32 to vector<16xi32>
          %add3A_1112 = arith.constant 0 : i32
          %add3A_1113 = vector.broadcast %add3A_1112 : i32 to vector<16xi32>
          %add3A_1114 = arith.addi %add3A_1113, %iota3A : vector<16xi32>
          %broadcast_in_dim3A_1115 = arith.constant 0 : i32
          %broadcast_in_dim3A_1116 = vector.broadcast %broadcast_in_dim3A_1115 : i32 to vector<16xi32>
          tpu.vector_store_idx %arg7[%broadcast_in_dim3A_1111, %add3A_1114, %broadcast_in_dim3A_1116], %broadcast_in_dim3A_3 masked %eq3A_1110 : memref<16x50x32xf32, #tpu.memory_space<vmem>>[vector<16xi32>, vector<16xi32>, vector<16xi32>], vector<16xf32>, vector<16xi1>
          %broadcast_in_dim3A_1117 = arith.constant 1 : i32
          %broadcast_in_dim3A_1118 = vector.broadcast %broadcast_in_dim3A_1117 : i32 to vector<16xi32>
          tpu.vector_store_idx %arg7[%broadcast_in_dim3A_1111, %add3A_1114, %broadcast_in_dim3A_1118], %broadcast_in_dim3A_3 masked %eq3A_1110 : memref<16x50x32xf32, #tpu.memory_space<vmem>>[vector<16xi32>, vector<16xi32>, vector<16xi32>], vector<16xf32>, vector<16xi1>
          %broadcast_in_dim3A_1119 = arith.constant 2 : i32
          %broadcast_in_dim3A_1120 = vector.broadcast %broadcast_in_dim3A_1119 : i32 to vector<16xi32>
          tpu.vector_store_idx %arg7[%broadcast_in_dim3A_1111, %add3A_1114, %broadcast_in_dim3A_1120], %broadcast_in_dim3A_3 masked %eq3A_1110 : memref<16x50x32xf32, #tpu.memory_space<vmem>>[vector<16xi32>, vector<16xi32>, vector<16xi32>], vector<16xf32>, vector<16xi1>
          %broadcast_in_dim3A_1121 = arith.constant 3 : i32
          %broadcast_in_dim3A_1122 = vector.broadcast %broadcast_in_dim3A_1121 : i32 to vector<16xi32>
          tpu.vector_store_idx %arg7[%broadcast_in_dim3A_1111, %add3A_1114, %broadcast_in_dim3A_1122], %broadcast_in_dim3A_3 masked %eq3A_1110 : memref<16x50x32xf32, #tpu.memory_space<vmem>>[vector<16xi32>, vector<16xi32>, vector<16xi32>], vector<16xf32>, vector<16xi1>
          %broadcast_in_dim3A_1123 = arith.constant 4 : i32
          %broadcast_in_dim3A_1124 = vector.broadcast %broadcast_in_dim3A_1123 : i32 to vector<16xi32>
          tpu.vector_store_idx %arg7[%broadcast_in_dim3A_1111, %add3A_1114, %broadcast_in_dim3A_1124], %broadcast_in_dim3A_3 masked %eq3A_1110 : memref<16x50x32xf32, #tpu.memory_space<vmem>>[vector<16xi32>, vector<16xi32>, vector<16xi32>], vector<16xf32>, vector<16xi1>
          %broadcast_in_dim3A_1125 = arith.constant 5 : i32
          %broadcast_in_dim3A_1126 = vector.broadcast %broadcast_in_dim3A_1125 : i32 to vector<16xi32>
          tpu.vector_store_idx %arg7[%broadcast_in_dim3A_1111, %add3A_1114, %broadcast_in_dim3A_1126], %broadcast_in_dim3A_3 masked %eq3A_1110 : memref<16x50x32xf32, #tpu.memory_space<vmem>>[vector<16xi32>, vector<16xi32>, vector<16xi32>], vector<16xf32>, vector<16xi1>
          %broadcast_in_dim3A_1127 = arith.constant 6 : i32
          %broadcast_in_dim3A_1128 = vector.broadcast %broadcast_in_dim3A_1127 : i32 to vector<16xi32>
          tpu.vector_store_idx %arg7[%broadcast_in_dim3A_1111, %add3A_1114, %broadcast_in_dim3A_1128], %broadcast_in_dim3A_3 masked %eq3A_1110 : memref<16x50x32xf32, #tpu.memory_space<vmem>>[vector<16xi32>, vector<16xi32>, vector<16xi32>], vector<16xf32>, vector<16xi1>
          %broadcast_in_dim3A_1129 = arith.constant 7 : i32
          %broadcast_in_dim3A_1130 = vector.broadcast %broadcast_in_dim3A_1129 : i32 to vector<16xi32>
          tpu.vector_store_idx %arg7[%broadcast_in_dim3A_1111, %add3A_1114, %broadcast_in_dim3A_1130], %broadcast_in_dim3A_3 masked %eq3A_1110 : memref<16x50x32xf32, #tpu.memory_space<vmem>>[vector<16xi32>, vector<16xi32>, vector<16xi32>], vector<16xf32>, vector<16xi1>
          %broadcast_in_dim3A_1131 = arith.constant 8 : i32
          %broadcast_in_dim3A_1132 = vector.broadcast %broadcast_in_dim3A_1131 : i32 to vector<16xi32>
          tpu.vector_store_idx %arg7[%broadcast_in_dim3A_1111, %add3A_1114, %broadcast_in_dim3A_1132], %broadcast_in_dim3A_3 masked %eq3A_1110 : memref<16x50x32xf32, #tpu.memory_space<vmem>>[vector<16xi32>, vector<16xi32>, vector<16xi32>], vector<16xf32>, vector<16xi1>
          %broadcast_in_dim3A_1133 = arith.constant 9 : i32
          %broadcast_in_dim3A_1134 = vector.broadcast %broadcast_in_dim3A_1133 : i32 to vector<16xi32>
          tpu.vector_store_idx %arg7[%broadcast_in_dim3A_1111, %add3A_1114, %broadcast_in_dim3A_1134], %broadcast_in_dim3A_3 masked %eq3A_1110 : memref<16x50x32xf32, #tpu.memory_space<vmem>>[vector<16xi32>, vector<16xi32>, vector<16xi32>], vector<16xf32>, vector<16xi1>
          %broadcast_in_dim3A_1135 = arith.constant 10 : i32
          %broadcast_in_dim3A_1136 = vector.broadcast %broadcast_in_dim3A_1135 : i32 to vector<16xi32>
          tpu.vector_store_idx %arg7[%broadcast_in_dim3A_1111, %add3A_1114, %broadcast_in_dim3A_1136], %broadcast_in_dim3A_3 masked %eq3A_1110 : memref<16x50x32xf32, #tpu.memory_space<vmem>>[vector<16xi32>, vector<16xi32>, vector<16xi32>], vector<16xf32>, vector<16xi1>
          %broadcast_in_dim3A_1137 = arith.constant 11 : i32
          %broadcast_in_dim3A_1138 = vector.broadcast %broadcast_in_dim3A_1137 : i32 to vector<16xi32>
          tpu.vector_store_idx %arg7[%broadcast_in_dim3A_1111, %add3A_1114, %broadcast_in_dim3A_1138], %broadcast_in_dim3A_3 masked %eq3A_1110 : memref<16x50x32xf32, #tpu.memory_space<vmem>>[vector<16xi32>, vector<16xi32>, vector<16xi32>], vector<16xf32>, vector<16xi1>
          %broadcast_in_dim3A_1139 = arith.constant 12 : i32
          %broadcast_in_dim3A_1140 = vector.broadcast %broadcast_in_dim3A_1139 : i32 to vector<16xi32>
          tpu.vector_store_idx %arg7[%broadcast_in_dim3A_1111, %add3A_1114, %broadcast_in_dim3A_1140], %broadcast_in_dim3A_3 masked %eq3A_1110 : memref<16x50x32xf32, #tpu.memory_space<vmem>>[vector<16xi32>, vector<16xi32>, vector<16xi32>], vector<16xf32>, vector<16xi1>
          %broadcast_in_dim3A_1141 = arith.constant 13 : i32
          %broadcast_in_dim3A_1142 = vector.broadcast %broadcast_in_dim3A_1141 : i32 to vector<16xi32>
          tpu.vector_store_idx %arg7[%broadcast_in_dim3A_1111, %add3A_1114, %broadcast_in_dim3A_1142], %broadcast_in_dim3A_3 masked %eq3A_1110 : memref<16x50x32xf32, #tpu.memory_space<vmem>>[vector<16xi32>, vector<16xi32>, vector<16xi32>], vector<16xf32>, vector<16xi1>
          %broadcast_in_dim3A_1143 = arith.constant 14 : i32
          %broadcast_in_dim3A_1144 = vector.broadcast %broadcast_in_dim3A_1143 : i32 to vector<16xi32>
          tpu.vector_store_idx %arg7[%broadcast_in_dim3A_1111, %add3A_1114, %broadcast_in_dim3A_1144], %broadcast_in_dim3A_3 masked %eq3A_1110 : memref<16x50x32xf32, #tpu.memory_space<vmem>>[vector<16xi32>, vector<16xi32>, vector<16xi32>], vector<16xf32>, vector<16xi1>
          %broadcast_in_dim3A_1145 = arith.constant 15 : i32
          %broadcast_in_dim3A_1146 = vector.broadcast %broadcast_in_dim3A_1145 : i32 to vector<16xi32>
          tpu.vector_store_idx %arg7[%broadcast_in_dim3A_1111, %add3A_1114, %broadcast_in_dim3A_1146], %broadcast_in_dim3A_3 masked %eq3A_1110 : memref<16x50x32xf32, #tpu.memory_space<vmem>>[vector<16xi32>, vector<16xi32>, vector<16xi32>], vector<16xf32>, vector<16xi1>
          %broadcast_in_dim3A_1147 = arith.constant 16 : i32
          %broadcast_in_dim3A_1148 = vector.broadcast %broadcast_in_dim3A_1147 : i32 to vector<16xi32>
          tpu.vector_store_idx %arg7[%broadcast_in_dim3A_1111, %add3A_1114, %broadcast_in_dim3A_1148], %broadcast_in_dim3A_3 masked %eq3A_1110 : memref<16x50x32xf32, #tpu.memory_space<vmem>>[vector<16xi32>, vector<16xi32>, vector<16xi32>], vector<16xf32>, vector<16xi1>
          %broadcast_in_dim3A_1149 = arith.constant 17 : i32
          %broadcast_in_dim3A_1150 = vector.broadcast %broadcast_in_dim3A_1149 : i32 to vector<16xi32>
          tpu.vector_store_idx %arg7[%broadcast_in_dim3A_1111, %add3A_1114, %broadcast_in_dim3A_1150], %broadcast_in_dim3A_3 masked %eq3A_1110 : memref<16x50x32xf32, #tpu.memory_space<vmem>>[vector<16xi32>, vector<16xi32>, vector<16xi32>], vector<16xf32>, vector<16xi1>
          %broadcast_in_dim3A_1151 = arith.constant 18 : i32
          %broadcast_in_dim3A_1152 = vector.broadcast %broadcast_in_dim3A_1151 : i32 to vector<16xi32>
          tpu.vector_store_idx %arg7[%broadcast_in_dim3A_1111, %add3A_1114, %broadcast_in_dim3A_1152], %broadcast_in_dim3A_3 masked %eq3A_1110 : memref<16x50x32xf32, #tpu.memory_space<vmem>>[vector<16xi32>, vector<16xi32>, vector<16xi32>], vector<16xf32>, vector<16xi1>
          %broadcast_in_dim3A_1153 = arith.constant 19 : i32
          %broadcast_in_dim3A_1154 = vector.broadcast %broadcast_in_dim3A_1153 : i32 to vector<16xi32>
          tpu.vector_store_idx %arg7[%broadcast_in_dim3A_1111, %add3A_1114, %broadcast_in_dim3A_1154], %broadcast_in_dim3A_3 masked %eq3A_1110 : memref<16x50x32xf32, #tpu.memory_space<vmem>>[vector<16xi32>, vector<16xi32>, vector<16xi32>], vector<16xf32>, vector<16xi1>
          %broadcast_in_dim3A_1155 = arith.constant 20 : i32
          %broadcast_in_dim3A_1156 = vector.broadcast %broadcast_in_dim3A_1155 : i32 to vector<16xi32>
          tpu.vector_store_idx %arg7[%broadcast_in_dim3A_1111, %add3A_1114, %broadcast_in_dim3A_1156], %broadcast_in_dim3A_3 masked %eq3A_1110 : memref<16x50x32xf32, #tpu.memory_space<vmem>>[vector<16xi32>, vector<16xi32>, vector<16xi32>], vector<16xf32>, vector<16xi1>
          %broadcast_in_dim3A_1157 = arith.constant 21 : i32
          %broadcast_in_dim3A_1158 = vector.broadcast %broadcast_in_dim3A_1157 : i32 to vector<16xi32>
          tpu.vector_store_idx %arg7[%broadcast_in_dim3A_1111, %add3A_1114, %broadcast_in_dim3A_1158], %broadcast_in_dim3A_3 masked %eq3A_1110 : memref<16x50x32xf32, #tpu.memory_space<vmem>>[vector<16xi32>, vector<16xi32>, vector<16xi32>], vector<16xf32>, vector<16xi1>
          %broadcast_in_dim3A_1159 = arith.constant 22 : i32
          %broadcast_in_dim3A_1160 = vector.broadcast %broadcast_in_dim3A_1159 : i32 to vector<16xi32>
          tpu.vector_store_idx %arg7[%broadcast_in_dim3A_1111, %add3A_1114, %broadcast_in_dim3A_1160], %broadcast_in_dim3A_3 masked %eq3A_1110 : memref<16x50x32xf32, #tpu.memory_space<vmem>>[vector<16xi32>, vector<16xi32>, vector<16xi32>], vector<16xf32>, vector<16xi1>
          %broadcast_in_dim3A_1161 = arith.constant 23 : i32
          %broadcast_in_dim3A_1162 = vector.broadcast %broadcast_in_dim3A_1161 : i32 to vector<16xi32>
          tpu.vector_store_idx %arg7[%broadcast_in_dim3A_1111, %add3A_1114, %broadcast_in_dim3A_1162], %broadcast_in_dim3A_3 masked %eq3A_1110 : memref<16x50x32xf32, #tpu.memory_space<vmem>>[vector<16xi32>, vector<16xi32>, vector<16xi32>], vector<16xf32>, vector<16xi1>
          %broadcast_in_dim3A_1163 = arith.constant 24 : i32
          %broadcast_in_dim3A_1164 = vector.broadcast %broadcast_in_dim3A_1163 : i32 to vector<16xi32>
          tpu.vector_store_idx %arg7[%broadcast_in_dim3A_1111, %add3A_1114, %broadcast_in_dim3A_1164], %broadcast_in_dim3A_3 masked %eq3A_1110 : memref<16x50x32xf32, #tpu.memory_space<vmem>>[vector<16xi32>, vector<16xi32>, vector<16xi32>], vector<16xf32>, vector<16xi1>
          %broadcast_in_dim3A_1165 = arith.constant 25 : i32
          %broadcast_in_dim3A_1166 = vector.broadcast %broadcast_in_dim3A_1165 : i32 to vector<16xi32>
          tpu.vector_store_idx %arg7[%broadcast_in_dim3A_1111, %add3A_1114, %broadcast_in_dim3A_1166], %broadcast_in_dim3A_3 masked %eq3A_1110 : memref<16x50x32xf32, #tpu.memory_space<vmem>>[vector<16xi32>, vector<16xi32>, vector<16xi32>], vector<16xf32>, vector<16xi1>
          %broadcast_in_dim3A_1167 = arith.constant 26 : i32
          %broadcast_in_dim3A_1168 = vector.broadcast %broadcast_in_dim3A_1167 : i32 to vector<16xi32>
          tpu.vector_store_idx %arg7[%broadcast_in_dim3A_1111, %add3A_1114, %broadcast_in_dim3A_1168], %broadcast_in_dim3A_3 masked %eq3A_1110 : memref<16x50x32xf32, #tpu.memory_space<vmem>>[vector<16xi32>, vector<16xi32>, vector<16xi32>], vector<16xf32>, vector<16xi1>
          %broadcast_in_dim3A_1169 = arith.constant 27 : i32
          %broadcast_in_dim3A_1170 = vector.broadcast %broadcast_in_dim3A_1169 : i32 to vector<16xi32>
          tpu.vector_store_idx %arg7[%broadcast_in_dim3A_1111, %add3A_1114, %broadcast_in_dim3A_1170], %broadcast_in_dim3A_3 masked %eq3A_1110 : memref<16x50x32xf32, #tpu.memory_space<vmem>>[vector<16xi32>, vector<16xi32>, vector<16xi32>], vector<16xf32>, vector<16xi1>
          %broadcast_in_dim3A_1171 = arith.constant 28 : i32
          %broadcast_in_dim3A_1172 = vector.broadcast %broadcast_in_dim3A_1171 : i32 to vector<16xi32>
          tpu.vector_store_idx %arg7[%broadcast_in_dim3A_1111, %add3A_1114, %broadcast_in_dim3A_1172], %broadcast_in_dim3A_3 masked %eq3A_1110 : memref<16x50x32xf32, #tpu.memory_space<vmem>>[vector<16xi32>, vector<16xi32>, vector<16xi32>], vector<16xf32>, vector<16xi1>
          %broadcast_in_dim3A_1173 = arith.constant 29 : i32
          %broadcast_in_dim3A_1174 = vector.broadcast %broadcast_in_dim3A_1173 : i32 to vector<16xi32>
          tpu.vector_store_idx %arg7[%broadcast_in_dim3A_1111, %add3A_1114, %broadcast_in_dim3A_1174], %broadcast_in_dim3A_3 masked %eq3A_1110 : memref<16x50x32xf32, #tpu.memory_space<vmem>>[vector<16xi32>, vector<16xi32>, vector<16xi32>], vector<16xf32>, vector<16xi1>
          %broadcast_in_dim3A_1175 = arith.constant 30 : i32
          %broadcast_in_dim3A_1176 = vector.broadcast %broadcast_in_dim3A_1175 : i32 to vector<16xi32>
          tpu.vector_store_idx %arg7[%broadcast_in_dim3A_1111, %add3A_1114, %broadcast_in_dim3A_1176], %broadcast_in_dim3A_3 masked %eq3A_1110 : memref<16x50x32xf32, #tpu.memory_space<vmem>>[vector<16xi32>, vector<16xi32>, vector<16xi32>], vector<16xf32>, vector<16xi1>
          %broadcast_in_dim3A_1177 = arith.constant 31 : i32
          %broadcast_in_dim3A_1178 = vector.broadcast %broadcast_in_dim3A_1177 : i32 to vector<16xi32>
          tpu.vector_store_idx %arg7[%broadcast_in_dim3A_1111, %add3A_1114, %broadcast_in_dim3A_1178], %broadcast_in_dim3A_3 masked %eq3A_1110 : memref<16x50x32xf32, #tpu.memory_space<vmem>>[vector<16xi32>, vector<16xi32>, vector<16xi32>], vector<16xf32>, vector<16xi1>
          %eq3A_1179 = arith.constant 0 : i32
          %eq3A_1180 = vector.broadcast %eq3A_1179 : i32 to vector<16xi32>
          %eq3A_1181 = arith.cmpi eq, %get3A_988, %eq3A_1180 : vector<16xi32>
          %broadcast_in_dim3A_1182 = vector.broadcast %scan3A_979 : i32 to vector<16xi32>
          %add3A_1183 = arith.constant 16 : i32
          %add3A_1184 = vector.broadcast %add3A_1183 : i32 to vector<16xi32>
          %add3A_1185 = arith.addi %add3A_1184, %iota3A : vector<16xi32>
          %broadcast_in_dim3A_1186 = arith.constant 0 : i32
          %broadcast_in_dim3A_1187 = vector.broadcast %broadcast_in_dim3A_1186 : i32 to vector<16xi32>
          tpu.vector_store_idx %arg7[%broadcast_in_dim3A_1182, %add3A_1185, %broadcast_in_dim3A_1187], %broadcast_in_dim3A_3 masked %eq3A_1181 : memref<16x50x32xf32, #tpu.memory_space<vmem>>[vector<16xi32>, vector<16xi32>, vector<16xi32>], vector<16xf32>, vector<16xi1>
          %broadcast_in_dim3A_1188 = arith.constant 1 : i32
          %broadcast_in_dim3A_1189 = vector.broadcast %broadcast_in_dim3A_1188 : i32 to vector<16xi32>
          tpu.vector_store_idx %arg7[%broadcast_in_dim3A_1182, %add3A_1185, %broadcast_in_dim3A_1189], %broadcast_in_dim3A_3 masked %eq3A_1181 : memref<16x50x32xf32, #tpu.memory_space<vmem>>[vector<16xi32>, vector<16xi32>, vector<16xi32>], vector<16xf32>, vector<16xi1>
          %broadcast_in_dim3A_1190 = arith.constant 2 : i32
          %broadcast_in_dim3A_1191 = vector.broadcast %broadcast_in_dim3A_1190 : i32 to vector<16xi32>
          tpu.vector_store_idx %arg7[%broadcast_in_dim3A_1182, %add3A_1185, %broadcast_in_dim3A_1191], %broadcast_in_dim3A_3 masked %eq3A_1181 : memref<16x50x32xf32, #tpu.memory_space<vmem>>[vector<16xi32>, vector<16xi32>, vector<16xi32>], vector<16xf32>, vector<16xi1>
          %broadcast_in_dim3A_1192 = arith.constant 3 : i32
          %broadcast_in_dim3A_1193 = vector.broadcast %broadcast_in_dim3A_1192 : i32 to vector<16xi32>
          tpu.vector_store_idx %arg7[%broadcast_in_dim3A_1182, %add3A_1185, %broadcast_in_dim3A_1193], %broadcast_in_dim3A_3 masked %eq3A_1181 : memref<16x50x32xf32, #tpu.memory_space<vmem>>[vector<16xi32>, vector<16xi32>, vector<16xi32>], vector<16xf32>, vector<16xi1>
          %broadcast_in_dim3A_1194 = arith.constant 4 : i32
          %broadcast_in_dim3A_1195 = vector.broadcast %broadcast_in_dim3A_1194 : i32 to vector<16xi32>
          tpu.vector_store_idx %arg7[%broadcast_in_dim3A_1182, %add3A_1185, %broadcast_in_dim3A_1195], %broadcast_in_dim3A_3 masked %eq3A_1181 : memref<16x50x32xf32, #tpu.memory_space<vmem>>[vector<16xi32>, vector<16xi32>, vector<16xi32>], vector<16xf32>, vector<16xi1>
          %broadcast_in_dim3A_1196 = arith.constant 5 : i32
          %broadcast_in_dim3A_1197 = vector.broadcast %broadcast_in_dim3A_1196 : i32 to vector<16xi32>
          tpu.vector_store_idx %arg7[%broadcast_in_dim3A_1182, %add3A_1185, %broadcast_in_dim3A_1197], %broadcast_in_dim3A_3 masked %eq3A_1181 : memref<16x50x32xf32, #tpu.memory_space<vmem>>[vector<16xi32>, vector<16xi32>, vector<16xi32>], vector<16xf32>, vector<16xi1>
          %broadcast_in_dim3A_1198 = arith.constant 6 : i32
          %broadcast_in_dim3A_1199 = vector.broadcast %broadcast_in_dim3A_1198 : i32 to vector<16xi32>
          tpu.vector_store_idx %arg7[%broadcast_in_dim3A_1182, %add3A_1185, %broadcast_in_dim3A_1199], %broadcast_in_dim3A_3 masked %eq3A_1181 : memref<16x50x32xf32, #tpu.memory_space<vmem>>[vector<16xi32>, vector<16xi32>, vector<16xi32>], vector<16xf32>, vector<16xi1>
          %broadcast_in_dim3A_1200 = arith.constant 7 : i32
          %broadcast_in_dim3A_1201 = vector.broadcast %broadcast_in_dim3A_1200 : i32 to vector<16xi32>
          tpu.vector_store_idx %arg7[%broadcast_in_dim3A_1182, %add3A_1185, %broadcast_in_dim3A_1201], %broadcast_in_dim3A_3 masked %eq3A_1181 : memref<16x50x32xf32, #tpu.memory_space<vmem>>[vector<16xi32>, vector<16xi32>, vector<16xi32>], vector<16xf32>, vector<16xi1>
          %broadcast_in_dim3A_1202 = arith.constant 8 : i32
          %broadcast_in_dim3A_1203 = vector.broadcast %broadcast_in_dim3A_1202 : i32 to vector<16xi32>
          tpu.vector_store_idx %arg7[%broadcast_in_dim3A_1182, %add3A_1185, %broadcast_in_dim3A_1203], %broadcast_in_dim3A_3 masked %eq3A_1181 : memref<16x50x32xf32, #tpu.memory_space<vmem>>[vector<16xi32>, vector<16xi32>, vector<16xi32>], vector<16xf32>, vector<16xi1>
          %broadcast_in_dim3A_1204 = arith.constant 9 : i32
          %broadcast_in_dim3A_1205 = vector.broadcast %broadcast_in_dim3A_1204 : i32 to vector<16xi32>
          tpu.vector_store_idx %arg7[%broadcast_in_dim3A_1182, %add3A_1185, %broadcast_in_dim3A_1205], %broadcast_in_dim3A_3 masked %eq3A_1181 : memref<16x50x32xf32, #tpu.memory_space<vmem>>[vector<16xi32>, vector<16xi32>, vector<16xi32>], vector<16xf32>, vector<16xi1>
          %broadcast_in_dim3A_1206 = arith.constant 10 : i32
          %broadcast_in_dim3A_1207 = vector.broadcast %broadcast_in_dim3A_1206 : i32 to vector<16xi32>
          tpu.vector_store_idx %arg7[%broadcast_in_dim3A_1182, %add3A_1185, %broadcast_in_dim3A_1207], %broadcast_in_dim3A_3 masked %eq3A_1181 : memref<16x50x32xf32, #tpu.memory_space<vmem>>[vector<16xi32>, vector<16xi32>, vector<16xi32>], vector<16xf32>, vector<16xi1>
          %broadcast_in_dim3A_1208 = arith.constant 11 : i32
          %broadcast_in_dim3A_1209 = vector.broadcast %broadcast_in_dim3A_1208 : i32 to vector<16xi32>
          tpu.vector_store_idx %arg7[%broadcast_in_dim3A_1182, %add3A_1185, %broadcast_in_dim3A_1209], %broadcast_in_dim3A_3 masked %eq3A_1181 : memref<16x50x32xf32, #tpu.memory_space<vmem>>[vector<16xi32>, vector<16xi32>, vector<16xi32>], vector<16xf32>, vector<16xi1>
          %broadcast_in_dim3A_1210 = arith.constant 12 : i32
          %broadcast_in_dim3A_1211 = vector.broadcast %broadcast_in_dim3A_1210 : i32 to vector<16xi32>
          tpu.vector_store_idx %arg7[%broadcast_in_dim3A_1182, %add3A_1185, %broadcast_in_dim3A_1211], %broadcast_in_dim3A_3 masked %eq3A_1181 : memref<16x50x32xf32, #tpu.memory_space<vmem>>[vector<16xi32>, vector<16xi32>, vector<16xi32>], vector<16xf32>, vector<16xi1>
          %broadcast_in_dim3A_1212 = arith.constant 13 : i32
          %broadcast_in_dim3A_1213 = vector.broadcast %broadcast_in_dim3A_1212 : i32 to vector<16xi32>
          tpu.vector_store_idx %arg7[%broadcast_in_dim3A_1182, %add3A_1185, %broadcast_in_dim3A_1213], %broadcast_in_dim3A_3 masked %eq3A_1181 : memref<16x50x32xf32, #tpu.memory_space<vmem>>[vector<16xi32>, vector<16xi32>, vector<16xi32>], vector<16xf32>, vector<16xi1>
          %broadcast_in_dim3A_1214 = arith.constant 14 : i32
          %broadcast_in_dim3A_1215 = vector.broadcast %broadcast_in_dim3A_1214 : i32 to vector<16xi32>
          tpu.vector_store_idx %arg7[%broadcast_in_dim3A_1182, %add3A_1185, %broadcast_in_dim3A_1215], %broadcast_in_dim3A_3 masked %eq3A_1181 : memref<16x50x32xf32, #tpu.memory_space<vmem>>[vector<16xi32>, vector<16xi32>, vector<16xi32>], vector<16xf32>, vector<16xi1>
          %broadcast_in_dim3A_1216 = arith.constant 15 : i32
          %broadcast_in_dim3A_1217 = vector.broadcast %broadcast_in_dim3A_1216 : i32 to vector<16xi32>
          tpu.vector_store_idx %arg7[%broadcast_in_dim3A_1182, %add3A_1185, %broadcast_in_dim3A_1217], %broadcast_in_dim3A_3 masked %eq3A_1181 : memref<16x50x32xf32, #tpu.memory_space<vmem>>[vector<16xi32>, vector<16xi32>, vector<16xi32>], vector<16xf32>, vector<16xi1>
          %broadcast_in_dim3A_1218 = arith.constant 16 : i32
          %broadcast_in_dim3A_1219 = vector.broadcast %broadcast_in_dim3A_1218 : i32 to vector<16xi32>
          tpu.vector_store_idx %arg7[%broadcast_in_dim3A_1182, %add3A_1185, %broadcast_in_dim3A_1219], %broadcast_in_dim3A_3 masked %eq3A_1181 : memref<16x50x32xf32, #tpu.memory_space<vmem>>[vector<16xi32>, vector<16xi32>, vector<16xi32>], vector<16xf32>, vector<16xi1>
          %broadcast_in_dim3A_1220 = arith.constant 17 : i32
          %broadcast_in_dim3A_1221 = vector.broadcast %broadcast_in_dim3A_1220 : i32 to vector<16xi32>
          tpu.vector_store_idx %arg7[%broadcast_in_dim3A_1182, %add3A_1185, %broadcast_in_dim3A_1221], %broadcast_in_dim3A_3 masked %eq3A_1181 : memref<16x50x32xf32, #tpu.memory_space<vmem>>[vector<16xi32>, vector<16xi32>, vector<16xi32>], vector<16xf32>, vector<16xi1>
          %broadcast_in_dim3A_1222 = arith.constant 18 : i32
          %broadcast_in_dim3A_1223 = vector.broadcast %broadcast_in_dim3A_1222 : i32 to vector<16xi32>
          tpu.vector_store_idx %arg7[%broadcast_in_dim3A_1182, %add3A_1185, %broadcast_in_dim3A_1223], %broadcast_in_dim3A_3 masked %eq3A_1181 : memref<16x50x32xf32, #tpu.memory_space<vmem>>[vector<16xi32>, vector<16xi32>, vector<16xi32>], vector<16xf32>, vector<16xi1>
          %broadcast_in_dim3A_1224 = arith.constant 19 : i32
          %broadcast_in_dim3A_1225 = vector.broadcast %broadcast_in_dim3A_1224 : i32 to vector<16xi32>
          tpu.vector_store_idx %arg7[%broadcast_in_dim3A_1182, %add3A_1185, %broadcast_in_dim3A_1225], %broadcast_in_dim3A_3 masked %eq3A_1181 : memref<16x50x32xf32, #tpu.memory_space<vmem>>[vector<16xi32>, vector<16xi32>, vector<16xi32>], vector<16xf32>, vector<16xi1>
          %broadcast_in_dim3A_1226 = arith.constant 20 : i32
          %broadcast_in_dim3A_1227 = vector.broadcast %broadcast_in_dim3A_1226 : i32 to vector<16xi32>
          tpu.vector_store_idx %arg7[%broadcast_in_dim3A_1182, %add3A_1185, %broadcast_in_dim3A_1227], %broadcast_in_dim3A_3 masked %eq3A_1181 : memref<16x50x32xf32, #tpu.memory_space<vmem>>[vector<16xi32>, vector<16xi32>, vector<16xi32>], vector<16xf32>, vector<16xi1>
          %broadcast_in_dim3A_1228 = arith.constant 21 : i32
          %broadcast_in_dim3A_1229 = vector.broadcast %broadcast_in_dim3A_1228 : i32 to vector<16xi32>
          tpu.vector_store_idx %arg7[%broadcast_in_dim3A_1182, %add3A_1185, %broadcast_in_dim3A_1229], %broadcast_in_dim3A_3 masked %eq3A_1181 : memref<16x50x32xf32, #tpu.memory_space<vmem>>[vector<16xi32>, vector<16xi32>, vector<16xi32>], vector<16xf32>, vector<16xi1>
          %broadcast_in_dim3A_1230 = arith.constant 22 : i32
          %broadcast_in_dim3A_1231 = vector.broadcast %broadcast_in_dim3A_1230 : i32 to vector<16xi32>
          tpu.vector_store_idx %arg7[%broadcast_in_dim3A_1182, %add3A_1185, %broadcast_in_dim3A_1231], %broadcast_in_dim3A_3 masked %eq3A_1181 : memref<16x50x32xf32, #tpu.memory_space<vmem>>[vector<16xi32>, vector<16xi32>, vector<16xi32>], vector<16xf32>, vector<16xi1>
          %broadcast_in_dim3A_1232 = arith.constant 23 : i32
          %broadcast_in_dim3A_1233 = vector.broadcast %broadcast_in_dim3A_1232 : i32 to vector<16xi32>
          tpu.vector_store_idx %arg7[%broadcast_in_dim3A_1182, %add3A_1185, %broadcast_in_dim3A_1233], %broadcast_in_dim3A_3 masked %eq3A_1181 : memref<16x50x32xf32, #tpu.memory_space<vmem>>[vector<16xi32>, vector<16xi32>, vector<16xi32>], vector<16xf32>, vector<16xi1>
          %broadcast_in_dim3A_1234 = arith.constant 24 : i32
          %broadcast_in_dim3A_1235 = vector.broadcast %broadcast_in_dim3A_1234 : i32 to vector<16xi32>
          tpu.vector_store_idx %arg7[%broadcast_in_dim3A_1182, %add3A_1185, %broadcast_in_dim3A_1235], %broadcast_in_dim3A_3 masked %eq3A_1181 : memref<16x50x32xf32, #tpu.memory_space<vmem>>[vector<16xi32>, vector<16xi32>, vector<16xi32>], vector<16xf32>, vector<16xi1>
          %broadcast_in_dim3A_1236 = arith.constant 25 : i32
          %broadcast_in_dim3A_1237 = vector.broadcast %broadcast_in_dim3A_1236 : i32 to vector<16xi32>
          tpu.vector_store_idx %arg7[%broadcast_in_dim3A_1182, %add3A_1185, %broadcast_in_dim3A_1237], %broadcast_in_dim3A_3 masked %eq3A_1181 : memref<16x50x32xf32, #tpu.memory_space<vmem>>[vector<16xi32>, vector<16xi32>, vector<16xi32>], vector<16xf32>, vector<16xi1>
          %broadcast_in_dim3A_1238 = arith.constant 26 : i32
          %broadcast_in_dim3A_1239 = vector.broadcast %broadcast_in_dim3A_1238 : i32 to vector<16xi32>
          tpu.vector_store_idx %arg7[%broadcast_in_dim3A_1182, %add3A_1185, %broadcast_in_dim3A_1239], %broadcast_in_dim3A_3 masked %eq3A_1181 : memref<16x50x32xf32, #tpu.memory_space<vmem>>[vector<16xi32>, vector<16xi32>, vector<16xi32>], vector<16xf32>, vector<16xi1>
          %broadcast_in_dim3A_1240 = arith.constant 27 : i32
          %broadcast_in_dim3A_1241 = vector.broadcast %broadcast_in_dim3A_1240 : i32 to vector<16xi32>
          tpu.vector_store_idx %arg7[%broadcast_in_dim3A_1182, %add3A_1185, %broadcast_in_dim3A_1241], %broadcast_in_dim3A_3 masked %eq3A_1181 : memref<16x50x32xf32, #tpu.memory_space<vmem>>[vector<16xi32>, vector<16xi32>, vector<16xi32>], vector<16xf32>, vector<16xi1>
          %broadcast_in_dim3A_1242 = arith.constant 28 : i32
          %broadcast_in_dim3A_1243 = vector.broadcast %broadcast_in_dim3A_1242 : i32 to vector<16xi32>
          tpu.vector_store_idx %arg7[%broadcast_in_dim3A_1182, %add3A_1185, %broadcast_in_dim3A_1243], %broadcast_in_dim3A_3 masked %eq3A_1181 : memref<16x50x32xf32, #tpu.memory_space<vmem>>[vector<16xi32>, vector<16xi32>, vector<16xi32>], vector<16xf32>, vector<16xi1>
          %broadcast_in_dim3A_1244 = arith.constant 29 : i32
          %broadcast_in_dim3A_1245 = vector.broadcast %broadcast_in_dim3A_1244 : i32 to vector<16xi32>
          tpu.vector_store_idx %arg7[%broadcast_in_dim3A_1182, %add3A_1185, %broadcast_in_dim3A_1245], %broadcast_in_dim3A_3 masked %eq3A_1181 : memref<16x50x32xf32, #tpu.memory_space<vmem>>[vector<16xi32>, vector<16xi32>, vector<16xi32>], vector<16xf32>, vector<16xi1>
          %broadcast_in_dim3A_1246 = arith.constant 30 : i32
          %broadcast_in_dim3A_1247 = vector.broadcast %broadcast_in_dim3A_1246 : i32 to vector<16xi32>
          tpu.vector_store_idx %arg7[%broadcast_in_dim3A_1182, %add3A_1185, %broadcast_in_dim3A_1247], %broadcast_in_dim3A_3 masked %eq3A_1181 : memref<16x50x32xf32, #tpu.memory_space<vmem>>[vector<16xi32>, vector<16xi32>, vector<16xi32>], vector<16xf32>, vector<16xi1>
          %broadcast_in_dim3A_1248 = arith.constant 31 : i32
          %broadcast_in_dim3A_1249 = vector.broadcast %broadcast_in_dim3A_1248 : i32 to vector<16xi32>
          tpu.vector_store_idx %arg7[%broadcast_in_dim3A_1182, %add3A_1185, %broadcast_in_dim3A_1249], %broadcast_in_dim3A_3 masked %eq3A_1181 : memref<16x50x32xf32, #tpu.memory_space<vmem>>[vector<16xi32>, vector<16xi32>, vector<16xi32>], vector<16xf32>, vector<16xi1>
          %eq3A_1250 = arith.constant 0 : i32
          %eq3A_1251 = vector.broadcast %eq3A_1250 : i32 to vector<16xi32>
          %eq3A_1252 = arith.cmpi eq, %get3A_991, %eq3A_1251 : vector<16xi32>
          %broadcast_in_dim3A_1253 = vector.broadcast %scan3A_979 : i32 to vector<16xi32>
          %add3A_1254 = arith.constant 34 : i32
          %add3A_1255 = vector.broadcast %add3A_1254 : i32 to vector<16xi32>
          %add3A_1256 = arith.addi %add3A_1255, %iota3A : vector<16xi32>
          %broadcast_in_dim3A_1257 = arith.constant 0 : i32
          %broadcast_in_dim3A_1258 = vector.broadcast %broadcast_in_dim3A_1257 : i32 to vector<16xi32>
          tpu.vector_store_idx %arg7[%broadcast_in_dim3A_1253, %add3A_1256, %broadcast_in_dim3A_1258], %broadcast_in_dim3A_3 masked %eq3A_1252 : memref<16x50x32xf32, #tpu.memory_space<vmem>>[vector<16xi32>, vector<16xi32>, vector<16xi32>], vector<16xf32>, vector<16xi1>
          %broadcast_in_dim3A_1259 = arith.constant 1 : i32
          %broadcast_in_dim3A_1260 = vector.broadcast %broadcast_in_dim3A_1259 : i32 to vector<16xi32>
          tpu.vector_store_idx %arg7[%broadcast_in_dim3A_1253, %add3A_1256, %broadcast_in_dim3A_1260], %broadcast_in_dim3A_3 masked %eq3A_1252 : memref<16x50x32xf32, #tpu.memory_space<vmem>>[vector<16xi32>, vector<16xi32>, vector<16xi32>], vector<16xf32>, vector<16xi1>
          %broadcast_in_dim3A_1261 = arith.constant 2 : i32
          %broadcast_in_dim3A_1262 = vector.broadcast %broadcast_in_dim3A_1261 : i32 to vector<16xi32>
          tpu.vector_store_idx %arg7[%broadcast_in_dim3A_1253, %add3A_1256, %broadcast_in_dim3A_1262], %broadcast_in_dim3A_3 masked %eq3A_1252 : memref<16x50x32xf32, #tpu.memory_space<vmem>>[vector<16xi32>, vector<16xi32>, vector<16xi32>], vector<16xf32>, vector<16xi1>
          %broadcast_in_dim3A_1263 = arith.constant 3 : i32
          %broadcast_in_dim3A_1264 = vector.broadcast %broadcast_in_dim3A_1263 : i32 to vector<16xi32>
          tpu.vector_store_idx %arg7[%broadcast_in_dim3A_1253, %add3A_1256, %broadcast_in_dim3A_1264], %broadcast_in_dim3A_3 masked %eq3A_1252 : memref<16x50x32xf32, #tpu.memory_space<vmem>>[vector<16xi32>, vector<16xi32>, vector<16xi32>], vector<16xf32>, vector<16xi1>
          %broadcast_in_dim3A_1265 = arith.constant 4 : i32
          %broadcast_in_dim3A_1266 = vector.broadcast %broadcast_in_dim3A_1265 : i32 to vector<16xi32>
          tpu.vector_store_idx %arg7[%broadcast_in_dim3A_1253, %add3A_1256, %broadcast_in_dim3A_1266], %broadcast_in_dim3A_3 masked %eq3A_1252 : memref<16x50x32xf32, #tpu.memory_space<vmem>>[vector<16xi32>, vector<16xi32>, vector<16xi32>], vector<16xf32>, vector<16xi1>
          %broadcast_in_dim3A_1267 = arith.constant 5 : i32
          %broadcast_in_dim3A_1268 = vector.broadcast %broadcast_in_dim3A_1267 : i32 to vector<16xi32>
          tpu.vector_store_idx %arg7[%broadcast_in_dim3A_1253, %add3A_1256, %broadcast_in_dim3A_1268], %broadcast_in_dim3A_3 masked %eq3A_1252 : memref<16x50x32xf32, #tpu.memory_space<vmem>>[vector<16xi32>, vector<16xi32>, vector<16xi32>], vector<16xf32>, vector<16xi1>
          %broadcast_in_dim3A_1269 = arith.constant 6 : i32
          %broadcast_in_dim3A_1270 = vector.broadcast %broadcast_in_dim3A_1269 : i32 to vector<16xi32>
          tpu.vector_store_idx %arg7[%broadcast_in_dim3A_1253, %add3A_1256, %broadcast_in_dim3A_1270], %broadcast_in_dim3A_3 masked %eq3A_1252 : memref<16x50x32xf32, #tpu.memory_space<vmem>>[vector<16xi32>, vector<16xi32>, vector<16xi32>], vector<16xf32>, vector<16xi1>
          %broadcast_in_dim3A_1271 = arith.constant 7 : i32
          %broadcast_in_dim3A_1272 = vector.broadcast %broadcast_in_dim3A_1271 : i32 to vector<16xi32>
          tpu.vector_store_idx %arg7[%broadcast_in_dim3A_1253, %add3A_1256, %broadcast_in_dim3A_1272], %broadcast_in_dim3A_3 masked %eq3A_1252 : memref<16x50x32xf32, #tpu.memory_space<vmem>>[vector<16xi32>, vector<16xi32>, vector<16xi32>], vector<16xf32>, vector<16xi1>
          %broadcast_in_dim3A_1273 = arith.constant 8 : i32
          %broadcast_in_dim3A_1274 = vector.broadcast %broadcast_in_dim3A_1273 : i32 to vector<16xi32>
          tpu.vector_store_idx %arg7[%broadcast_in_dim3A_1253, %add3A_1256, %broadcast_in_dim3A_1274], %broadcast_in_dim3A_3 masked %eq3A_1252 : memref<16x50x32xf32, #tpu.memory_space<vmem>>[vector<16xi32>, vector<16xi32>, vector<16xi32>], vector<16xf32>, vector<16xi1>
          %broadcast_in_dim3A_1275 = arith.constant 9 : i32
          %broadcast_in_dim3A_1276 = vector.broadcast %broadcast_in_dim3A_1275 : i32 to vector<16xi32>
          tpu.vector_store_idx %arg7[%broadcast_in_dim3A_1253, %add3A_1256, %broadcast_in_dim3A_1276], %broadcast_in_dim3A_3 masked %eq3A_1252 : memref<16x50x32xf32, #tpu.memory_space<vmem>>[vector<16xi32>, vector<16xi32>, vector<16xi32>], vector<16xf32>, vector<16xi1>
          %broadcast_in_dim3A_1277 = arith.constant 10 : i32
          %broadcast_in_dim3A_1278 = vector.broadcast %broadcast_in_dim3A_1277 : i32 to vector<16xi32>
          tpu.vector_store_idx %arg7[%broadcast_in_dim3A_1253, %add3A_1256, %broadcast_in_dim3A_1278], %broadcast_in_dim3A_3 masked %eq3A_1252 : memref<16x50x32xf32, #tpu.memory_space<vmem>>[vector<16xi32>, vector<16xi32>, vector<16xi32>], vector<16xf32>, vector<16xi1>
          %broadcast_in_dim3A_1279 = arith.constant 11 : i32
          %broadcast_in_dim3A_1280 = vector.broadcast %broadcast_in_dim3A_1279 : i32 to vector<16xi32>
          tpu.vector_store_idx %arg7[%broadcast_in_dim3A_1253, %add3A_1256, %broadcast_in_dim3A_1280], %broadcast_in_dim3A_3 masked %eq3A_1252 : memref<16x50x32xf32, #tpu.memory_space<vmem>>[vector<16xi32>, vector<16xi32>, vector<16xi32>], vector<16xf32>, vector<16xi1>
          %broadcast_in_dim3A_1281 = arith.constant 12 : i32
          %broadcast_in_dim3A_1282 = vector.broadcast %broadcast_in_dim3A_1281 : i32 to vector<16xi32>
          tpu.vector_store_idx %arg7[%broadcast_in_dim3A_1253, %add3A_1256, %broadcast_in_dim3A_1282], %broadcast_in_dim3A_3 masked %eq3A_1252 : memref<16x50x32xf32, #tpu.memory_space<vmem>>[vector<16xi32>, vector<16xi32>, vector<16xi32>], vector<16xf32>, vector<16xi1>
          %broadcast_in_dim3A_1283 = arith.constant 13 : i32
          %broadcast_in_dim3A_1284 = vector.broadcast %broadcast_in_dim3A_1283 : i32 to vector<16xi32>
          tpu.vector_store_idx %arg7[%broadcast_in_dim3A_1253, %add3A_1256, %broadcast_in_dim3A_1284], %broadcast_in_dim3A_3 masked %eq3A_1252 : memref<16x50x32xf32, #tpu.memory_space<vmem>>[vector<16xi32>, vector<16xi32>, vector<16xi32>], vector<16xf32>, vector<16xi1>
          %broadcast_in_dim3A_1285 = arith.constant 14 : i32
          %broadcast_in_dim3A_1286 = vector.broadcast %broadcast_in_dim3A_1285 : i32 to vector<16xi32>
          tpu.vector_store_idx %arg7[%broadcast_in_dim3A_1253, %add3A_1256, %broadcast_in_dim3A_1286], %broadcast_in_dim3A_3 masked %eq3A_1252 : memref<16x50x32xf32, #tpu.memory_space<vmem>>[vector<16xi32>, vector<16xi32>, vector<16xi32>], vector<16xf32>, vector<16xi1>
          %broadcast_in_dim3A_1287 = arith.constant 15 : i32
          %broadcast_in_dim3A_1288 = vector.broadcast %broadcast_in_dim3A_1287 : i32 to vector<16xi32>
          tpu.vector_store_idx %arg7[%broadcast_in_dim3A_1253, %add3A_1256, %broadcast_in_dim3A_1288], %broadcast_in_dim3A_3 masked %eq3A_1252 : memref<16x50x32xf32, #tpu.memory_space<vmem>>[vector<16xi32>, vector<16xi32>, vector<16xi32>], vector<16xf32>, vector<16xi1>
          %broadcast_in_dim3A_1289 = arith.constant 16 : i32
          %broadcast_in_dim3A_1290 = vector.broadcast %broadcast_in_dim3A_1289 : i32 to vector<16xi32>
          tpu.vector_store_idx %arg7[%broadcast_in_dim3A_1253, %add3A_1256, %broadcast_in_dim3A_1290], %broadcast_in_dim3A_3 masked %eq3A_1252 : memref<16x50x32xf32, #tpu.memory_space<vmem>>[vector<16xi32>, vector<16xi32>, vector<16xi32>], vector<16xf32>, vector<16xi1>
          %broadcast_in_dim3A_1291 = arith.constant 17 : i32
          %broadcast_in_dim3A_1292 = vector.broadcast %broadcast_in_dim3A_1291 : i32 to vector<16xi32>
          tpu.vector_store_idx %arg7[%broadcast_in_dim3A_1253, %add3A_1256, %broadcast_in_dim3A_1292], %broadcast_in_dim3A_3 masked %eq3A_1252 : memref<16x50x32xf32, #tpu.memory_space<vmem>>[vector<16xi32>, vector<16xi32>, vector<16xi32>], vector<16xf32>, vector<16xi1>
          %broadcast_in_dim3A_1293 = arith.constant 18 : i32
          %broadcast_in_dim3A_1294 = vector.broadcast %broadcast_in_dim3A_1293 : i32 to vector<16xi32>
          tpu.vector_store_idx %arg7[%broadcast_in_dim3A_1253, %add3A_1256, %broadcast_in_dim3A_1294], %broadcast_in_dim3A_3 masked %eq3A_1252 : memref<16x50x32xf32, #tpu.memory_space<vmem>>[vector<16xi32>, vector<16xi32>, vector<16xi32>], vector<16xf32>, vector<16xi1>
          %broadcast_in_dim3A_1295 = arith.constant 19 : i32
          %broadcast_in_dim3A_1296 = vector.broadcast %broadcast_in_dim3A_1295 : i32 to vector<16xi32>
          tpu.vector_store_idx %arg7[%broadcast_in_dim3A_1253, %add3A_1256, %broadcast_in_dim3A_1296], %broadcast_in_dim3A_3 masked %eq3A_1252 : memref<16x50x32xf32, #tpu.memory_space<vmem>>[vector<16xi32>, vector<16xi32>, vector<16xi32>], vector<16xf32>, vector<16xi1>
          %broadcast_in_dim3A_1297 = arith.constant 20 : i32
          %broadcast_in_dim3A_1298 = vector.broadcast %broadcast_in_dim3A_1297 : i32 to vector<16xi32>
          tpu.vector_store_idx %arg7[%broadcast_in_dim3A_1253, %add3A_1256, %broadcast_in_dim3A_1298], %broadcast_in_dim3A_3 masked %eq3A_1252 : memref<16x50x32xf32, #tpu.memory_space<vmem>>[vector<16xi32>, vector<16xi32>, vector<16xi32>], vector<16xf32>, vector<16xi1>
          %broadcast_in_dim3A_1299 = arith.constant 21 : i32
          %broadcast_in_dim3A_1300 = vector.broadcast %broadcast_in_dim3A_1299 : i32 to vector<16xi32>
          tpu.vector_store_idx %arg7[%broadcast_in_dim3A_1253, %add3A_1256, %broadcast_in_dim3A_1300], %broadcast_in_dim3A_3 masked %eq3A_1252 : memref<16x50x32xf32, #tpu.memory_space<vmem>>[vector<16xi32>, vector<16xi32>, vector<16xi32>], vector<16xf32>, vector<16xi1>
          %broadcast_in_dim3A_1301 = arith.constant 22 : i32
          %broadcast_in_dim3A_1302 = vector.broadcast %broadcast_in_dim3A_1301 : i32 to vector<16xi32>
          tpu.vector_store_idx %arg7[%broadcast_in_dim3A_1253, %add3A_1256, %broadcast_in_dim3A_1302], %broadcast_in_dim3A_3 masked %eq3A_1252 : memref<16x50x32xf32, #tpu.memory_space<vmem>>[vector<16xi32>, vector<16xi32>, vector<16xi32>], vector<16xf32>, vector<16xi1>
          %broadcast_in_dim3A_1303 = arith.constant 23 : i32
          %broadcast_in_dim3A_1304 = vector.broadcast %broadcast_in_dim3A_1303 : i32 to vector<16xi32>
          tpu.vector_store_idx %arg7[%broadcast_in_dim3A_1253, %add3A_1256, %broadcast_in_dim3A_1304], %broadcast_in_dim3A_3 masked %eq3A_1252 : memref<16x50x32xf32, #tpu.memory_space<vmem>>[vector<16xi32>, vector<16xi32>, vector<16xi32>], vector<16xf32>, vector<16xi1>
          %broadcast_in_dim3A_1305 = arith.constant 24 : i32
          %broadcast_in_dim3A_1306 = vector.broadcast %broadcast_in_dim3A_1305 : i32 to vector<16xi32>
          tpu.vector_store_idx %arg7[%broadcast_in_dim3A_1253, %add3A_1256, %broadcast_in_dim3A_1306], %broadcast_in_dim3A_3 masked %eq3A_1252 : memref<16x50x32xf32, #tpu.memory_space<vmem>>[vector<16xi32>, vector<16xi32>, vector<16xi32>], vector<16xf32>, vector<16xi1>
          %broadcast_in_dim3A_1307 = arith.constant 25 : i32
          %broadcast_in_dim3A_1308 = vector.broadcast %broadcast_in_dim3A_1307 : i32 to vector<16xi32>
          tpu.vector_store_idx %arg7[%broadcast_in_dim3A_1253, %add3A_1256, %broadcast_in_dim3A_1308], %broadcast_in_dim3A_3 masked %eq3A_1252 : memref<16x50x32xf32, #tpu.memory_space<vmem>>[vector<16xi32>, vector<16xi32>, vector<16xi32>], vector<16xf32>, vector<16xi1>
          %broadcast_in_dim3A_1309 = arith.constant 26 : i32
          %broadcast_in_dim3A_1310 = vector.broadcast %broadcast_in_dim3A_1309 : i32 to vector<16xi32>
          tpu.vector_store_idx %arg7[%broadcast_in_dim3A_1253, %add3A_1256, %broadcast_in_dim3A_1310], %broadcast_in_dim3A_3 masked %eq3A_1252 : memref<16x50x32xf32, #tpu.memory_space<vmem>>[vector<16xi32>, vector<16xi32>, vector<16xi32>], vector<16xf32>, vector<16xi1>
          %broadcast_in_dim3A_1311 = arith.constant 27 : i32
          %broadcast_in_dim3A_1312 = vector.broadcast %broadcast_in_dim3A_1311 : i32 to vector<16xi32>
          tpu.vector_store_idx %arg7[%broadcast_in_dim3A_1253, %add3A_1256, %broadcast_in_dim3A_1312], %broadcast_in_dim3A_3 masked %eq3A_1252 : memref<16x50x32xf32, #tpu.memory_space<vmem>>[vector<16xi32>, vector<16xi32>, vector<16xi32>], vector<16xf32>, vector<16xi1>
          %broadcast_in_dim3A_1313 = arith.constant 28 : i32
          %broadcast_in_dim3A_1314 = vector.broadcast %broadcast_in_dim3A_1313 : i32 to vector<16xi32>
          tpu.vector_store_idx %arg7[%broadcast_in_dim3A_1253, %add3A_1256, %broadcast_in_dim3A_1314], %broadcast_in_dim3A_3 masked %eq3A_1252 : memref<16x50x32xf32, #tpu.memory_space<vmem>>[vector<16xi32>, vector<16xi32>, vector<16xi32>], vector<16xf32>, vector<16xi1>
          %broadcast_in_dim3A_1315 = arith.constant 29 : i32
          %broadcast_in_dim3A_1316 = vector.broadcast %broadcast_in_dim3A_1315 : i32 to vector<16xi32>
          tpu.vector_store_idx %arg7[%broadcast_in_dim3A_1253, %add3A_1256, %broadcast_in_dim3A_1316], %broadcast_in_dim3A_3 masked %eq3A_1252 : memref<16x50x32xf32, #tpu.memory_space<vmem>>[vector<16xi32>, vector<16xi32>, vector<16xi32>], vector<16xf32>, vector<16xi1>
          %broadcast_in_dim3A_1317 = arith.constant 30 : i32
          %broadcast_in_dim3A_1318 = vector.broadcast %broadcast_in_dim3A_1317 : i32 to vector<16xi32>
          tpu.vector_store_idx %arg7[%broadcast_in_dim3A_1253, %add3A_1256, %broadcast_in_dim3A_1318], %broadcast_in_dim3A_3 masked %eq3A_1252 : memref<16x50x32xf32, #tpu.memory_space<vmem>>[vector<16xi32>, vector<16xi32>, vector<16xi32>], vector<16xf32>, vector<16xi1>
          %broadcast_in_dim3A_1319 = arith.constant 31 : i32
          %broadcast_in_dim3A_1320 = vector.broadcast %broadcast_in_dim3A_1319 : i32 to vector<16xi32>
          tpu.vector_store_idx %arg7[%broadcast_in_dim3A_1253, %add3A_1256, %broadcast_in_dim3A_1320], %broadcast_in_dim3A_3 masked %eq3A_1252 : memref<16x50x32xf32, #tpu.memory_space<vmem>>[vector<16xi32>, vector<16xi32>, vector<16xi32>], vector<16xf32>, vector<16xi1>
        } else {
        }
        %scan3A_1107 = arith.constant 0 : i32
        scf.yield %scan3A_1107 : i32
      }
      %scan3A_958 = arith.constant 16 : i32
      %dma_wait3A_959 = arith.constant 0 : i32
      %dma_wait3A_960 = arith.constant 0 : i32
      %dma_wait3A_961 = tpu.memref_slice %arg4[%mul3A_2, %dma_wait3A_959, %dma_wait3A_960] : memref<16384x50x32xf32, #tpu.memory_space<hbm>> -> memref<16x50x32xf32, #tpu.memory_space<hbm>>
      %dma_wait3A_962 = arith.constant 0 : i32
      %dma_wait3A_963 = arith.constant 0 : i32
      %dma_wait3A_964 = tpu.memref_slice %arg4[%mul3A_2, %dma_wait3A_962, %dma_wait3A_963] : memref<16384x50x32xf32, #tpu.memory_space<hbm>> -> memref<16x50x32xf32, #tpu.memory_space<hbm>>
      tpu.wait_dma2 semaphore(%arg10 : memref<!tpu.dma_semaphore, #tpu.memory_space<semaphore_mem>>) src(%arg6 : memref<16x50x32xf32, #tpu.memory_space<vmem>>) dst(%dma_wait3A_964 : memref<16x50x32xf32, #tpu.memory_space<hbm>>)
      %lt3A = arith.constant 32 : i32
      %lt3A_965 = arith.cmpi slt, %add3A_213, %lt3A : i32
      %convert_element_type3A_966 = arith.extui %lt3A_965 : i1 to i32
      %cond3A_967 = arith.constant 0 : i32
      %cond3A_968 = arith.cmpi ne, %convert_element_type3A_966, %cond3A_967 : i32
      scf.if %cond3A_968 {
        %mul3A_979 = arith.constant 16 : i32
        %mul3A_980 = arith.muli %add3A_213, %mul3A_979 : i32
        %add3A_981 = arith.constant 0 : i32
        %add3A_982 = arith.addi %mul3A_980, %add3A_981 : i32
        %dma_start3A_983 = arith.constant 0 : i32
        %dma_start3A_984 = arith.constant 0 : i32
        %dma_start3A_985 = arith.constant 0 : i32
        %dma_start3A_986 = tpu.memref_slice %arg6[%dma_start3A_983, %dma_start3A_984, %dma_start3A_985] : memref<16x50x32xf32, #tpu.memory_space<vmem>> -> memref<1x50x32xf32, #tpu.memory_space<vmem>>
        %dma_start3A_987 = tpu.memref_squeeze %dma_start3A_986 : memref<1x50x32xf32, #tpu.memory_space<vmem>> -> memref<50x32xf32, #tpu.memory_space<vmem>>
        %dma_start3A_988 = arith.constant 0 : i32
        %dma_start3A_989 = tpu.memref_slice %arg5[%add3A_982, %dma_start3A_988] : memref<512x50xi32, #tpu.memory_space<vmem>> -> memref<1x50xi32, #tpu.memory_space<vmem>>
        %dma_start3A_990 = tpu.memref_squeeze %dma_start3A_989 : memref<1x50xi32, #tpu.memory_space<vmem>> -> memref<50xi32, #tpu.memory_space<vmem>>
        %dma_start3A_991 = arith.constant 0 : i32
        %dma_start3A_992 = arith.constant 0 : i32
        %dma_start3A_993 = tpu.memref_slice %arg3[%dma_start3A_991, %dma_start3A_992] : memref<1000000x32xf32, #tpu.memory_space<hbm>> -> memref<1000000x32xf32, #tpu.memory_space<hbm>>
        tpu.enqueue_indirect_dma source(%dma_start3A_993 : memref<1000000x32xf32, #tpu.memory_space<hbm>>) target(%dma_start3A_987 : memref<50x32xf32, #tpu.memory_space<vmem>>) offsets(%dma_start3A_990 : memref<50xi32, #tpu.memory_space<vmem>>) semaphore(%arg8 : memref<!tpu.dma_semaphore, #tpu.memory_space<semaphore_mem>>)
        %mul3A_994 = arith.constant 16 : i32
        %mul3A_995 = arith.muli %add3A_213, %mul3A_994 : i32
        %add3A_996 = arith.constant 1 : i32
        %add3A_997 = arith.addi %mul3A_995, %add3A_996 : i32
        %dma_start3A_998 = arith.constant 1 : i32
        %dma_start3A_999 = arith.constant 0 : i32
        %dma_start3A_1000 = arith.constant 0 : i32
        %dma_start3A_1001 = tpu.memref_slice %arg6[%dma_start3A_998, %dma_start3A_999, %dma_start3A_1000] : memref<16x50x32xf32, #tpu.memory_space<vmem>> -> memref<1x50x32xf32, #tpu.memory_space<vmem>>
        %dma_start3A_1002 = tpu.memref_squeeze %dma_start3A_1001 : memref<1x50x32xf32, #tpu.memory_space<vmem>> -> memref<50x32xf32, #tpu.memory_space<vmem>>
        %dma_start3A_1003 = arith.constant 0 : i32
        %dma_start3A_1004 = tpu.memref_slice %arg5[%add3A_997, %dma_start3A_1003] : memref<512x50xi32, #tpu.memory_space<vmem>> -> memref<1x50xi32, #tpu.memory_space<vmem>>
        %dma_start3A_1005 = tpu.memref_squeeze %dma_start3A_1004 : memref<1x50xi32, #tpu.memory_space<vmem>> -> memref<50xi32, #tpu.memory_space<vmem>>
        %dma_start3A_1006 = arith.constant 0 : i32
        %dma_start3A_1007 = arith.constant 0 : i32
        %dma_start3A_1008 = tpu.memref_slice %arg3[%dma_start3A_1006, %dma_start3A_1007] : memref<1000000x32xf32, #tpu.memory_space<hbm>> -> memref<1000000x32xf32, #tpu.memory_space<hbm>>
        tpu.enqueue_indirect_dma source(%dma_start3A_1008 : memref<1000000x32xf32, #tpu.memory_space<hbm>>) target(%dma_start3A_1002 : memref<50x32xf32, #tpu.memory_space<vmem>>) offsets(%dma_start3A_1005 : memref<50xi32, #tpu.memory_space<vmem>>) semaphore(%arg8 : memref<!tpu.dma_semaphore, #tpu.memory_space<semaphore_mem>>)
        %mul3A_1009 = arith.constant 16 : i32
        %mul3A_1010 = arith.muli %add3A_213, %mul3A_1009 : i32
        %add3A_1011 = arith.constant 2 : i32
        %add3A_1012 = arith.addi %mul3A_1010, %add3A_1011 : i32
        %dma_start3A_1013 = arith.constant 2 : i32
        %dma_start3A_1014 = arith.constant 0 : i32
        %dma_start3A_1015 = arith.constant 0 : i32
        %dma_start3A_1016 = tpu.memref_slice %arg6[%dma_start3A_1013, %dma_start3A_1014, %dma_start3A_1015] : memref<16x50x32xf32, #tpu.memory_space<vmem>> -> memref<1x50x32xf32, #tpu.memory_space<vmem>>
        %dma_start3A_1017 = tpu.memref_squeeze %dma_start3A_1016 : memref<1x50x32xf32, #tpu.memory_space<vmem>> -> memref<50x32xf32, #tpu.memory_space<vmem>>
        %dma_start3A_1018 = arith.constant 0 : i32
        %dma_start3A_1019 = tpu.memref_slice %arg5[%add3A_1012, %dma_start3A_1018] : memref<512x50xi32, #tpu.memory_space<vmem>> -> memref<1x50xi32, #tpu.memory_space<vmem>>
        %dma_start3A_1020 = tpu.memref_squeeze %dma_start3A_1019 : memref<1x50xi32, #tpu.memory_space<vmem>> -> memref<50xi32, #tpu.memory_space<vmem>>
        %dma_start3A_1021 = arith.constant 0 : i32
        %dma_start3A_1022 = arith.constant 0 : i32
        %dma_start3A_1023 = tpu.memref_slice %arg3[%dma_start3A_1021, %dma_start3A_1022] : memref<1000000x32xf32, #tpu.memory_space<hbm>> -> memref<1000000x32xf32, #tpu.memory_space<hbm>>
        tpu.enqueue_indirect_dma source(%dma_start3A_1023 : memref<1000000x32xf32, #tpu.memory_space<hbm>>) target(%dma_start3A_1017 : memref<50x32xf32, #tpu.memory_space<vmem>>) offsets(%dma_start3A_1020 : memref<50xi32, #tpu.memory_space<vmem>>) semaphore(%arg8 : memref<!tpu.dma_semaphore, #tpu.memory_space<semaphore_mem>>)
        %mul3A_1024 = arith.constant 16 : i32
        %mul3A_1025 = arith.muli %add3A_213, %mul3A_1024 : i32
        %add3A_1026 = arith.constant 3 : i32
        %add3A_1027 = arith.addi %mul3A_1025, %add3A_1026 : i32
        %dma_start3A_1028 = arith.constant 3 : i32
        %dma_start3A_1029 = arith.constant 0 : i32
        %dma_start3A_1030 = arith.constant 0 : i32
        %dma_start3A_1031 = tpu.memref_slice %arg6[%dma_start3A_1028, %dma_start3A_1029, %dma_start3A_1030] : memref<16x50x32xf32, #tpu.memory_space<vmem>> -> memref<1x50x32xf32, #tpu.memory_space<vmem>>
        %dma_start3A_1032 = tpu.memref_squeeze %dma_start3A_1031 : memref<1x50x32xf32, #tpu.memory_space<vmem>> -> memref<50x32xf32, #tpu.memory_space<vmem>>
        %dma_start3A_1033 = arith.constant 0 : i32
        %dma_start3A_1034 = tpu.memref_slice %arg5[%add3A_1027, %dma_start3A_1033] : memref<512x50xi32, #tpu.memory_space<vmem>> -> memref<1x50xi32, #tpu.memory_space<vmem>>
        %dma_start3A_1035 = tpu.memref_squeeze %dma_start3A_1034 : memref<1x50xi32, #tpu.memory_space<vmem>> -> memref<50xi32, #tpu.memory_space<vmem>>
        %dma_start3A_1036 = arith.constant 0 : i32
        %dma_start3A_1037 = arith.constant 0 : i32
        %dma_start3A_1038 = tpu.memref_slice %arg3[%dma_start3A_1036, %dma_start3A_1037] : memref<1000000x32xf32, #tpu.memory_space<hbm>> -> memref<1000000x32xf32, #tpu.memory_space<hbm>>
        tpu.enqueue_indirect_dma source(%dma_start3A_1038 : memref<1000000x32xf32, #tpu.memory_space<hbm>>) target(%dma_start3A_1032 : memref<50x32xf32, #tpu.memory_space<vmem>>) offsets(%dma_start3A_1035 : memref<50xi32, #tpu.memory_space<vmem>>) semaphore(%arg8 : memref<!tpu.dma_semaphore, #tpu.memory_space<semaphore_mem>>)
        %mul3A_1039 = arith.constant 16 : i32
        %mul3A_1040 = arith.muli %add3A_213, %mul3A_1039 : i32
        %add3A_1041 = arith.constant 4 : i32
        %add3A_1042 = arith.addi %mul3A_1040, %add3A_1041 : i32
        %dma_start3A_1043 = arith.constant 4 : i32
        %dma_start3A_1044 = arith.constant 0 : i32
        %dma_start3A_1045 = arith.constant 0 : i32
        %dma_start3A_1046 = tpu.memref_slice %arg6[%dma_start3A_1043, %dma_start3A_1044, %dma_start3A_1045] : memref<16x50x32xf32, #tpu.memory_space<vmem>> -> memref<1x50x32xf32, #tpu.memory_space<vmem>>
        %dma_start3A_1047 = tpu.memref_squeeze %dma_start3A_1046 : memref<1x50x32xf32, #tpu.memory_space<vmem>> -> memref<50x32xf32, #tpu.memory_space<vmem>>
        %dma_start3A_1048 = arith.constant 0 : i32
        %dma_start3A_1049 = tpu.memref_slice %arg5[%add3A_1042, %dma_start3A_1048] : memref<512x50xi32, #tpu.memory_space<vmem>> -> memref<1x50xi32, #tpu.memory_space<vmem>>
        %dma_start3A_1050 = tpu.memref_squeeze %dma_start3A_1049 : memref<1x50xi32, #tpu.memory_space<vmem>> -> memref<50xi32, #tpu.memory_space<vmem>>
        %dma_start3A_1051 = arith.constant 0 : i32
        %dma_start3A_1052 = arith.constant 0 : i32
        %dma_start3A_1053 = tpu.memref_slice %arg3[%dma_start3A_1051, %dma_start3A_1052] : memref<1000000x32xf32, #tpu.memory_space<hbm>> -> memref<1000000x32xf32, #tpu.memory_space<hbm>>
        tpu.enqueue_indirect_dma source(%dma_start3A_1053 : memref<1000000x32xf32, #tpu.memory_space<hbm>>) target(%dma_start3A_1047 : memref<50x32xf32, #tpu.memory_space<vmem>>) offsets(%dma_start3A_1050 : memref<50xi32, #tpu.memory_space<vmem>>) semaphore(%arg8 : memref<!tpu.dma_semaphore, #tpu.memory_space<semaphore_mem>>)
        %mul3A_1054 = arith.constant 16 : i32
        %mul3A_1055 = arith.muli %add3A_213, %mul3A_1054 : i32
        %add3A_1056 = arith.constant 5 : i32
        %add3A_1057 = arith.addi %mul3A_1055, %add3A_1056 : i32
        %dma_start3A_1058 = arith.constant 5 : i32
        %dma_start3A_1059 = arith.constant 0 : i32
        %dma_start3A_1060 = arith.constant 0 : i32
        %dma_start3A_1061 = tpu.memref_slice %arg6[%dma_start3A_1058, %dma_start3A_1059, %dma_start3A_1060] : memref<16x50x32xf32, #tpu.memory_space<vmem>> -> memref<1x50x32xf32, #tpu.memory_space<vmem>>
        %dma_start3A_1062 = tpu.memref_squeeze %dma_start3A_1061 : memref<1x50x32xf32, #tpu.memory_space<vmem>> -> memref<50x32xf32, #tpu.memory_space<vmem>>
        %dma_start3A_1063 = arith.constant 0 : i32
        %dma_start3A_1064 = tpu.memref_slice %arg5[%add3A_1057, %dma_start3A_1063] : memref<512x50xi32, #tpu.memory_space<vmem>> -> memref<1x50xi32, #tpu.memory_space<vmem>>
        %dma_start3A_1065 = tpu.memref_squeeze %dma_start3A_1064 : memref<1x50xi32, #tpu.memory_space<vmem>> -> memref<50xi32, #tpu.memory_space<vmem>>
        %dma_start3A_1066 = arith.constant 0 : i32
        %dma_start3A_1067 = arith.constant 0 : i32
        %dma_start3A_1068 = tpu.memref_slice %arg3[%dma_start3A_1066, %dma_start3A_1067] : memref<1000000x32xf32, #tpu.memory_space<hbm>> -> memref<1000000x32xf32, #tpu.memory_space<hbm>>
        tpu.enqueue_indirect_dma source(%dma_start3A_1068 : memref<1000000x32xf32, #tpu.memory_space<hbm>>) target(%dma_start3A_1062 : memref<50x32xf32, #tpu.memory_space<vmem>>) offsets(%dma_start3A_1065 : memref<50xi32, #tpu.memory_space<vmem>>) semaphore(%arg8 : memref<!tpu.dma_semaphore, #tpu.memory_space<semaphore_mem>>)
        %mul3A_1069 = arith.constant 16 : i32
        %mul3A_1070 = arith.muli %add3A_213, %mul3A_1069 : i32
        %add3A_1071 = arith.constant 6 : i32
        %add3A_1072 = arith.addi %mul3A_1070, %add3A_1071 : i32
        %dma_start3A_1073 = arith.constant 6 : i32
        %dma_start3A_1074 = arith.constant 0 : i32
        %dma_start3A_1075 = arith.constant 0 : i32
        %dma_start3A_1076 = tpu.memref_slice %arg6[%dma_start3A_1073, %dma_start3A_1074, %dma_start3A_1075] : memref<16x50x32xf32, #tpu.memory_space<vmem>> -> memref<1x50x32xf32, #tpu.memory_space<vmem>>
        %dma_start3A_1077 = tpu.memref_squeeze %dma_start3A_1076 : memref<1x50x32xf32, #tpu.memory_space<vmem>> -> memref<50x32xf32, #tpu.memory_space<vmem>>
        %dma_start3A_1078 = arith.constant 0 : i32
        %dma_start3A_1079 = tpu.memref_slice %arg5[%add3A_1072, %dma_start3A_1078] : memref<512x50xi32, #tpu.memory_space<vmem>> -> memref<1x50xi32, #tpu.memory_space<vmem>>
        %dma_start3A_1080 = tpu.memref_squeeze %dma_start3A_1079 : memref<1x50xi32, #tpu.memory_space<vmem>> -> memref<50xi32, #tpu.memory_space<vmem>>
        %dma_start3A_1081 = arith.constant 0 : i32
        %dma_start3A_1082 = arith.constant 0 : i32
        %dma_start3A_1083 = tpu.memref_slice %arg3[%dma_start3A_1081, %dma_start3A_1082] : memref<1000000x32xf32, #tpu.memory_space<hbm>> -> memref<1000000x32xf32, #tpu.memory_space<hbm>>
        tpu.enqueue_indirect_dma source(%dma_start3A_1083 : memref<1000000x32xf32, #tpu.memory_space<hbm>>) target(%dma_start3A_1077 : memref<50x32xf32, #tpu.memory_space<vmem>>) offsets(%dma_start3A_1080 : memref<50xi32, #tpu.memory_space<vmem>>) semaphore(%arg8 : memref<!tpu.dma_semaphore, #tpu.memory_space<semaphore_mem>>)
        %mul3A_1084 = arith.constant 16 : i32
        %mul3A_1085 = arith.muli %add3A_213, %mul3A_1084 : i32
        %add3A_1086 = arith.constant 7 : i32
        %add3A_1087 = arith.addi %mul3A_1085, %add3A_1086 : i32
        %dma_start3A_1088 = arith.constant 7 : i32
        %dma_start3A_1089 = arith.constant 0 : i32
        %dma_start3A_1090 = arith.constant 0 : i32
        %dma_start3A_1091 = tpu.memref_slice %arg6[%dma_start3A_1088, %dma_start3A_1089, %dma_start3A_1090] : memref<16x50x32xf32, #tpu.memory_space<vmem>> -> memref<1x50x32xf32, #tpu.memory_space<vmem>>
        %dma_start3A_1092 = tpu.memref_squeeze %dma_start3A_1091 : memref<1x50x32xf32, #tpu.memory_space<vmem>> -> memref<50x32xf32, #tpu.memory_space<vmem>>
        %dma_start3A_1093 = arith.constant 0 : i32
        %dma_start3A_1094 = tpu.memref_slice %arg5[%add3A_1087, %dma_start3A_1093] : memref<512x50xi32, #tpu.memory_space<vmem>> -> memref<1x50xi32, #tpu.memory_space<vmem>>
        %dma_start3A_1095 = tpu.memref_squeeze %dma_start3A_1094 : memref<1x50xi32, #tpu.memory_space<vmem>> -> memref<50xi32, #tpu.memory_space<vmem>>
        %dma_start3A_1096 = arith.constant 0 : i32
        %dma_start3A_1097 = arith.constant 0 : i32
        %dma_start3A_1098 = tpu.memref_slice %arg3[%dma_start3A_1096, %dma_start3A_1097] : memref<1000000x32xf32, #tpu.memory_space<hbm>> -> memref<1000000x32xf32, #tpu.memory_space<hbm>>
        tpu.enqueue_indirect_dma source(%dma_start3A_1098 : memref<1000000x32xf32, #tpu.memory_space<hbm>>) target(%dma_start3A_1092 : memref<50x32xf32, #tpu.memory_space<vmem>>) offsets(%dma_start3A_1095 : memref<50xi32, #tpu.memory_space<vmem>>) semaphore(%arg8 : memref<!tpu.dma_semaphore, #tpu.memory_space<semaphore_mem>>)
        %mul3A_1099 = arith.constant 16 : i32
        %mul3A_1100 = arith.muli %add3A_213, %mul3A_1099 : i32
        %add3A_1101 = arith.constant 8 : i32
        %add3A_1102 = arith.addi %mul3A_1100, %add3A_1101 : i32
        %dma_start3A_1103 = arith.constant 8 : i32
        %dma_start3A_1104 = arith.constant 0 : i32
        %dma_start3A_1105 = arith.constant 0 : i32
        %dma_start3A_1106 = tpu.memref_slice %arg6[%dma_start3A_1103, %dma_start3A_1104, %dma_start3A_1105] : memref<16x50x32xf32, #tpu.memory_space<vmem>> -> memref<1x50x32xf32, #tpu.memory_space<vmem>>
        %dma_start3A_1107 = tpu.memref_squeeze %dma_start3A_1106 : memref<1x50x32xf32, #tpu.memory_space<vmem>> -> memref<50x32xf32, #tpu.memory_space<vmem>>
        %dma_start3A_1108 = arith.constant 0 : i32
        %dma_start3A_1109 = tpu.memref_slice %arg5[%add3A_1102, %dma_start3A_1108] : memref<512x50xi32, #tpu.memory_space<vmem>> -> memref<1x50xi32, #tpu.memory_space<vmem>>
        %dma_start3A_1110 = tpu.memref_squeeze %dma_start3A_1109 : memref<1x50xi32, #tpu.memory_space<vmem>> -> memref<50xi32, #tpu.memory_space<vmem>>
        %dma_start3A_1111 = arith.constant 0 : i32
        %dma_start3A_1112 = arith.constant 0 : i32
        %dma_start3A_1113 = tpu.memref_slice %arg3[%dma_start3A_1111, %dma_start3A_1112] : memref<1000000x32xf32, #tpu.memory_space<hbm>> -> memref<1000000x32xf32, #tpu.memory_space<hbm>>
        tpu.enqueue_indirect_dma source(%dma_start3A_1113 : memref<1000000x32xf32, #tpu.memory_space<hbm>>) target(%dma_start3A_1107 : memref<50x32xf32, #tpu.memory_space<vmem>>) offsets(%dma_start3A_1110 : memref<50xi32, #tpu.memory_space<vmem>>) semaphore(%arg8 : memref<!tpu.dma_semaphore, #tpu.memory_space<semaphore_mem>>)
        %mul3A_1114 = arith.constant 16 : i32
        %mul3A_1115 = arith.muli %add3A_213, %mul3A_1114 : i32
        %add3A_1116 = arith.constant 9 : i32
        %add3A_1117 = arith.addi %mul3A_1115, %add3A_1116 : i32
        %dma_start3A_1118 = arith.constant 9 : i32
        %dma_start3A_1119 = arith.constant 0 : i32
        %dma_start3A_1120 = arith.constant 0 : i32
        %dma_start3A_1121 = tpu.memref_slice %arg6[%dma_start3A_1118, %dma_start3A_1119, %dma_start3A_1120] : memref<16x50x32xf32, #tpu.memory_space<vmem>> -> memref<1x50x32xf32, #tpu.memory_space<vmem>>
        %dma_start3A_1122 = tpu.memref_squeeze %dma_start3A_1121 : memref<1x50x32xf32, #tpu.memory_space<vmem>> -> memref<50x32xf32, #tpu.memory_space<vmem>>
        %dma_start3A_1123 = arith.constant 0 : i32
        %dma_start3A_1124 = tpu.memref_slice %arg5[%add3A_1117, %dma_start3A_1123] : memref<512x50xi32, #tpu.memory_space<vmem>> -> memref<1x50xi32, #tpu.memory_space<vmem>>
        %dma_start3A_1125 = tpu.memref_squeeze %dma_start3A_1124 : memref<1x50xi32, #tpu.memory_space<vmem>> -> memref<50xi32, #tpu.memory_space<vmem>>
        %dma_start3A_1126 = arith.constant 0 : i32
        %dma_start3A_1127 = arith.constant 0 : i32
        %dma_start3A_1128 = tpu.memref_slice %arg3[%dma_start3A_1126, %dma_start3A_1127] : memref<1000000x32xf32, #tpu.memory_space<hbm>> -> memref<1000000x32xf32, #tpu.memory_space<hbm>>
        tpu.enqueue_indirect_dma source(%dma_start3A_1128 : memref<1000000x32xf32, #tpu.memory_space<hbm>>) target(%dma_start3A_1122 : memref<50x32xf32, #tpu.memory_space<vmem>>) offsets(%dma_start3A_1125 : memref<50xi32, #tpu.memory_space<vmem>>) semaphore(%arg8 : memref<!tpu.dma_semaphore, #tpu.memory_space<semaphore_mem>>)
        %mul3A_1129 = arith.constant 16 : i32
        %mul3A_1130 = arith.muli %add3A_213, %mul3A_1129 : i32
        %add3A_1131 = arith.constant 10 : i32
        %add3A_1132 = arith.addi %mul3A_1130, %add3A_1131 : i32
        %dma_start3A_1133 = arith.constant 10 : i32
        %dma_start3A_1134 = arith.constant 0 : i32
        %dma_start3A_1135 = arith.constant 0 : i32
        %dma_start3A_1136 = tpu.memref_slice %arg6[%dma_start3A_1133, %dma_start3A_1134, %dma_start3A_1135] : memref<16x50x32xf32, #tpu.memory_space<vmem>> -> memref<1x50x32xf32, #tpu.memory_space<vmem>>
        %dma_start3A_1137 = tpu.memref_squeeze %dma_start3A_1136 : memref<1x50x32xf32, #tpu.memory_space<vmem>> -> memref<50x32xf32, #tpu.memory_space<vmem>>
        %dma_start3A_1138 = arith.constant 0 : i32
        %dma_start3A_1139 = tpu.memref_slice %arg5[%add3A_1132, %dma_start3A_1138] : memref<512x50xi32, #tpu.memory_space<vmem>> -> memref<1x50xi32, #tpu.memory_space<vmem>>
        %dma_start3A_1140 = tpu.memref_squeeze %dma_start3A_1139 : memref<1x50xi32, #tpu.memory_space<vmem>> -> memref<50xi32, #tpu.memory_space<vmem>>
        %dma_start3A_1141 = arith.constant 0 : i32
        %dma_start3A_1142 = arith.constant 0 : i32
        %dma_start3A_1143 = tpu.memref_slice %arg3[%dma_start3A_1141, %dma_start3A_1142] : memref<1000000x32xf32, #tpu.memory_space<hbm>> -> memref<1000000x32xf32, #tpu.memory_space<hbm>>
        tpu.enqueue_indirect_dma source(%dma_start3A_1143 : memref<1000000x32xf32, #tpu.memory_space<hbm>>) target(%dma_start3A_1137 : memref<50x32xf32, #tpu.memory_space<vmem>>) offsets(%dma_start3A_1140 : memref<50xi32, #tpu.memory_space<vmem>>) semaphore(%arg8 : memref<!tpu.dma_semaphore, #tpu.memory_space<semaphore_mem>>)
        %mul3A_1144 = arith.constant 16 : i32
        %mul3A_1145 = arith.muli %add3A_213, %mul3A_1144 : i32
        %add3A_1146 = arith.constant 11 : i32
        %add3A_1147 = arith.addi %mul3A_1145, %add3A_1146 : i32
        %dma_start3A_1148 = arith.constant 11 : i32
        %dma_start3A_1149 = arith.constant 0 : i32
        %dma_start3A_1150 = arith.constant 0 : i32
        %dma_start3A_1151 = tpu.memref_slice %arg6[%dma_start3A_1148, %dma_start3A_1149, %dma_start3A_1150] : memref<16x50x32xf32, #tpu.memory_space<vmem>> -> memref<1x50x32xf32, #tpu.memory_space<vmem>>
        %dma_start3A_1152 = tpu.memref_squeeze %dma_start3A_1151 : memref<1x50x32xf32, #tpu.memory_space<vmem>> -> memref<50x32xf32, #tpu.memory_space<vmem>>
        %dma_start3A_1153 = arith.constant 0 : i32
        %dma_start3A_1154 = tpu.memref_slice %arg5[%add3A_1147, %dma_start3A_1153] : memref<512x50xi32, #tpu.memory_space<vmem>> -> memref<1x50xi32, #tpu.memory_space<vmem>>
        %dma_start3A_1155 = tpu.memref_squeeze %dma_start3A_1154 : memref<1x50xi32, #tpu.memory_space<vmem>> -> memref<50xi32, #tpu.memory_space<vmem>>
        %dma_start3A_1156 = arith.constant 0 : i32
        %dma_start3A_1157 = arith.constant 0 : i32
        %dma_start3A_1158 = tpu.memref_slice %arg3[%dma_start3A_1156, %dma_start3A_1157] : memref<1000000x32xf32, #tpu.memory_space<hbm>> -> memref<1000000x32xf32, #tpu.memory_space<hbm>>
        tpu.enqueue_indirect_dma source(%dma_start3A_1158 : memref<1000000x32xf32, #tpu.memory_space<hbm>>) target(%dma_start3A_1152 : memref<50x32xf32, #tpu.memory_space<vmem>>) offsets(%dma_start3A_1155 : memref<50xi32, #tpu.memory_space<vmem>>) semaphore(%arg8 : memref<!tpu.dma_semaphore, #tpu.memory_space<semaphore_mem>>)
        %mul3A_1159 = arith.constant 16 : i32
        %mul3A_1160 = arith.muli %add3A_213, %mul3A_1159 : i32
        %add3A_1161 = arith.constant 12 : i32
        %add3A_1162 = arith.addi %mul3A_1160, %add3A_1161 : i32
        %dma_start3A_1163 = arith.constant 12 : i32
        %dma_start3A_1164 = arith.constant 0 : i32
        %dma_start3A_1165 = arith.constant 0 : i32
        %dma_start3A_1166 = tpu.memref_slice %arg6[%dma_start3A_1163, %dma_start3A_1164, %dma_start3A_1165] : memref<16x50x32xf32, #tpu.memory_space<vmem>> -> memref<1x50x32xf32, #tpu.memory_space<vmem>>
        %dma_start3A_1167 = tpu.memref_squeeze %dma_start3A_1166 : memref<1x50x32xf32, #tpu.memory_space<vmem>> -> memref<50x32xf32, #tpu.memory_space<vmem>>
        %dma_start3A_1168 = arith.constant 0 : i32
        %dma_start3A_1169 = tpu.memref_slice %arg5[%add3A_1162, %dma_start3A_1168] : memref<512x50xi32, #tpu.memory_space<vmem>> -> memref<1x50xi32, #tpu.memory_space<vmem>>
        %dma_start3A_1170 = tpu.memref_squeeze %dma_start3A_1169 : memref<1x50xi32, #tpu.memory_space<vmem>> -> memref<50xi32, #tpu.memory_space<vmem>>
        %dma_start3A_1171 = arith.constant 0 : i32
        %dma_start3A_1172 = arith.constant 0 : i32
        %dma_start3A_1173 = tpu.memref_slice %arg3[%dma_start3A_1171, %dma_start3A_1172] : memref<1000000x32xf32, #tpu.memory_space<hbm>> -> memref<1000000x32xf32, #tpu.memory_space<hbm>>
        tpu.enqueue_indirect_dma source(%dma_start3A_1173 : memref<1000000x32xf32, #tpu.memory_space<hbm>>) target(%dma_start3A_1167 : memref<50x32xf32, #tpu.memory_space<vmem>>) offsets(%dma_start3A_1170 : memref<50xi32, #tpu.memory_space<vmem>>) semaphore(%arg8 : memref<!tpu.dma_semaphore, #tpu.memory_space<semaphore_mem>>)
        %mul3A_1174 = arith.constant 16 : i32
        %mul3A_1175 = arith.muli %add3A_213, %mul3A_1174 : i32
        %add3A_1176 = arith.constant 13 : i32
        %add3A_1177 = arith.addi %mul3A_1175, %add3A_1176 : i32
        %dma_start3A_1178 = arith.constant 13 : i32
        %dma_start3A_1179 = arith.constant 0 : i32
        %dma_start3A_1180 = arith.constant 0 : i32
        %dma_start3A_1181 = tpu.memref_slice %arg6[%dma_start3A_1178, %dma_start3A_1179, %dma_start3A_1180] : memref<16x50x32xf32, #tpu.memory_space<vmem>> -> memref<1x50x32xf32, #tpu.memory_space<vmem>>
        %dma_start3A_1182 = tpu.memref_squeeze %dma_start3A_1181 : memref<1x50x32xf32, #tpu.memory_space<vmem>> -> memref<50x32xf32, #tpu.memory_space<vmem>>
        %dma_start3A_1183 = arith.constant 0 : i32
        %dma_start3A_1184 = tpu.memref_slice %arg5[%add3A_1177, %dma_start3A_1183] : memref<512x50xi32, #tpu.memory_space<vmem>> -> memref<1x50xi32, #tpu.memory_space<vmem>>
        %dma_start3A_1185 = tpu.memref_squeeze %dma_start3A_1184 : memref<1x50xi32, #tpu.memory_space<vmem>> -> memref<50xi32, #tpu.memory_space<vmem>>
        %dma_start3A_1186 = arith.constant 0 : i32
        %dma_start3A_1187 = arith.constant 0 : i32
        %dma_start3A_1188 = tpu.memref_slice %arg3[%dma_start3A_1186, %dma_start3A_1187] : memref<1000000x32xf32, #tpu.memory_space<hbm>> -> memref<1000000x32xf32, #tpu.memory_space<hbm>>
        tpu.enqueue_indirect_dma source(%dma_start3A_1188 : memref<1000000x32xf32, #tpu.memory_space<hbm>>) target(%dma_start3A_1182 : memref<50x32xf32, #tpu.memory_space<vmem>>) offsets(%dma_start3A_1185 : memref<50xi32, #tpu.memory_space<vmem>>) semaphore(%arg8 : memref<!tpu.dma_semaphore, #tpu.memory_space<semaphore_mem>>)
        %mul3A_1189 = arith.constant 16 : i32
        %mul3A_1190 = arith.muli %add3A_213, %mul3A_1189 : i32
        %add3A_1191 = arith.constant 14 : i32
        %add3A_1192 = arith.addi %mul3A_1190, %add3A_1191 : i32
        %dma_start3A_1193 = arith.constant 14 : i32
        %dma_start3A_1194 = arith.constant 0 : i32
        %dma_start3A_1195 = arith.constant 0 : i32
        %dma_start3A_1196 = tpu.memref_slice %arg6[%dma_start3A_1193, %dma_start3A_1194, %dma_start3A_1195] : memref<16x50x32xf32, #tpu.memory_space<vmem>> -> memref<1x50x32xf32, #tpu.memory_space<vmem>>
        %dma_start3A_1197 = tpu.memref_squeeze %dma_start3A_1196 : memref<1x50x32xf32, #tpu.memory_space<vmem>> -> memref<50x32xf32, #tpu.memory_space<vmem>>
        %dma_start3A_1198 = arith.constant 0 : i32
        %dma_start3A_1199 = tpu.memref_slice %arg5[%add3A_1192, %dma_start3A_1198] : memref<512x50xi32, #tpu.memory_space<vmem>> -> memref<1x50xi32, #tpu.memory_space<vmem>>
        %dma_start3A_1200 = tpu.memref_squeeze %dma_start3A_1199 : memref<1x50xi32, #tpu.memory_space<vmem>> -> memref<50xi32, #tpu.memory_space<vmem>>
        %dma_start3A_1201 = arith.constant 0 : i32
        %dma_start3A_1202 = arith.constant 0 : i32
        %dma_start3A_1203 = tpu.memref_slice %arg3[%dma_start3A_1201, %dma_start3A_1202] : memref<1000000x32xf32, #tpu.memory_space<hbm>> -> memref<1000000x32xf32, #tpu.memory_space<hbm>>
        tpu.enqueue_indirect_dma source(%dma_start3A_1203 : memref<1000000x32xf32, #tpu.memory_space<hbm>>) target(%dma_start3A_1197 : memref<50x32xf32, #tpu.memory_space<vmem>>) offsets(%dma_start3A_1200 : memref<50xi32, #tpu.memory_space<vmem>>) semaphore(%arg8 : memref<!tpu.dma_semaphore, #tpu.memory_space<semaphore_mem>>)
        %mul3A_1204 = arith.constant 16 : i32
        %mul3A_1205 = arith.muli %add3A_213, %mul3A_1204 : i32
        %add3A_1206 = arith.constant 15 : i32
        %add3A_1207 = arith.addi %mul3A_1205, %add3A_1206 : i32
        %dma_start3A_1208 = arith.constant 15 : i32
        %dma_start3A_1209 = arith.constant 0 : i32
        %dma_start3A_1210 = arith.constant 0 : i32
        %dma_start3A_1211 = tpu.memref_slice %arg6[%dma_start3A_1208, %dma_start3A_1209, %dma_start3A_1210] : memref<16x50x32xf32, #tpu.memory_space<vmem>> -> memref<1x50x32xf32, #tpu.memory_space<vmem>>
        %dma_start3A_1212 = tpu.memref_squeeze %dma_start3A_1211 : memref<1x50x32xf32, #tpu.memory_space<vmem>> -> memref<50x32xf32, #tpu.memory_space<vmem>>
        %dma_start3A_1213 = arith.constant 0 : i32
        %dma_start3A_1214 = tpu.memref_slice %arg5[%add3A_1207, %dma_start3A_1213] : memref<512x50xi32, #tpu.memory_space<vmem>> -> memref<1x50xi32, #tpu.memory_space<vmem>>
        %dma_start3A_1215 = tpu.memref_squeeze %dma_start3A_1214 : memref<1x50xi32, #tpu.memory_space<vmem>> -> memref<50xi32, #tpu.memory_space<vmem>>
        %dma_start3A_1216 = arith.constant 0 : i32
        %dma_start3A_1217 = arith.constant 0 : i32
        %dma_start3A_1218 = tpu.memref_slice %arg3[%dma_start3A_1216, %dma_start3A_1217] : memref<1000000x32xf32, #tpu.memory_space<hbm>> -> memref<1000000x32xf32, #tpu.memory_space<hbm>>
        tpu.enqueue_indirect_dma source(%dma_start3A_1218 : memref<1000000x32xf32, #tpu.memory_space<hbm>>) target(%dma_start3A_1212 : memref<50x32xf32, #tpu.memory_space<vmem>>) offsets(%dma_start3A_1215 : memref<50xi32, #tpu.memory_space<vmem>>) semaphore(%arg8 : memref<!tpu.dma_semaphore, #tpu.memory_space<semaphore_mem>>)
      } else {
      }
      %mul3A_969 = arith.constant 16 : i32
      %mul3A_970 = arith.muli %add3A_211, %mul3A_969 : i32
      %add3A_971 = arith.addi %mul3A_2, %mul3A_970 : i32
      %dma_start3A_972 = arith.constant 0 : i32
      %dma_start3A_973 = arith.constant 0 : i32
      %dma_start3A_974 = tpu.memref_slice %arg4[%add3A_971, %dma_start3A_972, %dma_start3A_973] : memref<16384x50x32xf32, #tpu.memory_space<hbm>> -> memref<16x50x32xf32, #tpu.memory_space<hbm>>
      %dma_start3A_975 = arith.constant 0 : i32
      %dma_start3A_976 = arith.constant 0 : i32
      %dma_start3A_977 = tpu.memref_slice %arg4[%add3A_971, %dma_start3A_975, %dma_start3A_976] : memref<16384x50x32xf32, #tpu.memory_space<hbm>> -> memref<16x50x32xf32, #tpu.memory_space<hbm>>
      tpu.enqueue_dma source(%arg7 : memref<16x50x32xf32, #tpu.memory_space<vmem>>) target(%dma_start3A_977 : memref<16x50x32xf32, #tpu.memory_space<hbm>>) target_semaphore(%arg11 : memref<!tpu.dma_semaphore, #tpu.memory_space<semaphore_mem>>)
      %scan3A_978 = arith.constant 0 : i32
      scf.yield %scan3A_978 : i32
    }
    %scan3A_200 = arith.constant 16 : i32
    %dma_wait3A = arith.constant 0 : i32
    %dma_wait3A_201 = arith.constant 0 : i32
    %dma_wait3A_202 = tpu.memref_slice %arg4[%mul3A_2, %dma_wait3A, %dma_wait3A_201] : memref<16384x50x32xf32, #tpu.memory_space<hbm>> -> memref<16x50x32xf32, #tpu.memory_space<hbm>>
    %dma_wait3A_203 = arith.constant 0 : i32
    %dma_wait3A_204 = arith.constant 0 : i32
    %dma_wait3A_205 = tpu.memref_slice %arg4[%mul3A_2, %dma_wait3A_203, %dma_wait3A_204] : memref<16384x50x32xf32, #tpu.memory_space<hbm>> -> memref<16x50x32xf32, #tpu.memory_space<hbm>>
    tpu.wait_dma2 semaphore(%arg11 : memref<!tpu.dma_semaphore, #tpu.memory_space<semaphore_mem>>) src(%arg7 : memref<16x50x32xf32, #tpu.memory_space<vmem>>) dst(%dma_wait3A_205 : memref<16x50x32xf32, #tpu.memory_space<hbm>>)
    return
  }
}

</mosaic_0001>

<sc_bundles>
// kernel: kernel.3.cloned.1.call-start
scs
__scs_entry_jumppad:
0x0: {  	(pc) =	sbr.rel $0x88, $3  }
0x1: {  	(tag) =	ssettag $0x0;
	lr =	simm.s32 $0x1  }
0x2: {  	[smem:$0x3F9F] =	sst lr;
	_ =	strace $0xD0000000  }
0x3: {  	_ = 	snop  }
0x4: {  	_ = 	snop  }
0x5: {  	_ = 	snop  }
0x6: {  	_ = 	snop  }
0x7: {  	_ = 	snop  }
__scs_overlays_trampoline_lowered:
0x8: {  	[smem:$0x3FAE] =	sst s0  }
0x9: {  	[smem:$0x3FAF] =	sst s1  }
0xa: {  	[smem:$0x3FB0] =	sst s2  }
0xb: {  	[smem:$0x3FB1] =	sst s3  }
0xc: {  	[smem:$0x3FB2] =	sst s4  }
0xd: {  	[smem:$0x3FB3] =	sst s5  }
0xe: {  	[smem:$0x3FB4] =	sst s6  }
0xf: {  	[smem:$0x3FB5] =	sst s7  }
0x10: {  	[smem:$0x3FB6] =	sst s8  }
0x11: {  	[smem:$0x3FB7] =	sst s9;
	s0 =	simm.s32 @!p0 $0x0  }
0x12: {  	s1 =	sld [smem:$0x3F9D];
	s0 =	simm.s32 @p0 $0x1  }
0x13: {  	[smem:$0x3FB8] =	sst s0;
	s0 =	simm.s32 @!p1 $0x0  }
0x14: {  	s2 =	sld [smem:$0x3F9C];
	s0 =	simm.s32 @p1 $0x1  }
0x15: {  	[smem:$0x3FB9] =	sst s0;
	s0 =	simm.s32 @!p2 $0x0  }
0x16: {  	s3 =	sld [smem:$0x3FDB];
	s0 =	simm.s32 @p2 $0x1  }
0x17: {  	s4 =	simm.s32 $0x1BF5;
	[smem:$0x3FBB] =	sst s0  }
0x18: {  	s0 =	sld [smem:$0x3F9E];
	_ =	swait.ge [sflag:s4], $0x0  }
0x19: {  	s7 =	sld [smem:$0x3F9F]  }
0x1a: {  	s8 =	sadd.s32 $0xFFFFE003, lr  }
0x1b: {  	s9 =	sadd.s32 $0xFFFFFEF7, lr;
	s5 =	simm.s32 $0xFFFFFFFF;
	p2 =	slt.u32 s8, $0xFFFFF086  }
0x1c: {  	p1 =	slt.u32 s9, $0xF7A;
	s5 =	simm.s32 @!p2 $0x0  }
0x1d: {  	s5 =	simm.s32 @p1 $0x1;
	p0 =	seq.s32 s7, s2  }
0x1e: {  	s7 =	smul.u32 @!p0 $0xF7A, s2;
	p2 =	seq.s32 @!p0 s5, $0x0  }
0x1f: {  	s9 =	smul.u32 $0xF7A, s1;
	s8 =	simm.s32 @!p0 $0x1BF5;
	p2 =	por !p2, p0  }
0x20: {  	[sflag:s8] =	ssyncset.s32 @!p0 $0xFFFFF086;
	s6 =	sadd.s32 @!p0 s3, s7;
	s7 =	simm.s32 @!p0 $0x108  }
0x21: {  	s3 =	sadd.s32 s3, s9;
	s6 =	sadd.s32 @!p0 $0x88, s6;
	s7 =	simm.s32 @p2 $0x1082  }
0x22: {  	[simem:s7], [sflag:s8] =	dma.local @!p0 [hbm:s6], $0xF7A  }
0x23: {  	s9 =	sor.u32 $0xD0000000, s2;
	s6 =	simm.s32 $0x108;
	_ =	swait.ge @!p0 [sflag:s8], $0x0  }
0x24: {  	s3 =	sadd.s32 $0x88, s3;
	s6 =	simm.s32 @!p1 $0x1082;
	[sflag:s4] =	ssyncset.s32 $0xFFFFF086  }
0x25: {  	[simem:s6], [sflag:s4] =	dma.local [hbm:s3], $0xF7A  }
0x26: {  	[smem:$0x3F9F] =	sst s1;
	(tag) =	ssettag s2;
	_ =	strace s9  }
0x27: {  	s1 =	sld [smem:$0x3FAF]  }
0x28: {  	s2 =	sld [smem:$0x3FB0]  }
0x29: {  	s4 =	sld [smem:$0x3FB2]  }
0x2a: {  	p0 =	seq.s32 s5, $0x0;
	s5 =	sld [smem:$0x3FB3]  }
0x2b: {  	s6 =	sld [smem:$0x3FB4]  }
0x2c: {  	s7 =	sld [smem:$0x3FB5]  }
0x2d: {  	s3 =	simm.s32 $0x108;
	s8 =	sld [smem:$0x3FB6]  }
0x2e: {  	s3 =	simm.s32 @!p0 $0x1082;
	s9 =	sld [smem:$0x3FB7]  }
0x2f: {  	lr =	sadd.s32 s0, s3;
	s0 =	sld [smem:$0x3FAE]  }
0x30: {  	s3 =	sld [smem:$0x3FB1]  }
0x31: {  	[smem:$0x3FBA] =	sst s10  }
0x32: {  	s10 =	sld [smem:$0x3FB8];
	_ =	sdelay $0x3  }
0x33: {  	p0 =	seq.s32 s10, $0x1;
	s10 =	sld [smem:$0x3FBA];
	_ =	sdelay $0x3  }
0x34: {  	[smem:$0x3FBA] =	sst s10  }
0x35: {  	s10 =	sld [smem:$0x3FB9];
	_ =	sdelay $0x3  }
0x36: {  	p1 =	seq.s32 s10, $0x1;
	s10 =	sld [smem:$0x3FBA];
	_ =	sdelay $0x3  }
0x37: {  	[smem:$0x3FBA] =	sst s10  }
0x38: {  	s10 =	sld [smem:$0x3FBB]  }
0x39: {  	_ = 	snop;
	(pc) =	sbr.ind lr, $3  }
0x3a: {  	_ = 	snop  }
0x3b: {  	_ = 	snop  }
0x3c: {  	p2 =	seq.s32 s10, $0x1;
	s10 =	sld [smem:$0x3FBA]  }
0x3d: {  	_ =	shalt  }
0x3e: {  	_ =	shalt  }
0x3f: {  	_ =	shalt  }
0x40: {  	_ =	shalt  }
0x41: {  	_ =	shalt  }
0x42: {  	_ =	shalt  }
0x43: {  	_ =	shalt  }
0x44: {  	_ =	shalt  }
0x45: {  	_ =	shalt  }
0x46: {  	_ =	shalt  }
0x47: {  	_ =	shalt  }
0x48: {  	_ =	shalt  }
0x49: {  	_ =	shalt  }
0x4a: {  	_ =	shalt  }
0x4b: {  	_ =	shalt  }
0x4c: {  	_ =	shalt  }
0x4d: {  	_ =	shalt  }
0x4e: {  	_ =	shalt  }
0x4f: {  	_ =	shalt  }
0x50: {  	_ =	shalt  }
0x51: {  	_ =	shalt  }
0x52: {  	_ =	shalt  }
0x53: {  	_ =	shalt  }
0x54: {  	_ =	shalt  }
0x55: {  	_ =	shalt  }
0x56: {  	_ =	shalt  }
0x57: {  	_ =	shalt  }
0x58: {  	_ =	shalt  }
0x59: {  	_ =	shalt  }
0x5a: {  	_ =	shalt  }
0x5b: {  	_ =	shalt  }
0x5c: {  	_ =	shalt  }
0x5d: {  	_ =	shalt  }
0x5e: {  	_ =	shalt  }
0x5f: {  	_ =	shalt  }
0x60: {  	_ =	shalt  }
0x61: {  	_ =	shalt  }
0x62: {  	_ =	shalt  }
0x63: {  	_ =	shalt  }
0x64: {  	_ =	shalt  }
0x65: {  	_ =	shalt  }
0x66: {  	_ =	shalt  }
0x67: {  	_ =	shalt  }
0x68: {  	_ =	shalt  }
0x69: {  	_ =	shalt  }
0x6a: {  	_ =	shalt  }
0x6b: {  	_ =	shalt  }
0x6c: {  	_ =	shalt  }
0x6d: {  	_ =	shalt  }
0x6e: {  	_ =	shalt  }
0x6f: {  	_ =	shalt  }
0x70: {  	_ =	shalt  }
0x71: {  	_ =	shalt  }
0x72: {  	_ =	shalt  }
0x73: {  	_ =	shalt  }
0x74: {  	_ =	shalt  }
0x75: {  	_ =	shalt  }
0x76: {  	_ =	shalt  }
0x77: {  	_ =	shalt  }
0x78: {  	_ =	shalt  }
0x79: {  	_ =	shalt  }
0x7a: {  	_ =	shalt  }
0x7b: {  	_ =	shalt  }
0x7c: {  	_ =	shalt  }
0x7d: {  	_ =	shalt  }
0x7e: {  	_ =	shalt  }
0x7f: {  	_ =	shalt  }
0x80: {  	_ =	shalt  }
0x81: {  	_ =	shalt  }
0x82: {  	_ =	shalt  }
0x83: {  	_ =	shalt  }
0x84: {  	_ =	shalt  }
0x85: {  	_ =	shalt  }
0x86: {  	_ =	shalt  }
0x87: {  	_ =	shalt  }
.Lfunc_end0:
.L_simem_size_0:
called_computation.1_lowered:
.L_overlay_start_0:
0x88: {  	s2 =	sld [smem:$0x3FD9]  }
0x89: {  	s3 =	sld [smem:$0x3FFE];
	_ =	sdelay $0x1  }
0x8a: {  	s1 =	srdreg.scid  }
0x8b: {  	s0 =	sand.u32 $0x1, s1  }
0x8c: {  	s17 =	sshll.u32 s0, $0xA;
	s2 =	sadd.s32 s3, s2  }
0x8d: {  	s2 =	sadd.s32 s2, s17  }
0x8e: {  	[smem:$0x3FC6] =	sst s2  }
0x8f: {  	_ = 	snop  }
0x90: {  	s2 =	sld [smem:$0x3FD0];
	(tm) =	ssettm $0x1  }
0x91: {  	s18 =	sld [smem:$0x3FFB];
	_ =	sdelay $0x3  }
0x92: {  	_ =	strace s18  }
0x93: {  	s3 =	sld [smem:$0x3FFC];
	_ =	sdelay $0x3  }
0x94: {  	_ =	strace s3  }
0x95: {  	s3 =	sld [smem:$0x3FFD];
	_ =	sdelay $0x3  }
0x96: {  	_ =	strace s3  }
0x97: {  	_ =	strace $0x8FFFFFFF  }
0x98: {  	s19 =	sld [smem:$0x3FDB];
	_ =	sdelay $0x1  }
0x99: {  	s4 =	simm.s32 $_scs_section_size  }
0x9a: {  	s5 =	simm.s32 $_size__tile_overlayer_lowered;
	s6 =	simm.s32 $_tile_overlayer_lowered  }
0x9b: {  	s22 =	simm.s32 $0x1BFF;
	s21 =	sshll.u32 s6, $0x1;
	s3 =	sadd.s32 s4, s19  }
0x9c: {  	s7 =	simm.s32 $0x0;
	s20 =	sshll.u32 s5, $0x1;
	s5 =	sadd.s32 s21, s3  }
0x9d: {  	[timem:s7], [sflag:s22] =	dma.local [hbm:s5], s20  }
0x9e: {  	_ =	swait.ge [sflag:s22], s20  }
0x9f: {  	s4 =	ssub.s32 $0x0, s20;
	[sflag:s22] =	ssyncset.done $0x0  }
0xa0: {  	[sflag:s22] =	ssyncadd.s32 s4;
	_ =	sdelay $0x1  }
0xa1: {  	s23 =	simm.s32 $0x1B8B  }
0xa2: {  	_ =	swait.ge [sflag:s23], $0x1  }
0xa3: {  	[sflag:s23] =	ssyncset.done $0x0  }
0xa4: {  	s25 =	simm.s32 $0x1B8E;
	s24 =	sld [smem:$0x3FFE];
	[sflag:s23] =	ssyncadd.s32 $0xFFFFFFFF  }
0xa5: {  	s26 =	simm.s32 $execute0_lowered;
	[smem:$0x3FD2] =	sst s25  }
0xa6: {  	s5 =	sshll.u32 s26, $0x1;
	_ =	strace $0x80000046;
	[dreg:$0x1] =	wrdreg $0xFFFFFFFF  }
0xa7: {  	s28 =	simm.s32 $_size_execute0_lowered;
	s3 =	sadd.s32 s3, s5;
	[dreg:$0x0] =	wrdreg $0x0  }
0xa8: {  	s5 =	sshll.u32 s28, $0x1;
	[dreg:$0x2] =	wrdreg s3  }
0xa9: {  	[dreg:$0x3] =	wrdreg s5  }
0xaa: {  	[dreg:$0x4] =	wrdreg $0xC0  }
0xab: {  	_ =	task [dreg:s7], $0x5FFFF  }
0xac: {  	[dreg:$0x1] =	wrdreg $0xFFFFFFFF  }
0xad: {  	[dreg:$0x0] =	wrdreg $0x60  }
0xae: {  	[dreg:$0x2] =	wrdreg s24  }
0xaf: {  	[dreg:$0x3] =	wrdreg s2  }
0xb0: {  	[dreg:$0x4] =	wrdreg $0x9  }
0xb1: {  	_ =	task.clear_ibuf [dreg:s7], $0x5FFFF;
	_ =	strace $0x90000046  }
0xb2: {  	s29 =	simm.s32 $0x9;
	_ =	strace $0x80000048  }
0xb3: {  	_ =	swait.ge [sflag:s29], $0x1  }
0xb4: {  	[sflag:s29] =	ssyncadd.s32 $0xFFFFFFFF  }
0xb5: {  	_ =	strace $0x90000048  }
0xb6: {  	_ =	sfence  }
0xb7: {  	s30 =	sld [smem:$0x0];
	_ =	sdelay $0x2  }
0xb8: {  	s31 =	sshll.u32 s1, $0xD;
	s1 =	sshrl.u32 s1, $0x2  }
0xb9: {  	s3 =	sand.u32 $0x4000, s31;
	s1 =	sadd.s32 s1, s30  }
0xba: {  	s0 =	sor.u32 s3, s0;
	s1 =	sshll.u32 s1, $0x11  }
0xbb: {  	s0 =	sor.u32 s1, s0  }
0xbc: {  	s0 =	sadd.s32 $0x8F2B, s0  }
0xbd: {  	[sflag:s0] =	ssyncadd.remote.s32 $0x1  }
0xbe: {  	_ =	sfence.sel $0xFFFF  }
0xbf: {  	[dreg:$0x0] =	wrdreg $0xFFFFFFFF;
	(pc) =	sbr.abs _section_cstart, $3  }
0xc0: {  	[dreg:$0x1] =	wrdreg $0xFFFFFFFF  }
0xc1: {  	_ =	task.clear_ibuf [dreg:s7], $0x2FFFF;
	_ =	strace $0x9FFFFFFF  }
0xc2: {  	(tm) =	ssettm $0x7FFFFFFF  }
0xc3: {  	_ =	shalt  }
tec
execute0_lowered:
.L_overlay_start_1:
0x0: {  	(tag) =	ssettag $0x1  }
0x1: {  	v0 =	vimm.s32 $0xFEDCBA98  }
0x2: {  	v1 =	vimm.s32 $0x76543210;
	v0 =	vunpack.c.l.s4.s8 v0  }
0x3: {  	v1 =	vunpack.c.l.s4.s8 v1  }
0x4: {  	v0 =	vunpack.c.0.s8.s32 v0  }
0x5: {  	v2 =	vimm.s32 $0x3210FEDC;
	v1 =	vunpack.c.0.s8.s32 v1  }
0x6: {  	v3 =	vimm.s32 $0x10FEDCBA;
	v4 =	vimm.s32 $0x98765432;
	v0 =	vand.u32 $0xF, v0  }
0x7: {  	v2 =	vunpack.c.l.s4.s8 v2;
	v0 =	vcombine.low v0, v1;
	v1 =	vimm.s32 $0xBA987654  }
0x8: {  	v5 =	vimm.s32 $0xFEDCBA9;
	v6 =	vimm.s32 $0x87654321;
	v1 =	vunpack.c.l.s4.s8 v1  }
0x9: {  	v3 =	vunpack.c.l.s4.s8 v3;
	v4 =	vunpack.c.l.s4.s8 v4;
	v2 =	vunpack.c.0.s8.s32 v2  }
0xa: {  	v7 =	vunpack.c.0.s8.s32 v1;
	v1 =	vunpack.c.l.s4.s8 v5;
	v5 =	vunpack.c.l.s4.s8 v6  }
0xb: {  	v3 =	vunpack.c.0.s8.s32 v3;
	v4 =	vunpack.c.0.s8.s32 v4;
	v6 =	vlaneseq.u32  }
0xc: {  	v8 =	vunpack.c.0.s8.s32 v1;
	v5 =	vunpack.c.0.s8.s32 v5;
	v1 =	vmul.u32 $0x20, v6  }
0xd: {  	v3 =	vcombine.low v4, v3;
	v2 =	vcombine.low v7, v2  }
0xe: {  	v4 =	vcombine.low v5, v8;
	v5 =	vimm.f32 $0.0e+00;
	v6 =	vor.u32 $0x1, v1  }
0xf: {  	v14 =	vor.u32 $0x9, v1;
	v15 =	vor.u32 $0xA, v1;
	v16 =	vor.u32 $0xB, v1  }
0x10: {  	v17 =	vor.u32 $0xC, v1;
	v18 =	vor.u32 $0xD, v1;
	v19 =	vor.u32 $0xE, v1  }
0x11: {  	v20 =	vor.u32 $0xF, v1;
	v21 =	vor.u32 $0x10, v1;
	v22 =	vor.u32 $0x11, v1  }
0x12: {  	v23 =	vor.u32 $0x12, v1;
	v24 =	vor.u32 $0x13, v1;
	v25 =	vor.u32 $0x14, v1  }
0x13: {  	s0 =	srdreg.scid;
	v26 =	vor.u32 $0x15, v1;
	v27 =	vor.u32 $0x16, v1;
	v28 =	vor.u32 $0x17, v1  }
0x14: {  	s1 =	rddreg [dreg:$0x0];
	s3 =	stileid.u32;
	v29 =	vor.u32 $0x18, v1;
	v30 =	vor.u32 $0x19, v1;
	v31 =	vor.u32 $0x1A, v1  }
0x15: {  	s5 =	simm.s32 $0x0;
	s9 =	simm.s32 $0x32;
	s10 =	simm.s32 $0x7000;
	v32 =	vor.u32 $0x1B, v1;
	v33 =	vor.u32 $0x1C, v1;
	v34 =	vor.u32 $0x1D, v1  }
0x16: {  	s19 =	simm.s32 $0xD400;
	s23 =	simm.s32 $0xED00;
	s24 =	simm.s32 $0xF340;
	v35 =	vor.u32 $0x1E, v1;
	v36 =	vor.u32 $0x1F, v1;
	v37 =	vor.u32 $0x200, v1  }
0x17: {  	s28 =	simm.s32 $0x10600;
	s29 =	simm.s32 $0x10C40;
	s30 =	simm.s32 $0x11280;
	v38 =	vor.u32 $0x201, v1;
	v39 =	vor.u32 $0x202, v1;
	v40 =	vor.u32 $0x203, v1  }
0x18: {  	s31 =	simm.s32 $0x118C0;
	s11 =	simm.s32 $0x12B80;
	s12 =	simm.s32 $0x131C0;
	v41 =	vor.u32 $0x204, v1;
	v42 =	vor.u32 $0x205, v1;
	v43 =	vor.u32 $0x206, v1  }
0x19: {  	s0 =	sand.u32 $0x1, s0;
	s3 =	sshll.u32 s3, $0xA;
	[smem:$0x7FF] =	sst s5;
	v44 =	vor.u32 $0x207, v1;
	v45 =	vor.u32 $0x208, v1;
	v46 =	vor.u32 $0x209, v1  }
0x1a: {  	s2 =	rddreg [dreg:$0x1];
	s4 =	sshll.u32 s0, $0x9;
	_ =	strace $0x80000047;
	v47 =	vor.u32 $0x20A, v1;
	v48 =	vor.u32 $0x20B, v1;
	[tilespmem:$0x1FF80] =	vst v6;
	v6 =	vor.u32 $0x2, v1  }
0x1b: {  	s13 =	simm.s32 $0x1;
	s14 =	simm.s32 $0x2;
	s3 =	sor.u32 s4, s3;
	v49 =	vor.u32 $0x20C, v1;
	v50 =	vor.u32 $0x20D, v1;
	[tilespmem:$0x1FF90] =	vst v6;
	v6 =	vor.u32 $0x3, v1  }
0x1c: {  	s15 =	simm.s32 $0x3;
	s0 =	ssub.s32 $0x2, s0;
	s4 =	smul.u32 $0x7, s3;
	v51 =	vor.u32 $0x20E, v1;
	v52 =	vor.u32 $0x20F, v1;
	[tilespmem:$0x1FFA0] =	vst v6;
	v6 =	vor.u32 $0x4, v1  }
.Ltmp0:
0x1d: {  	s7 =	simm.s32 $0x0;
	s25 =	sshrl.u32 s0, $0x1;
	v53 =	vor.u32 $0x210, v1;
	v54 =	vor.u32 $0x211, v1;
	[tilespmem:$0x1FFB0] =	vst v6;
	v6 =	vor.u32 $0x5, v1;
	(pc) =	sbr.rel .LBB2_1-.Ltmp0, $4  }
0x1e: {  	s22 =	simm.s32 $0x0;
	s5 =	sadd.s32 $0xF42E00, s1;
	s0 =	ssub.s32 s0, s25;
	v55 =	vor.u32 $0x212, v1;
	v56 =	vor.u32 $0x213, v1;
	[tilespmem:$0x1FFC0] =	vst v6;
	v6 =	vor.u32 $0x6, v1  }
0x1f: {  	s25 =	simm.s32 $0xF980;
	s0 =	smax.u32 s0, $0x1;
	s4 =	sadd.s32 s4, s1;
	v57 =	vor.u32 $0x214, v1;
	v58 =	vor.u32 $0x215, v1;
	[tilespmem:$0x1FFD0] =	vst v6;
	v6 =	vor.u32 $0x7, v1  }
0x20: {  	[dreg:$0x4] =	wrdreg s0;
	s1 =	simm.s32 $0x11F00;
	s26 =	sadd.s32 $0xA00, s4;
	v59 =	vor.u32 $0x216, v1;
	v60 =	vor.u32 $0x217, v1;
	[tilespmem:$0x1FFE0] =	vst v6;
	v6 =	vor.u32 $0x8, v1  }
0x21: {  	s0 =	simm.s32 $0x12540;
	[dreg:$0x3] =	wrdreg s26;
	s26 =	simm.s32 $0xFFC0;
	v61 =	vor.u32 $0x218, v1;
	v62 =	vor.u32 $0x219, v1;
	v63 =	vor.u32 $0x21A, v1;
	[tilespmem:$0x1FFF0] =	vst v6  }
.LBB2_11:
0x22: {  	s6 =	simm.s32 $0x4  }
0x23: {  	_ =	swait.ge [sflag:s6], $0x6400  }
0x24: {  	s7 =	rddreg [dreg:$0x5]  }
0x25: {  	s4 =	rddreg [dreg:$0x4];
	s7 =	sadd.s32 $0x1, s7  }
0x26: {  	p0 =	sne.s32 s7, s4  }
.Ltmp1:
0x27: {  	_ = 	snop;
	(pc) =	sbr.rel @!p0 .LBB2_12-.Ltmp1, $3  }
0x28: {  	_ =	sdelay $0x1  }
0x29: {  	[sflag:s6] =	ssyncset.done $0x0  }
0x2a: {  	[sflag:s6] =	ssyncadd.s32 $0xFFFF9C00  }
.LBB2_1:
0x2b: {  	[dreg:$0x5] =	wrdreg s7  }
0x2c: {  	s4 =	simm.s32 $0x0;
	s6 =	rddreg [dreg:$0x3];
	s7 =	simm.s32 $0x5  }
0x2d: {  	[tilespmem:s4], [sflag:$0x5] =	stream.linear.gather [hbm4b:s6+s4], $0x7000, $0x38;
	[tilespmem:$0x13800] =	vst v63  }
0x2e: {  	_ =	swait.ge [sflag:s7], $0x7000  }
0x2f: {  	[sflag:s7] =	ssyncset.done $0x0  }
0x30: {  	[sflag:s7] =	ssyncadd.s32 $0xFFFF9000  }
0x31: {  	[tilespmem:s10], [sflag:$0x1] =	stream.indirect.gather [hbm4b:s5+s9], $0x20, s4, s9, $0xb8;
	[tilespmem:$0x13800] =	vst v63  }
0x32: {  	s8 =	simm.s32 $0x38;
	s16 =	simm.s32 $0x7640  }
0x33: {  	[tilespmem:s16], [sflag:$0x1] =	stream.indirect.gather [hbm4b:s5+s9], $0x20, s8, s9, $0xb8;
	[tilespmem:$0x13800] =	vst v63  }
0x34: {  	s17 =	simm.s32 $0x70;
	s18 =	simm.s32 $0x7C80  }
0x35: {  	[tilespmem:s18], [sflag:$0x1] =	stream.indirect.gather [hbm4b:s5+s9], $0x20, s17, s9, $0xb8;
	[tilespmem:$0x13800] =	vst v63  }
0x36: {  	s20 =	simm.s32 $0xA8;
	s21 =	simm.s32 $0x82C0  }
0x37: {  	[tilespmem:s21], [sflag:$0x1] =	stream.indirect.gather [hbm4b:s5+s9], $0x20, s20, s9, $0xb8;
	[tilespmem:$0x13800] =	vst v63  }
0x38: {  	s6 =	simm.s32 $0xE0;
	s7 =	simm.s32 $0x8900  }
0x39: {  	[tilespmem:s7], [sflag:$0x1] =	stream.indirect.gather [hbm4b:s5+s9], $0x20, s6, s9, $0xb8;
	[tilespmem:$0x13800] =	vst v63  }
0x3a: {  	s8 =	simm.s32 $0x118;
	s16 =	simm.s32 $0x8F40  }
0x3b: {  	[tilespmem:s16], [sflag:$0x1] =	stream.indirect.gather [hbm4b:s5+s9], $0x20, s8, s9, $0xb8;
	[tilespmem:$0x13800] =	vst v63  }
0x3c: {  	s17 =	simm.s32 $0x150;
	s18 =	simm.s32 $0x9580  }
0x3d: {  	[tilespmem:s18], [sflag:$0x1] =	stream.indirect.gather [hbm4b:s5+s9], $0x20, s17, s9, $0xb8;
	[tilespmem:$0x13800] =	vst v63  }
0x3e: {  	s20 =	simm.s32 $0x188;
	s21 =	simm.s32 $0x9BC0  }
0x3f: {  	[tilespmem:s21], [sflag:$0x1] =	stream.indirect.gather [hbm4b:s5+s9], $0x20, s20, s9, $0xb8;
	[tilespmem:$0x13800] =	vst v63  }
0x40: {  	s6 =	simm.s32 $0x1C0;
	s7 =	simm.s32 $0xA200  }
0x41: {  	[tilespmem:s7], [sflag:$0x1] =	stream.indirect.gather [hbm4b:s5+s9], $0x20, s6, s9, $0xb8;
	[tilespmem:$0x13800] =	vst v63  }
0x42: {  	s8 =	simm.s32 $0x1F8;
	s16 =	simm.s32 $0xA840  }
0x43: {  	[tilespmem:s16], [sflag:$0x1] =	stream.indirect.gather [hbm4b:s5+s9], $0x20, s8, s9, $0xb8;
	[tilespmem:$0x13800] =	vst v63  }
0x44: {  	s17 =	simm.s32 $0x230;
	s18 =	simm.s32 $0xAE80  }
0x45: {  	[tilespmem:s18], [sflag:$0x1] =	stream.indirect.gather [hbm4b:s5+s9], $0x20, s17, s9, $0xb8;
	[tilespmem:$0x13800] =	vst v63  }
0x46: {  	s20 =	simm.s32 $0x268;
	s21 =	simm.s32 $0xB4C0  }
0x47: {  	[tilespmem:s21], [sflag:$0x1] =	stream.indirect.gather [hbm4b:s5+s9], $0x20, s20, s9, $0xb8;
	[tilespmem:$0x13800] =	vst v63  }
0x48: {  	s6 =	simm.s32 $0x2A0;
	s7 =	simm.s32 $0xBB00  }
0x49: {  	[tilespmem:s7], [sflag:$0x1] =	stream.indirect.gather [hbm4b:s5+s9], $0x20, s6, s9, $0xb8;
	[tilespmem:$0x13800] =	vst v63  }
0x4a: {  	s8 =	simm.s32 $0x2D8;
	s16 =	simm.s32 $0xC140  }
0x4b: {  	[tilespmem:s16], [sflag:$0x1] =	stream.indirect.gather [hbm4b:s5+s9], $0x20, s8, s9, $0xb8;
	[tilespmem:$0x13800] =	vst v63  }
.Ltmp2:
0x4c: {  	s17 =	simm.s32 $0x310;
	s18 =	simm.s32 $0xC780;
	(pc) =	sbr.rel .LBB2_2-.Ltmp2, $4  }
0x4d: {  	[tilespmem:s18], [sflag:$0x1] =	stream.indirect.gather [hbm4b:s5+s9], $0x20, s17, s9, $0xb8;
	[tilespmem:$0x13800] =	vst v63  }
0x4e: {  	s20 =	simm.s32 $0x348;
	s21 =	simm.s32 $0xCDC0  }
0x4f: {  	[tilespmem:s21], [sflag:$0x1] =	stream.indirect.gather [hbm4b:s5+s9], $0x20, s20, s9, $0xb8;
	[tilespmem:$0x13800] =	vst v63  }
0x50: {  	s7 =	simm.s32 $0x0;
	s18 =	simm.s32 $0x3A2;
	s20 =	simm.s32 $0x0  }
.LBB2_10:
0x51: {  	_ =	swait.ge [sflag:s15], $0x6400;
	p0 =	seq.s32 s7, $0xF  }
0x52: {  	[sflag:s15] =	ssyncset.done $0x0;
	s4 =	sadd.s32 @!p0 $0x700, s16  }
0x53: {  	s6 =	simm.s32 @!p0 $0x32;
	s17 =	simm.s32 @!p0 $0x7000;
	[sflag:s15] =	ssyncadd.s32 $0xFFFF9C00  }
0x54: {  	[tilespmem:s17], [sflag:$0x1] =	stream.indirect.gather @!p0 [hbm4b:s5+s6], $0x20, s4, s6, $0xb8;
	[tilespmem:$0x13800] =	vst v63  }
0x55: {  	s4 =	sadd.s32 @!p0 $0x738, s16;
	s17 =	simm.s32 @!p0 $0x7640  }
0x56: {  	[tilespmem:s17], [sflag:$0x1] =	stream.indirect.gather @!p0 [hbm4b:s5+s6], $0x20, s4, s6, $0xb8;
	[tilespmem:$0x13800] =	vst v63  }
0x57: {  	s4 =	sadd.s32 @!p0 $0x770, s16;
	s17 =	simm.s32 @!p0 $0x7C80  }
0x58: {  	[tilespmem:s17], [sflag:$0x1] =	stream.indirect.gather @!p0 [hbm4b:s5+s6], $0x20, s4, s6, $0xb8;
	[tilespmem:$0x13800] =	vst v63  }
0x59: {  	s4 =	sadd.s32 @!p0 $0x7A8, s16;
	s17 =	simm.s32 @!p0 $0x82C0  }
0x5a: {  	[tilespmem:s17], [sflag:$0x1] =	stream.indirect.gather @!p0 [hbm4b:s5+s6], $0x20, s4, s6, $0xb8;
	[tilespmem:$0x13800] =	vst v63  }
0x5b: {  	s4 =	sadd.s32 @!p0 $0x7E0, s16;
	s17 =	simm.s32 @!p0 $0x8900  }
0x5c: {  	[tilespmem:s17], [sflag:$0x1] =	stream.indirect.gather @!p0 [hbm4b:s5+s6], $0x20, s4, s6, $0xb8;
	[tilespmem:$0x13800] =	vst v63  }
0x5d: {  	s4 =	sadd.s32 @!p0 $0x818, s16;
	s17 =	simm.s32 @!p0 $0x8F40  }
0x5e: {  	[tilespmem:s17], [sflag:$0x1] =	stream.indirect.gather @!p0 [hbm4b:s5+s6], $0x20, s4, s6, $0xb8;
	[tilespmem:$0x13800] =	vst v63  }
0x5f: {  	s4 =	sadd.s32 @!p0 $0x850, s16;
	s17 =	simm.s32 @!p0 $0x9580  }
0x60: {  	[tilespmem:s17], [sflag:$0x1] =	stream.indirect.gather @!p0 [hbm4b:s5+s6], $0x20, s4, s6, $0xb8;
	[tilespmem:$0x13800] =	vst v63  }
0x61: {  	s4 =	sadd.s32 @!p0 $0x888, s16;
	s17 =	simm.s32 @!p0 $0x9BC0  }
0x62: {  	[tilespmem:s17], [sflag:$0x1] =	stream.indirect.gather @!p0 [hbm4b:s5+s6], $0x20, s4, s6, $0xb8;
	[tilespmem:$0x13800] =	vst v63  }
0x63: {  	s4 =	sadd.s32 @!p0 $0x8C0, s16;
	s17 =	simm.s32 @!p0 $0xA200  }
0x64: {  	[tilespmem:s17], [sflag:$0x1] =	stream.indirect.gather @!p0 [hbm4b:s5+s6], $0x20, s4, s6, $0xb8;
	[tilespmem:$0x13800] =	vst v63  }
0x65: {  	s4 =	sadd.s32 @!p0 $0x8F8, s16;
	s17 =	simm.s32 @!p0 $0xA840  }
0x66: {  	[tilespmem:s17], [sflag:$0x1] =	stream.indirect.gather @!p0 [hbm4b:s5+s6], $0x20, s4, s6, $0xb8;
	[tilespmem:$0x13800] =	vst v63  }
0x67: {  	s4 =	sadd.s32 @!p0 $0x930, s16;
	s17 =	simm.s32 @!p0 $0xAE80  }
0x68: {  	[tilespmem:s17], [sflag:$0x1] =	stream.indirect.gather @!p0 [hbm4b:s5+s6], $0x20, s4, s6, $0xb8;
	[tilespmem:$0x13800] =	vst v63  }
0x69: {  	s4 =	sadd.s32 @!p0 $0x968, s16;
	s17 =	simm.s32 @!p0 $0xB4C0  }
0x6a: {  	[tilespmem:s17], [sflag:$0x1] =	stream.indirect.gather @!p0 [hbm4b:s5+s6], $0x20, s4, s6, $0xb8;
	[tilespmem:$0x13800] =	vst v63  }
0x6b: {  	s4 =	sadd.s32 @!p0 $0x9A0, s16;
	s17 =	simm.s32 @!p0 $0xBB00  }
0x6c: {  	[tilespmem:s17], [sflag:$0x1] =	stream.indirect.gather @!p0 [hbm4b:s5+s6], $0x20, s4, s6, $0xb8;
	[tilespmem:$0x13800] =	vst v63  }
0x6d: {  	s4 =	sadd.s32 @!p0 $0x9D8, s16;
	s17 =	simm.s32 @!p0 $0xC140  }
0x6e: {  	[tilespmem:s17], [sflag:$0x1] =	stream.indirect.gather @!p0 [hbm4b:s5+s6], $0x20, s4, s6, $0xb8;
	[tilespmem:$0x13800] =	vst v63  }
0x6f: {  	s21 =	sadd.s32 s3, s8;
	s4 =	sadd.s32 @!p0 $0xA10, s16;
	s17 =	simm.s32 @!p0 $0xC780  }
0x70: {  	[tilespmem:s17], [sflag:$0x1] =	stream.indirect.gather @!p0 [hbm4b:s5+s6], $0x20, s4, s6, $0xb8;
	[tilespmem:$0x13800] =	vst v63  }
0x71: {  	s7 =	sadd.s32 $0x1, s7;
	s8 =	sadd.s32 @!p0 $0xA48, s16;
	s16 =	simm.s32 @!p0 $0xCDC0  }
0x72: {  	[tilespmem:s16], [sflag:$0x1] =	stream.indirect.gather @!p0 [hbm4b:s5+s6], $0x20, s8, s6, $0xb8;
	[tilespmem:$0x13800] =	vst v63  }
0x73: {  	p0 =	sne.s32 s7, $0x10  }
.Ltmp3:
0x74: {  	_ = 	snop;
	(pc) =	sbr.rel @!p0 .LBB2_11-.Ltmp3, $3  }
0x75: {  	s4 =	smul.u32 $0xC8, s21;
	_ =	sdelay $0x1  }
0x76: {  	s20 =	sadd.s32 $0x700, s20;
	s18 =	sadd.s32 $0x700, s18;
	s4 =	sadd.s32 s2, s4  }
0x77: {  	[hbm4b:s4+s22] =	stream.linear.scatter [tilespmem:s19], [sflag:$0x4], $0x6400, $0x38;
	[tilespmem:$0x13800] =	vst v63  }
.LBB2_2:
0x78: {  	p0 =	seq.s32 s7, $0x0;
	s17 =	sshll.u32 s7, $0x5  }
0x79: {  	s4 =	simm.s32 @!p0 $0x4;
	s8 =	sor.u32 $0x10, s17  }
0x7a: {  	_ =	swait.ge @!p0 [sflag:s4], $0x6400;
	s6 =	smul.u32 $0xE0, s8  }
0x7b: {  	[sflag:s4] =	ssyncset.done @!p0 $0x0  }
0x7c: {  	s21 =	smul.u32 $0x1C00, s7;
	[sflag:s4] =	ssyncadd.s32 @!p0 $0xFFFF9C00;
	s16 =	sshra.s32 s6, $0x2  }
0x7d: {  	[tilespmem:s19], [sflag:$0x2] =	stream.indirect.gather [hbm4b:s5+s9], $0x20, s16, s9, $0xb8;
	[tilespmem:$0x13800] =	vst v63  }
0x7e: {  	s16 =	sshra.s32 s21, $0x2  }
0x7f: {  	s21 =	simm.s32 $0xDA40;
	s6 =	sadd.s32 $0x3B8, s16  }
0x80: {  	[tilespmem:s21], [sflag:$0x2] =	stream.indirect.gather [hbm4b:s5+s9], $0x20, s6, s9, $0xb8;
	[tilespmem:$0x13800] =	vst v63  }
0x81: {  	s6 =	sadd.s32 $0x3F0, s16;
	s21 =	simm.s32 $0xE080  }
0x82: {  	[tilespmem:s21], [sflag:$0x2] =	stream.indirect.gather [hbm4b:s5+s9], $0x20, s6, s9, $0xb8;
	[tilespmem:$0x13800] =	vst v63  }
0x83: {  	s6 =	sadd.s32 $0x428, s16;
	s21 =	simm.s32 $0xE6C0  }
0x84: {  	[tilespmem:s21], [sflag:$0x2] =	stream.indirect.gather [hbm4b:s5+s9], $0x20, s6, s9, $0xb8;
	[tilespmem:$0x13800] =	vst v63  }
0x85: {  	s6 =	sadd.s32 $0x460, s16  }
0x86: {  	[tilespmem:s23], [sflag:$0x2] =	stream.indirect.gather [hbm4b:s5+s9], $0x20, s6, s9, $0xb8;
	[tilespmem:$0x13800] =	vst v63  }
0x87: {  	s21 =	sadd.s32 $0x498, s16  }
0x88: {  	[tilespmem:s24], [sflag:$0x2] =	stream.indirect.gather [hbm4b:s5+s9], $0x20, s21, s9, $0xb8;
	[tilespmem:$0x13800] =	vst v63  }
0x89: {  	s6 =	sadd.s32 $0x4D0, s16  }
0x8a: {  	[tilespmem:s25], [sflag:$0x2] =	stream.indirect.gather [hbm4b:s5+s9], $0x20, s6, s9, $0xb8;
	[tilespmem:$0x13800] =	vst v63  }
0x8b: {  	s21 =	sadd.s32 $0x508, s16  }
0x8c: {  	[tilespmem:s26], [sflag:$0x2] =	stream.indirect.gather [hbm4b:s5+s9], $0x20, s21, s9, $0xb8;
	[tilespmem:$0x13800] =	vst v63  }
0x8d: {  	s6 =	sadd.s32 $0x540, s16  }
0x8e: {  	[tilespmem:s28], [sflag:$0x2] =	stream.indirect.gather [hbm4b:s5+s9], $0x20, s6, s9, $0xb8;
	[tilespmem:$0x13800] =	vst v63  }
0x8f: {  	s21 =	sadd.s32 $0x578, s16  }
0x90: {  	[tilespmem:s29], [sflag:$0x2] =	stream.indirect.gather [hbm4b:s5+s9], $0x20, s21, s9, $0xb8;
	[tilespmem:$0x13800] =	vst v63  }
0x91: {  	s6 =	sadd.s32 $0x5B0, s16  }
0x92: {  	[tilespmem:s30], [sflag:$0x2] =	stream.indirect.gather [hbm4b:s5+s9], $0x20, s6, s9, $0xb8;
	[tilespmem:$0x13800] =	vst v63  }
0x93: {  	s21 =	sadd.s32 $0x5E8, s16  }
0x94: {  	[tilespmem:s31], [sflag:$0x2] =	stream.indirect.gather [hbm4b:s5+s9], $0x20, s21, s9, $0xb8;
	[tilespmem:$0x13800] =	vst v63  }
0x95: {  	s6 =	sadd.s32 $0x620, s16  }
0x96: {  	[tilespmem:s1], [sflag:$0x2] =	stream.indirect.gather [hbm4b:s5+s9], $0x20, s6, s9, $0xb8;
	[tilespmem:$0x13800] =	vst v63  }
0x97: {  	s21 =	sadd.s32 $0x658, s16  }
0x98: {  	[tilespmem:s0], [sflag:$0x2] =	stream.indirect.gather [hbm4b:s5+s9], $0x20, s21, s9, $0xb8;
	[tilespmem:$0x13800] =	vst v63  }
0x99: {  	s6 =	sadd.s32 $0x690, s16  }
0x9a: {  	[tilespmem:s11], [sflag:$0x2] =	stream.indirect.gather [hbm4b:s5+s9], $0x20, s6, s9, $0xb8;
	[tilespmem:$0x13800] =	vst v63  }
0x9b: {  	s21 =	sadd.s32 $0x6C8, s16  }
0x9c: {  	[tilespmem:s12], [sflag:$0x2] =	stream.indirect.gather [hbm4b:s5+s9], $0x20, s21, s9, $0xb8;
	[tilespmem:$0x13800] =	vst v63  }
0x9d: {  	_ =	swait.ge [sflag:s13], $0x640  }
0x9e: {  	[sflag:s13] =	ssyncset.done $0x0  }
0x9f: {  	[sflag:s13] =	ssyncadd.s32 $0xFFFFF9C0  }
0xa0: {  	_ =	swait.ge [sflag:s13], $0x640  }
0xa1: {  	[sflag:s13] =	ssyncset.done $0x0  }
0xa2: {  	[sflag:s13] =	ssyncadd.s32 $0xFFFFF9C0  }
0xa3: {  	_ =	swait.ge [sflag:s13], $0x640  }
0xa4: {  	[sflag:s13] =	ssyncset.done $0x0  }
0xa5: {  	[sflag:s13] =	ssyncadd.s32 $0xFFFFF9C0  }
0xa6: {  	_ =	swait.ge [sflag:s13], $0x640  }
0xa7: {  	[sflag:s13] =	ssyncset.done $0x0  }
0xa8: {  	[sflag:s13] =	ssyncadd.s32 $0xFFFFF9C0  }
0xa9: {  	_ =	swait.ge [sflag:s13], $0x640  }
0xaa: {  	[sflag:s13] =	ssyncset.done $0x0  }
0xab: {  	[sflag:s13] =	ssyncadd.s32 $0xFFFFF9C0  }
0xac: {  	_ =	swait.ge [sflag:s13], $0x640  }
0xad: {  	[sflag:s13] =	ssyncset.done $0x0  }
0xae: {  	[sflag:s13] =	ssyncadd.s32 $0xFFFFF9C0  }
0xaf: {  	_ =	swait.ge [sflag:s13], $0x640  }
0xb0: {  	[sflag:s13] =	ssyncset.done $0x0  }
0xb1: {  	[sflag:s13] =	ssyncadd.s32 $0xFFFFF9C0  }
0xb2: {  	_ =	swait.ge [sflag:s13], $0x640  }
0xb3: {  	[sflag:s13] =	ssyncset.done $0x0  }
0xb4: {  	[sflag:s13] =	ssyncadd.s32 $0xFFFFF9C0  }
0xb5: {  	_ =	swait.ge [sflag:s13], $0x640  }
0xb6: {  	[sflag:s13] =	ssyncset.done $0x0  }
0xb7: {  	[sflag:s13] =	ssyncadd.s32 $0xFFFFF9C0  }
0xb8: {  	_ =	swait.ge [sflag:s13], $0x640  }
0xb9: {  	[sflag:s13] =	ssyncset.done $0x0  }
0xba: {  	[sflag:s13] =	ssyncadd.s32 $0xFFFFF9C0  }
0xbb: {  	_ =	swait.ge [sflag:s13], $0x640  }
0xbc: {  	[sflag:s13] =	ssyncset.done $0x0  }
0xbd: {  	[sflag:s13] =	ssyncadd.s32 $0xFFFFF9C0  }
0xbe: {  	_ =	swait.ge [sflag:s13], $0x640  }
0xbf: {  	[sflag:s13] =	ssyncset.done $0x0  }
0xc0: {  	[sflag:s13] =	ssyncadd.s32 $0xFFFFF9C0  }
0xc1: {  	_ =	swait.ge [sflag:s13], $0x640  }
0xc2: {  	[sflag:s13] =	ssyncset.done $0x0  }
0xc3: {  	[sflag:s13] =	ssyncadd.s32 $0xFFFFF9C0  }
0xc4: {  	_ =	swait.ge [sflag:s13], $0x640  }
0xc5: {  	[sflag:s13] =	ssyncset.done $0x0  }
0xc6: {  	[sflag:s13] =	ssyncadd.s32 $0xFFFFF9C0  }
0xc7: {  	_ =	swait.ge [sflag:s13], $0x640  }
.Ltmp4:
0xc8: {  	[sflag:s13] =	ssyncset.done $0x0;
	(pc) =	sbr.rel .LBB2_3-.Ltmp4, $4  }
0xc9: {  	[sflag:s13] =	ssyncadd.s32 $0xFFFFF9C0  }
0xca: {  	_ =	swait.ge [sflag:s13], $0x640  }
0xcb: {  	[sflag:s13] =	ssyncset.done $0x0  }
0xcc: {  	s4 =	simm.s32 $0x0;
	s6 =	smov.u32 s20;
	[sflag:s13] =	ssyncadd.s32 $0xFFFFF9C0  }
.LBB2_5:
0xcd: {  	s4 =	sadd.s32 $0x1, s4  }
0xce: {  	p0 =	sne.s32 s4, $0x10  }
.Ltmp5:
0xcf: {  	_ = 	snop;
	(pc) =	sbr.rel @!p0 .LBB2_6-.Ltmp5, $2  }
0xd0: {  	_ =	sdelay $0x2  }
0xd1: {  	s6 =	sadd.s32 $0x38, s6  }
.LBB2_3:
0xd2: {  	v9 =	vld [tilespmem:s6+$0x0]  }
0xd3: {  	v8 =	vld [tilespmem:s6+$0x10];
	_ =	sdelay $0x1  }
0xd4: {  	v7 =	vld [tilespmem:s6+$0x22];
	_ =	sdelay $0x2  }
0xd5: {  	vm0 =	vlt.s32 v9, v8  }
0xd6: {  	v6 =	vsel vm0, v9, v8  }
0xd7: {  	vm0 =	vlt.s32 v6, v7  }
0xd8: {  	v6 =	vsel vm0, v6, v7  }
0xd9: {  	v10 =	vperm.xlane v6, v0;
	_ =	sdelay $0x1  }
0xda: {  	vm0 =	vlt.s32 v6, v10  }
0xdb: {  	v6 =	vsel vm0, v6, v10  }
0xdc: {  	v10 =	vperm.xlane v6, v2;
	_ =	sdelay $0x1  }
0xdd: {  	vm0 =	vlt.s32 v6, v10  }
0xde: {  	v6 =	vsel vm0, v6, v10  }
0xdf: {  	v10 =	vperm.xlane v6, v3;
	_ =	sdelay $0x1  }
0xe0: {  	vm0 =	vlt.s32 v6, v10  }
0xe1: {  	v6 =	vsel vm0, v6, v10  }
0xe2: {  	v10 =	vperm.xlane v6, v4;
	_ =	sdelay $0x1  }
0xe3: {  	vm0 =	vlt.s32 v6, v10  }
0xe4: {  	v6 =	vsel vm0, v6, v10  }
0xe5: {  	(v2sf) =	vpush v6, $0x0;
	_ =	sdelay $0xe  }
0xe6: {  	s21 =	spop (v2sf)  }
0xe7: {  	p0 =	sne.s32 s21, $0x0  }
.Ltmp6:
0xe8: {  	_ = 	snop;
	(pc) =	sbr.rel @p0 .LBB2_5-.Ltmp6, $1  }
0xe9: {  	_ =	sdelay $0x3  }
0xea: {  	v6 =	vmov s4  }
0xeb: {  	v10 =	vld [tilespmem:$0x1FF80];
	v6 =	vmul.u32 $0x640, v6  }
0xec: {  	v11 =	vld [tilespmem:$0x1FF90]  }
0xed: {  	v12 =	vld [tilespmem:$0x1FFA0];
	v6 =	vbroadcast v6, $0x0  }
0xee: {  	vm0 =	veq.s32 v9, $0x0  }
0xef: {  	v9 =	vadd.s32 v1, v6  }
0xf0: {  	v10 =	vadd.s32 v10, v6  }
0xf1: {  	v11 =	vadd.s32 v11, v6  }
0xf2: {  	v12 =	vadd.s32 v12, v6  }
0xf3: {  	v13 =	vld [tilespmem:$0x1FFB0]  }
0xf4: {  	[tilespmem:v9+s10+$0x0] =	vst.idx.msk vm0, v5;
	v9 =	vld [tilespmem:$0x1FFC0]  }
0xf5: {  	[tilespmem:v10+s10+$0x0] =	vst.idx.msk vm0, v5;
	v10 =	vld [tilespmem:$0x1FFD0]  }
0xf6: {  	[tilespmem:v11+s10+$0x0] =	vst.idx.msk vm0, v5;
	v11 =	vld [tilespmem:$0x1FFE0]  }
0xf7: {  	[tilespmem:v12+s10+$0x0] =	vst.idx.msk vm0, v5;
	v12 =	vld [tilespmem:$0x1FFF0]  }
0xf8: {  	v13 =	vadd.s32 v13, v6  }
0xf9: {  	v9 =	vadd.s32 v9, v6  }
0xfa: {  	v10 =	vadd.s32 v10, v6  }
0xfb: {  	v11 =	vadd.s32 v11, v6  }
0xfc: {  	v12 =	vadd.s32 v12, v6  }
0xfd: {  	[tilespmem:v13+s10+$0x0] =	vst.idx.msk vm0, v5;
	v13 =	vadd.s32 v14, v6  }
0xfe: {  	[tilespmem:v9+s10+$0x0] =	vst.idx.msk vm0, v5;
	v9 =	vadd.s32 v15, v6  }
0xff: {  	[tilespmem:v10+s10+$0x0] =	vst.idx.msk vm0, v5;
	v10 =	vadd.s32 v16, v6  }
0x100: {  	[tilespmem:v11+s10+$0x0] =	vst.idx.msk vm0, v5;
	v11 =	vadd.s32 v17, v6  }
0x101: {  	[tilespmem:v12+s10+$0x0] =	vst.idx.msk vm0, v5;
	v12 =	vadd.s32 v18, v6  }
0x102: {  	[tilespmem:v13+s10+$0x0] =	vst.idx.msk vm0, v5;
	v13 =	vadd.s32 v19, v6  }
0x103: {  	[tilespmem:v9+s10+$0x0] =	vst.idx.msk vm0, v5;
	v9 =	vadd.s32 v20, v6  }
0x104: {  	[tilespmem:v10+s10+$0x0] =	vst.idx.msk vm0, v5;
	v10 =	vadd.s32 v21, v6  }
0x105: {  	[tilespmem:v11+s10+$0x0] =	vst.idx.msk vm0, v5;
	v11 =	vadd.s32 v22, v6  }
0x106: {  	[tilespmem:v12+s10+$0x0] =	vst.idx.msk vm0, v5;
	v12 =	vadd.s32 v23, v6  }
0x107: {  	[tilespmem:v13+s10+$0x0] =	vst.idx.msk vm0, v5;
	v13 =	vadd.s32 v24, v6  }
0x108: {  	[tilespmem:v9+s10+$0x0] =	vst.idx.msk vm0, v5;
	v9 =	vadd.s32 v25, v6  }
0x109: {  	[tilespmem:v10+s10+$0x0] =	vst.idx.msk vm0, v5;
	v10 =	vadd.s32 v26, v6  }
0x10a: {  	[tilespmem:v11+s10+$0x0] =	vst.idx.msk vm0, v5;
	v11 =	vadd.s32 v27, v6  }
0x10b: {  	[tilespmem:v12+s10+$0x0] =	vst.idx.msk vm0, v5;
	v12 =	vadd.s32 v28, v6  }
0x10c: {  	[tilespmem:v13+s10+$0x0] =	vst.idx.msk vm0, v5;
	v13 =	vadd.s32 v29, v6  }
0x10d: {  	[tilespmem:v9+s10+$0x0] =	vst.idx.msk vm0, v5;
	v9 =	vadd.s32 v30, v6  }
0x10e: {  	[tilespmem:v10+s10+$0x0] =	vst.idx.msk vm0, v5;
	v10 =	vadd.s32 v31, v6  }
0x10f: {  	[tilespmem:v11+s10+$0x0] =	vst.idx.msk vm0, v5;
	v11 =	vadd.s32 v32, v6  }
0x110: {  	[tilespmem:v12+s10+$0x0] =	vst.idx.msk vm0, v5;
	v12 =	vadd.s32 v33, v6  }
0x111: {  	[tilespmem:v13+s10+$0x0] =	vst.idx.msk vm0, v5;
	v13 =	vadd.s32 v34, v6  }
0x112: {  	[tilespmem:v9+s10+$0x0] =	vst.idx.msk vm0, v5;
	v9 =	vadd.s32 v35, v6  }
0x113: {  	vm1 =	veq.s32 v8, $0x0;
	[tilespmem:v10+s10+$0x0] =	vst.idx.msk vm0, v5;
	v10 =	vadd.s32 v36, v6  }
0x114: {  	v8 =	vadd.s32 v37, v6;
	[tilespmem:v11+s10+$0x0] =	vst.idx.msk vm0, v5  }
0x115: {  	v11 =	vadd.s32 v38, v6;
	[tilespmem:v12+s10+$0x0] =	vst.idx.msk vm0, v5  }
0x116: {  	v12 =	vadd.s32 v39, v6;
	[tilespmem:v13+s10+$0x0] =	vst.idx.msk vm0, v5  }
0x117: {  	[tilespmem:v9+s10+$0x0] =	vst.idx.msk vm0, v5;
	v9 =	vadd.s32 v40, v6  }
0x118: {  	[tilespmem:v10+s10+$0x0] =	vst.idx.msk vm0, v5;
	v10 =	vadd.s32 v41, v6  }
0x119: {  	[tilespmem:v8+s10+$0x0] =	vst.idx.msk vm1, v5;
	v8 =	vadd.s32 v42, v6  }
0x11a: {  	[tilespmem:v11+s10+$0x0] =	vst.idx.msk vm1, v5;
	v11 =	vadd.s32 v43, v6  }
0x11b: {  	[tilespmem:v12+s10+$0x0] =	vst.idx.msk vm1, v5;
	v12 =	vadd.s32 v44, v6  }
0x11c: {  	[tilespmem:v9+s10+$0x0] =	vst.idx.msk vm1, v5;
	v9 =	vadd.s32 v45, v6  }
0x11d: {  	[tilespmem:v10+s10+$0x0] =	vst.idx.msk vm1, v5;
	v10 =	vadd.s32 v46, v6  }
0x11e: {  	[tilespmem:v8+s10+$0x0] =	vst.idx.msk vm1, v5;
	v8 =	vadd.s32 v47, v6  }
0x11f: {  	[tilespmem:v11+s10+$0x0] =	vst.idx.msk vm1, v5;
	v11 =	vadd.s32 v48, v6  }
0x120: {  	[tilespmem:v12+s10+$0x0] =	vst.idx.msk vm1, v5;
	v12 =	vadd.s32 v49, v6  }
0x121: {  	[tilespmem:v9+s10+$0x0] =	vst.idx.msk vm1, v5;
	v9 =	vadd.s32 v50, v6  }
0x122: {  	[tilespmem:v10+s10+$0x0] =	vst.idx.msk vm1, v5;
	v10 =	vadd.s32 v51, v6  }
0x123: {  	[tilespmem:v8+s10+$0x0] =	vst.idx.msk vm1, v5;
	v8 =	vadd.s32 v52, v6  }
0x124: {  	[tilespmem:v11+s10+$0x0] =	vst.idx.msk vm1, v5;
	v11 =	vadd.s32 v53, v6  }
0x125: {  	[tilespmem:v12+s10+$0x0] =	vst.idx.msk vm1, v5;
	v12 =	vadd.s32 v54, v6  }
0x126: {  	[tilespmem:v9+s10+$0x0] =	vst.idx.msk vm1, v5;
	v9 =	vadd.s32 v55, v6  }
0x127: {  	[tilespmem:v10+s10+$0x0] =	vst.idx.msk vm1, v5;
	v10 =	vadd.s32 v56, v6  }
0x128: {  	[tilespmem:v8+s10+$0x0] =	vst.idx.msk vm1, v5;
	v8 =	vadd.s32 v57, v6  }
0x129: {  	[tilespmem:v11+s10+$0x0] =	vst.idx.msk vm1, v5;
	v11 =	vadd.s32 v58, v6  }
0x12a: {  	[tilespmem:v12+s10+$0x0] =	vst.idx.msk vm1, v5;
	v12 =	vadd.s32 v59, v6  }
0x12b: {  	[tilespmem:v9+s10+$0x0] =	vst.idx.msk vm1, v5;
	v9 =	vadd.s32 v60, v6  }
0x12c: {  	[tilespmem:v10+s10+$0x0] =	vst.idx.msk vm1, v5;
	v10 =	vadd.s32 v61, v6  }
0x12d: {  	[tilespmem:v8+s10+$0x0] =	vst.idx.msk vm1, v5;
	v8 =	vadd.s32 v62, v6  }
0x12e: {  	v13 =	vor.u32 $0x21B, v1;
	[tilespmem:v11+s10+$0x0] =	vst.idx.msk vm1, v5;
	v11 =	vadd.s32 v63, v6  }
0x12f: {  	[tilespmem:v12+s10+$0x0] =	vst.idx.msk vm1, v5;
	v12 =	vadd.s32 v13, v6;
	v13 =	vor.u32 $0x21C, v1  }
0x130: {  	[tilespmem:v9+s10+$0x0] =	vst.idx.msk vm1, v5;
	v9 =	vadd.s32 v13, v6;
	v13 =	vor.u32 $0x21D, v1  }
0x131: {  	[tilespmem:v10+s10+$0x0] =	vst.idx.msk vm1, v5;
	v10 =	vadd.s32 v13, v6;
	v13 =	vor.u32 $0x21E, v1  }
0x132: {  	[tilespmem:v8+s10+$0x0] =	vst.idx.msk vm1, v5;
	v8 =	vadd.s32 v13, v6;
	v13 =	vor.u32 $0x21F, v1  }
0x133: {  	vm15 =	veq.s32 v7, $0x0;
	v7 =	vadd.s32 $0x440, v1;
	[tilespmem:v11+s10+$0x0] =	vst.idx.msk vm1, v5;
	v11 =	vadd.s32 v13, v6  }
0x134: {  	v7 =	vadd.s32 v7, v6;
	[tilespmem:v12+s10+$0x0] =	vst.idx.msk vm1, v5;
	v12 =	vadd.s32 $0x441, v1  }
0x135: {  	[tilespmem:v9+s10+$0x0] =	vst.idx.msk vm1, v5;
	v9 =	vadd.s32 v12, v6;
	v12 =	vadd.s32 $0x442, v1  }
0x136: {  	[tilespmem:v10+s10+$0x0] =	vst.idx.msk vm1, v5;
	v10 =	vadd.s32 v12, v6;
	v12 =	vadd.s32 $0x443, v1  }
0x137: {  	[tilespmem:v8+s10+$0x0] =	vst.idx.msk vm1, v5;
	v8 =	vadd.s32 v12, v6;
	v12 =	vadd.s32 $0x444, v1  }
0x138: {  	[tilespmem:v11+s10+$0x0] =	vst.idx.msk vm1, v5;
	v11 =	vadd.s32 v12, v6;
	v12 =	vadd.s32 $0x445, v1  }
0x139: {  	[tilespmem:v7+s10+$0x0] =	vst.idx.msk vm15, v5;
	v7 =	vadd.s32 v12, v6;
	v12 =	vadd.s32 $0x446, v1  }
0x13a: {  	[tilespmem:v9+s10+$0x0] =	vst.idx.msk vm15, v5;
	v9 =	vadd.s32 v12, v6;
	v12 =	vadd.s32 $0x447, v1  }
0x13b: {  	[tilespmem:v10+s10+$0x0] =	vst.idx.msk vm15, v5;
	v10 =	vadd.s32 v12, v6;
	v12 =	vadd.s32 $0x448, v1  }
0x13c: {  	[tilespmem:v8+s10+$0x0] =	vst.idx.msk vm15, v5;
	v8 =	vadd.s32 v12, v6;
	v12 =	vadd.s32 $0x449, v1  }
0x13d: {  	[tilespmem:v11+s10+$0x0] =	vst.idx.msk vm15, v5;
	v11 =	vadd.s32 v12, v6;
	v12 =	vadd.s32 $0x44A, v1  }
0x13e: {  	[tilespmem:v7+s10+$0x0] =	vst.idx.msk vm15, v5;
	v7 =	vadd.s32 v12, v6;
	v12 =	vadd.s32 $0x44B, v1  }
0x13f: {  	[tilespmem:v9+s10+$0x0] =	vst.idx.msk vm15, v5;
	v9 =	vadd.s32 v12, v6;
	v12 =	vadd.s32 $0x44C, v1  }
0x140: {  	[tilespmem:v10+s10+$0x0] =	vst.idx.msk vm15, v5;
	v10 =	vadd.s32 v12, v6;
	v12 =	vadd.s32 $0x44D, v1  }
0x141: {  	[tilespmem:v8+s10+$0x0] =	vst.idx.msk vm15, v5;
	v8 =	vadd.s32 v12, v6;
	v12 =	vadd.s32 $0x44E, v1  }
0x142: {  	[tilespmem:v11+s10+$0x0] =	vst.idx.msk vm15, v5;
	v11 =	vadd.s32 v12, v6;
	v12 =	vadd.s32 $0x44F, v1  }
0x143: {  	[tilespmem:v7+s10+$0x0] =	vst.idx.msk vm15, v5;
	v7 =	vadd.s32 v12, v6;
	v12 =	vadd.s32 $0x450, v1  }
0x144: {  	[tilespmem:v9+s10+$0x0] =	vst.idx.msk vm15, v5;
	v9 =	vadd.s32 v12, v6;
	v12 =	vadd.s32 $0x451, v1  }
0x145: {  	[tilespmem:v10+s10+$0x0] =	vst.idx.msk vm15, v5;
	v10 =	vadd.s32 v12, v6;
	v12 =	vadd.s32 $0x452, v1  }
0x146: {  	[tilespmem:v8+s10+$0x0] =	vst.idx.msk vm15, v5;
	v8 =	vadd.s32 v12, v6;
	v12 =	vadd.s32 $0x453, v1  }
0x147: {  	[tilespmem:v11+s10+$0x0] =	vst.idx.msk vm15, v5;
	v11 =	vadd.s32 v12, v6;
	v12 =	vadd.s32 $0x454, v1  }
0x148: {  	[tilespmem:v7+s10+$0x0] =	vst.idx.msk vm15, v5;
	v7 =	vadd.s32 v12, v6;
	v12 =	vadd.s32 $0x455, v1  }
0x149: {  	[tilespmem:v9+s10+$0x0] =	vst.idx.msk vm15, v5;
	v9 =	vadd.s32 v12, v6;
	v12 =	vadd.s32 $0x456, v1  }
0x14a: {  	[tilespmem:v10+s10+$0x0] =	vst.idx.msk vm15, v5;
	v10 =	vadd.s32 v12, v6;
	v12 =	vadd.s32 $0x457, v1  }
0x14b: {  	[tilespmem:v8+s10+$0x0] =	vst.idx.msk vm15, v5;
	v8 =	vadd.s32 v12, v6;
	v12 =	vadd.s32 $0x458, v1  }
0x14c: {  	[tilespmem:v11+s10+$0x0] =	vst.idx.msk vm15, v5;
	v11 =	vadd.s32 v12, v6;
	v12 =	vadd.s32 $0x459, v1  }
0x14d: {  	[tilespmem:v7+s10+$0x0] =	vst.idx.msk vm15, v5;
	v7 =	vadd.s32 v12, v6;
	v12 =	vadd.s32 $0x45A, v1  }
0x14e: {  	[tilespmem:v9+s10+$0x0] =	vst.idx.msk vm15, v5;
	v9 =	vadd.s32 v12, v6;
	v12 =	vadd.s32 $0x45B, v1  }
0x14f: {  	[tilespmem:v10+s10+$0x0] =	vst.idx.msk vm15, v5;
	v10 =	vadd.s32 v12, v6;
	v12 =	vadd.s32 $0x45C, v1  }
0x150: {  	[tilespmem:v8+s10+$0x0] =	vst.idx.msk vm15, v5;
	v8 =	vadd.s32 v12, v6;
	v12 =	vadd.s32 $0x45D, v1  }
0x151: {  	[tilespmem:v11+s10+$0x0] =	vst.idx.msk vm15, v5;
	v11 =	vadd.s32 v12, v6;
	v12 =	vadd.s32 $0x45E, v1  }
0x152: {  	[tilespmem:v7+s10+$0x0] =	vst.idx.msk vm15, v5;
	v7 =	vadd.s32 v12, v6;
	v12 =	vadd.s32 $0x45F, v1  }
0x153: {  	[tilespmem:v9+s10+$0x0] =	vst.idx.msk vm15, v5;
	v6 =	vadd.s32 v12, v6  }
.Ltmp7:
0x154: {  	[tilespmem:v10+s10+$0x0] =	vst.idx.msk vm15, v5;
	(pc) =	sbr.rel .LBB2_5-.Ltmp7, $4  }
0x155: {  	[tilespmem:v8+s10+$0x0] =	vst.idx.msk vm15, v5  }
0x156: {  	[tilespmem:v11+s10+$0x0] =	vst.idx.msk vm15, v5  }
0x157: {  	[tilespmem:v7+s10+$0x0] =	vst.idx.msk vm15, v5  }
0x158: {  	[tilespmem:v6+s10+$0x0] =	vst.idx.msk vm15, v5  }
.LBB2_6:
0x159: {  	s4 =	sadd.s32 s3, s17  }
0x15a: {  	s4 =	smul.u32 $0xC8, s4;
	_ =	sdelay $0x1  }
0x15b: {  	s17 =	simm.s32 $0x0;
	s4 =	sadd.s32 s2, s4  }
0x15c: {  	[hbm4b:s4+s17] =	stream.linear.scatter [tilespmem:s10], [sflag:$0x3], $0x6400, $0x38;
	[tilespmem:$0x13800] =	vst v63  }
0x15d: {  	_ =	swait.ge [sflag:s14], $0x640  }
0x15e: {  	[sflag:s14] =	ssyncset.done $0x0  }
0x15f: {  	[sflag:s14] =	ssyncadd.s32 $0xFFFFF9C0  }
0x160: {  	_ =	swait.ge [sflag:s14], $0x640  }
0x161: {  	[sflag:s14] =	ssyncset.done $0x0  }
0x162: {  	[sflag:s14] =	ssyncadd.s32 $0xFFFFF9C0  }
0x163: {  	_ =	swait.ge [sflag:s14], $0x640  }
0x164: {  	[sflag:s14] =	ssyncset.done $0x0  }
0x165: {  	[sflag:s14] =	ssyncadd.s32 $0xFFFFF9C0  }
0x166: {  	_ =	swait.ge [sflag:s14], $0x640  }
0x167: {  	[sflag:s14] =	ssyncset.done $0x0  }
0x168: {  	[sflag:s14] =	ssyncadd.s32 $0xFFFFF9C0  }
0x169: {  	_ =	swait.ge [sflag:s14], $0x640  }
0x16a: {  	[sflag:s14] =	ssyncset.done $0x0  }
0x16b: {  	[sflag:s14] =	ssyncadd.s32 $0xFFFFF9C0  }
0x16c: {  	_ =	swait.ge [sflag:s14], $0x640  }
0x16d: {  	[sflag:s14] =	ssyncset.done $0x0  }
0x16e: {  	[sflag:s14] =	ssyncadd.s32 $0xFFFFF9C0  }
0x16f: {  	_ =	swait.ge [sflag:s14], $0x640  }
0x170: {  	[sflag:s14] =	ssyncset.done $0x0  }
0x171: {  	[sflag:s14] =	ssyncadd.s32 $0xFFFFF9C0  }
0x172: {  	_ =	swait.ge [sflag:s14], $0x640  }
0x173: {  	[sflag:s14] =	ssyncset.done $0x0  }
0x174: {  	[sflag:s14] =	ssyncadd.s32 $0xFFFFF9C0  }
0x175: {  	_ =	swait.ge [sflag:s14], $0x640  }
0x176: {  	[sflag:s14] =	ssyncset.done $0x0  }
0x177: {  	[sflag:s14] =	ssyncadd.s32 $0xFFFFF9C0  }
0x178: {  	_ =	swait.ge [sflag:s14], $0x640  }
0x179: {  	[sflag:s14] =	ssyncset.done $0x0  }
0x17a: {  	[sflag:s14] =	ssyncadd.s32 $0xFFFFF9C0  }
0x17b: {  	_ =	swait.ge [sflag:s14], $0x640  }
0x17c: {  	[sflag:s14] =	ssyncset.done $0x0  }
0x17d: {  	[sflag:s14] =	ssyncadd.s32 $0xFFFFF9C0  }
0x17e: {  	_ =	swait.ge [sflag:s14], $0x640  }
0x17f: {  	[sflag:s14] =	ssyncset.done $0x0  }
0x180: {  	[sflag:s14] =	ssyncadd.s32 $0xFFFFF9C0  }
0x181: {  	_ =	swait.ge [sflag:s14], $0x640  }
0x182: {  	[sflag:s14] =	ssyncset.done $0x0  }
0x183: {  	[sflag:s14] =	ssyncadd.s32 $0xFFFFF9C0  }
0x184: {  	_ =	swait.ge [sflag:s14], $0x640  }
0x185: {  	[sflag:s14] =	ssyncset.done $0x0  }
0x186: {  	[sflag:s14] =	ssyncadd.s32 $0xFFFFF9C0  }
0x187: {  	_ =	swait.ge [sflag:s14], $0x640  }
.Ltmp8:
0x188: {  	[sflag:s14] =	ssyncset.done $0x0;
	(pc) =	sbr.rel .LBB2_7-.Ltmp8, $4  }
0x189: {  	[sflag:s14] =	ssyncadd.s32 $0xFFFFF9C0  }
0x18a: {  	_ =	swait.ge [sflag:s14], $0x640  }
0x18b: {  	[sflag:s14] =	ssyncset.done $0x0  }
0x18c: {  	s4 =	smov.u32 s18;
	[sflag:s14] =	ssyncadd.s32 $0xFFFFF9C0  }
.LBB2_9:
0x18d: {  	s17 =	sadd.s32 $0x1, s17  }
0x18e: {  	p0 =	sne.s32 s17, $0x10  }
.Ltmp9:
0x18f: {  	_ = 	snop;
	(pc) =	sbr.rel @!p0 .LBB2_10-.Ltmp9, $2  }
0x190: {  	_ =	sdelay $0x2  }
0x191: {  	s4 =	sadd.s32 $0x38, s4  }
.LBB2_7:
0x192: {  	v9 =	vld [tilespmem:s4+$0xFFFFFFDE]  }
0x193: {  	v8 =	vld [tilespmem:s4+$0xFFFFFFEE];
	_ =	sdelay $0x1  }
0x194: {  	v7 =	vld [tilespmem:s4+$0x0];
	_ =	sdelay $0x2  }
0x195: {  	vm0 =	vlt.s32 v9, v8  }
0x196: {  	v6 =	vsel vm0, v9, v8  }
0x197: {  	vm0 =	vlt.s32 v6, v7  }
0x198: {  	v6 =	vsel vm0, v6, v7  }
0x199: {  	v10 =	vperm.xlane v6, v0;
	_ =	sdelay $0x1  }
0x19a: {  	vm0 =	vlt.s32 v6, v10  }
0x19b: {  	v6 =	vsel vm0, v6, v10  }
0x19c: {  	v10 =	vperm.xlane v6, v2;
	_ =	sdelay $0x1  }
0x19d: {  	vm0 =	vlt.s32 v6, v10  }
0x19e: {  	v6 =	vsel vm0, v6, v10  }
0x19f: {  	v10 =	vperm.xlane v6, v3;
	_ =	sdelay $0x1  }
0x1a0: {  	vm0 =	vlt.s32 v6, v10  }
0x1a1: {  	v6 =	vsel vm0, v6, v10  }
0x1a2: {  	v10 =	vperm.xlane v6, v4;
	_ =	sdelay $0x1  }
0x1a3: {  	vm0 =	vlt.s32 v6, v10  }
0x1a4: {  	v6 =	vsel vm0, v6, v10  }
0x1a5: {  	(v2sf) =	vpush v6, $0x0;
	_ =	sdelay $0xe  }
0x1a6: {  	s6 =	spop (v2sf)  }
0x1a7: {  	p0 =	sne.s32 s6, $0x0  }
.Ltmp10:
0x1a8: {  	_ = 	snop;
	(pc) =	sbr.rel @p0 .LBB2_9-.Ltmp10, $1  }
0x1a9: {  	_ =	sdelay $0x3  }
0x1aa: {  	v6 =	vmov s17  }
0x1ab: {  	v10 =	vld [tilespmem:$0x1FF80];
	v6 =	vmul.u32 $0x640, v6  }
0x1ac: {  	v11 =	vld [tilespmem:$0x1FF90]  }
0x1ad: {  	v12 =	vld [tilespmem:$0x1FFA0];
	v6 =	vbroadcast v6, $0x0  }
0x1ae: {  	vm0 =	veq.s32 v9, $0x0  }
0x1af: {  	v9 =	vadd.s32 v1, v6  }
0x1b0: {  	v10 =	vadd.s32 v10, v6  }
0x1b1: {  	v11 =	vadd.s32 v11, v6  }
0x1b2: {  	v12 =	vadd.s32 v12, v6  }
0x1b3: {  	v13 =	vld [tilespmem:$0x1FFB0]  }
0x1b4: {  	[tilespmem:v9+s19+$0x0] =	vst.idx.msk vm0, v5;
	v9 =	vld [tilespmem:$0x1FFC0]  }
0x1b5: {  	[tilespmem:v10+s19+$0x0] =	vst.idx.msk vm0, v5;
	v10 =	vld [tilespmem:$0x1FFD0]  }
0x1b6: {  	[tilespmem:v11+s19+$0x0] =	vst.idx.msk vm0, v5;
	v11 =	vld [tilespmem:$0x1FFE0]  }
0x1b7: {  	[tilespmem:v12+s19+$0x0] =	vst.idx.msk vm0, v5;
	v12 =	vld [tilespmem:$0x1FFF0]  }
0x1b8: {  	v13 =	vadd.s32 v13, v6  }
0x1b9: {  	v9 =	vadd.s32 v9, v6  }
0x1ba: {  	v10 =	vadd.s32 v10, v6  }
0x1bb: {  	v11 =	vadd.s32 v11, v6  }
0x1bc: {  	v12 =	vadd.s32 v12, v6  }
0x1bd: {  	[tilespmem:v13+s19+$0x0] =	vst.idx.msk vm0, v5;
	v13 =	vadd.s32 v14, v6  }
0x1be: {  	[tilespmem:v9+s19+$0x0] =	vst.idx.msk vm0, v5;
	v9 =	vadd.s32 v15, v6  }
0x1bf: {  	[tilespmem:v10+s19+$0x0] =	vst.idx.msk vm0, v5;
	v10 =	vadd.s32 v16, v6  }
0x1c0: {  	[tilespmem:v11+s19+$0x0] =	vst.idx.msk vm0, v5;
	v11 =	vadd.s32 v17, v6  }
0x1c1: {  	[tilespmem:v12+s19+$0x0] =	vst.idx.msk vm0, v5;
	v12 =	vadd.s32 v18, v6  }
0x1c2: {  	[tilespmem:v13+s19+$0x0] =	vst.idx.msk vm0, v5;
	v13 =	vadd.s32 v19, v6  }
0x1c3: {  	[tilespmem:v9+s19+$0x0] =	vst.idx.msk vm0, v5;
	v9 =	vadd.s32 v20, v6  }
0x1c4: {  	[tilespmem:v10+s19+$0x0] =	vst.idx.msk vm0, v5;
	v10 =	vadd.s32 v21, v6  }
0x1c5: {  	[tilespmem:v11+s19+$0x0] =	vst.idx.msk vm0, v5;
	v11 =	vadd.s32 v22, v6  }
0x1c6: {  	[tilespmem:v12+s19+$0x0] =	vst.idx.msk vm0, v5;
	v12 =	vadd.s32 v23, v6  }
0x1c7: {  	[tilespmem:v13+s19+$0x0] =	vst.idx.msk vm0, v5;
	v13 =	vadd.s32 v24, v6  }
0x1c8: {  	[tilespmem:v9+s19+$0x0] =	vst.idx.msk vm0, v5;
	v9 =	vadd.s32 v25, v6  }
0x1c9: {  	[tilespmem:v10+s19+$0x0] =	vst.idx.msk vm0, v5;
	v10 =	vadd.s32 v26, v6  }
0x1ca: {  	[tilespmem:v11+s19+$0x0] =	vst.idx.msk vm0, v5;
	v11 =	vadd.s32 v27, v6  }
0x1cb: {  	[tilespmem:v12+s19+$0x0] =	vst.idx.msk vm0, v5;
	v12 =	vadd.s32 v28, v6  }
0x1cc: {  	[tilespmem:v13+s19+$0x0] =	vst.idx.msk vm0, v5;
	v13 =	vadd.s32 v29, v6  }
0x1cd: {  	[tilespmem:v9+s19+$0x0] =	vst.idx.msk vm0, v5;
	v9 =	vadd.s32 v30, v6  }
0x1ce: {  	[tilespmem:v10+s19+$0x0] =	vst.idx.msk vm0, v5;
	v10 =	vadd.s32 v31, v6  }
0x1cf: {  	[tilespmem:v11+s19+$0x0] =	vst.idx.msk vm0, v5;
	v11 =	vadd.s32 v32, v6  }
0x1d0: {  	[tilespmem:v12+s19+$0x0] =	vst.idx.msk vm0, v5;
	v12 =	vadd.s32 v33, v6  }
0x1d1: {  	[tilespmem:v13+s19+$0x0] =	vst.idx.msk vm0, v5;
	v13 =	vadd.s32 v34, v6  }
0x1d2: {  	[tilespmem:v9+s19+$0x0] =	vst.idx.msk vm0, v5;
	v9 =	vadd.s32 v35, v6  }
0x1d3: {  	vm1 =	veq.s32 v8, $0x0;
	[tilespmem:v10+s19+$0x0] =	vst.idx.msk vm0, v5;
	v10 =	vadd.s32 v36, v6  }
0x1d4: {  	v8 =	vadd.s32 v37, v6;
	[tilespmem:v11+s19+$0x0] =	vst.idx.msk vm0, v5  }
0x1d5: {  	v11 =	vadd.s32 v38, v6;
	[tilespmem:v12+s19+$0x0] =	vst.idx.msk vm0, v5  }
0x1d6: {  	v12 =	vadd.s32 v39, v6;
	[tilespmem:v13+s19+$0x0] =	vst.idx.msk vm0, v5  }
0x1d7: {  	[tilespmem:v9+s19+$0x0] =	vst.idx.msk vm0, v5;
	v9 =	vadd.s32 v40, v6  }
0x1d8: {  	[tilespmem:v10+s19+$0x0] =	vst.idx.msk vm0, v5;
	v10 =	vadd.s32 v41, v6  }
0x1d9: {  	[tilespmem:v8+s19+$0x0] =	vst.idx.msk vm1, v5;
	v8 =	vadd.s32 v42, v6  }
0x1da: {  	[tilespmem:v11+s19+$0x0] =	vst.idx.msk vm1, v5;
	v11 =	vadd.s32 v43, v6  }
0x1db: {  	[tilespmem:v12+s19+$0x0] =	vst.idx.msk vm1, v5;
	v12 =	vadd.s32 v44, v6  }
0x1dc: {  	[tilespmem:v9+s19+$0x0] =	vst.idx.msk vm1, v5;
	v9 =	vadd.s32 v45, v6  }
0x1dd: {  	[tilespmem:v10+s19+$0x0] =	vst.idx.msk vm1, v5;
	v10 =	vadd.s32 v46, v6  }
0x1de: {  	[tilespmem:v8+s19+$0x0] =	vst.idx.msk vm1, v5;
	v8 =	vadd.s32 v47, v6  }
0x1df: {  	[tilespmem:v11+s19+$0x0] =	vst.idx.msk vm1, v5;
	v11 =	vadd.s32 v48, v6  }
0x1e0: {  	[tilespmem:v12+s19+$0x0] =	vst.idx.msk vm1, v5;
	v12 =	vadd.s32 v49, v6  }
0x1e1: {  	[tilespmem:v9+s19+$0x0] =	vst.idx.msk vm1, v5;
	v9 =	vadd.s32 v50, v6  }
0x1e2: {  	[tilespmem:v10+s19+$0x0] =	vst.idx.msk vm1, v5;
	v10 =	vadd.s32 v51, v6  }
0x1e3: {  	[tilespmem:v8+s19+$0x0] =	vst.idx.msk vm1, v5;
	v8 =	vadd.s32 v52, v6  }
0x1e4: {  	[tilespmem:v11+s19+$0x0] =	vst.idx.msk vm1, v5;
	v11 =	vadd.s32 v53, v6  }
0x1e5: {  	[tilespmem:v12+s19+$0x0] =	vst.idx.msk vm1, v5;
	v12 =	vadd.s32 v54, v6  }
0x1e6: {  	[tilespmem:v9+s19+$0x0] =	vst.idx.msk vm1, v5;
	v9 =	vadd.s32 v55, v6  }
0x1e7: {  	[tilespmem:v10+s19+$0x0] =	vst.idx.msk vm1, v5;
	v10 =	vadd.s32 v56, v6  }
0x1e8: {  	[tilespmem:v8+s19+$0x0] =	vst.idx.msk vm1, v5;
	v8 =	vadd.s32 v57, v6  }
0x1e9: {  	[tilespmem:v11+s19+$0x0] =	vst.idx.msk vm1, v5;
	v11 =	vadd.s32 v58, v6  }
0x1ea: {  	[tilespmem:v12+s19+$0x0] =	vst.idx.msk vm1, v5;
	v12 =	vadd.s32 v59, v6  }
0x1eb: {  	[tilespmem:v9+s19+$0x0] =	vst.idx.msk vm1, v5;
	v9 =	vadd.s32 v60, v6  }
0x1ec: {  	[tilespmem:v10+s19+$0x0] =	vst.idx.msk vm1, v5;
	v10 =	vadd.s32 v61, v6  }
0x1ed: {  	[tilespmem:v8+s19+$0x0] =	vst.idx.msk vm1, v5;
	v8 =	vadd.s32 v62, v6  }
0x1ee: {  	v13 =	vor.u32 $0x21B, v1;
	[tilespmem:v11+s19+$0x0] =	vst.idx.msk vm1, v5;
	v11 =	vadd.s32 v63, v6  }
0x1ef: {  	[tilespmem:v12+s19+$0x0] =	vst.idx.msk vm1, v5;
	v12 =	vadd.s32 v13, v6;
	v13 =	vor.u32 $0x21C, v1  }
0x1f0: {  	[tilespmem:v9+s19+$0x0] =	vst.idx.msk vm1, v5;
	v9 =	vadd.s32 v13, v6;
	v13 =	vor.u32 $0x21D, v1  }
0x1f1: {  	[tilespmem:v10+s19+$0x0] =	vst.idx.msk vm1, v5;
	v10 =	vadd.s32 v13, v6;
	v13 =	vor.u32 $0x21E, v1  }
0x1f2: {  	[tilespmem:v8+s19+$0x0] =	vst.idx.msk vm1, v5;
	v8 =	vadd.s32 v13, v6;
	v13 =	vor.u32 $0x21F, v1  }
0x1f3: {  	vm15 =	veq.s32 v7, $0x0;
	v7 =	vadd.s32 $0x440, v1;
	[tilespmem:v11+s19+$0x0] =	vst.idx.msk vm1, v5;
	v11 =	vadd.s32 v13, v6  }
0x1f4: {  	v7 =	vadd.s32 v7, v6;
	[tilespmem:v12+s19+$0x0] =	vst.idx.msk vm1, v5;
	v12 =	vadd.s32 $0x441, v1  }
0x1f5: {  	[tilespmem:v9+s19+$0x0] =	vst.idx.msk vm1, v5;
	v9 =	vadd.s32 v12, v6;
	v12 =	vadd.s32 $0x442, v1  }
0x1f6: {  	[tilespmem:v10+s19+$0x0] =	vst.idx.msk vm1, v5;
	v10 =	vadd.s32 v12, v6;
	v12 =	vadd.s32 $0x443, v1  }
0x1f7: {  	[tilespmem:v8+s19+$0x0] =	vst.idx.msk vm1, v5;
	v8 =	vadd.s32 v12, v6;
	v12 =	vadd.s32 $0x444, v1  }
0x1f8: {  	[tilespmem:v11+s19+$0x0] =	vst.idx.msk vm1, v5;
	v11 =	vadd.s32 v12, v6;
	v12 =	vadd.s32 $0x445, v1  }
0x1f9: {  	[tilespmem:v7+s19+$0x0] =	vst.idx.msk vm15, v5;
	v7 =	vadd.s32 v12, v6;
	v12 =	vadd.s32 $0x446, v1  }
0x1fa: {  	[tilespmem:v9+s19+$0x0] =	vst.idx.msk vm15, v5;
	v9 =	vadd.s32 v12, v6;
	v12 =	vadd.s32 $0x447, v1  }
0x1fb: {  	[tilespmem:v10+s19+$0x0] =	vst.idx.msk vm15, v5;
	v10 =	vadd.s32 v12, v6;
	v12 =	vadd.s32 $0x448, v1  }
0x1fc: {  	[tilespmem:v8+s19+$0x0] =	vst.idx.msk vm15, v5;
	v8 =	vadd.s32 v12, v6;
	v12 =	vadd.s32 $0x449, v1  }
0x1fd: {  	[tilespmem:v11+s19+$0x0] =	vst.idx.msk vm15, v5;
	v11 =	vadd.s32 v12, v6;
	v12 =	vadd.s32 $0x44A, v1  }
0x1fe: {  	[tilespmem:v7+s19+$0x0] =	vst.idx.msk vm15, v5;
	v7 =	vadd.s32 v12, v6;
	v12 =	vadd.s32 $0x44B, v1  }
0x1ff: {  	[tilespmem:v9+s19+$0x0] =	vst.idx.msk vm15, v5;
	v9 =	vadd.s32 v12, v6;
	v12 =	vadd.s32 $0x44C, v1  }
0x200: {  	[tilespmem:v10+s19+$0x0] =	vst.idx.msk vm15, v5;
	v10 =	vadd.s32 v12, v6;
	v12 =	vadd.s32 $0x44D, v1  }
0x201: {  	[tilespmem:v8+s19+$0x0] =	vst.idx.msk vm15, v5;
	v8 =	vadd.s32 v12, v6;
	v12 =	vadd.s32 $0x44E, v1  }
0x202: {  	[tilespmem:v11+s19+$0x0] =	vst.idx.msk vm15, v5;
	v11 =	vadd.s32 v12, v6;
	v12 =	vadd.s32 $0x44F, v1  }
0x203: {  	[tilespmem:v7+s19+$0x0] =	vst.idx.msk vm15, v5;
	v7 =	vadd.s32 v12, v6;
	v12 =	vadd.s32 $0x450, v1  }
0x204: {  	[tilespmem:v9+s19+$0x0] =	vst.idx.msk vm15, v5;
	v9 =	vadd.s32 v12, v6;
	v12 =	vadd.s32 $0x451, v1  }
0x205: {  	[tilespmem:v10+s19+$0x0] =	vst.idx.msk vm15, v5;
	v10 =	vadd.s32 v12, v6;
	v12 =	vadd.s32 $0x452, v1  }
0x206: {  	[tilespmem:v8+s19+$0x0] =	vst.idx.msk vm15, v5;
	v8 =	vadd.s32 v12, v6;
	v12 =	vadd.s32 $0x453, v1  }
0x207: {  	[tilespmem:v11+s19+$0x0] =	vst.idx.msk vm15, v5;
	v11 =	vadd.s32 v12, v6;
	v12 =	vadd.s32 $0x454, v1  }
0x208: {  	[tilespmem:v7+s19+$0x0] =	vst.idx.msk vm15, v5;
	v7 =	vadd.s32 v12, v6;
	v12 =	vadd.s32 $0x455, v1  }
0x209: {  	[tilespmem:v9+s19+$0x0] =	vst.idx.msk vm15, v5;
	v9 =	vadd.s32 v12, v6;
	v12 =	vadd.s32 $0x456, v1  }
0x20a: {  	[tilespmem:v10+s19+$0x0] =	vst.idx.msk vm15, v5;
	v10 =	vadd.s32 v12, v6;
	v12 =	vadd.s32 $0x457, v1  }
0x20b: {  	[tilespmem:v8+s19+$0x0] =	vst.idx.msk vm15, v5;
	v8 =	vadd.s32 v12, v6;
	v12 =	vadd.s32 $0x458, v1  }
0x20c: {  	[tilespmem:v11+s19+$0x0] =	vst.idx.msk vm15, v5;
	v11 =	vadd.s32 v12, v6;
	v12 =	vadd.s32 $0x459, v1  }
0x20d: {  	[tilespmem:v7+s19+$0x0] =	vst.idx.msk vm15, v5;
	v7 =	vadd.s32 v12, v6;
	v12 =	vadd.s32 $0x45A, v1  }
0x20e: {  	[tilespmem:v9+s19+$0x0] =	vst.idx.msk vm15, v5;
	v9 =	vadd.s32 v12, v6;
	v12 =	vadd.s32 $0x45B, v1  }
0x20f: {  	[tilespmem:v10+s19+$0x0] =	vst.idx.msk vm15, v5;
	v10 =	vadd.s32 v12, v6;
	v12 =	vadd.s32 $0x45C, v1  }
0x210: {  	[tilespmem:v8+s19+$0x0] =	vst.idx.msk vm15, v5;
	v8 =	vadd.s32 v12, v6;
	v12 =	vadd.s32 $0x45D, v1  }
0x211: {  	[tilespmem:v11+s19+$0x0] =	vst.idx.msk vm15, v5;
	v11 =	vadd.s32 v12, v6;
	v12 =	vadd.s32 $0x45E, v1  }
0x212: {  	[tilespmem:v7+s19+$0x0] =	vst.idx.msk vm15, v5;
	v7 =	vadd.s32 v12, v6;
	v12 =	vadd.s32 $0x45F, v1  }
0x213: {  	[tilespmem:v9+s19+$0x0] =	vst.idx.msk vm15, v5;
	v6 =	vadd.s32 v12, v6  }
.Ltmp11:
0x214: {  	[tilespmem:v10+s19+$0x0] =	vst.idx.msk vm15, v5;
	(pc) =	sbr.rel .LBB2_9-.Ltmp11, $4  }
0x215: {  	[tilespmem:v8+s19+$0x0] =	vst.idx.msk vm15, v5  }
0x216: {  	[tilespmem:v11+s19+$0x0] =	vst.idx.msk vm15, v5  }
0x217: {  	[tilespmem:v7+s19+$0x0] =	vst.idx.msk vm15, v5  }
0x218: {  	[tilespmem:v6+s19+$0x0] =	vst.idx.msk vm15, v5  }
.LBB2_12:
0x219: {  	_ =	sfence.sel $0x180000  }
0x21a: {  	[bflag:$0x0] =	sbarrier.arrive $0xFFFF  }
0x21b: {  	_ =	strace $0x90000047  }
0x21c: {  	s0 =	stileid.u32;
	[bflag:$0x2] =	sbarrier.arrive $0xFFFF  }
0x21d: {  	p0 =	sne.s32 s0, $0x0;
	s0 =	rddreg [dreg:$0x2]  }
0x21e: {  	s0 =	sadd.s32 @!p0 $0x100000, s0  }
0x21f: {  	[sflag:s0] =	ssyncadd.tile.s32 @!p0 $0x1;
	_ =	shalt  }
.Lfunc_end2:
_tile_overlayer_lowered:
.L_overlay_start_2:
0x220: {  	(tag) =	ssettag $0x2  }
0x221: {  	s0 =	rddreg [dreg:$0x0];
	s2 =	stileid.u32  }
0x222: {  	s1 =	rddreg [dreg:$0x1];
	p0 =	sne.s32 s2, $0x0  }
0x223: {  	s3 =	rddreg [dreg:$0x2];
	[bflag:$0x3] =	sbarrier.arrive $0xFFFF;
	s2 =	simm.s32 @!p0 $0x1C05  }
0x224: {  	[timem:s3], [sflag:s2] =	dma.local @!p0 [hbm:s0], s1  }
0x225: {  	s0 =	simm.s32 @!p0 $0x5  }
0x226: {  	_ =	swait.ge @!p0 [sflag:s0], s1  }
0x227: {  	s1 =	ssub.s32 @!p0 $0x0, s1;
	[sflag:s0] =	ssyncset.done @!p0 $0x0  }
0x228: {  	[sflag:s0] =	ssyncadd.s32 @!p0 s1  }
0x229: {  	[bflag:$0x3] =	sbarrier.arrive $0xFFFF  }
0x22a: {  	_ =	shalt  }

// kernel: sparse-core-data-format-call.cloned.1.call-start
scs
called_computation_lowered:
.L_overlay_start_0:
0x0: {  	s2 =	sld [smem:$0x3FD9]  }
0x1: {  	s3 =	sld [smem:$0x3FFE];
	_ =	sdelay $0x1  }
0x2: {  	s1 =	srdreg.scid  }
0x3: {  	s0 =	sand.u32 $0x1, s1  }
0x4: {  	s18 =	sshll.u32 s0, $0xA;
	s2 =	sadd.s32 s3, s2  }
0x5: {  	s2 =	sadd.s32 s2, s18  }
0x6: {  	[smem:$0x3FC6] =	sst s2  }
0x7: {  	_ = 	snop  }
0x8: {  	s2 =	sld [smem:$0x3FD0];
	(tm) =	ssettm $0x1  }
0x9: {  	s19 =	sld [smem:$0x3FFB];
	_ =	sdelay $0x3  }
0xa: {  	_ =	strace s19  }
0xb: {  	s3 =	sld [smem:$0x3FFC];
	_ =	sdelay $0x3  }
0xc: {  	_ =	strace s3  }
0xd: {  	s3 =	sld [smem:$0x3FFD];
	_ =	sdelay $0x3  }
0xe: {  	_ =	strace s3  }
0xf: {  	_ =	strace $0x8FFFFFFF  }
0x10: {  	s20 =	sld [smem:$0x3FDB];
	_ =	sdelay $0x1  }
0x11: {  	s4 =	simm.s32 $_scs_section_size  }
0x12: {  	s5 =	simm.s32 $_size__tile_overlayer_lowered;
	s6 =	simm.s32 $_tile_overlayer_lowered  }
0x13: {  	s23 =	simm.s32 $0x1BFF;
	s22 =	sshll.u32 s6, $0x1;
	s3 =	sadd.s32 s4, s20  }
0x14: {  	s7 =	simm.s32 $0x0;
	s21 =	sshll.u32 s5, $0x1;
	s5 =	sadd.s32 s22, s3  }
0x15: {  	[timem:s7], [sflag:s23] =	dma.local [hbm:s5], s21  }
0x16: {  	_ =	swait.ge [sflag:s23], s21  }
0x17: {  	s4 =	ssub.s32 $0x0, s21;
	[sflag:s23] =	ssyncset.done $0x0  }
0x18: {  	[sflag:s23] =	ssyncadd.s32 s4;
	_ =	sdelay $0x1  }
0x19: {  	s24 =	simm.s32 $0x1B8B  }
0x1a: {  	_ =	swait.ge [sflag:s24], $0x1  }
0x1b: {  	[sflag:s24] =	ssyncset.done $0x0  }
0x1c: {  	s26 =	simm.s32 $0x1B8E;
	s25 =	sld [smem:$0x3FFE];
	[sflag:s24] =	ssyncadd.s32 $0xFFFFFFFF  }
0x1d: {  	s27 =	simm.s32 $execute0_lowered;
	[smem:$0x3FD2] =	sst s26  }
0x1e: {  	s5 =	sshll.u32 s27, $0x1;
	_ =	strace $0x80000049;
	[dreg:$0x1] =	wrdreg $0xFFFFFFFF  }
0x1f: {  	s28 =	simm.s32 $_size_execute0_lowered;
	s3 =	sadd.s32 s3, s5;
	[dreg:$0x0] =	wrdreg $0x0  }
0x20: {  	s5 =	sshll.u32 s28, $0x1;
	[dreg:$0x2] =	wrdreg s3  }
0x21: {  	[dreg:$0x3] =	wrdreg s5  }
0x22: {  	[dreg:$0x4] =	wrdreg $0xC0  }
0x23: {  	_ =	task [dreg:s7], $0x5FFFF  }
0x24: {  	[dreg:$0x1] =	wrdreg $0xFFFFFFFF  }
0x25: {  	[dreg:$0x0] =	wrdreg $0x60  }
0x26: {  	[dreg:$0x2] =	wrdreg s25  }
0x27: {  	[dreg:$0x3] =	wrdreg s2  }
0x28: {  	[dreg:$0x4] =	wrdreg $0x9  }
0x29: {  	_ =	task.clear_ibuf [dreg:s7], $0x5FFFF;
	_ =	strace $0x90000049  }
0x2a: {  	s29 =	simm.s32 $0x9;
	_ =	strace $0x8000004B  }
0x2b: {  	_ =	swait.ge [sflag:s29], $0x1  }
0x2c: {  	[sflag:s29] =	ssyncadd.s32 $0xFFFFFFFF  }
0x2d: {  	_ =	strace $0x9000004B  }
0x2e: {  	_ =	sfence  }
0x2f: {  	s30 =	sld [smem:$0x0];
	_ =	sdelay $0x2  }
0x30: {  	s31 =	sshll.u32 s1, $0xD;
	s1 =	sshrl.u32 s1, $0x2  }
0x31: {  	s3 =	sand.u32 $0x4000, s31;
	s1 =	sadd.s32 s1, s30  }
0x32: {  	s0 =	sor.u32 s3, s0;
	s1 =	sshll.u32 s1, $0x11  }
0x33: {  	s0 =	sor.u32 s1, s0  }
0x34: {  	s0 =	sadd.s32 $0x8F2B, s0  }
0x35: {  	[sflag:s0] =	ssyncadd.remote.s32 $0x1  }
0x36: {  	_ =	sfence.sel $0xFFFF  }
0x37: {  	[dreg:$0x0] =	wrdreg $0xFFFFFFFF;
	(pc) =	sbr.abs _section_cstart, $3  }
0x38: {  	[dreg:$0x1] =	wrdreg $0xFFFFFFFF  }
0x39: {  	_ =	task.clear_ibuf [dreg:s7], $0x2FFFF;
	_ =	strace $0x9FFFFFFF  }
0x3a: {  	(tm) =	ssettm $0x7FFFFFFF  }
0x3b: {  	_ =	shalt  }
tec
execute0_lowered:
.L_overlay_start_1:
0x0: {  	(tag) =	ssettag $0x1  }
0x1: {  	s0 =	srdreg.scid  }
0x2: {  	s1 =	sshll.u32 s0, $0x4  }
0x3: {  	s0 =	stileid.u32;
	s1 =	sand.u32 $0x10, s1  }
0x4: {  	s1 =	sor.u32 s0, s1  }
0x5: {  	s6 =	rddreg [dreg:$0x0];
	s4 =	simm.s32 $0x1;
	s2 =	sshll.u32 s1, $0x7  }
0x6: {  	s7 =	simm.s32 $0x2;
	s12 =	simm.s32 $0x0;
	s1 =	ssub.s32 $0x4000, s2  }
0x7: {  	s8 =	simm.s32 $0x20000;
	s13 =	simm.s32 $0x0;
	s3 =	sand.u32 $0xF80, s1  }
0x8: {  	s9 =	simm.s32 $0x0;
	s5 =	sshrl.u32 s1, $0xC;
	p0 =	sne.s32 s3, $0x0  }
.Ltmp0:
0x9: {  	s1 =	rddreg [dreg:$0x2];
	s4 =	simm.s32 @!p0 $0x0;
	(pc) =	sbr.rel .LBB1_1-.Ltmp0, $4  }
0xa: {  	s11 =	simm.s32 $0x0;
	s3 =	rddreg [dreg:$0x1];
	s5 =	sadd.s32 s4, s5  }
0xb: {  	_ =	strace $0x8000004A;
	s4 =	simm.s32 $0x1;
	s5 =	smul.u32 $0x32, s5  }
0xc: {  	s6 =	sadd.s32 $0xA00, s6;
	s10 =	smov.u32 s2;
	[sflag:s4] =	ssyncpa.u1 $0x0  }
0xd: {  	p0 =	por $0x0, $0x0;
	[sflag:s7] =	ssyncpa.u1 $0x0;
	s7 =	sor.u32 $0x1, s5  }
.LBB1_4:
0xe: {  	s16 =	sshll.u32 s13, $0x3;
	s17 =	sand.u32 $0x78, s13  }
0xf: {  	s30 =	sand.u32 $0xF800, s13;
	s12 =	sshll.u32 s12, $0x10;
	s16 =	sand.u32 $0x3C00, s16  }
0x10: {  	s31 =	sand.u32 $0x7, s13;
	s16 =	sor.u32 s17, s16;
	s17 =	sadd.s32 s3, s30  }
0x11: {  	s13 =	sshll.u32 s31, $0x12;
	s16 =	sshrl.u32 s16, $0x3;
	s12 =	sadd.s32 s12, s17  }
0x12: {  	[tilespmem:s15+$0x0 ss:$0x81] =	vst.msk $0xffff, v0;
	s13 =	sor.u32 $0x400, s13;
	s12 =	sadd.s32 s16, s12  }
0x13: {  	[hbm4b:s12+s13] =	stream.strided.scatter [tilespmem:s14], [sflag:$0x2], $0x1000, s8, s13, $0x20;
	[tilespmem:$0x4040] =	vst v63  }
.LBB1_5:
0x14: {  	s14 =	sadd.s32 $0x1, s9  }
0x15: {  	s12 =	sadd.s32 $0x1000, s10;
	s16 =	smov.u32 s10;
	p2 =	sgt.s32 s14, $0x31  }
0x16: {  	s16 =	smov.u32 @p2 s12  }
0x17: {  	s14 =	simm.s32 @p2 $0x0;
	p2 =	sgt.s32 s16, $0x3FFF  }
0x18: {  	s16 =	smov.u32 @p2 s2;
	p2 =	sne.s32 s11, s7  }
.Ltmp1:
0x19: {  	p1 =	slt.u32 s11, $0x2;
	(pc) =	sbr.rel @!p2 .LBB1_6-.Ltmp1, $4  }
0x1a: {  	s15 =	simm.s32 @!p1 $0x2  }
0x1b: {  	s13 =	smov.u32 s10;
	p0 =	por !p0, !p0;
	_ =	swait.ge @!p1 [sflag:s15], $0x1000  }
0x1c: {  	s12 =	smov.u32 s9;
	[sflag:s15] =	ssyncset.done @!p1 $0x0;
	s9 =	smov.u32 s14  }
0x1d: {  	s11 =	sadd.s32 $0x1, s11;
	[sflag:s15] =	ssyncadd.s32 @!p1 $0xFFFFF000;
	s10 =	smov.u32 s16  }
.LBB1_1:
0x1e: {  	p1 =	sge.u32 s11, s5  }
0x1f: {  	s14 =	sand.u32 @!p1 $0x1FFFFFF, s9  }
0x20: {  	s15 =	smulhi.u32 @!p1 $0x4924925, s14;
	_ =	sdelay $0x1  }
0x21: {  	s15 =	smul.u32 @!p1 $0x38, s15  }
0x22: {  	s16 =	sxor.u32 @!p1 $0xFFFFFFFF, s11;
	s17 =	smul.u32 @!p1 $0x380, s10  }
0x23: {  	s31 =	sadd.s32 $0xFFFFFFFF, s11;
	s16 =	sshll.u32 @!p1 s16, $0xC;
	s14 =	ssub.s32 @!p1 s14, s15  }
0x24: {  	s15 =	sand.u32 @!p1 $0x1000, s16;
	s16 =	sadd.s32 @!p1 s6, s17;
	s14 =	sshll.u32 @!p1 s14, $0x4  }
0x25: {  	s17 =	simm.s32 @!p1 $0x1C00;
	s14 =	sadd.s32 @!p1 s14, s16;
	s16 =	simm.s32 @!p1 $0x20  }
0x26: {  	[tilespmem:s15], [sflag:$0x1] =	stream.strided.gather @!p1 [hbm4b:s14+s16], $0x1000, s17, s16, $0x38;
	[tilespmem:$0x4040] =	vst v63  }
0x27: {  	p1 =	sge.u32 s31, s5  }
.Ltmp2:
0x28: {  	_ = 	snop;
	(pc) =	sbr.rel @p1 .LBB1_5-.Ltmp2, $1  }
0x29: {  	_ =	sdelay $0x3  }
0x2a: {  	s14 =	simm.s32 $0x1  }
0x2b: {  	_ =	swait.ge [sflag:s4], $0x1000;
	s14 =	simm.s32 @!p0 $0x0  }
0x2c: {  	[sflag:s4] =	ssyncset.done $0x0;
	s15 =	sshll.u32 s14, $0xC  }
0x2d: {  	[sflag:s4] =	ssyncadd.s32 $0xFFFFF000;
	s18 =	sor.u32 $0x10, s15  }
0x2e: {  	s14 =	smul.u32 $0x4080, s14;
	v1 =	vld [tilespmem:s18+$0x0]  }
0x2f: {  	s30 =	sand.u32 $0x1, s11;
	v0 =	vld [tilespmem:s18+$0xFFFFFFF0]  }
0x30: {  	s15 =	smul.u32 $0x4080, s30;
	s14 =	sshrl.u32 s14, $0x2  }
0x31: {  	s16 =	sor.u32 $0x2000, s14  }
0x32: {  	s31 =	sshrl.u32 s15, $0x2;
	s15 =	sadd.s32 $0x0, s16  }
0x33: {  	s17 =	simm.s32 $0x4;
	s18 =	sadd.s32 $0x20, s18;
	s14 =	sor.u32 $0x2000, s31;
	[tilespmem:s15+$0x810 ss:$0x81] =	vst.msk $0xffff, v1  }
.LBB1_3:
0x34: {  	v1 =	vld [tilespmem:s18+$0x0];
	p1 =	sne.s32 s17, $0x1FC;
	[tilespmem:s15+$0x0 ss:$0x81] =	vst.msk $0xffff, v0;
	s15 =	smov.u32 s17;
	s17 =	sadd.s32 $0x4, s17  }
.Ltmp3:
0x35: {  	v0 =	vld [tilespmem:s18+$0xFFFFFFF0];
	(pc) =	sbr.rel @p1 .LBB1_3-.Ltmp3, $4  }
0x36: {  	_ = 	snop  }
0x37: {  	s15 =	sshra.s32 s15, $0x2  }
0x38: {  	s15 =	sadd.s32 s15, s16  }
0x39: {  	s18 =	sadd.s32 $0x20, s18;
	[tilespmem:s15+$0x810 ss:$0x81] =	vst.msk $0xffff, v1  }
.Ltmp4:
0x3a: {  	_ = 	snop;
	(pc) =	sbr.rel .LBB1_4-.Ltmp4, $1  }
0x3b: {  	_ =	sdelay $0x3  }
.LBB1_6:
0x3c: {  	_ =	sfence.sel $0x180000  }
0x3d: {  	s2 =	simm.s32 $0x1;
	[bflag:$0x0] =	sbarrier.arrive $0xFFFF  }
0x3e: {  	s31 =	simm.s32 $0x2;
	[sflag:s2] =	ssyncpa.u1 $0x1  }
0x3f: {  	[sflag:s31] =	ssyncpa.u1 $0x1  }
0x40: {  	p0 =	sne.s32 s0, $0x0;
	_ =	strace $0x9000004A  }
0x41: {  	s0 =	sadd.s32 @!p0 $0x100000, s1;
	[bflag:$0x2] =	sbarrier.arrive $0xFFFF  }
0x42: {  	[sflag:s0] =	ssyncadd.tile.s32 @!p0 $0x1;
	_ =	shalt  }
.Lfunc_end1:
_tile_overlayer_lowered:
.L_overlay_start_2:
0x43: {  	(tag) =	ssettag $0x2  }
0x44: {  	s0 =	rddreg [dreg:$0x0];
	s2 =	stileid.u32  }
0x45: {  	s1 =	rddreg [dreg:$0x1];
	p0 =	sne.s32 s2, $0x0  }
0x46: {  	s3 =	rddreg [dreg:$0x2];
	[bflag:$0x3] =	sbarrier.arrive $0xFFFF;
	s2 =	simm.s32 @!p0 $0x1C01  }
0x47: {  	[timem:s3], [sflag:s2] =	dma.local @!p0 [hbm:s0], s1  }
0x48: {  	s0 =	simm.s32 @!p0 $0x1  }
0x49: {  	_ =	swait.ge @!p0 [sflag:s0], s1  }
0x4a: {  	s1 =	ssub.s32 @!p0 $0x0, s1;
	[sflag:s0] =	ssyncset.done @!p0 $0x0  }
0x4b: {  	[sflag:s0] =	ssyncadd.s32 @!p0 s1  }
0x4c: {  	[bflag:$0x3] =	sbarrier.arrive $0xFFFF  }
0x4d: {  	_ =	shalt  }

</sc_bundles>
